<compile_context>
chip_gen: v7x
topology: tpu7x:2x2x1
jax: 0.10.2.dev20260603
libtpu: 0.0.44.dev20260713+nightly
codegen_flags: <defaults>
</compile_context>

<pallas_src>
import functools

import jax
import jax.numpy as jnp
from jax import lax
from jax.experimental import pallas as pl
from jax.experimental.pallas import tpu as pltpu
from jax.experimental.pallas import tpu_sc as plsc

N = 10000
E = 320000
M = 10000
D_IN = 128
D_OUT_TOTAL = 128
HALF = 64

NC = 2
NS = 16
CHUNK = 250
K = 80
SK = 20
EP_TILE = K * CHUNK
EP = EP_TILE * NS
RZ = 632
R_ACC = RZ * NS
TRASH = N
RW_TAIL = N - 15 * RZ


def _matmul_body(x_ref, w_ref, o_ref):
    o_ref[...] = jnp.dot(x_ref[...], w_ref[...],
                         preferred_element_type=jnp.float32)


def _matmul(x, w):
    blk = 400
    return pl.pallas_call(
        _matmul_body,
        grid=(N // blk,),
        in_specs=[
            pl.BlockSpec((blk, D_IN), lambda i: (i, 0)),
            pl.BlockSpec((D_IN, D_OUT_TOTAL), lambda i: (0, 0)),
        ],
        out_specs=pl.BlockSpec((blk, D_OUT_TOTAL), lambda i: (i, 0)),
        out_shape=jax.ShapeDtypeStruct((N, D_OUT_TOTAL), jnp.float32),
    )(x, w)


def _residual_body(eps_ref, xp_ref, xv_ref, o_ref):
    o_ref[...] = (1.0 + eps_ref[0]) * xp_ref[...] + xv_ref[...]


def _residual(xp, xv, eps):
    blk = 400
    return pl.pallas_call(
        _residual_body,
        grid=(N // blk,),
        in_specs=[
            pl.BlockSpec(memory_space=pltpu.SMEM),
            pl.BlockSpec((blk, D_OUT_TOTAL), lambda i: (i, 0)),
            pl.BlockSpec((blk, D_OUT_TOTAL), lambda i: (i, 0)),
        ],
        out_specs=pl.BlockSpec((blk, D_OUT_TOTAL), lambda i: (i, 0)),
        out_shape=jax.ShapeDtypeStruct((N, D_OUT_TOTAL), jnp.float32),
    )(eps, xp, xv)


def _phase(src, dst, gsrc, ssrc, idx_g, idx_s, rA, rB, sgA, sgB, ssA, ssB):
    def gath(t, buf, sem):
        return pltpu.async_copy(src.at[idx_g.at[t]], buf, sem)

    def scat(t, buf, sem):
        return pltpu.async_copy(buf, dst.at[idx_s.at[t]], sem, add=True)

    def gwait(buf, sem):
        pltpu.make_async_copy(src.at[idx_g.at[0]], buf, sem).wait()

    def swait(buf, sem):
        pltpu.make_async_copy(buf, dst.at[idx_s.at[0]], sem).wait()

    nck = SK
    for g in range(K // SK):
        pltpu.sync_copy(gsrc(g), idx_g)
        pltpu.sync_copy(ssrc(g), idx_s)
        gath(0, rA, sgA).wait()
        scat(0, rA, ssA)
        gath(1, rB, sgB)

        def body(m):
            t = 2 * m + 1
            gwait(rB, sgB)
            swait(rA, ssA)
            scat(t, rB, ssB)
            gath(t + 1, rA, sgA)
            gwait(rA, sgA)
            scat(t + 1, rA, ssA)
            swait(rB, ssB)
            gath(t + 2, rB, sgB)
        pl.loop(0, (nck - 2) // 2)(body)

        gwait(rB, sgB)
        swait(rA, ssA)
        scat(nck - 1, rB, ssB)
        swait(rB, ssB)


def _sc_body(xp3, ev, vx, zz, out, idx_g, idx_s, rA, rB,
             sgA, sgB, ssA, ssB, pv_s, xe_s):
    c = lax.axis_index("c")
    s = lax.axis_index("s")

    z0 = s * RZ
    pltpu.sync_copy(zz.at[pl.ds(z0, RZ)], xe_s.at[pl.ds(z0, RZ)])

    @pl.when(s < NS - 1)
    def _stage_full():
        pltpu.sync_copy(xp3.at[pl.ds(z0, RZ), c], pv_s.at[pl.ds(z0, RZ)])

    @pl.when(s == NS - 1)
    def _stage_tail():
        pltpu.sync_copy(xp3.at[pl.ds(z0, RW_TAIL), c],
                        pv_s.at[pl.ds(z0, RW_TAIL)])
    plsc.subcore_barrier()

    _phase(pv_s, xe_s,
           lambda g: vx.at[s, pl.ds(g * SK, SK)],
           lambda g: ev.at[s, pl.ds(g * SK, SK)],
           idx_g, idx_s, rA, rB, sgA, sgB, ssA, ssB)

    plsc.subcore_barrier()

    pltpu.sync_copy(zz.at[pl.ds(z0, RZ)], pv_s.at[pl.ds(z0, RZ)])
    plsc.subcore_barrier()

    _phase(xe_s, pv_s,
           lambda g: ev.at[s, pl.ds(g * SK, SK)],
           lambda g: vx.at[s, pl.ds(g * SK, SK)],
           idx_g, idx_s, rA, rB, sgA, sgB, ssA, ssB)

    plsc.subcore_barrier()

    r0 = s * RZ

    @pl.when(s < NS - 1)
    def _full_stripe():
        pltpu.sync_copy(pv_s.at[pl.ds(r0, RZ)], out.at[pl.ds(r0, RZ), c])

    @pl.when(s == NS - 1)
    def _tail_stripe():
        pltpu.sync_copy(pv_s.at[pl.ds(r0, RW_TAIL)],
                        out.at[pl.ds(r0, RW_TAIL), c])


@functools.partial(
    pl.kernel,
    out_type=jax.ShapeDtypeStruct((N, NC, HALF), jnp.float32),
    mesh=plsc.VectorSubcoreMesh(core_axis_name="c", subcore_axis_name="s",
                                num_cores=NC, num_subcores=NS),
    compiler_params=pltpu.CompilerParams(use_tc_tiling_on_sc=False),
    scratch_types=[
        pltpu.VMEM((SK, CHUNK), jnp.int32),
        pltpu.VMEM((SK, CHUNK), jnp.int32),
        pltpu.VMEM((CHUNK, HALF), jnp.float32),
        pltpu.VMEM((CHUNK, HALF), jnp.float32),
        pltpu.SemaphoreType.DMA,
        pltpu.SemaphoreType.DMA,
        pltpu.SemaphoreType.DMA,
        pltpu.SemaphoreType.DMA,
        pltpu.VMEM_SHARED((R_ACC, HALF), jnp.float32),
        pltpu.VMEM_SHARED((R_ACC, HALF), jnp.float32),
    ],
)
def _sc_scatter_gather(xp3, ev, vx, zz, out, *scratch):
    _sc_body(xp3, ev, vx, zz, out, *scratch)


def kernel(X, vertex, edges, W, eps):
    vertex = vertex.astype(jnp.int32)
    edges = edges.astype(jnp.int32)

    xp = _matmul(X, W)
    xp3 = xp.reshape(N, NC, HALF)

    ev = edges.reshape(NS, K, CHUNK)
    vx = vertex.reshape(NS, K, CHUNK)
    zz = jnp.zeros((R_ACC, HALF), jnp.float32)

    xv3 = _sc_scatter_gather(xp3, ev, vx, zz)
    xv = xv3.reshape(N, D_OUT_TOTAL)

    return _residual(xp, xv, eps)

# --- scband reference (transcript-rebuilt; emitter-appended) ---
"""Pipeline reference for scband-py-ghyper-ginconv-27831388078179 (READ-ONLY COPY).

The authoritative reference and input builder live on the scoring server;
editing this copy changes nothing except your own understanding.
"""

import jax, jax.numpy as jnp
import numpy as np

N = 10000      # num vertices
E = 320000     # num incidence entries (vertex, hyperedge) pairs
M = 10000      # num hyperedges
D_IN = 128
HEADS = 8
D_OUT = 16


def setup_inputs(seed: int = 0) -> dict:
    key = jax.random.key(seed)
    k1, k2, k3, k4 = jax.random.split(key, 4)
    X = jax.random.normal(k1, (N, D_IN), dtype=jnp.float32)
    vertex = jax.random.randint(k2, (E,), 0, N)
    edges = jax.random.randint(k3, (E,), 0, M)
    # learned params: W is nn.Linear(in_channels, heads*out_channels, bias=False)
    # torch Linear stores weight as [out, in] and computes x @ W.T; we store the
    # transposed [in, out] matrix so reference uses X @ W directly (same math).
    W = jax.random.normal(k4, (D_IN, HEADS * D_OUT), dtype=jnp.float32) * (1.0 / np.sqrt(D_IN))
    eps = jnp.zeros((1,), dtype=jnp.float32)  # nn.Parameter(torch.FloatTensor([0]))
    return {"X": X, "vertex": vertex, "edges": edges, "W": W, "eps": eps}


def reference(X, vertex, edges, W, eps):
    n = X.shape[0]
    Xp = X @ W                                   # Linear, bias=False -> [N, heads*out]
    Xve = jnp.take(Xp, vertex, axis=0)           # gather vertex features per incidence
    Xe = jax.ops.segment_sum(Xve, edges, num_segments=M)   # scatter-sum to hyperedges
    Xev = jnp.take(Xe, edges, axis=0)            # gather hyperedge features back
    Xv = jax.ops.segment_sum(Xev, vertex, num_segments=n)  # scatter-sum to vertices
    out = (1.0 + eps) * Xp + Xv                  # GIN-style residual with learnable eps
    return out

if __name__ == "__main__":
    import jax
    _d = setup_inputs()
    print(jax.jit(kernel)(*tuple(_d.values())))

</pallas_src>

<mosaic_0001>
#map = affine_map<(d0, d1) -> (0, 0, 0)>
#map1 = affine_map<(d0, d1) -> (0, 0)>
module attributes {stable_mosaic.version = 14 : i64} {
  func.func @_sc_scatter_gather(%arg0: i32, %arg1: i32, %arg2: memref<10000x2x64xf32, #tpu.memory_space<hbm>>, %arg3: memref<16x80x250xi32, #tpu.memory_space<hbm>>, %arg4: memref<16x80x250xi32, #tpu.memory_space<hbm>>, %arg5: memref<10112x64xf32, #tpu.memory_space<hbm>>, %arg6: memref<10000x2x64xf32, #tpu.memory_space<hbm>>, %arg7: memref<20x250xi32, #tpu.memory_space<vmem>>, %arg8: memref<20x250xi32, #tpu.memory_space<vmem>>, %arg9: memref<250x64xf32, #tpu.memory_space<vmem>>, %arg10: memref<250x64xf32, #tpu.memory_space<vmem>>, %arg11: memref<!tpu.dma_semaphore, #tpu.memory_space<semaphore_mem>>, %arg12: memref<!tpu.dma_semaphore, #tpu.memory_space<semaphore_mem>>, %arg13: memref<!tpu.dma_semaphore, #tpu.memory_space<semaphore_mem>>, %arg14: memref<!tpu.dma_semaphore, #tpu.memory_space<semaphore_mem>>, %arg15: memref<10112x64xf32, #tpu.memory_space<vmem_shared>>, %arg16: memref<10112x64xf32, #tpu.memory_space<vmem_shared>>) attributes {dimension_semantics = [#tpu.dimension_semantics<core_parallel>, #tpu.dimension_semantics<subcore_parallel>], iteration_bounds = array<i64: 2, 16>, scalar_prefetch = 0 : i64, scratch_operands = 10 : i64, tpu.core_type = #tpu.core_type<sc_vector_subcore>, window_params = [{transform_indices = #map}, {transform_indices = #map}, {transform_indices = #map}, {transform_indices = #map1}, {transform_indices = #map}]} {
    %mul3A = arith.constant 632 : i32
    %mul3A_0 = arith.muli %arg1, %mul3A : i32
    "tpu.region"() ({
      %run_scoped3A = tpu.sem_alloc : memref<!tpu.dma_semaphore, #tpu.memory_space<semaphore_mem>>
      %dma_start3A_507 = arith.constant 0 : i32
      %dma_start3A_508 = tpu.memref_slice %arg16[%mul3A_0, %dma_start3A_507] : memref<10112x64xf32, #tpu.memory_space<vmem_shared>> -> memref<632x64xf32, #tpu.memory_space<vmem_shared>>
      %dma_start3A_509 = arith.constant 0 : i32
      %dma_start3A_510 = tpu.memref_slice %arg5[%mul3A_0, %dma_start3A_509] : memref<10112x64xf32, #tpu.memory_space<hbm>> -> memref<632x64xf32, #tpu.memory_space<hbm>>
      tpu.enqueue_dma source(%dma_start3A_510 : memref<632x64xf32, #tpu.memory_space<hbm>>) target(%dma_start3A_508 : memref<632x64xf32, #tpu.memory_space<vmem_shared>>) target_semaphore(%run_scoped3A : memref<!tpu.dma_semaphore, #tpu.memory_space<semaphore_mem>>)
      %dma_wait3A_511 = arith.constant 0 : i32
      %dma_wait3A_512 = tpu.memref_slice %arg16[%mul3A_0, %dma_wait3A_511] : memref<10112x64xf32, #tpu.memory_space<vmem_shared>> -> memref<632x64xf32, #tpu.memory_space<vmem_shared>>
      %dma_wait3A_513 = arith.constant 0 : i32
      %dma_wait3A_514 = tpu.memref_slice %arg5[%mul3A_0, %dma_wait3A_513] : memref<10112x64xf32, #tpu.memory_space<hbm>> -> memref<632x64xf32, #tpu.memory_space<hbm>>
      tpu.wait_dma2 semaphore(%run_scoped3A : memref<!tpu.dma_semaphore, #tpu.memory_space<semaphore_mem>>) src(%dma_wait3A_514 : memref<632x64xf32, #tpu.memory_space<hbm>>) dst(%dma_wait3A_512 : memref<632x64xf32, #tpu.memory_space<vmem_shared>>)
      tpu.yield
    }) : () -> ()
    %lt3A = arith.constant 15 : i32
    %lt3A_1 = arith.cmpi slt, %arg1, %lt3A : i32
    %convert_element_type3A = arith.extui %lt3A_1 : i1 to i32
    %cond3A = arith.constant 0 : i32
    %cond3A_2 = arith.cmpi ne, %convert_element_type3A, %cond3A : i32
    scf.if %cond3A_2 {
      "tpu.region"() ({
        %run_scoped3A = tpu.sem_alloc : memref<!tpu.dma_semaphore, #tpu.memory_space<semaphore_mem>>
        %dma_start3A_507 = arith.constant 0 : i32
        %dma_start3A_508 = tpu.memref_slice %arg15[%mul3A_0, %dma_start3A_507] : memref<10112x64xf32, #tpu.memory_space<vmem_shared>> -> memref<632x64xf32, #tpu.memory_space<vmem_shared>>
        %dma_start3A_509 = arith.constant 0 : i32
        %dma_start3A_510 = tpu.memref_slice %arg2[%mul3A_0, %arg0, %dma_start3A_509] : memref<10000x2x64xf32, #tpu.memory_space<hbm>> -> memref<632x1x64xf32, #tpu.memory_space<hbm>>
        %dma_start3A_511 = tpu.memref_squeeze %dma_start3A_510 : memref<632x1x64xf32, #tpu.memory_space<hbm>> -> memref<632x64xf32, #tpu.memory_space<hbm>>
        tpu.enqueue_dma source(%dma_start3A_511 : memref<632x64xf32, #tpu.memory_space<hbm>>) target(%dma_start3A_508 : memref<632x64xf32, #tpu.memory_space<vmem_shared>>) target_semaphore(%run_scoped3A : memref<!tpu.dma_semaphore, #tpu.memory_space<semaphore_mem>>)
        %dma_wait3A_512 = arith.constant 0 : i32
        %dma_wait3A_513 = tpu.memref_slice %arg15[%mul3A_0, %dma_wait3A_512] : memref<10112x64xf32, #tpu.memory_space<vmem_shared>> -> memref<632x64xf32, #tpu.memory_space<vmem_shared>>
        %dma_wait3A_514 = arith.constant 0 : i32
        %dma_wait3A_515 = tpu.memref_slice %arg2[%mul3A_0, %arg0, %dma_wait3A_514] : memref<10000x2x64xf32, #tpu.memory_space<hbm>> -> memref<632x1x64xf32, #tpu.memory_space<hbm>>
        %dma_wait3A_516 = tpu.memref_squeeze %dma_wait3A_515 : memref<632x1x64xf32, #tpu.memory_space<hbm>> -> memref<632x64xf32, #tpu.memory_space<hbm>>
        tpu.wait_dma2 semaphore(%run_scoped3A : memref<!tpu.dma_semaphore, #tpu.memory_space<semaphore_mem>>) src(%dma_wait3A_516 : memref<632x64xf32, #tpu.memory_space<hbm>>) dst(%dma_wait3A_513 : memref<632x64xf32, #tpu.memory_space<vmem_shared>>)
        tpu.yield
      }) : () -> ()
    } else {
    }
    %eq3A = arith.constant 15 : i32
    %eq3A_3 = arith.cmpi eq, %arg1, %eq3A : i32
    %convert_element_type3A_4 = arith.extui %eq3A_3 : i1 to i32
    %cond3A_5 = arith.constant 0 : i32
    %cond3A_6 = arith.cmpi ne, %convert_element_type3A_4, %cond3A_5 : i32
    scf.if %cond3A_6 {
      "tpu.region"() ({
        %run_scoped3A = tpu.sem_alloc : memref<!tpu.dma_semaphore, #tpu.memory_space<semaphore_mem>>
        %dma_start3A_507 = arith.constant 0 : i32
        %dma_start3A_508 = tpu.memref_slice %arg15[%mul3A_0, %dma_start3A_507] : memref<10112x64xf32, #tpu.memory_space<vmem_shared>> -> memref<520x64xf32, #tpu.memory_space<vmem_shared>>
        %dma_start3A_509 = arith.constant 0 : i32
        %dma_start3A_510 = tpu.memref_slice %arg2[%mul3A_0, %arg0, %dma_start3A_509] : memref<10000x2x64xf32, #tpu.memory_space<hbm>> -> memref<520x1x64xf32, #tpu.memory_space<hbm>>
        %dma_start3A_511 = tpu.memref_squeeze %dma_start3A_510 : memref<520x1x64xf32, #tpu.memory_space<hbm>> -> memref<520x64xf32, #tpu.memory_space<hbm>>
        tpu.enqueue_dma source(%dma_start3A_511 : memref<520x64xf32, #tpu.memory_space<hbm>>) target(%dma_start3A_508 : memref<520x64xf32, #tpu.memory_space<vmem_shared>>) target_semaphore(%run_scoped3A : memref<!tpu.dma_semaphore, #tpu.memory_space<semaphore_mem>>)
        %dma_wait3A_512 = arith.constant 0 : i32
        %dma_wait3A_513 = tpu.memref_slice %arg15[%mul3A_0, %dma_wait3A_512] : memref<10112x64xf32, #tpu.memory_space<vmem_shared>> -> memref<520x64xf32, #tpu.memory_space<vmem_shared>>
        %dma_wait3A_514 = arith.constant 0 : i32
        %dma_wait3A_515 = tpu.memref_slice %arg2[%mul3A_0, %arg0, %dma_wait3A_514] : memref<10000x2x64xf32, #tpu.memory_space<hbm>> -> memref<520x1x64xf32, #tpu.memory_space<hbm>>
        %dma_wait3A_516 = tpu.memref_squeeze %dma_wait3A_515 : memref<520x1x64xf32, #tpu.memory_space<hbm>> -> memref<520x64xf32, #tpu.memory_space<hbm>>
        tpu.wait_dma2 semaphore(%run_scoped3A : memref<!tpu.dma_semaphore, #tpu.memory_space<semaphore_mem>>) src(%dma_wait3A_516 : memref<520x64xf32, #tpu.memory_space<hbm>>) dst(%dma_wait3A_513 : memref<520x64xf32, #tpu.memory_space<vmem_shared>>)
        tpu.yield
      }) : () -> ()
    } else {
    }
    %barrier3A = arith.constant 0 : index
    tpu.barrier barrier_id(%barrier3A)
    "tpu.region"() ({
      %run_scoped3A = tpu.sem_alloc : memref<!tpu.dma_semaphore, #tpu.memory_space<semaphore_mem>>
      %dma_start3A_507 = arith.constant 0 : i32
      %dma_start3A_508 = arith.constant 0 : i32
      %dma_start3A_509 = tpu.memref_slice %arg4[%arg1, %dma_start3A_507, %dma_start3A_508] : memref<16x80x250xi32, #tpu.memory_space<hbm>> -> memref<1x20x250xi32, #tpu.memory_space<hbm>>
      %dma_start3A_510 = tpu.memref_squeeze %dma_start3A_509 : memref<1x20x250xi32, #tpu.memory_space<hbm>> -> memref<20x250xi32, #tpu.memory_space<hbm>>
      %dma_start3A_511 = arith.constant 0 : i32
      %dma_start3A_512 = arith.constant 0 : i32
      %dma_start3A_513 = tpu.memref_slice %arg4[%arg1, %dma_start3A_511, %dma_start3A_512] : memref<16x80x250xi32, #tpu.memory_space<hbm>> -> memref<1x20x250xi32, #tpu.memory_space<hbm>>
      %dma_start3A_514 = tpu.memref_squeeze %dma_start3A_513 : memref<1x20x250xi32, #tpu.memory_space<hbm>> -> memref<20x250xi32, #tpu.memory_space<hbm>>
      tpu.enqueue_dma source(%dma_start3A_514 : memref<20x250xi32, #tpu.memory_space<hbm>>) target(%arg7 : memref<20x250xi32, #tpu.memory_space<vmem>>) target_semaphore(%run_scoped3A : memref<!tpu.dma_semaphore, #tpu.memory_space<semaphore_mem>>)
      %dma_wait3A_515 = arith.constant 0 : i32
      %dma_wait3A_516 = arith.constant 0 : i32
      %dma_wait3A_517 = tpu.memref_slice %arg4[%arg1, %dma_wait3A_515, %dma_wait3A_516] : memref<16x80x250xi32, #tpu.memory_space<hbm>> -> memref<1x20x250xi32, #tpu.memory_space<hbm>>
      %dma_wait3A_518 = tpu.memref_squeeze %dma_wait3A_517 : memref<1x20x250xi32, #tpu.memory_space<hbm>> -> memref<20x250xi32, #tpu.memory_space<hbm>>
      %dma_wait3A_519 = arith.constant 0 : i32
      %dma_wait3A_520 = arith.constant 0 : i32
      %dma_wait3A_521 = tpu.memref_slice %arg4[%arg1, %dma_wait3A_519, %dma_wait3A_520] : memref<16x80x250xi32, #tpu.memory_space<hbm>> -> memref<1x20x250xi32, #tpu.memory_space<hbm>>
      %dma_wait3A_522 = tpu.memref_squeeze %dma_wait3A_521 : memref<1x20x250xi32, #tpu.memory_space<hbm>> -> memref<20x250xi32, #tpu.memory_space<hbm>>
      tpu.wait_dma2 semaphore(%run_scoped3A : memref<!tpu.dma_semaphore, #tpu.memory_space<semaphore_mem>>) src(%dma_wait3A_522 : memref<20x250xi32, #tpu.memory_space<hbm>>) dst(%arg7 : memref<20x250xi32, #tpu.memory_space<vmem>>)
      tpu.yield
    }) : () -> ()
    "tpu.region"() ({
      %run_scoped3A = tpu.sem_alloc : memref<!tpu.dma_semaphore, #tpu.memory_space<semaphore_mem>>
      %dma_start3A_507 = arith.constant 0 : i32
      %dma_start3A_508 = arith.constant 0 : i32
      %dma_start3A_509 = tpu.memref_slice %arg3[%arg1, %dma_start3A_507, %dma_start3A_508] : memref<16x80x250xi32, #tpu.memory_space<hbm>> -> memref<1x20x250xi32, #tpu.memory_space<hbm>>
      %dma_start3A_510 = tpu.memref_squeeze %dma_start3A_509 : memref<1x20x250xi32, #tpu.memory_space<hbm>> -> memref<20x250xi32, #tpu.memory_space<hbm>>
      %dma_start3A_511 = arith.constant 0 : i32
      %dma_start3A_512 = arith.constant 0 : i32
      %dma_start3A_513 = tpu.memref_slice %arg3[%arg1, %dma_start3A_511, %dma_start3A_512] : memref<16x80x250xi32, #tpu.memory_space<hbm>> -> memref<1x20x250xi32, #tpu.memory_space<hbm>>
      %dma_start3A_514 = tpu.memref_squeeze %dma_start3A_513 : memref<1x20x250xi32, #tpu.memory_space<hbm>> -> memref<20x250xi32, #tpu.memory_space<hbm>>
      tpu.enqueue_dma source(%dma_start3A_514 : memref<20x250xi32, #tpu.memory_space<hbm>>) target(%arg8 : memref<20x250xi32, #tpu.memory_space<vmem>>) target_semaphore(%run_scoped3A : memref<!tpu.dma_semaphore, #tpu.memory_space<semaphore_mem>>)
      %dma_wait3A_515 = arith.constant 0 : i32
      %dma_wait3A_516 = arith.constant 0 : i32
      %dma_wait3A_517 = tpu.memref_slice %arg3[%arg1, %dma_wait3A_515, %dma_wait3A_516] : memref<16x80x250xi32, #tpu.memory_space<hbm>> -> memref<1x20x250xi32, #tpu.memory_space<hbm>>
      %dma_wait3A_518 = tpu.memref_squeeze %dma_wait3A_517 : memref<1x20x250xi32, #tpu.memory_space<hbm>> -> memref<20x250xi32, #tpu.memory_space<hbm>>
      %dma_wait3A_519 = arith.constant 0 : i32
      %dma_wait3A_520 = arith.constant 0 : i32
      %dma_wait3A_521 = tpu.memref_slice %arg3[%arg1, %dma_wait3A_519, %dma_wait3A_520] : memref<16x80x250xi32, #tpu.memory_space<hbm>> -> memref<1x20x250xi32, #tpu.memory_space<hbm>>
      %dma_wait3A_522 = tpu.memref_squeeze %dma_wait3A_521 : memref<1x20x250xi32, #tpu.memory_space<hbm>> -> memref<20x250xi32, #tpu.memory_space<hbm>>
      tpu.wait_dma2 semaphore(%run_scoped3A : memref<!tpu.dma_semaphore, #tpu.memory_space<semaphore_mem>>) src(%dma_wait3A_522 : memref<20x250xi32, #tpu.memory_space<hbm>>) dst(%arg8 : memref<20x250xi32, #tpu.memory_space<vmem>>)
      tpu.yield
    }) : () -> ()
    %dma_start3A = arith.constant 0 : i32
    %dma_start3A_7 = arith.constant 0 : i32
    %dma_start3A_8 = tpu.memref_slice %arg7[%dma_start3A, %dma_start3A_7] : memref<20x250xi32, #tpu.memory_space<vmem>> -> memref<1x250xi32, #tpu.memory_space<vmem>>
    %dma_start3A_9 = tpu.memref_squeeze %dma_start3A_8 : memref<1x250xi32, #tpu.memory_space<vmem>> -> memref<250xi32, #tpu.memory_space<vmem>>
    %dma_start3A_10 = arith.constant 0 : i32
    %dma_start3A_11 = arith.constant 0 : i32
    %dma_start3A_12 = tpu.memref_slice %arg15[%dma_start3A_10, %dma_start3A_11] : memref<10112x64xf32, #tpu.memory_space<vmem_shared>> -> memref<10112x64xf32, #tpu.memory_space<vmem_shared>>
    tpu.enqueue_indirect_dma source(%dma_start3A_12 : memref<10112x64xf32, #tpu.memory_space<vmem_shared>>) target(%arg9 : memref<250x64xf32, #tpu.memory_space<vmem>>) offsets(%dma_start3A_9 : memref<250xi32, #tpu.memory_space<vmem>>) semaphore(%arg11 : memref<!tpu.dma_semaphore, #tpu.memory_space<semaphore_mem>>)
    %dma_wait3A = arith.constant 0 : i32
    %dma_wait3A_13 = arith.constant 0 : i32
    %dma_wait3A_14 = tpu.memref_slice %arg7[%dma_wait3A, %dma_wait3A_13] : memref<20x250xi32, #tpu.memory_space<vmem>> -> memref<1x250xi32, #tpu.memory_space<vmem>>
    %dma_wait3A_15 = tpu.memref_squeeze %dma_wait3A_14 : memref<1x250xi32, #tpu.memory_space<vmem>> -> memref<250xi32, #tpu.memory_space<vmem>>
    %dma_wait3A_16 = arith.constant 0 : i32
    %dma_wait3A_17 = arith.constant 0 : i32
    %dma_wait3A_18 = tpu.memref_slice %arg15[%dma_wait3A_16, %dma_wait3A_17] : memref<10112x64xf32, #tpu.memory_space<vmem_shared>> -> memref<10112x64xf32, #tpu.memory_space<vmem_shared>>
    tpu.wait_indirect_dma semaphore(%arg11 : memref<!tpu.dma_semaphore, #tpu.memory_space<semaphore_mem>>) src(%dma_wait3A_18 : memref<10112x64xf32, #tpu.memory_space<vmem_shared>>) dst(%arg9 : memref<250x64xf32, #tpu.memory_space<vmem>>)
    %dma_start3A_19 = arith.constant 0 : i32
    %dma_start3A_20 = arith.constant 0 : i32
    %dma_start3A_21 = tpu.memref_slice %arg8[%dma_start3A_19, %dma_start3A_20] : memref<20x250xi32, #tpu.memory_space<vmem>> -> memref<1x250xi32, #tpu.memory_space<vmem>>
    %dma_start3A_22 = tpu.memref_squeeze %dma_start3A_21 : memref<1x250xi32, #tpu.memory_space<vmem>> -> memref<250xi32, #tpu.memory_space<vmem>>
    %dma_start3A_23 = arith.constant 0 : i32
    %dma_start3A_24 = arith.constant 0 : i32
    %dma_start3A_25 = tpu.memref_slice %arg16[%dma_start3A_23, %dma_start3A_24] : memref<10112x64xf32, #tpu.memory_space<vmem_shared>> -> memref<10112x64xf32, #tpu.memory_space<vmem_shared>>
    tpu.enqueue_indirect_dma source(%arg9 : memref<250x64xf32, #tpu.memory_space<vmem>>) target(%dma_start3A_25 : memref<10112x64xf32, #tpu.memory_space<vmem_shared>>) offsets(%dma_start3A_22 : memref<250xi32, #tpu.memory_space<vmem>>) semaphore(%arg13 : memref<!tpu.dma_semaphore, #tpu.memory_space<semaphore_mem>>) {add = true}
    %dma_start3A_26 = arith.constant 1 : i32
    %dma_start3A_27 = arith.constant 0 : i32
    %dma_start3A_28 = tpu.memref_slice %arg7[%dma_start3A_26, %dma_start3A_27] : memref<20x250xi32, #tpu.memory_space<vmem>> -> memref<1x250xi32, #tpu.memory_space<vmem>>
    %dma_start3A_29 = tpu.memref_squeeze %dma_start3A_28 : memref<1x250xi32, #tpu.memory_space<vmem>> -> memref<250xi32, #tpu.memory_space<vmem>>
    %dma_start3A_30 = arith.constant 0 : i32
    %dma_start3A_31 = arith.constant 0 : i32
    %dma_start3A_32 = tpu.memref_slice %arg15[%dma_start3A_30, %dma_start3A_31] : memref<10112x64xf32, #tpu.memory_space<vmem_shared>> -> memref<10112x64xf32, #tpu.memory_space<vmem_shared>>
    tpu.enqueue_indirect_dma source(%dma_start3A_32 : memref<10112x64xf32, #tpu.memory_space<vmem_shared>>) target(%arg10 : memref<250x64xf32, #tpu.memory_space<vmem>>) offsets(%dma_start3A_29 : memref<250xi32, #tpu.memory_space<vmem>>) semaphore(%arg12 : memref<!tpu.dma_semaphore, #tpu.memory_space<semaphore_mem>>)
    %scan3A = arith.constant 0 : i32
    %scan3A_33 = arith.constant 9 : i32
    %scan3A_34 = arith.addi %scan3A, %scan3A_33 : i32
    %scan3A_35 = arith.constant 1 : i32
    scf.for %scan3A_507 = %scan3A to %scan3A_34 step %scan3A_35  : i32 {
      %mul3A_508 = arith.constant 1 : i32
      %mul3A_509 = arith.muli %scan3A_507, %mul3A_508 : i32
      %add3A = arith.constant 0 : i32
      %add3A_510 = arith.addi %add3A, %mul3A_509 : i32
      %mul3A_511 = arith.constant 2 : i32
      %mul3A_512 = arith.muli %mul3A_511, %add3A_510 : i32
      %add3A_513 = arith.constant 1 : i32
      %add3A_514 = arith.addi %mul3A_512, %add3A_513 : i32
      %dma_wait3A_515 = arith.constant 0 : i32
      %dma_wait3A_516 = arith.constant 0 : i32
      %dma_wait3A_517 = tpu.memref_slice %arg7[%dma_wait3A_515, %dma_wait3A_516] : memref<20x250xi32, #tpu.memory_space<vmem>> -> memref<1x250xi32, #tpu.memory_space<vmem>>
      %dma_wait3A_518 = tpu.memref_squeeze %dma_wait3A_517 : memref<1x250xi32, #tpu.memory_space<vmem>> -> memref<250xi32, #tpu.memory_space<vmem>>
      %dma_wait3A_519 = arith.constant 0 : i32
      %dma_wait3A_520 = arith.constant 0 : i32
      %dma_wait3A_521 = tpu.memref_slice %arg15[%dma_wait3A_519, %dma_wait3A_520] : memref<10112x64xf32, #tpu.memory_space<vmem_shared>> -> memref<10112x64xf32, #tpu.memory_space<vmem_shared>>
      tpu.wait_indirect_dma semaphore(%arg12 : memref<!tpu.dma_semaphore, #tpu.memory_space<semaphore_mem>>) src(%dma_wait3A_521 : memref<10112x64xf32, #tpu.memory_space<vmem_shared>>) dst(%arg10 : memref<250x64xf32, #tpu.memory_space<vmem>>)
      %dma_wait3A_522 = arith.constant 0 : i32
      %dma_wait3A_523 = arith.constant 0 : i32
      %dma_wait3A_524 = tpu.memref_slice %arg8[%dma_wait3A_522, %dma_wait3A_523] : memref<20x250xi32, #tpu.memory_space<vmem>> -> memref<1x250xi32, #tpu.memory_space<vmem>>
      %dma_wait3A_525 = tpu.memref_squeeze %dma_wait3A_524 : memref<1x250xi32, #tpu.memory_space<vmem>> -> memref<250xi32, #tpu.memory_space<vmem>>
      %dma_wait3A_526 = arith.constant 0 : i32
      %dma_wait3A_527 = arith.constant 0 : i32
      %dma_wait3A_528 = tpu.memref_slice %arg16[%dma_wait3A_526, %dma_wait3A_527] : memref<10112x64xf32, #tpu.memory_space<vmem_shared>> -> memref<10112x64xf32, #tpu.memory_space<vmem_shared>>
      tpu.wait_indirect_dma semaphore(%arg13 : memref<!tpu.dma_semaphore, #tpu.memory_space<semaphore_mem>>) src(%arg9 : memref<250x64xf32, #tpu.memory_space<vmem>>) dst(%dma_wait3A_528 : memref<10112x64xf32, #tpu.memory_space<vmem_shared>>)
      %dma_start3A_529 = arith.constant 0 : i32
      %dma_start3A_530 = tpu.memref_slice %arg8[%add3A_514, %dma_start3A_529] : memref<20x250xi32, #tpu.memory_space<vmem>> -> memref<1x250xi32, #tpu.memory_space<vmem>>
      %dma_start3A_531 = tpu.memref_squeeze %dma_start3A_530 : memref<1x250xi32, #tpu.memory_space<vmem>> -> memref<250xi32, #tpu.memory_space<vmem>>
      %dma_start3A_532 = arith.constant 0 : i32
      %dma_start3A_533 = arith.constant 0 : i32
      %dma_start3A_534 = tpu.memref_slice %arg16[%dma_start3A_532, %dma_start3A_533] : memref<10112x64xf32, #tpu.memory_space<vmem_shared>> -> memref<10112x64xf32, #tpu.memory_space<vmem_shared>>
      tpu.enqueue_indirect_dma source(%arg10 : memref<250x64xf32, #tpu.memory_space<vmem>>) target(%dma_start3A_534 : memref<10112x64xf32, #tpu.memory_space<vmem_shared>>) offsets(%dma_start3A_531 : memref<250xi32, #tpu.memory_space<vmem>>) semaphore(%arg14 : memref<!tpu.dma_semaphore, #tpu.memory_space<semaphore_mem>>) {add = true}
      %add3A_535 = arith.constant 1 : i32
      %add3A_536 = arith.addi %add3A_514, %add3A_535 : i32
      %dma_start3A_537 = arith.constant 0 : i32
      %dma_start3A_538 = tpu.memref_slice %arg7[%add3A_536, %dma_start3A_537] : memref<20x250xi32, #tpu.memory_space<vmem>> -> memref<1x250xi32, #tpu.memory_space<vmem>>
      %dma_start3A_539 = tpu.memref_squeeze %dma_start3A_538 : memref<1x250xi32, #tpu.memory_space<vmem>> -> memref<250xi32, #tpu.memory_space<vmem>>
      %dma_start3A_540 = arith.constant 0 : i32
      %dma_start3A_541 = arith.constant 0 : i32
      %dma_start3A_542 = tpu.memref_slice %arg15[%dma_start3A_540, %dma_start3A_541] : memref<10112x64xf32, #tpu.memory_space<vmem_shared>> -> memref<10112x64xf32, #tpu.memory_space<vmem_shared>>
      tpu.enqueue_indirect_dma source(%dma_start3A_542 : memref<10112x64xf32, #tpu.memory_space<vmem_shared>>) target(%arg9 : memref<250x64xf32, #tpu.memory_space<vmem>>) offsets(%dma_start3A_539 : memref<250xi32, #tpu.memory_space<vmem>>) semaphore(%arg11 : memref<!tpu.dma_semaphore, #tpu.memory_space<semaphore_mem>>)
      %dma_wait3A_543 = arith.constant 0 : i32
      %dma_wait3A_544 = arith.constant 0 : i32
      %dma_wait3A_545 = tpu.memref_slice %arg7[%dma_wait3A_543, %dma_wait3A_544] : memref<20x250xi32, #tpu.memory_space<vmem>> -> memref<1x250xi32, #tpu.memory_space<vmem>>
      %dma_wait3A_546 = tpu.memref_squeeze %dma_wait3A_545 : memref<1x250xi32, #tpu.memory_space<vmem>> -> memref<250xi32, #tpu.memory_space<vmem>>
      %dma_wait3A_547 = arith.constant 0 : i32
      %dma_wait3A_548 = arith.constant 0 : i32
      %dma_wait3A_549 = tpu.memref_slice %arg15[%dma_wait3A_547, %dma_wait3A_548] : memref<10112x64xf32, #tpu.memory_space<vmem_shared>> -> memref<10112x64xf32, #tpu.memory_space<vmem_shared>>
      tpu.wait_indirect_dma semaphore(%arg11 : memref<!tpu.dma_semaphore, #tpu.memory_space<semaphore_mem>>) src(%dma_wait3A_549 : memref<10112x64xf32, #tpu.memory_space<vmem_shared>>) dst(%arg9 : memref<250x64xf32, #tpu.memory_space<vmem>>)
      %add3A_550 = arith.constant 1 : i32
      %add3A_551 = arith.addi %add3A_514, %add3A_550 : i32
      %dma_start3A_552 = arith.constant 0 : i32
      %dma_start3A_553 = tpu.memref_slice %arg8[%add3A_551, %dma_start3A_552] : memref<20x250xi32, #tpu.memory_space<vmem>> -> memref<1x250xi32, #tpu.memory_space<vmem>>
      %dma_start3A_554 = tpu.memref_squeeze %dma_start3A_553 : memref<1x250xi32, #tpu.memory_space<vmem>> -> memref<250xi32, #tpu.memory_space<vmem>>
      %dma_start3A_555 = arith.constant 0 : i32
      %dma_start3A_556 = arith.constant 0 : i32
      %dma_start3A_557 = tpu.memref_slice %arg16[%dma_start3A_555, %dma_start3A_556] : memref<10112x64xf32, #tpu.memory_space<vmem_shared>> -> memref<10112x64xf32, #tpu.memory_space<vmem_shared>>
      tpu.enqueue_indirect_dma source(%arg9 : memref<250x64xf32, #tpu.memory_space<vmem>>) target(%dma_start3A_557 : memref<10112x64xf32, #tpu.memory_space<vmem_shared>>) offsets(%dma_start3A_554 : memref<250xi32, #tpu.memory_space<vmem>>) semaphore(%arg13 : memref<!tpu.dma_semaphore, #tpu.memory_space<semaphore_mem>>) {add = true}
      %dma_wait3A_558 = arith.constant 0 : i32
      %dma_wait3A_559 = arith.constant 0 : i32
      %dma_wait3A_560 = tpu.memref_slice %arg8[%dma_wait3A_558, %dma_wait3A_559] : memref<20x250xi32, #tpu.memory_space<vmem>> -> memref<1x250xi32, #tpu.memory_space<vmem>>
      %dma_wait3A_561 = tpu.memref_squeeze %dma_wait3A_560 : memref<1x250xi32, #tpu.memory_space<vmem>> -> memref<250xi32, #tpu.memory_space<vmem>>
      %dma_wait3A_562 = arith.constant 0 : i32
      %dma_wait3A_563 = arith.constant 0 : i32
      %dma_wait3A_564 = tpu.memref_slice %arg16[%dma_wait3A_562, %dma_wait3A_563] : memref<10112x64xf32, #tpu.memory_space<vmem_shared>> -> memref<10112x64xf32, #tpu.memory_space<vmem_shared>>
      tpu.wait_indirect_dma semaphore(%arg14 : memref<!tpu.dma_semaphore, #tpu.memory_space<semaphore_mem>>) src(%arg10 : memref<250x64xf32, #tpu.memory_space<vmem>>) dst(%dma_wait3A_564 : memref<10112x64xf32, #tpu.memory_space<vmem_shared>>)
      %add3A_565 = arith.constant 2 : i32
      %add3A_566 = arith.addi %add3A_514, %add3A_565 : i32
      %dma_start3A_567 = arith.constant 0 : i32
      %dma_start3A_568 = tpu.memref_slice %arg7[%add3A_566, %dma_start3A_567] : memref<20x250xi32, #tpu.memory_space<vmem>> -> memref<1x250xi32, #tpu.memory_space<vmem>>
      %dma_start3A_569 = tpu.memref_squeeze %dma_start3A_568 : memref<1x250xi32, #tpu.memory_space<vmem>> -> memref<250xi32, #tpu.memory_space<vmem>>
      %dma_start3A_570 = arith.constant 0 : i32
      %dma_start3A_571 = arith.constant 0 : i32
      %dma_start3A_572 = tpu.memref_slice %arg15[%dma_start3A_570, %dma_start3A_571] : memref<10112x64xf32, #tpu.memory_space<vmem_shared>> -> memref<10112x64xf32, #tpu.memory_space<vmem_shared>>
      tpu.enqueue_indirect_dma source(%dma_start3A_572 : memref<10112x64xf32, #tpu.memory_space<vmem_shared>>) target(%arg10 : memref<250x64xf32, #tpu.memory_space<vmem>>) offsets(%dma_start3A_569 : memref<250xi32, #tpu.memory_space<vmem>>) semaphore(%arg12 : memref<!tpu.dma_semaphore, #tpu.memory_space<semaphore_mem>>)
    }
    %scan3A_36 = arith.constant 9 : i32
    %dma_wait3A_37 = arith.constant 0 : i32
    %dma_wait3A_38 = arith.constant 0 : i32
    %dma_wait3A_39 = tpu.memref_slice %arg7[%dma_wait3A_37, %dma_wait3A_38] : memref<20x250xi32, #tpu.memory_space<vmem>> -> memref<1x250xi32, #tpu.memory_space<vmem>>
    %dma_wait3A_40 = tpu.memref_squeeze %dma_wait3A_39 : memref<1x250xi32, #tpu.memory_space<vmem>> -> memref<250xi32, #tpu.memory_space<vmem>>
    %dma_wait3A_41 = arith.constant 0 : i32
    %dma_wait3A_42 = arith.constant 0 : i32
    %dma_wait3A_43 = tpu.memref_slice %arg15[%dma_wait3A_41, %dma_wait3A_42] : memref<10112x64xf32, #tpu.memory_space<vmem_shared>> -> memref<10112x64xf32, #tpu.memory_space<vmem_shared>>
    tpu.wait_indirect_dma semaphore(%arg12 : memref<!tpu.dma_semaphore, #tpu.memory_space<semaphore_mem>>) src(%dma_wait3A_43 : memref<10112x64xf32, #tpu.memory_space<vmem_shared>>) dst(%arg10 : memref<250x64xf32, #tpu.memory_space<vmem>>)
    %dma_wait3A_44 = arith.constant 0 : i32
    %dma_wait3A_45 = arith.constant 0 : i32
    %dma_wait3A_46 = tpu.memref_slice %arg8[%dma_wait3A_44, %dma_wait3A_45] : memref<20x250xi32, #tpu.memory_space<vmem>> -> memref<1x250xi32, #tpu.memory_space<vmem>>
    %dma_wait3A_47 = tpu.memref_squeeze %dma_wait3A_46 : memref<1x250xi32, #tpu.memory_space<vmem>> -> memref<250xi32, #tpu.memory_space<vmem>>
    %dma_wait3A_48 = arith.constant 0 : i32
    %dma_wait3A_49 = arith.constant 0 : i32
    %dma_wait3A_50 = tpu.memref_slice %arg16[%dma_wait3A_48, %dma_wait3A_49] : memref<10112x64xf32, #tpu.memory_space<vmem_shared>> -> memref<10112x64xf32, #tpu.memory_space<vmem_shared>>
    tpu.wait_indirect_dma semaphore(%arg13 : memref<!tpu.dma_semaphore, #tpu.memory_space<semaphore_mem>>) src(%arg9 : memref<250x64xf32, #tpu.memory_space<vmem>>) dst(%dma_wait3A_50 : memref<10112x64xf32, #tpu.memory_space<vmem_shared>>)
    %dma_start3A_51 = arith.constant 19 : i32
    %dma_start3A_52 = arith.constant 0 : i32
    %dma_start3A_53 = tpu.memref_slice %arg8[%dma_start3A_51, %dma_start3A_52] : memref<20x250xi32, #tpu.memory_space<vmem>> -> memref<1x250xi32, #tpu.memory_space<vmem>>
    %dma_start3A_54 = tpu.memref_squeeze %dma_start3A_53 : memref<1x250xi32, #tpu.memory_space<vmem>> -> memref<250xi32, #tpu.memory_space<vmem>>
    %dma_start3A_55 = arith.constant 0 : i32
    %dma_start3A_56 = arith.constant 0 : i32
    %dma_start3A_57 = tpu.memref_slice %arg16[%dma_start3A_55, %dma_start3A_56] : memref<10112x64xf32, #tpu.memory_space<vmem_shared>> -> memref<10112x64xf32, #tpu.memory_space<vmem_shared>>
    tpu.enqueue_indirect_dma source(%arg10 : memref<250x64xf32, #tpu.memory_space<vmem>>) target(%dma_start3A_57 : memref<10112x64xf32, #tpu.memory_space<vmem_shared>>) offsets(%dma_start3A_54 : memref<250xi32, #tpu.memory_space<vmem>>) semaphore(%arg14 : memref<!tpu.dma_semaphore, #tpu.memory_space<semaphore_mem>>) {add = true}
    %dma_wait3A_58 = arith.constant 0 : i32
    %dma_wait3A_59 = arith.constant 0 : i32
    %dma_wait3A_60 = tpu.memref_slice %arg8[%dma_wait3A_58, %dma_wait3A_59] : memref<20x250xi32, #tpu.memory_space<vmem>> -> memref<1x250xi32, #tpu.memory_space<vmem>>
    %dma_wait3A_61 = tpu.memref_squeeze %dma_wait3A_60 : memref<1x250xi32, #tpu.memory_space<vmem>> -> memref<250xi32, #tpu.memory_space<vmem>>
    %dma_wait3A_62 = arith.constant 0 : i32
    %dma_wait3A_63 = arith.constant 0 : i32
    %dma_wait3A_64 = tpu.memref_slice %arg16[%dma_wait3A_62, %dma_wait3A_63] : memref<10112x64xf32, #tpu.memory_space<vmem_shared>> -> memref<10112x64xf32, #tpu.memory_space<vmem_shared>>
    tpu.wait_indirect_dma semaphore(%arg14 : memref<!tpu.dma_semaphore, #tpu.memory_space<semaphore_mem>>) src(%arg10 : memref<250x64xf32, #tpu.memory_space<vmem>>) dst(%dma_wait3A_64 : memref<10112x64xf32, #tpu.memory_space<vmem_shared>>)
    "tpu.region"() ({
      %run_scoped3A = tpu.sem_alloc : memref<!tpu.dma_semaphore, #tpu.memory_space<semaphore_mem>>
      %dma_start3A_507 = arith.constant 20 : i32
      %dma_start3A_508 = arith.constant 0 : i32
      %dma_start3A_509 = tpu.memref_slice %arg4[%arg1, %dma_start3A_507, %dma_start3A_508] : memref<16x80x250xi32, #tpu.memory_space<hbm>> -> memref<1x20x250xi32, #tpu.memory_space<hbm>>
      %dma_start3A_510 = tpu.memref_squeeze %dma_start3A_509 : memref<1x20x250xi32, #tpu.memory_space<hbm>> -> memref<20x250xi32, #tpu.memory_space<hbm>>
      %dma_start3A_511 = arith.constant 20 : i32
      %dma_start3A_512 = arith.constant 0 : i32
      %dma_start3A_513 = tpu.memref_slice %arg4[%arg1, %dma_start3A_511, %dma_start3A_512] : memref<16x80x250xi32, #tpu.memory_space<hbm>> -> memref<1x20x250xi32, #tpu.memory_space<hbm>>
      %dma_start3A_514 = tpu.memref_squeeze %dma_start3A_513 : memref<1x20x250xi32, #tpu.memory_space<hbm>> -> memref<20x250xi32, #tpu.memory_space<hbm>>
      tpu.enqueue_dma source(%dma_start3A_514 : memref<20x250xi32, #tpu.memory_space<hbm>>) target(%arg7 : memref<20x250xi32, #tpu.memory_space<vmem>>) target_semaphore(%run_scoped3A : memref<!tpu.dma_semaphore, #tpu.memory_space<semaphore_mem>>)
      %dma_wait3A_515 = arith.constant 20 : i32
      %dma_wait3A_516 = arith.constant 0 : i32
      %dma_wait3A_517 = tpu.memref_slice %arg4[%arg1, %dma_wait3A_515, %dma_wait3A_516] : memref<16x80x250xi32, #tpu.memory_space<hbm>> -> memref<1x20x250xi32, #tpu.memory_space<hbm>>
      %dma_wait3A_518 = tpu.memref_squeeze %dma_wait3A_517 : memref<1x20x250xi32, #tpu.memory_space<hbm>> -> memref<20x250xi32, #tpu.memory_space<hbm>>
      %dma_wait3A_519 = arith.constant 20 : i32
      %dma_wait3A_520 = arith.constant 0 : i32
      %dma_wait3A_521 = tpu.memref_slice %arg4[%arg1, %dma_wait3A_519, %dma_wait3A_520] : memref<16x80x250xi32, #tpu.memory_space<hbm>> -> memref<1x20x250xi32, #tpu.memory_space<hbm>>
      %dma_wait3A_522 = tpu.memref_squeeze %dma_wait3A_521 : memref<1x20x250xi32, #tpu.memory_space<hbm>> -> memref<20x250xi32, #tpu.memory_space<hbm>>
      tpu.wait_dma2 semaphore(%run_scoped3A : memref<!tpu.dma_semaphore, #tpu.memory_space<semaphore_mem>>) src(%dma_wait3A_522 : memref<20x250xi32, #tpu.memory_space<hbm>>) dst(%arg7 : memref<20x250xi32, #tpu.memory_space<vmem>>)
      tpu.yield
    }) : () -> ()
    "tpu.region"() ({
      %run_scoped3A = tpu.sem_alloc : memref<!tpu.dma_semaphore, #tpu.memory_space<semaphore_mem>>
      %dma_start3A_507 = arith.constant 20 : i32
      %dma_start3A_508 = arith.constant 0 : i32
      %dma_start3A_509 = tpu.memref_slice %arg3[%arg1, %dma_start3A_507, %dma_start3A_508] : memref<16x80x250xi32, #tpu.memory_space<hbm>> -> memref<1x20x250xi32, #tpu.memory_space<hbm>>
      %dma_start3A_510 = tpu.memref_squeeze %dma_start3A_509 : memref<1x20x250xi32, #tpu.memory_space<hbm>> -> memref<20x250xi32, #tpu.memory_space<hbm>>
      %dma_start3A_511 = arith.constant 20 : i32
      %dma_start3A_512 = arith.constant 0 : i32
      %dma_start3A_513 = tpu.memref_slice %arg3[%arg1, %dma_start3A_511, %dma_start3A_512] : memref<16x80x250xi32, #tpu.memory_space<hbm>> -> memref<1x20x250xi32, #tpu.memory_space<hbm>>
      %dma_start3A_514 = tpu.memref_squeeze %dma_start3A_513 : memref<1x20x250xi32, #tpu.memory_space<hbm>> -> memref<20x250xi32, #tpu.memory_space<hbm>>
      tpu.enqueue_dma source(%dma_start3A_514 : memref<20x250xi32, #tpu.memory_space<hbm>>) target(%arg8 : memref<20x250xi32, #tpu.memory_space<vmem>>) target_semaphore(%run_scoped3A : memref<!tpu.dma_semaphore, #tpu.memory_space<semaphore_mem>>)
      %dma_wait3A_515 = arith.constant 20 : i32
      %dma_wait3A_516 = arith.constant 0 : i32
      %dma_wait3A_517 = tpu.memref_slice %arg3[%arg1, %dma_wait3A_515, %dma_wait3A_516] : memref<16x80x250xi32, #tpu.memory_space<hbm>> -> memref<1x20x250xi32, #tpu.memory_space<hbm>>
      %dma_wait3A_518 = tpu.memref_squeeze %dma_wait3A_517 : memref<1x20x250xi32, #tpu.memory_space<hbm>> -> memref<20x250xi32, #tpu.memory_space<hbm>>
      %dma_wait3A_519 = arith.constant 20 : i32
      %dma_wait3A_520 = arith.constant 0 : i32
      %dma_wait3A_521 = tpu.memref_slice %arg3[%arg1, %dma_wait3A_519, %dma_wait3A_520] : memref<16x80x250xi32, #tpu.memory_space<hbm>> -> memref<1x20x250xi32, #tpu.memory_space<hbm>>
      %dma_wait3A_522 = tpu.memref_squeeze %dma_wait3A_521 : memref<1x20x250xi32, #tpu.memory_space<hbm>> -> memref<20x250xi32, #tpu.memory_space<hbm>>
      tpu.wait_dma2 semaphore(%run_scoped3A : memref<!tpu.dma_semaphore, #tpu.memory_space<semaphore_mem>>) src(%dma_wait3A_522 : memref<20x250xi32, #tpu.memory_space<hbm>>) dst(%arg8 : memref<20x250xi32, #tpu.memory_space<vmem>>)
      tpu.yield
    }) : () -> ()
    %dma_start3A_65 = arith.constant 0 : i32
    %dma_start3A_66 = arith.constant 0 : i32
    %dma_start3A_67 = tpu.memref_slice %arg7[%dma_start3A_65, %dma_start3A_66] : memref<20x250xi32, #tpu.memory_space<vmem>> -> memref<1x250xi32, #tpu.memory_space<vmem>>
    %dma_start3A_68 = tpu.memref_squeeze %dma_start3A_67 : memref<1x250xi32, #tpu.memory_space<vmem>> -> memref<250xi32, #tpu.memory_space<vmem>>
    %dma_start3A_69 = arith.constant 0 : i32
    %dma_start3A_70 = arith.constant 0 : i32
    %dma_start3A_71 = tpu.memref_slice %arg15[%dma_start3A_69, %dma_start3A_70] : memref<10112x64xf32, #tpu.memory_space<vmem_shared>> -> memref<10112x64xf32, #tpu.memory_space<vmem_shared>>
    tpu.enqueue_indirect_dma source(%dma_start3A_71 : memref<10112x64xf32, #tpu.memory_space<vmem_shared>>) target(%arg9 : memref<250x64xf32, #tpu.memory_space<vmem>>) offsets(%dma_start3A_68 : memref<250xi32, #tpu.memory_space<vmem>>) semaphore(%arg11 : memref<!tpu.dma_semaphore, #tpu.memory_space<semaphore_mem>>)
    %dma_wait3A_72 = arith.constant 0 : i32
    %dma_wait3A_73 = arith.constant 0 : i32
    %dma_wait3A_74 = tpu.memref_slice %arg7[%dma_wait3A_72, %dma_wait3A_73] : memref<20x250xi32, #tpu.memory_space<vmem>> -> memref<1x250xi32, #tpu.memory_space<vmem>>
    %dma_wait3A_75 = tpu.memref_squeeze %dma_wait3A_74 : memref<1x250xi32, #tpu.memory_space<vmem>> -> memref<250xi32, #tpu.memory_space<vmem>>
    %dma_wait3A_76 = arith.constant 0 : i32
    %dma_wait3A_77 = arith.constant 0 : i32
    %dma_wait3A_78 = tpu.memref_slice %arg15[%dma_wait3A_76, %dma_wait3A_77] : memref<10112x64xf32, #tpu.memory_space<vmem_shared>> -> memref<10112x64xf32, #tpu.memory_space<vmem_shared>>
    tpu.wait_indirect_dma semaphore(%arg11 : memref<!tpu.dma_semaphore, #tpu.memory_space<semaphore_mem>>) src(%dma_wait3A_78 : memref<10112x64xf32, #tpu.memory_space<vmem_shared>>) dst(%arg9 : memref<250x64xf32, #tpu.memory_space<vmem>>)
    %dma_start3A_79 = arith.constant 0 : i32
    %dma_start3A_80 = arith.constant 0 : i32
    %dma_start3A_81 = tpu.memref_slice %arg8[%dma_start3A_79, %dma_start3A_80] : memref<20x250xi32, #tpu.memory_space<vmem>> -> memref<1x250xi32, #tpu.memory_space<vmem>>
    %dma_start3A_82 = tpu.memref_squeeze %dma_start3A_81 : memref<1x250xi32, #tpu.memory_space<vmem>> -> memref<250xi32, #tpu.memory_space<vmem>>
    %dma_start3A_83 = arith.constant 0 : i32
    %dma_start3A_84 = arith.constant 0 : i32
    %dma_start3A_85 = tpu.memref_slice %arg16[%dma_start3A_83, %dma_start3A_84] : memref<10112x64xf32, #tpu.memory_space<vmem_shared>> -> memref<10112x64xf32, #tpu.memory_space<vmem_shared>>
    tpu.enqueue_indirect_dma source(%arg9 : memref<250x64xf32, #tpu.memory_space<vmem>>) target(%dma_start3A_85 : memref<10112x64xf32, #tpu.memory_space<vmem_shared>>) offsets(%dma_start3A_82 : memref<250xi32, #tpu.memory_space<vmem>>) semaphore(%arg13 : memref<!tpu.dma_semaphore, #tpu.memory_space<semaphore_mem>>) {add = true}
    %dma_start3A_86 = arith.constant 1 : i32
    %dma_start3A_87 = arith.constant 0 : i32
    %dma_start3A_88 = tpu.memref_slice %arg7[%dma_start3A_86, %dma_start3A_87] : memref<20x250xi32, #tpu.memory_space<vmem>> -> memref<1x250xi32, #tpu.memory_space<vmem>>
    %dma_start3A_89 = tpu.memref_squeeze %dma_start3A_88 : memref<1x250xi32, #tpu.memory_space<vmem>> -> memref<250xi32, #tpu.memory_space<vmem>>
    %dma_start3A_90 = arith.constant 0 : i32
    %dma_start3A_91 = arith.constant 0 : i32
    %dma_start3A_92 = tpu.memref_slice %arg15[%dma_start3A_90, %dma_start3A_91] : memref<10112x64xf32, #tpu.memory_space<vmem_shared>> -> memref<10112x64xf32, #tpu.memory_space<vmem_shared>>
    tpu.enqueue_indirect_dma source(%dma_start3A_92 : memref<10112x64xf32, #tpu.memory_space<vmem_shared>>) target(%arg10 : memref<250x64xf32, #tpu.memory_space<vmem>>) offsets(%dma_start3A_89 : memref<250xi32, #tpu.memory_space<vmem>>) semaphore(%arg12 : memref<!tpu.dma_semaphore, #tpu.memory_space<semaphore_mem>>)
    %scan3A_93 = arith.constant 0 : i32
    %scan3A_94 = arith.constant 9 : i32
    %scan3A_95 = arith.addi %scan3A_93, %scan3A_94 : i32
    %scan3A_96 = arith.constant 1 : i32
    scf.for %scan3A_507 = %scan3A_93 to %scan3A_95 step %scan3A_96  : i32 {
      %mul3A_508 = arith.constant 1 : i32
      %mul3A_509 = arith.muli %scan3A_507, %mul3A_508 : i32
      %add3A = arith.constant 0 : i32
      %add3A_510 = arith.addi %add3A, %mul3A_509 : i32
      %mul3A_511 = arith.constant 2 : i32
      %mul3A_512 = arith.muli %mul3A_511, %add3A_510 : i32
      %add3A_513 = arith.constant 1 : i32
      %add3A_514 = arith.addi %mul3A_512, %add3A_513 : i32
      %dma_wait3A_515 = arith.constant 0 : i32
      %dma_wait3A_516 = arith.constant 0 : i32
      %dma_wait3A_517 = tpu.memref_slice %arg7[%dma_wait3A_515, %dma_wait3A_516] : memref<20x250xi32, #tpu.memory_space<vmem>> -> memref<1x250xi32, #tpu.memory_space<vmem>>
      %dma_wait3A_518 = tpu.memref_squeeze %dma_wait3A_517 : memref<1x250xi32, #tpu.memory_space<vmem>> -> memref<250xi32, #tpu.memory_space<vmem>>
      %dma_wait3A_519 = arith.constant 0 : i32
      %dma_wait3A_520 = arith.constant 0 : i32
      %dma_wait3A_521 = tpu.memref_slice %arg15[%dma_wait3A_519, %dma_wait3A_520] : memref<10112x64xf32, #tpu.memory_space<vmem_shared>> -> memref<10112x64xf32, #tpu.memory_space<vmem_shared>>
      tpu.wait_indirect_dma semaphore(%arg12 : memref<!tpu.dma_semaphore, #tpu.memory_space<semaphore_mem>>) src(%dma_wait3A_521 : memref<10112x64xf32, #tpu.memory_space<vmem_shared>>) dst(%arg10 : memref<250x64xf32, #tpu.memory_space<vmem>>)
      %dma_wait3A_522 = arith.constant 0 : i32
      %dma_wait3A_523 = arith.constant 0 : i32
      %dma_wait3A_524 = tpu.memref_slice %arg8[%dma_wait3A_522, %dma_wait3A_523] : memref<20x250xi32, #tpu.memory_space<vmem>> -> memref<1x250xi32, #tpu.memory_space<vmem>>
      %dma_wait3A_525 = tpu.memref_squeeze %dma_wait3A_524 : memref<1x250xi32, #tpu.memory_space<vmem>> -> memref<250xi32, #tpu.memory_space<vmem>>
      %dma_wait3A_526 = arith.constant 0 : i32
      %dma_wait3A_527 = arith.constant 0 : i32
      %dma_wait3A_528 = tpu.memref_slice %arg16[%dma_wait3A_526, %dma_wait3A_527] : memref<10112x64xf32, #tpu.memory_space<vmem_shared>> -> memref<10112x64xf32, #tpu.memory_space<vmem_shared>>
      tpu.wait_indirect_dma semaphore(%arg13 : memref<!tpu.dma_semaphore, #tpu.memory_space<semaphore_mem>>) src(%arg9 : memref<250x64xf32, #tpu.memory_space<vmem>>) dst(%dma_wait3A_528 : memref<10112x64xf32, #tpu.memory_space<vmem_shared>>)
      %dma_start3A_529 = arith.constant 0 : i32
      %dma_start3A_530 = tpu.memref_slice %arg8[%add3A_514, %dma_start3A_529] : memref<20x250xi32, #tpu.memory_space<vmem>> -> memref<1x250xi32, #tpu.memory_space<vmem>>
      %dma_start3A_531 = tpu.memref_squeeze %dma_start3A_530 : memref<1x250xi32, #tpu.memory_space<vmem>> -> memref<250xi32, #tpu.memory_space<vmem>>
      %dma_start3A_532 = arith.constant 0 : i32
      %dma_start3A_533 = arith.constant 0 : i32
      %dma_start3A_534 = tpu.memref_slice %arg16[%dma_start3A_532, %dma_start3A_533] : memref<10112x64xf32, #tpu.memory_space<vmem_shared>> -> memref<10112x64xf32, #tpu.memory_space<vmem_shared>>
      tpu.enqueue_indirect_dma source(%arg10 : memref<250x64xf32, #tpu.memory_space<vmem>>) target(%dma_start3A_534 : memref<10112x64xf32, #tpu.memory_space<vmem_shared>>) offsets(%dma_start3A_531 : memref<250xi32, #tpu.memory_space<vmem>>) semaphore(%arg14 : memref<!tpu.dma_semaphore, #tpu.memory_space<semaphore_mem>>) {add = true}
      %add3A_535 = arith.constant 1 : i32
      %add3A_536 = arith.addi %add3A_514, %add3A_535 : i32
      %dma_start3A_537 = arith.constant 0 : i32
      %dma_start3A_538 = tpu.memref_slice %arg7[%add3A_536, %dma_start3A_537] : memref<20x250xi32, #tpu.memory_space<vmem>> -> memref<1x250xi32, #tpu.memory_space<vmem>>
      %dma_start3A_539 = tpu.memref_squeeze %dma_start3A_538 : memref<1x250xi32, #tpu.memory_space<vmem>> -> memref<250xi32, #tpu.memory_space<vmem>>
      %dma_start3A_540 = arith.constant 0 : i32
      %dma_start3A_541 = arith.constant 0 : i32
      %dma_start3A_542 = tpu.memref_slice %arg15[%dma_start3A_540, %dma_start3A_541] : memref<10112x64xf32, #tpu.memory_space<vmem_shared>> -> memref<10112x64xf32, #tpu.memory_space<vmem_shared>>
      tpu.enqueue_indirect_dma source(%dma_start3A_542 : memref<10112x64xf32, #tpu.memory_space<vmem_shared>>) target(%arg9 : memref<250x64xf32, #tpu.memory_space<vmem>>) offsets(%dma_start3A_539 : memref<250xi32, #tpu.memory_space<vmem>>) semaphore(%arg11 : memref<!tpu.dma_semaphore, #tpu.memory_space<semaphore_mem>>)
      %dma_wait3A_543 = arith.constant 0 : i32
      %dma_wait3A_544 = arith.constant 0 : i32
      %dma_wait3A_545 = tpu.memref_slice %arg7[%dma_wait3A_543, %dma_wait3A_544] : memref<20x250xi32, #tpu.memory_space<vmem>> -> memref<1x250xi32, #tpu.memory_space<vmem>>
      %dma_wait3A_546 = tpu.memref_squeeze %dma_wait3A_545 : memref<1x250xi32, #tpu.memory_space<vmem>> -> memref<250xi32, #tpu.memory_space<vmem>>
      %dma_wait3A_547 = arith.constant 0 : i32
      %dma_wait3A_548 = arith.constant 0 : i32
      %dma_wait3A_549 = tpu.memref_slice %arg15[%dma_wait3A_547, %dma_wait3A_548] : memref<10112x64xf32, #tpu.memory_space<vmem_shared>> -> memref<10112x64xf32, #tpu.memory_space<vmem_shared>>
      tpu.wait_indirect_dma semaphore(%arg11 : memref<!tpu.dma_semaphore, #tpu.memory_space<semaphore_mem>>) src(%dma_wait3A_549 : memref<10112x64xf32, #tpu.memory_space<vmem_shared>>) dst(%arg9 : memref<250x64xf32, #tpu.memory_space<vmem>>)
      %add3A_550 = arith.constant 1 : i32
      %add3A_551 = arith.addi %add3A_514, %add3A_550 : i32
      %dma_start3A_552 = arith.constant 0 : i32
      %dma_start3A_553 = tpu.memref_slice %arg8[%add3A_551, %dma_start3A_552] : memref<20x250xi32, #tpu.memory_space<vmem>> -> memref<1x250xi32, #tpu.memory_space<vmem>>
      %dma_start3A_554 = tpu.memref_squeeze %dma_start3A_553 : memref<1x250xi32, #tpu.memory_space<vmem>> -> memref<250xi32, #tpu.memory_space<vmem>>
      %dma_start3A_555 = arith.constant 0 : i32
      %dma_start3A_556 = arith.constant 0 : i32
      %dma_start3A_557 = tpu.memref_slice %arg16[%dma_start3A_555, %dma_start3A_556] : memref<10112x64xf32, #tpu.memory_space<vmem_shared>> -> memref<10112x64xf32, #tpu.memory_space<vmem_shared>>
      tpu.enqueue_indirect_dma source(%arg9 : memref<250x64xf32, #tpu.memory_space<vmem>>) target(%dma_start3A_557 : memref<10112x64xf32, #tpu.memory_space<vmem_shared>>) offsets(%dma_start3A_554 : memref<250xi32, #tpu.memory_space<vmem>>) semaphore(%arg13 : memref<!tpu.dma_semaphore, #tpu.memory_space<semaphore_mem>>) {add = true}
      %dma_wait3A_558 = arith.constant 0 : i32
      %dma_wait3A_559 = arith.constant 0 : i32
      %dma_wait3A_560 = tpu.memref_slice %arg8[%dma_wait3A_558, %dma_wait3A_559] : memref<20x250xi32, #tpu.memory_space<vmem>> -> memref<1x250xi32, #tpu.memory_space<vmem>>
      %dma_wait3A_561 = tpu.memref_squeeze %dma_wait3A_560 : memref<1x250xi32, #tpu.memory_space<vmem>> -> memref<250xi32, #tpu.memory_space<vmem>>
      %dma_wait3A_562 = arith.constant 0 : i32
      %dma_wait3A_563 = arith.constant 0 : i32
      %dma_wait3A_564 = tpu.memref_slice %arg16[%dma_wait3A_562, %dma_wait3A_563] : memref<10112x64xf32, #tpu.memory_space<vmem_shared>> -> memref<10112x64xf32, #tpu.memory_space<vmem_shared>>
      tpu.wait_indirect_dma semaphore(%arg14 : memref<!tpu.dma_semaphore, #tpu.memory_space<semaphore_mem>>) src(%arg10 : memref<250x64xf32, #tpu.memory_space<vmem>>) dst(%dma_wait3A_564 : memref<10112x64xf32, #tpu.memory_space<vmem_shared>>)
      %add3A_565 = arith.constant 2 : i32
      %add3A_566 = arith.addi %add3A_514, %add3A_565 : i32
      %dma_start3A_567 = arith.constant 0 : i32
      %dma_start3A_568 = tpu.memref_slice %arg7[%add3A_566, %dma_start3A_567] : memref<20x250xi32, #tpu.memory_space<vmem>> -> memref<1x250xi32, #tpu.memory_space<vmem>>
      %dma_start3A_569 = tpu.memref_squeeze %dma_start3A_568 : memref<1x250xi32, #tpu.memory_space<vmem>> -> memref<250xi32, #tpu.memory_space<vmem>>
      %dma_start3A_570 = arith.constant 0 : i32
      %dma_start3A_571 = arith.constant 0 : i32
      %dma_start3A_572 = tpu.memref_slice %arg15[%dma_start3A_570, %dma_start3A_571] : memref<10112x64xf32, #tpu.memory_space<vmem_shared>> -> memref<10112x64xf32, #tpu.memory_space<vmem_shared>>
      tpu.enqueue_indirect_dma source(%dma_start3A_572 : memref<10112x64xf32, #tpu.memory_space<vmem_shared>>) target(%arg10 : memref<250x64xf32, #tpu.memory_space<vmem>>) offsets(%dma_start3A_569 : memref<250xi32, #tpu.memory_space<vmem>>) semaphore(%arg12 : memref<!tpu.dma_semaphore, #tpu.memory_space<semaphore_mem>>)
    }
    %scan3A_97 = arith.constant 9 : i32
    %dma_wait3A_98 = arith.constant 0 : i32
    %dma_wait3A_99 = arith.constant 0 : i32
    %dma_wait3A_100 = tpu.memref_slice %arg7[%dma_wait3A_98, %dma_wait3A_99] : memref<20x250xi32, #tpu.memory_space<vmem>> -> memref<1x250xi32, #tpu.memory_space<vmem>>
    %dma_wait3A_101 = tpu.memref_squeeze %dma_wait3A_100 : memref<1x250xi32, #tpu.memory_space<vmem>> -> memref<250xi32, #tpu.memory_space<vmem>>
    %dma_wait3A_102 = arith.constant 0 : i32
    %dma_wait3A_103 = arith.constant 0 : i32
    %dma_wait3A_104 = tpu.memref_slice %arg15[%dma_wait3A_102, %dma_wait3A_103] : memref<10112x64xf32, #tpu.memory_space<vmem_shared>> -> memref<10112x64xf32, #tpu.memory_space<vmem_shared>>
    tpu.wait_indirect_dma semaphore(%arg12 : memref<!tpu.dma_semaphore, #tpu.memory_space<semaphore_mem>>) src(%dma_wait3A_104 : memref<10112x64xf32, #tpu.memory_space<vmem_shared>>) dst(%arg10 : memref<250x64xf32, #tpu.memory_space<vmem>>)
    %dma_wait3A_105 = arith.constant 0 : i32
    %dma_wait3A_106 = arith.constant 0 : i32
    %dma_wait3A_107 = tpu.memref_slice %arg8[%dma_wait3A_105, %dma_wait3A_106] : memref<20x250xi32, #tpu.memory_space<vmem>> -> memref<1x250xi32, #tpu.memory_space<vmem>>
    %dma_wait3A_108 = tpu.memref_squeeze %dma_wait3A_107 : memref<1x250xi32, #tpu.memory_space<vmem>> -> memref<250xi32, #tpu.memory_space<vmem>>
    %dma_wait3A_109 = arith.constant 0 : i32
    %dma_wait3A_110 = arith.constant 0 : i32
    %dma_wait3A_111 = tpu.memref_slice %arg16[%dma_wait3A_109, %dma_wait3A_110] : memref<10112x64xf32, #tpu.memory_space<vmem_shared>> -> memref<10112x64xf32, #tpu.memory_space<vmem_shared>>
    tpu.wait_indirect_dma semaphore(%arg13 : memref<!tpu.dma_semaphore, #tpu.memory_space<semaphore_mem>>) src(%arg9 : memref<250x64xf32, #tpu.memory_space<vmem>>) dst(%dma_wait3A_111 : memref<10112x64xf32, #tpu.memory_space<vmem_shared>>)
    %dma_start3A_112 = arith.constant 19 : i32
    %dma_start3A_113 = arith.constant 0 : i32
    %dma_start3A_114 = tpu.memref_slice %arg8[%dma_start3A_112, %dma_start3A_113] : memref<20x250xi32, #tpu.memory_space<vmem>> -> memref<1x250xi32, #tpu.memory_space<vmem>>
    %dma_start3A_115 = tpu.memref_squeeze %dma_start3A_114 : memref<1x250xi32, #tpu.memory_space<vmem>> -> memref<250xi32, #tpu.memory_space<vmem>>
    %dma_start3A_116 = arith.constant 0 : i32
    %dma_start3A_117 = arith.constant 0 : i32
    %dma_start3A_118 = tpu.memref_slice %arg16[%dma_start3A_116, %dma_start3A_117] : memref<10112x64xf32, #tpu.memory_space<vmem_shared>> -> memref<10112x64xf32, #tpu.memory_space<vmem_shared>>
    tpu.enqueue_indirect_dma source(%arg10 : memref<250x64xf32, #tpu.memory_space<vmem>>) target(%dma_start3A_118 : memref<10112x64xf32, #tpu.memory_space<vmem_shared>>) offsets(%dma_start3A_115 : memref<250xi32, #tpu.memory_space<vmem>>) semaphore(%arg14 : memref<!tpu.dma_semaphore, #tpu.memory_space<semaphore_mem>>) {add = true}
    %dma_wait3A_119 = arith.constant 0 : i32
    %dma_wait3A_120 = arith.constant 0 : i32
    %dma_wait3A_121 = tpu.memref_slice %arg8[%dma_wait3A_119, %dma_wait3A_120] : memref<20x250xi32, #tpu.memory_space<vmem>> -> memref<1x250xi32, #tpu.memory_space<vmem>>
    %dma_wait3A_122 = tpu.memref_squeeze %dma_wait3A_121 : memref<1x250xi32, #tpu.memory_space<vmem>> -> memref<250xi32, #tpu.memory_space<vmem>>
    %dma_wait3A_123 = arith.constant 0 : i32
    %dma_wait3A_124 = arith.constant 0 : i32
    %dma_wait3A_125 = tpu.memref_slice %arg16[%dma_wait3A_123, %dma_wait3A_124] : memref<10112x64xf32, #tpu.memory_space<vmem_shared>> -> memref<10112x64xf32, #tpu.memory_space<vmem_shared>>
    tpu.wait_indirect_dma semaphore(%arg14 : memref<!tpu.dma_semaphore, #tpu.memory_space<semaphore_mem>>) src(%arg10 : memref<250x64xf32, #tpu.memory_space<vmem>>) dst(%dma_wait3A_125 : memref<10112x64xf32, #tpu.memory_space<vmem_shared>>)
    "tpu.region"() ({
      %run_scoped3A = tpu.sem_alloc : memref<!tpu.dma_semaphore, #tpu.memory_space<semaphore_mem>>
      %dma_start3A_507 = arith.constant 40 : i32
      %dma_start3A_508 = arith.constant 0 : i32
      %dma_start3A_509 = tpu.memref_slice %arg4[%arg1, %dma_start3A_507, %dma_start3A_508] : memref<16x80x250xi32, #tpu.memory_space<hbm>> -> memref<1x20x250xi32, #tpu.memory_space<hbm>>
      %dma_start3A_510 = tpu.memref_squeeze %dma_start3A_509 : memref<1x20x250xi32, #tpu.memory_space<hbm>> -> memref<20x250xi32, #tpu.memory_space<hbm>>
      %dma_start3A_511 = arith.constant 40 : i32
      %dma_start3A_512 = arith.constant 0 : i32
      %dma_start3A_513 = tpu.memref_slice %arg4[%arg1, %dma_start3A_511, %dma_start3A_512] : memref<16x80x250xi32, #tpu.memory_space<hbm>> -> memref<1x20x250xi32, #tpu.memory_space<hbm>>
      %dma_start3A_514 = tpu.memref_squeeze %dma_start3A_513 : memref<1x20x250xi32, #tpu.memory_space<hbm>> -> memref<20x250xi32, #tpu.memory_space<hbm>>
      tpu.enqueue_dma source(%dma_start3A_514 : memref<20x250xi32, #tpu.memory_space<hbm>>) target(%arg7 : memref<20x250xi32, #tpu.memory_space<vmem>>) target_semaphore(%run_scoped3A : memref<!tpu.dma_semaphore, #tpu.memory_space<semaphore_mem>>)
      %dma_wait3A_515 = arith.constant 40 : i32
      %dma_wait3A_516 = arith.constant 0 : i32
      %dma_wait3A_517 = tpu.memref_slice %arg4[%arg1, %dma_wait3A_515, %dma_wait3A_516] : memref<16x80x250xi32, #tpu.memory_space<hbm>> -> memref<1x20x250xi32, #tpu.memory_space<hbm>>
      %dma_wait3A_518 = tpu.memref_squeeze %dma_wait3A_517 : memref<1x20x250xi32, #tpu.memory_space<hbm>> -> memref<20x250xi32, #tpu.memory_space<hbm>>
      %dma_wait3A_519 = arith.constant 40 : i32
      %dma_wait3A_520 = arith.constant 0 : i32
      %dma_wait3A_521 = tpu.memref_slice %arg4[%arg1, %dma_wait3A_519, %dma_wait3A_520] : memref<16x80x250xi32, #tpu.memory_space<hbm>> -> memref<1x20x250xi32, #tpu.memory_space<hbm>>
      %dma_wait3A_522 = tpu.memref_squeeze %dma_wait3A_521 : memref<1x20x250xi32, #tpu.memory_space<hbm>> -> memref<20x250xi32, #tpu.memory_space<hbm>>
      tpu.wait_dma2 semaphore(%run_scoped3A : memref<!tpu.dma_semaphore, #tpu.memory_space<semaphore_mem>>) src(%dma_wait3A_522 : memref<20x250xi32, #tpu.memory_space<hbm>>) dst(%arg7 : memref<20x250xi32, #tpu.memory_space<vmem>>)
      tpu.yield
    }) : () -> ()
    "tpu.region"() ({
      %run_scoped3A = tpu.sem_alloc : memref<!tpu.dma_semaphore, #tpu.memory_space<semaphore_mem>>
      %dma_start3A_507 = arith.constant 40 : i32
      %dma_start3A_508 = arith.constant 0 : i32
      %dma_start3A_509 = tpu.memref_slice %arg3[%arg1, %dma_start3A_507, %dma_start3A_508] : memref<16x80x250xi32, #tpu.memory_space<hbm>> -> memref<1x20x250xi32, #tpu.memory_space<hbm>>
      %dma_start3A_510 = tpu.memref_squeeze %dma_start3A_509 : memref<1x20x250xi32, #tpu.memory_space<hbm>> -> memref<20x250xi32, #tpu.memory_space<hbm>>
      %dma_start3A_511 = arith.constant 40 : i32
      %dma_start3A_512 = arith.constant 0 : i32
      %dma_start3A_513 = tpu.memref_slice %arg3[%arg1, %dma_start3A_511, %dma_start3A_512] : memref<16x80x250xi32, #tpu.memory_space<hbm>> -> memref<1x20x250xi32, #tpu.memory_space<hbm>>
      %dma_start3A_514 = tpu.memref_squeeze %dma_start3A_513 : memref<1x20x250xi32, #tpu.memory_space<hbm>> -> memref<20x250xi32, #tpu.memory_space<hbm>>
      tpu.enqueue_dma source(%dma_start3A_514 : memref<20x250xi32, #tpu.memory_space<hbm>>) target(%arg8 : memref<20x250xi32, #tpu.memory_space<vmem>>) target_semaphore(%run_scoped3A : memref<!tpu.dma_semaphore, #tpu.memory_space<semaphore_mem>>)
      %dma_wait3A_515 = arith.constant 40 : i32
      %dma_wait3A_516 = arith.constant 0 : i32
      %dma_wait3A_517 = tpu.memref_slice %arg3[%arg1, %dma_wait3A_515, %dma_wait3A_516] : memref<16x80x250xi32, #tpu.memory_space<hbm>> -> memref<1x20x250xi32, #tpu.memory_space<hbm>>
      %dma_wait3A_518 = tpu.memref_squeeze %dma_wait3A_517 : memref<1x20x250xi32, #tpu.memory_space<hbm>> -> memref<20x250xi32, #tpu.memory_space<hbm>>
      %dma_wait3A_519 = arith.constant 40 : i32
      %dma_wait3A_520 = arith.constant 0 : i32
      %dma_wait3A_521 = tpu.memref_slice %arg3[%arg1, %dma_wait3A_519, %dma_wait3A_520] : memref<16x80x250xi32, #tpu.memory_space<hbm>> -> memref<1x20x250xi32, #tpu.memory_space<hbm>>
      %dma_wait3A_522 = tpu.memref_squeeze %dma_wait3A_521 : memref<1x20x250xi32, #tpu.memory_space<hbm>> -> memref<20x250xi32, #tpu.memory_space<hbm>>
      tpu.wait_dma2 semaphore(%run_scoped3A : memref<!tpu.dma_semaphore, #tpu.memory_space<semaphore_mem>>) src(%dma_wait3A_522 : memref<20x250xi32, #tpu.memory_space<hbm>>) dst(%arg8 : memref<20x250xi32, #tpu.memory_space<vmem>>)
      tpu.yield
    }) : () -> ()
    %dma_start3A_126 = arith.constant 0 : i32
    %dma_start3A_127 = arith.constant 0 : i32
    %dma_start3A_128 = tpu.memref_slice %arg7[%dma_start3A_126, %dma_start3A_127] : memref<20x250xi32, #tpu.memory_space<vmem>> -> memref<1x250xi32, #tpu.memory_space<vmem>>
    %dma_start3A_129 = tpu.memref_squeeze %dma_start3A_128 : memref<1x250xi32, #tpu.memory_space<vmem>> -> memref<250xi32, #tpu.memory_space<vmem>>
    %dma_start3A_130 = arith.constant 0 : i32
    %dma_start3A_131 = arith.constant 0 : i32
    %dma_start3A_132 = tpu.memref_slice %arg15[%dma_start3A_130, %dma_start3A_131] : memref<10112x64xf32, #tpu.memory_space<vmem_shared>> -> memref<10112x64xf32, #tpu.memory_space<vmem_shared>>
    tpu.enqueue_indirect_dma source(%dma_start3A_132 : memref<10112x64xf32, #tpu.memory_space<vmem_shared>>) target(%arg9 : memref<250x64xf32, #tpu.memory_space<vmem>>) offsets(%dma_start3A_129 : memref<250xi32, #tpu.memory_space<vmem>>) semaphore(%arg11 : memref<!tpu.dma_semaphore, #tpu.memory_space<semaphore_mem>>)
    %dma_wait3A_133 = arith.constant 0 : i32
    %dma_wait3A_134 = arith.constant 0 : i32
    %dma_wait3A_135 = tpu.memref_slice %arg7[%dma_wait3A_133, %dma_wait3A_134] : memref<20x250xi32, #tpu.memory_space<vmem>> -> memref<1x250xi32, #tpu.memory_space<vmem>>
    %dma_wait3A_136 = tpu.memref_squeeze %dma_wait3A_135 : memref<1x250xi32, #tpu.memory_space<vmem>> -> memref<250xi32, #tpu.memory_space<vmem>>
    %dma_wait3A_137 = arith.constant 0 : i32
    %dma_wait3A_138 = arith.constant 0 : i32
    %dma_wait3A_139 = tpu.memref_slice %arg15[%dma_wait3A_137, %dma_wait3A_138] : memref<10112x64xf32, #tpu.memory_space<vmem_shared>> -> memref<10112x64xf32, #tpu.memory_space<vmem_shared>>
    tpu.wait_indirect_dma semaphore(%arg11 : memref<!tpu.dma_semaphore, #tpu.memory_space<semaphore_mem>>) src(%dma_wait3A_139 : memref<10112x64xf32, #tpu.memory_space<vmem_shared>>) dst(%arg9 : memref<250x64xf32, #tpu.memory_space<vmem>>)
    %dma_start3A_140 = arith.constant 0 : i32
    %dma_start3A_141 = arith.constant 0 : i32
    %dma_start3A_142 = tpu.memref_slice %arg8[%dma_start3A_140, %dma_start3A_141] : memref<20x250xi32, #tpu.memory_space<vmem>> -> memref<1x250xi32, #tpu.memory_space<vmem>>
    %dma_start3A_143 = tpu.memref_squeeze %dma_start3A_142 : memref<1x250xi32, #tpu.memory_space<vmem>> -> memref<250xi32, #tpu.memory_space<vmem>>
    %dma_start3A_144 = arith.constant 0 : i32
    %dma_start3A_145 = arith.constant 0 : i32
    %dma_start3A_146 = tpu.memref_slice %arg16[%dma_start3A_144, %dma_start3A_145] : memref<10112x64xf32, #tpu.memory_space<vmem_shared>> -> memref<10112x64xf32, #tpu.memory_space<vmem_shared>>
    tpu.enqueue_indirect_dma source(%arg9 : memref<250x64xf32, #tpu.memory_space<vmem>>) target(%dma_start3A_146 : memref<10112x64xf32, #tpu.memory_space<vmem_shared>>) offsets(%dma_start3A_143 : memref<250xi32, #tpu.memory_space<vmem>>) semaphore(%arg13 : memref<!tpu.dma_semaphore, #tpu.memory_space<semaphore_mem>>) {add = true}
    %dma_start3A_147 = arith.constant 1 : i32
    %dma_start3A_148 = arith.constant 0 : i32
    %dma_start3A_149 = tpu.memref_slice %arg7[%dma_start3A_147, %dma_start3A_148] : memref<20x250xi32, #tpu.memory_space<vmem>> -> memref<1x250xi32, #tpu.memory_space<vmem>>
    %dma_start3A_150 = tpu.memref_squeeze %dma_start3A_149 : memref<1x250xi32, #tpu.memory_space<vmem>> -> memref<250xi32, #tpu.memory_space<vmem>>
    %dma_start3A_151 = arith.constant 0 : i32
    %dma_start3A_152 = arith.constant 0 : i32
    %dma_start3A_153 = tpu.memref_slice %arg15[%dma_start3A_151, %dma_start3A_152] : memref<10112x64xf32, #tpu.memory_space<vmem_shared>> -> memref<10112x64xf32, #tpu.memory_space<vmem_shared>>
    tpu.enqueue_indirect_dma source(%dma_start3A_153 : memref<10112x64xf32, #tpu.memory_space<vmem_shared>>) target(%arg10 : memref<250x64xf32, #tpu.memory_space<vmem>>) offsets(%dma_start3A_150 : memref<250xi32, #tpu.memory_space<vmem>>) semaphore(%arg12 : memref<!tpu.dma_semaphore, #tpu.memory_space<semaphore_mem>>)
    %scan3A_154 = arith.constant 0 : i32
    %scan3A_155 = arith.constant 9 : i32
    %scan3A_156 = arith.addi %scan3A_154, %scan3A_155 : i32
    %scan3A_157 = arith.constant 1 : i32
    scf.for %scan3A_507 = %scan3A_154 to %scan3A_156 step %scan3A_157  : i32 {
      %mul3A_508 = arith.constant 1 : i32
      %mul3A_509 = arith.muli %scan3A_507, %mul3A_508 : i32
      %add3A = arith.constant 0 : i32
      %add3A_510 = arith.addi %add3A, %mul3A_509 : i32
      %mul3A_511 = arith.constant 2 : i32
      %mul3A_512 = arith.muli %mul3A_511, %add3A_510 : i32
      %add3A_513 = arith.constant 1 : i32
      %add3A_514 = arith.addi %mul3A_512, %add3A_513 : i32
      %dma_wait3A_515 = arith.constant 0 : i32
      %dma_wait3A_516 = arith.constant 0 : i32
      %dma_wait3A_517 = tpu.memref_slice %arg7[%dma_wait3A_515, %dma_wait3A_516] : memref<20x250xi32, #tpu.memory_space<vmem>> -> memref<1x250xi32, #tpu.memory_space<vmem>>
      %dma_wait3A_518 = tpu.memref_squeeze %dma_wait3A_517 : memref<1x250xi32, #tpu.memory_space<vmem>> -> memref<250xi32, #tpu.memory_space<vmem>>
      %dma_wait3A_519 = arith.constant 0 : i32
      %dma_wait3A_520 = arith.constant 0 : i32
      %dma_wait3A_521 = tpu.memref_slice %arg15[%dma_wait3A_519, %dma_wait3A_520] : memref<10112x64xf32, #tpu.memory_space<vmem_shared>> -> memref<10112x64xf32, #tpu.memory_space<vmem_shared>>
      tpu.wait_indirect_dma semaphore(%arg12 : memref<!tpu.dma_semaphore, #tpu.memory_space<semaphore_mem>>) src(%dma_wait3A_521 : memref<10112x64xf32, #tpu.memory_space<vmem_shared>>) dst(%arg10 : memref<250x64xf32, #tpu.memory_space<vmem>>)
      %dma_wait3A_522 = arith.constant 0 : i32
      %dma_wait3A_523 = arith.constant 0 : i32
      %dma_wait3A_524 = tpu.memref_slice %arg8[%dma_wait3A_522, %dma_wait3A_523] : memref<20x250xi32, #tpu.memory_space<vmem>> -> memref<1x250xi32, #tpu.memory_space<vmem>>
      %dma_wait3A_525 = tpu.memref_squeeze %dma_wait3A_524 : memref<1x250xi32, #tpu.memory_space<vmem>> -> memref<250xi32, #tpu.memory_space<vmem>>
      %dma_wait3A_526 = arith.constant 0 : i32
      %dma_wait3A_527 = arith.constant 0 : i32
      %dma_wait3A_528 = tpu.memref_slice %arg16[%dma_wait3A_526, %dma_wait3A_527] : memref<10112x64xf32, #tpu.memory_space<vmem_shared>> -> memref<10112x64xf32, #tpu.memory_space<vmem_shared>>
      tpu.wait_indirect_dma semaphore(%arg13 : memref<!tpu.dma_semaphore, #tpu.memory_space<semaphore_mem>>) src(%arg9 : memref<250x64xf32, #tpu.memory_space<vmem>>) dst(%dma_wait3A_528 : memref<10112x64xf32, #tpu.memory_space<vmem_shared>>)
      %dma_start3A_529 = arith.constant 0 : i32
      %dma_start3A_530 = tpu.memref_slice %arg8[%add3A_514, %dma_start3A_529] : memref<20x250xi32, #tpu.memory_space<vmem>> -> memref<1x250xi32, #tpu.memory_space<vmem>>
      %dma_start3A_531 = tpu.memref_squeeze %dma_start3A_530 : memref<1x250xi32, #tpu.memory_space<vmem>> -> memref<250xi32, #tpu.memory_space<vmem>>
      %dma_start3A_532 = arith.constant 0 : i32
      %dma_start3A_533 = arith.constant 0 : i32
      %dma_start3A_534 = tpu.memref_slice %arg16[%dma_start3A_532, %dma_start3A_533] : memref<10112x64xf32, #tpu.memory_space<vmem_shared>> -> memref<10112x64xf32, #tpu.memory_space<vmem_shared>>
      tpu.enqueue_indirect_dma source(%arg10 : memref<250x64xf32, #tpu.memory_space<vmem>>) target(%dma_start3A_534 : memref<10112x64xf32, #tpu.memory_space<vmem_shared>>) offsets(%dma_start3A_531 : memref<250xi32, #tpu.memory_space<vmem>>) semaphore(%arg14 : memref<!tpu.dma_semaphore, #tpu.memory_space<semaphore_mem>>) {add = true}
      %add3A_535 = arith.constant 1 : i32
      %add3A_536 = arith.addi %add3A_514, %add3A_535 : i32
      %dma_start3A_537 = arith.constant 0 : i32
      %dma_start3A_538 = tpu.memref_slice %arg7[%add3A_536, %dma_start3A_537] : memref<20x250xi32, #tpu.memory_space<vmem>> -> memref<1x250xi32, #tpu.memory_space<vmem>>
      %dma_start3A_539 = tpu.memref_squeeze %dma_start3A_538 : memref<1x250xi32, #tpu.memory_space<vmem>> -> memref<250xi32, #tpu.memory_space<vmem>>
      %dma_start3A_540 = arith.constant 0 : i32
      %dma_start3A_541 = arith.constant 0 : i32
      %dma_start3A_542 = tpu.memref_slice %arg15[%dma_start3A_540, %dma_start3A_541] : memref<10112x64xf32, #tpu.memory_space<vmem_shared>> -> memref<10112x64xf32, #tpu.memory_space<vmem_shared>>
      tpu.enqueue_indirect_dma source(%dma_start3A_542 : memref<10112x64xf32, #tpu.memory_space<vmem_shared>>) target(%arg9 : memref<250x64xf32, #tpu.memory_space<vmem>>) offsets(%dma_start3A_539 : memref<250xi32, #tpu.memory_space<vmem>>) semaphore(%arg11 : memref<!tpu.dma_semaphore, #tpu.memory_space<semaphore_mem>>)
      %dma_wait3A_543 = arith.constant 0 : i32
      %dma_wait3A_544 = arith.constant 0 : i32
      %dma_wait3A_545 = tpu.memref_slice %arg7[%dma_wait3A_543, %dma_wait3A_544] : memref<20x250xi32, #tpu.memory_space<vmem>> -> memref<1x250xi32, #tpu.memory_space<vmem>>
      %dma_wait3A_546 = tpu.memref_squeeze %dma_wait3A_545 : memref<1x250xi32, #tpu.memory_space<vmem>> -> memref<250xi32, #tpu.memory_space<vmem>>
      %dma_wait3A_547 = arith.constant 0 : i32
      %dma_wait3A_548 = arith.constant 0 : i32
      %dma_wait3A_549 = tpu.memref_slice %arg15[%dma_wait3A_547, %dma_wait3A_548] : memref<10112x64xf32, #tpu.memory_space<vmem_shared>> -> memref<10112x64xf32, #tpu.memory_space<vmem_shared>>
      tpu.wait_indirect_dma semaphore(%arg11 : memref<!tpu.dma_semaphore, #tpu.memory_space<semaphore_mem>>) src(%dma_wait3A_549 : memref<10112x64xf32, #tpu.memory_space<vmem_shared>>) dst(%arg9 : memref<250x64xf32, #tpu.memory_space<vmem>>)
      %add3A_550 = arith.constant 1 : i32
      %add3A_551 = arith.addi %add3A_514, %add3A_550 : i32
      %dma_start3A_552 = arith.constant 0 : i32
      %dma_start3A_553 = tpu.memref_slice %arg8[%add3A_551, %dma_start3A_552] : memref<20x250xi32, #tpu.memory_space<vmem>> -> memref<1x250xi32, #tpu.memory_space<vmem>>
      %dma_start3A_554 = tpu.memref_squeeze %dma_start3A_553 : memref<1x250xi32, #tpu.memory_space<vmem>> -> memref<250xi32, #tpu.memory_space<vmem>>
      %dma_start3A_555 = arith.constant 0 : i32
      %dma_start3A_556 = arith.constant 0 : i32
      %dma_start3A_557 = tpu.memref_slice %arg16[%dma_start3A_555, %dma_start3A_556] : memref<10112x64xf32, #tpu.memory_space<vmem_shared>> -> memref<10112x64xf32, #tpu.memory_space<vmem_shared>>
      tpu.enqueue_indirect_dma source(%arg9 : memref<250x64xf32, #tpu.memory_space<vmem>>) target(%dma_start3A_557 : memref<10112x64xf32, #tpu.memory_space<vmem_shared>>) offsets(%dma_start3A_554 : memref<250xi32, #tpu.memory_space<vmem>>) semaphore(%arg13 : memref<!tpu.dma_semaphore, #tpu.memory_space<semaphore_mem>>) {add = true}
      %dma_wait3A_558 = arith.constant 0 : i32
      %dma_wait3A_559 = arith.constant 0 : i32
      %dma_wait3A_560 = tpu.memref_slice %arg8[%dma_wait3A_558, %dma_wait3A_559] : memref<20x250xi32, #tpu.memory_space<vmem>> -> memref<1x250xi32, #tpu.memory_space<vmem>>
      %dma_wait3A_561 = tpu.memref_squeeze %dma_wait3A_560 : memref<1x250xi32, #tpu.memory_space<vmem>> -> memref<250xi32, #tpu.memory_space<vmem>>
      %dma_wait3A_562 = arith.constant 0 : i32
      %dma_wait3A_563 = arith.constant 0 : i32
      %dma_wait3A_564 = tpu.memref_slice %arg16[%dma_wait3A_562, %dma_wait3A_563] : memref<10112x64xf32, #tpu.memory_space<vmem_shared>> -> memref<10112x64xf32, #tpu.memory_space<vmem_shared>>
      tpu.wait_indirect_dma semaphore(%arg14 : memref<!tpu.dma_semaphore, #tpu.memory_space<semaphore_mem>>) src(%arg10 : memref<250x64xf32, #tpu.memory_space<vmem>>) dst(%dma_wait3A_564 : memref<10112x64xf32, #tpu.memory_space<vmem_shared>>)
      %add3A_565 = arith.constant 2 : i32
      %add3A_566 = arith.addi %add3A_514, %add3A_565 : i32
      %dma_start3A_567 = arith.constant 0 : i32
      %dma_start3A_568 = tpu.memref_slice %arg7[%add3A_566, %dma_start3A_567] : memref<20x250xi32, #tpu.memory_space<vmem>> -> memref<1x250xi32, #tpu.memory_space<vmem>>
      %dma_start3A_569 = tpu.memref_squeeze %dma_start3A_568 : memref<1x250xi32, #tpu.memory_space<vmem>> -> memref<250xi32, #tpu.memory_space<vmem>>
      %dma_start3A_570 = arith.constant 0 : i32
      %dma_start3A_571 = arith.constant 0 : i32
      %dma_start3A_572 = tpu.memref_slice %arg15[%dma_start3A_570, %dma_start3A_571] : memref<10112x64xf32, #tpu.memory_space<vmem_shared>> -> memref<10112x64xf32, #tpu.memory_space<vmem_shared>>
      tpu.enqueue_indirect_dma source(%dma_start3A_572 : memref<10112x64xf32, #tpu.memory_space<vmem_shared>>) target(%arg10 : memref<250x64xf32, #tpu.memory_space<vmem>>) offsets(%dma_start3A_569 : memref<250xi32, #tpu.memory_space<vmem>>) semaphore(%arg12 : memref<!tpu.dma_semaphore, #tpu.memory_space<semaphore_mem>>)
    }
    %scan3A_158 = arith.constant 9 : i32
    %dma_wait3A_159 = arith.constant 0 : i32
    %dma_wait3A_160 = arith.constant 0 : i32
    %dma_wait3A_161 = tpu.memref_slice %arg7[%dma_wait3A_159, %dma_wait3A_160] : memref<20x250xi32, #tpu.memory_space<vmem>> -> memref<1x250xi32, #tpu.memory_space<vmem>>
    %dma_wait3A_162 = tpu.memref_squeeze %dma_wait3A_161 : memref<1x250xi32, #tpu.memory_space<vmem>> -> memref<250xi32, #tpu.memory_space<vmem>>
    %dma_wait3A_163 = arith.constant 0 : i32
    %dma_wait3A_164 = arith.constant 0 : i32
    %dma_wait3A_165 = tpu.memref_slice %arg15[%dma_wait3A_163, %dma_wait3A_164] : memref<10112x64xf32, #tpu.memory_space<vmem_shared>> -> memref<10112x64xf32, #tpu.memory_space<vmem_shared>>
    tpu.wait_indirect_dma semaphore(%arg12 : memref<!tpu.dma_semaphore, #tpu.memory_space<semaphore_mem>>) src(%dma_wait3A_165 : memref<10112x64xf32, #tpu.memory_space<vmem_shared>>) dst(%arg10 : memref<250x64xf32, #tpu.memory_space<vmem>>)
    %dma_wait3A_166 = arith.constant 0 : i32
    %dma_wait3A_167 = arith.constant 0 : i32
    %dma_wait3A_168 = tpu.memref_slice %arg8[%dma_wait3A_166, %dma_wait3A_167] : memref<20x250xi32, #tpu.memory_space<vmem>> -> memref<1x250xi32, #tpu.memory_space<vmem>>
    %dma_wait3A_169 = tpu.memref_squeeze %dma_wait3A_168 : memref<1x250xi32, #tpu.memory_space<vmem>> -> memref<250xi32, #tpu.memory_space<vmem>>
    %dma_wait3A_170 = arith.constant 0 : i32
    %dma_wait3A_171 = arith.constant 0 : i32
    %dma_wait3A_172 = tpu.memref_slice %arg16[%dma_wait3A_170, %dma_wait3A_171] : memref<10112x64xf32, #tpu.memory_space<vmem_shared>> -> memref<10112x64xf32, #tpu.memory_space<vmem_shared>>
    tpu.wait_indirect_dma semaphore(%arg13 : memref<!tpu.dma_semaphore, #tpu.memory_space<semaphore_mem>>) src(%arg9 : memref<250x64xf32, #tpu.memory_space<vmem>>) dst(%dma_wait3A_172 : memref<10112x64xf32, #tpu.memory_space<vmem_shared>>)
    %dma_start3A_173 = arith.constant 19 : i32
    %dma_start3A_174 = arith.constant 0 : i32
    %dma_start3A_175 = tpu.memref_slice %arg8[%dma_start3A_173, %dma_start3A_174] : memref<20x250xi32, #tpu.memory_space<vmem>> -> memref<1x250xi32, #tpu.memory_space<vmem>>
    %dma_start3A_176 = tpu.memref_squeeze %dma_start3A_175 : memref<1x250xi32, #tpu.memory_space<vmem>> -> memref<250xi32, #tpu.memory_space<vmem>>
    %dma_start3A_177 = arith.constant 0 : i32
    %dma_start3A_178 = arith.constant 0 : i32
    %dma_start3A_179 = tpu.memref_slice %arg16[%dma_start3A_177, %dma_start3A_178] : memref<10112x64xf32, #tpu.memory_space<vmem_shared>> -> memref<10112x64xf32, #tpu.memory_space<vmem_shared>>
    tpu.enqueue_indirect_dma source(%arg10 : memref<250x64xf32, #tpu.memory_space<vmem>>) target(%dma_start3A_179 : memref<10112x64xf32, #tpu.memory_space<vmem_shared>>) offsets(%dma_start3A_176 : memref<250xi32, #tpu.memory_space<vmem>>) semaphore(%arg14 : memref<!tpu.dma_semaphore, #tpu.memory_space<semaphore_mem>>) {add = true}
    %dma_wait3A_180 = arith.constant 0 : i32
    %dma_wait3A_181 = arith.constant 0 : i32
    %dma_wait3A_182 = tpu.memref_slice %arg8[%dma_wait3A_180, %dma_wait3A_181] : memref<20x250xi32, #tpu.memory_space<vmem>> -> memref<1x250xi32, #tpu.memory_space<vmem>>
    %dma_wait3A_183 = tpu.memref_squeeze %dma_wait3A_182 : memref<1x250xi32, #tpu.memory_space<vmem>> -> memref<250xi32, #tpu.memory_space<vmem>>
    %dma_wait3A_184 = arith.constant 0 : i32
    %dma_wait3A_185 = arith.constant 0 : i32
    %dma_wait3A_186 = tpu.memref_slice %arg16[%dma_wait3A_184, %dma_wait3A_185] : memref<10112x64xf32, #tpu.memory_space<vmem_shared>> -> memref<10112x64xf32, #tpu.memory_space<vmem_shared>>
    tpu.wait_indirect_dma semaphore(%arg14 : memref<!tpu.dma_semaphore, #tpu.memory_space<semaphore_mem>>) src(%arg10 : memref<250x64xf32, #tpu.memory_space<vmem>>) dst(%dma_wait3A_186 : memref<10112x64xf32, #tpu.memory_space<vmem_shared>>)
    "tpu.region"() ({
      %run_scoped3A = tpu.sem_alloc : memref<!tpu.dma_semaphore, #tpu.memory_space<semaphore_mem>>
      %dma_start3A_507 = arith.constant 60 : i32
      %dma_start3A_508 = arith.constant 0 : i32
      %dma_start3A_509 = tpu.memref_slice %arg4[%arg1, %dma_start3A_507, %dma_start3A_508] : memref<16x80x250xi32, #tpu.memory_space<hbm>> -> memref<1x20x250xi32, #tpu.memory_space<hbm>>
      %dma_start3A_510 = tpu.memref_squeeze %dma_start3A_509 : memref<1x20x250xi32, #tpu.memory_space<hbm>> -> memref<20x250xi32, #tpu.memory_space<hbm>>
      %dma_start3A_511 = arith.constant 60 : i32
      %dma_start3A_512 = arith.constant 0 : i32
      %dma_start3A_513 = tpu.memref_slice %arg4[%arg1, %dma_start3A_511, %dma_start3A_512] : memref<16x80x250xi32, #tpu.memory_space<hbm>> -> memref<1x20x250xi32, #tpu.memory_space<hbm>>
      %dma_start3A_514 = tpu.memref_squeeze %dma_start3A_513 : memref<1x20x250xi32, #tpu.memory_space<hbm>> -> memref<20x250xi32, #tpu.memory_space<hbm>>
      tpu.enqueue_dma source(%dma_start3A_514 : memref<20x250xi32, #tpu.memory_space<hbm>>) target(%arg7 : memref<20x250xi32, #tpu.memory_space<vmem>>) target_semaphore(%run_scoped3A : memref<!tpu.dma_semaphore, #tpu.memory_space<semaphore_mem>>)
      %dma_wait3A_515 = arith.constant 60 : i32
      %dma_wait3A_516 = arith.constant 0 : i32
      %dma_wait3A_517 = tpu.memref_slice %arg4[%arg1, %dma_wait3A_515, %dma_wait3A_516] : memref<16x80x250xi32, #tpu.memory_space<hbm>> -> memref<1x20x250xi32, #tpu.memory_space<hbm>>
      %dma_wait3A_518 = tpu.memref_squeeze %dma_wait3A_517 : memref<1x20x250xi32, #tpu.memory_space<hbm>> -> memref<20x250xi32, #tpu.memory_space<hbm>>
      %dma_wait3A_519 = arith.constant 60 : i32
      %dma_wait3A_520 = arith.constant 0 : i32
      %dma_wait3A_521 = tpu.memref_slice %arg4[%arg1, %dma_wait3A_519, %dma_wait3A_520] : memref<16x80x250xi32, #tpu.memory_space<hbm>> -> memref<1x20x250xi32, #tpu.memory_space<hbm>>
      %dma_wait3A_522 = tpu.memref_squeeze %dma_wait3A_521 : memref<1x20x250xi32, #tpu.memory_space<hbm>> -> memref<20x250xi32, #tpu.memory_space<hbm>>
      tpu.wait_dma2 semaphore(%run_scoped3A : memref<!tpu.dma_semaphore, #tpu.memory_space<semaphore_mem>>) src(%dma_wait3A_522 : memref<20x250xi32, #tpu.memory_space<hbm>>) dst(%arg7 : memref<20x250xi32, #tpu.memory_space<vmem>>)
      tpu.yield
    }) : () -> ()
    "tpu.region"() ({
      %run_scoped3A = tpu.sem_alloc : memref<!tpu.dma_semaphore, #tpu.memory_space<semaphore_mem>>
      %dma_start3A_507 = arith.constant 60 : i32
      %dma_start3A_508 = arith.constant 0 : i32
      %dma_start3A_509 = tpu.memref_slice %arg3[%arg1, %dma_start3A_507, %dma_start3A_508] : memref<16x80x250xi32, #tpu.memory_space<hbm>> -> memref<1x20x250xi32, #tpu.memory_space<hbm>>
      %dma_start3A_510 = tpu.memref_squeeze %dma_start3A_509 : memref<1x20x250xi32, #tpu.memory_space<hbm>> -> memref<20x250xi32, #tpu.memory_space<hbm>>
      %dma_start3A_511 = arith.constant 60 : i32
      %dma_start3A_512 = arith.constant 0 : i32
      %dma_start3A_513 = tpu.memref_slice %arg3[%arg1, %dma_start3A_511, %dma_start3A_512] : memref<16x80x250xi32, #tpu.memory_space<hbm>> -> memref<1x20x250xi32, #tpu.memory_space<hbm>>
      %dma_start3A_514 = tpu.memref_squeeze %dma_start3A_513 : memref<1x20x250xi32, #tpu.memory_space<hbm>> -> memref<20x250xi32, #tpu.memory_space<hbm>>
      tpu.enqueue_dma source(%dma_start3A_514 : memref<20x250xi32, #tpu.memory_space<hbm>>) target(%arg8 : memref<20x250xi32, #tpu.memory_space<vmem>>) target_semaphore(%run_scoped3A : memref<!tpu.dma_semaphore, #tpu.memory_space<semaphore_mem>>)
      %dma_wait3A_515 = arith.constant 60 : i32
      %dma_wait3A_516 = arith.constant 0 : i32
      %dma_wait3A_517 = tpu.memref_slice %arg3[%arg1, %dma_wait3A_515, %dma_wait3A_516] : memref<16x80x250xi32, #tpu.memory_space<hbm>> -> memref<1x20x250xi32, #tpu.memory_space<hbm>>
      %dma_wait3A_518 = tpu.memref_squeeze %dma_wait3A_517 : memref<1x20x250xi32, #tpu.memory_space<hbm>> -> memref<20x250xi32, #tpu.memory_space<hbm>>
      %dma_wait3A_519 = arith.constant 60 : i32
      %dma_wait3A_520 = arith.constant 0 : i32
      %dma_wait3A_521 = tpu.memref_slice %arg3[%arg1, %dma_wait3A_519, %dma_wait3A_520] : memref<16x80x250xi32, #tpu.memory_space<hbm>> -> memref<1x20x250xi32, #tpu.memory_space<hbm>>
      %dma_wait3A_522 = tpu.memref_squeeze %dma_wait3A_521 : memref<1x20x250xi32, #tpu.memory_space<hbm>> -> memref<20x250xi32, #tpu.memory_space<hbm>>
      tpu.wait_dma2 semaphore(%run_scoped3A : memref<!tpu.dma_semaphore, #tpu.memory_space<semaphore_mem>>) src(%dma_wait3A_522 : memref<20x250xi32, #tpu.memory_space<hbm>>) dst(%arg8 : memref<20x250xi32, #tpu.memory_space<vmem>>)
      tpu.yield
    }) : () -> ()
    %dma_start3A_187 = arith.constant 0 : i32
    %dma_start3A_188 = arith.constant 0 : i32
    %dma_start3A_189 = tpu.memref_slice %arg7[%dma_start3A_187, %dma_start3A_188] : memref<20x250xi32, #tpu.memory_space<vmem>> -> memref<1x250xi32, #tpu.memory_space<vmem>>
    %dma_start3A_190 = tpu.memref_squeeze %dma_start3A_189 : memref<1x250xi32, #tpu.memory_space<vmem>> -> memref<250xi32, #tpu.memory_space<vmem>>
    %dma_start3A_191 = arith.constant 0 : i32
    %dma_start3A_192 = arith.constant 0 : i32
    %dma_start3A_193 = tpu.memref_slice %arg15[%dma_start3A_191, %dma_start3A_192] : memref<10112x64xf32, #tpu.memory_space<vmem_shared>> -> memref<10112x64xf32, #tpu.memory_space<vmem_shared>>
    tpu.enqueue_indirect_dma source(%dma_start3A_193 : memref<10112x64xf32, #tpu.memory_space<vmem_shared>>) target(%arg9 : memref<250x64xf32, #tpu.memory_space<vmem>>) offsets(%dma_start3A_190 : memref<250xi32, #tpu.memory_space<vmem>>) semaphore(%arg11 : memref<!tpu.dma_semaphore, #tpu.memory_space<semaphore_mem>>)
    %dma_wait3A_194 = arith.constant 0 : i32
    %dma_wait3A_195 = arith.constant 0 : i32
    %dma_wait3A_196 = tpu.memref_slice %arg7[%dma_wait3A_194, %dma_wait3A_195] : memref<20x250xi32, #tpu.memory_space<vmem>> -> memref<1x250xi32, #tpu.memory_space<vmem>>
    %dma_wait3A_197 = tpu.memref_squeeze %dma_wait3A_196 : memref<1x250xi32, #tpu.memory_space<vmem>> -> memref<250xi32, #tpu.memory_space<vmem>>
    %dma_wait3A_198 = arith.constant 0 : i32
    %dma_wait3A_199 = arith.constant 0 : i32
    %dma_wait3A_200 = tpu.memref_slice %arg15[%dma_wait3A_198, %dma_wait3A_199] : memref<10112x64xf32, #tpu.memory_space<vmem_shared>> -> memref<10112x64xf32, #tpu.memory_space<vmem_shared>>
    tpu.wait_indirect_dma semaphore(%arg11 : memref<!tpu.dma_semaphore, #tpu.memory_space<semaphore_mem>>) src(%dma_wait3A_200 : memref<10112x64xf32, #tpu.memory_space<vmem_shared>>) dst(%arg9 : memref<250x64xf32, #tpu.memory_space<vmem>>)
    %dma_start3A_201 = arith.constant 0 : i32
    %dma_start3A_202 = arith.constant 0 : i32
    %dma_start3A_203 = tpu.memref_slice %arg8[%dma_start3A_201, %dma_start3A_202] : memref<20x250xi32, #tpu.memory_space<vmem>> -> memref<1x250xi32, #tpu.memory_space<vmem>>
    %dma_start3A_204 = tpu.memref_squeeze %dma_start3A_203 : memref<1x250xi32, #tpu.memory_space<vmem>> -> memref<250xi32, #tpu.memory_space<vmem>>
    %dma_start3A_205 = arith.constant 0 : i32
    %dma_start3A_206 = arith.constant 0 : i32
    %dma_start3A_207 = tpu.memref_slice %arg16[%dma_start3A_205, %dma_start3A_206] : memref<10112x64xf32, #tpu.memory_space<vmem_shared>> -> memref<10112x64xf32, #tpu.memory_space<vmem_shared>>
    tpu.enqueue_indirect_dma source(%arg9 : memref<250x64xf32, #tpu.memory_space<vmem>>) target(%dma_start3A_207 : memref<10112x64xf32, #tpu.memory_space<vmem_shared>>) offsets(%dma_start3A_204 : memref<250xi32, #tpu.memory_space<vmem>>) semaphore(%arg13 : memref<!tpu.dma_semaphore, #tpu.memory_space<semaphore_mem>>) {add = true}
    %dma_start3A_208 = arith.constant 1 : i32
    %dma_start3A_209 = arith.constant 0 : i32
    %dma_start3A_210 = tpu.memref_slice %arg7[%dma_start3A_208, %dma_start3A_209] : memref<20x250xi32, #tpu.memory_space<vmem>> -> memref<1x250xi32, #tpu.memory_space<vmem>>
    %dma_start3A_211 = tpu.memref_squeeze %dma_start3A_210 : memref<1x250xi32, #tpu.memory_space<vmem>> -> memref<250xi32, #tpu.memory_space<vmem>>
    %dma_start3A_212 = arith.constant 0 : i32
    %dma_start3A_213 = arith.constant 0 : i32
    %dma_start3A_214 = tpu.memref_slice %arg15[%dma_start3A_212, %dma_start3A_213] : memref<10112x64xf32, #tpu.memory_space<vmem_shared>> -> memref<10112x64xf32, #tpu.memory_space<vmem_shared>>
    tpu.enqueue_indirect_dma source(%dma_start3A_214 : memref<10112x64xf32, #tpu.memory_space<vmem_shared>>) target(%arg10 : memref<250x64xf32, #tpu.memory_space<vmem>>) offsets(%dma_start3A_211 : memref<250xi32, #tpu.memory_space<vmem>>) semaphore(%arg12 : memref<!tpu.dma_semaphore, #tpu.memory_space<semaphore_mem>>)
    %scan3A_215 = arith.constant 0 : i32
    %scan3A_216 = arith.constant 9 : i32
    %scan3A_217 = arith.addi %scan3A_215, %scan3A_216 : i32
    %scan3A_218 = arith.constant 1 : i32
    scf.for %scan3A_507 = %scan3A_215 to %scan3A_217 step %scan3A_218  : i32 {
      %mul3A_508 = arith.constant 1 : i32
      %mul3A_509 = arith.muli %scan3A_507, %mul3A_508 : i32
      %add3A = arith.constant 0 : i32
      %add3A_510 = arith.addi %add3A, %mul3A_509 : i32
      %mul3A_511 = arith.constant 2 : i32
      %mul3A_512 = arith.muli %mul3A_511, %add3A_510 : i32
      %add3A_513 = arith.constant 1 : i32
      %add3A_514 = arith.addi %mul3A_512, %add3A_513 : i32
      %dma_wait3A_515 = arith.constant 0 : i32
      %dma_wait3A_516 = arith.constant 0 : i32
      %dma_wait3A_517 = tpu.memref_slice %arg7[%dma_wait3A_515, %dma_wait3A_516] : memref<20x250xi32, #tpu.memory_space<vmem>> -> memref<1x250xi32, #tpu.memory_space<vmem>>
      %dma_wait3A_518 = tpu.memref_squeeze %dma_wait3A_517 : memref<1x250xi32, #tpu.memory_space<vmem>> -> memref<250xi32, #tpu.memory_space<vmem>>
      %dma_wait3A_519 = arith.constant 0 : i32
      %dma_wait3A_520 = arith.constant 0 : i32
      %dma_wait3A_521 = tpu.memref_slice %arg15[%dma_wait3A_519, %dma_wait3A_520] : memref<10112x64xf32, #tpu.memory_space<vmem_shared>> -> memref<10112x64xf32, #tpu.memory_space<vmem_shared>>
      tpu.wait_indirect_dma semaphore(%arg12 : memref<!tpu.dma_semaphore, #tpu.memory_space<semaphore_mem>>) src(%dma_wait3A_521 : memref<10112x64xf32, #tpu.memory_space<vmem_shared>>) dst(%arg10 : memref<250x64xf32, #tpu.memory_space<vmem>>)
      %dma_wait3A_522 = arith.constant 0 : i32
      %dma_wait3A_523 = arith.constant 0 : i32
      %dma_wait3A_524 = tpu.memref_slice %arg8[%dma_wait3A_522, %dma_wait3A_523] : memref<20x250xi32, #tpu.memory_space<vmem>> -> memref<1x250xi32, #tpu.memory_space<vmem>>
      %dma_wait3A_525 = tpu.memref_squeeze %dma_wait3A_524 : memref<1x250xi32, #tpu.memory_space<vmem>> -> memref<250xi32, #tpu.memory_space<vmem>>
      %dma_wait3A_526 = arith.constant 0 : i32
      %dma_wait3A_527 = arith.constant 0 : i32
      %dma_wait3A_528 = tpu.memref_slice %arg16[%dma_wait3A_526, %dma_wait3A_527] : memref<10112x64xf32, #tpu.memory_space<vmem_shared>> -> memref<10112x64xf32, #tpu.memory_space<vmem_shared>>
      tpu.wait_indirect_dma semaphore(%arg13 : memref<!tpu.dma_semaphore, #tpu.memory_space<semaphore_mem>>) src(%arg9 : memref<250x64xf32, #tpu.memory_space<vmem>>) dst(%dma_wait3A_528 : memref<10112x64xf32, #tpu.memory_space<vmem_shared>>)
      %dma_start3A_529 = arith.constant 0 : i32
      %dma_start3A_530 = tpu.memref_slice %arg8[%add3A_514, %dma_start3A_529] : memref<20x250xi32, #tpu.memory_space<vmem>> -> memref<1x250xi32, #tpu.memory_space<vmem>>
      %dma_start3A_531 = tpu.memref_squeeze %dma_start3A_530 : memref<1x250xi32, #tpu.memory_space<vmem>> -> memref<250xi32, #tpu.memory_space<vmem>>
      %dma_start3A_532 = arith.constant 0 : i32
      %dma_start3A_533 = arith.constant 0 : i32
      %dma_start3A_534 = tpu.memref_slice %arg16[%dma_start3A_532, %dma_start3A_533] : memref<10112x64xf32, #tpu.memory_space<vmem_shared>> -> memref<10112x64xf32, #tpu.memory_space<vmem_shared>>
      tpu.enqueue_indirect_dma source(%arg10 : memref<250x64xf32, #tpu.memory_space<vmem>>) target(%dma_start3A_534 : memref<10112x64xf32, #tpu.memory_space<vmem_shared>>) offsets(%dma_start3A_531 : memref<250xi32, #tpu.memory_space<vmem>>) semaphore(%arg14 : memref<!tpu.dma_semaphore, #tpu.memory_space<semaphore_mem>>) {add = true}
      %add3A_535 = arith.constant 1 : i32
      %add3A_536 = arith.addi %add3A_514, %add3A_535 : i32
      %dma_start3A_537 = arith.constant 0 : i32
      %dma_start3A_538 = tpu.memref_slice %arg7[%add3A_536, %dma_start3A_537] : memref<20x250xi32, #tpu.memory_space<vmem>> -> memref<1x250xi32, #tpu.memory_space<vmem>>
      %dma_start3A_539 = tpu.memref_squeeze %dma_start3A_538 : memref<1x250xi32, #tpu.memory_space<vmem>> -> memref<250xi32, #tpu.memory_space<vmem>>
      %dma_start3A_540 = arith.constant 0 : i32
      %dma_start3A_541 = arith.constant 0 : i32
      %dma_start3A_542 = tpu.memref_slice %arg15[%dma_start3A_540, %dma_start3A_541] : memref<10112x64xf32, #tpu.memory_space<vmem_shared>> -> memref<10112x64xf32, #tpu.memory_space<vmem_shared>>
      tpu.enqueue_indirect_dma source(%dma_start3A_542 : memref<10112x64xf32, #tpu.memory_space<vmem_shared>>) target(%arg9 : memref<250x64xf32, #tpu.memory_space<vmem>>) offsets(%dma_start3A_539 : memref<250xi32, #tpu.memory_space<vmem>>) semaphore(%arg11 : memref<!tpu.dma_semaphore, #tpu.memory_space<semaphore_mem>>)
      %dma_wait3A_543 = arith.constant 0 : i32
      %dma_wait3A_544 = arith.constant 0 : i32
      %dma_wait3A_545 = tpu.memref_slice %arg7[%dma_wait3A_543, %dma_wait3A_544] : memref<20x250xi32, #tpu.memory_space<vmem>> -> memref<1x250xi32, #tpu.memory_space<vmem>>
      %dma_wait3A_546 = tpu.memref_squeeze %dma_wait3A_545 : memref<1x250xi32, #tpu.memory_space<vmem>> -> memref<250xi32, #tpu.memory_space<vmem>>
      %dma_wait3A_547 = arith.constant 0 : i32
      %dma_wait3A_548 = arith.constant 0 : i32
      %dma_wait3A_549 = tpu.memref_slice %arg15[%dma_wait3A_547, %dma_wait3A_548] : memref<10112x64xf32, #tpu.memory_space<vmem_shared>> -> memref<10112x64xf32, #tpu.memory_space<vmem_shared>>
      tpu.wait_indirect_dma semaphore(%arg11 : memref<!tpu.dma_semaphore, #tpu.memory_space<semaphore_mem>>) src(%dma_wait3A_549 : memref<10112x64xf32, #tpu.memory_space<vmem_shared>>) dst(%arg9 : memref<250x64xf32, #tpu.memory_space<vmem>>)
      %add3A_550 = arith.constant 1 : i32
      %add3A_551 = arith.addi %add3A_514, %add3A_550 : i32
      %dma_start3A_552 = arith.constant 0 : i32
      %dma_start3A_553 = tpu.memref_slice %arg8[%add3A_551, %dma_start3A_552] : memref<20x250xi32, #tpu.memory_space<vmem>> -> memref<1x250xi32, #tpu.memory_space<vmem>>
      %dma_start3A_554 = tpu.memref_squeeze %dma_start3A_553 : memref<1x250xi32, #tpu.memory_space<vmem>> -> memref<250xi32, #tpu.memory_space<vmem>>
      %dma_start3A_555 = arith.constant 0 : i32
      %dma_start3A_556 = arith.constant 0 : i32
      %dma_start3A_557 = tpu.memref_slice %arg16[%dma_start3A_555, %dma_start3A_556] : memref<10112x64xf32, #tpu.memory_space<vmem_shared>> -> memref<10112x64xf32, #tpu.memory_space<vmem_shared>>
      tpu.enqueue_indirect_dma source(%arg9 : memref<250x64xf32, #tpu.memory_space<vmem>>) target(%dma_start3A_557 : memref<10112x64xf32, #tpu.memory_space<vmem_shared>>) offsets(%dma_start3A_554 : memref<250xi32, #tpu.memory_space<vmem>>) semaphore(%arg13 : memref<!tpu.dma_semaphore, #tpu.memory_space<semaphore_mem>>) {add = true}
      %dma_wait3A_558 = arith.constant 0 : i32
      %dma_wait3A_559 = arith.constant 0 : i32
      %dma_wait3A_560 = tpu.memref_slice %arg8[%dma_wait3A_558, %dma_wait3A_559] : memref<20x250xi32, #tpu.memory_space<vmem>> -> memref<1x250xi32, #tpu.memory_space<vmem>>
      %dma_wait3A_561 = tpu.memref_squeeze %dma_wait3A_560 : memref<1x250xi32, #tpu.memory_space<vmem>> -> memref<250xi32, #tpu.memory_space<vmem>>
      %dma_wait3A_562 = arith.constant 0 : i32
      %dma_wait3A_563 = arith.constant 0 : i32
      %dma_wait3A_564 = tpu.memref_slice %arg16[%dma_wait3A_562, %dma_wait3A_563] : memref<10112x64xf32, #tpu.memory_space<vmem_shared>> -> memref<10112x64xf32, #tpu.memory_space<vmem_shared>>
      tpu.wait_indirect_dma semaphore(%arg14 : memref<!tpu.dma_semaphore, #tpu.memory_space<semaphore_mem>>) src(%arg10 : memref<250x64xf32, #tpu.memory_space<vmem>>) dst(%dma_wait3A_564 : memref<10112x64xf32, #tpu.memory_space<vmem_shared>>)
      %add3A_565 = arith.constant 2 : i32
      %add3A_566 = arith.addi %add3A_514, %add3A_565 : i32
      %dma_start3A_567 = arith.constant 0 : i32
      %dma_start3A_568 = tpu.memref_slice %arg7[%add3A_566, %dma_start3A_567] : memref<20x250xi32, #tpu.memory_space<vmem>> -> memref<1x250xi32, #tpu.memory_space<vmem>>
      %dma_start3A_569 = tpu.memref_squeeze %dma_start3A_568 : memref<1x250xi32, #tpu.memory_space<vmem>> -> memref<250xi32, #tpu.memory_space<vmem>>
      %dma_start3A_570 = arith.constant 0 : i32
      %dma_start3A_571 = arith.constant 0 : i32
      %dma_start3A_572 = tpu.memref_slice %arg15[%dma_start3A_570, %dma_start3A_571] : memref<10112x64xf32, #tpu.memory_space<vmem_shared>> -> memref<10112x64xf32, #tpu.memory_space<vmem_shared>>
      tpu.enqueue_indirect_dma source(%dma_start3A_572 : memref<10112x64xf32, #tpu.memory_space<vmem_shared>>) target(%arg10 : memref<250x64xf32, #tpu.memory_space<vmem>>) offsets(%dma_start3A_569 : memref<250xi32, #tpu.memory_space<vmem>>) semaphore(%arg12 : memref<!tpu.dma_semaphore, #tpu.memory_space<semaphore_mem>>)
    }
    %scan3A_219 = arith.constant 9 : i32
    %dma_wait3A_220 = arith.constant 0 : i32
    %dma_wait3A_221 = arith.constant 0 : i32
    %dma_wait3A_222 = tpu.memref_slice %arg7[%dma_wait3A_220, %dma_wait3A_221] : memref<20x250xi32, #tpu.memory_space<vmem>> -> memref<1x250xi32, #tpu.memory_space<vmem>>
    %dma_wait3A_223 = tpu.memref_squeeze %dma_wait3A_222 : memref<1x250xi32, #tpu.memory_space<vmem>> -> memref<250xi32, #tpu.memory_space<vmem>>
    %dma_wait3A_224 = arith.constant 0 : i32
    %dma_wait3A_225 = arith.constant 0 : i32
    %dma_wait3A_226 = tpu.memref_slice %arg15[%dma_wait3A_224, %dma_wait3A_225] : memref<10112x64xf32, #tpu.memory_space<vmem_shared>> -> memref<10112x64xf32, #tpu.memory_space<vmem_shared>>
    tpu.wait_indirect_dma semaphore(%arg12 : memref<!tpu.dma_semaphore, #tpu.memory_space<semaphore_mem>>) src(%dma_wait3A_226 : memref<10112x64xf32, #tpu.memory_space<vmem_shared>>) dst(%arg10 : memref<250x64xf32, #tpu.memory_space<vmem>>)
    %dma_wait3A_227 = arith.constant 0 : i32
    %dma_wait3A_228 = arith.constant 0 : i32
    %dma_wait3A_229 = tpu.memref_slice %arg8[%dma_wait3A_227, %dma_wait3A_228] : memref<20x250xi32, #tpu.memory_space<vmem>> -> memref<1x250xi32, #tpu.memory_space<vmem>>
    %dma_wait3A_230 = tpu.memref_squeeze %dma_wait3A_229 : memref<1x250xi32, #tpu.memory_space<vmem>> -> memref<250xi32, #tpu.memory_space<vmem>>
    %dma_wait3A_231 = arith.constant 0 : i32
    %dma_wait3A_232 = arith.constant 0 : i32
    %dma_wait3A_233 = tpu.memref_slice %arg16[%dma_wait3A_231, %dma_wait3A_232] : memref<10112x64xf32, #tpu.memory_space<vmem_shared>> -> memref<10112x64xf32, #tpu.memory_space<vmem_shared>>
    tpu.wait_indirect_dma semaphore(%arg13 : memref<!tpu.dma_semaphore, #tpu.memory_space<semaphore_mem>>) src(%arg9 : memref<250x64xf32, #tpu.memory_space<vmem>>) dst(%dma_wait3A_233 : memref<10112x64xf32, #tpu.memory_space<vmem_shared>>)
    %dma_start3A_234 = arith.constant 19 : i32
    %dma_start3A_235 = arith.constant 0 : i32
    %dma_start3A_236 = tpu.memref_slice %arg8[%dma_start3A_234, %dma_start3A_235] : memref<20x250xi32, #tpu.memory_space<vmem>> -> memref<1x250xi32, #tpu.memory_space<vmem>>
    %dma_start3A_237 = tpu.memref_squeeze %dma_start3A_236 : memref<1x250xi32, #tpu.memory_space<vmem>> -> memref<250xi32, #tpu.memory_space<vmem>>
    %dma_start3A_238 = arith.constant 0 : i32
    %dma_start3A_239 = arith.constant 0 : i32
    %dma_start3A_240 = tpu.memref_slice %arg16[%dma_start3A_238, %dma_start3A_239] : memref<10112x64xf32, #tpu.memory_space<vmem_shared>> -> memref<10112x64xf32, #tpu.memory_space<vmem_shared>>
    tpu.enqueue_indirect_dma source(%arg10 : memref<250x64xf32, #tpu.memory_space<vmem>>) target(%dma_start3A_240 : memref<10112x64xf32, #tpu.memory_space<vmem_shared>>) offsets(%dma_start3A_237 : memref<250xi32, #tpu.memory_space<vmem>>) semaphore(%arg14 : memref<!tpu.dma_semaphore, #tpu.memory_space<semaphore_mem>>) {add = true}
    %dma_wait3A_241 = arith.constant 0 : i32
    %dma_wait3A_242 = arith.constant 0 : i32
    %dma_wait3A_243 = tpu.memref_slice %arg8[%dma_wait3A_241, %dma_wait3A_242] : memref<20x250xi32, #tpu.memory_space<vmem>> -> memref<1x250xi32, #tpu.memory_space<vmem>>
    %dma_wait3A_244 = tpu.memref_squeeze %dma_wait3A_243 : memref<1x250xi32, #tpu.memory_space<vmem>> -> memref<250xi32, #tpu.memory_space<vmem>>
    %dma_wait3A_245 = arith.constant 0 : i32
    %dma_wait3A_246 = arith.constant 0 : i32
    %dma_wait3A_247 = tpu.memref_slice %arg16[%dma_wait3A_245, %dma_wait3A_246] : memref<10112x64xf32, #tpu.memory_space<vmem_shared>> -> memref<10112x64xf32, #tpu.memory_space<vmem_shared>>
    tpu.wait_indirect_dma semaphore(%arg14 : memref<!tpu.dma_semaphore, #tpu.memory_space<semaphore_mem>>) src(%arg10 : memref<250x64xf32, #tpu.memory_space<vmem>>) dst(%dma_wait3A_247 : memref<10112x64xf32, #tpu.memory_space<vmem_shared>>)
    %barrier3A_248 = arith.constant 0 : index
    tpu.barrier barrier_id(%barrier3A_248)
    "tpu.region"() ({
      %run_scoped3A = tpu.sem_alloc : memref<!tpu.dma_semaphore, #tpu.memory_space<semaphore_mem>>
      %dma_start3A_507 = arith.constant 0 : i32
      %dma_start3A_508 = tpu.memref_slice %arg15[%mul3A_0, %dma_start3A_507] : memref<10112x64xf32, #tpu.memory_space<vmem_shared>> -> memref<632x64xf32, #tpu.memory_space<vmem_shared>>
      %dma_start3A_509 = arith.constant 0 : i32
      %dma_start3A_510 = tpu.memref_slice %arg5[%mul3A_0, %dma_start3A_509] : memref<10112x64xf32, #tpu.memory_space<hbm>> -> memref<632x64xf32, #tpu.memory_space<hbm>>
      tpu.enqueue_dma source(%dma_start3A_510 : memref<632x64xf32, #tpu.memory_space<hbm>>) target(%dma_start3A_508 : memref<632x64xf32, #tpu.memory_space<vmem_shared>>) target_semaphore(%run_scoped3A : memref<!tpu.dma_semaphore, #tpu.memory_space<semaphore_mem>>)
      %dma_wait3A_511 = arith.constant 0 : i32
      %dma_wait3A_512 = tpu.memref_slice %arg15[%mul3A_0, %dma_wait3A_511] : memref<10112x64xf32, #tpu.memory_space<vmem_shared>> -> memref<632x64xf32, #tpu.memory_space<vmem_shared>>
      %dma_wait3A_513 = arith.constant 0 : i32
      %dma_wait3A_514 = tpu.memref_slice %arg5[%mul3A_0, %dma_wait3A_513] : memref<10112x64xf32, #tpu.memory_space<hbm>> -> memref<632x64xf32, #tpu.memory_space<hbm>>
      tpu.wait_dma2 semaphore(%run_scoped3A : memref<!tpu.dma_semaphore, #tpu.memory_space<semaphore_mem>>) src(%dma_wait3A_514 : memref<632x64xf32, #tpu.memory_space<hbm>>) dst(%dma_wait3A_512 : memref<632x64xf32, #tpu.memory_space<vmem_shared>>)
      tpu.yield
    }) : () -> ()
    %barrier3A_249 = arith.constant 0 : index
    tpu.barrier barrier_id(%barrier3A_249)
    "tpu.region"() ({
      %run_scoped3A = tpu.sem_alloc : memref<!tpu.dma_semaphore, #tpu.memory_space<semaphore_mem>>
      %dma_start3A_507 = arith.constant 0 : i32
      %dma_start3A_508 = arith.constant 0 : i32
      %dma_start3A_509 = tpu.memref_slice %arg3[%arg1, %dma_start3A_507, %dma_start3A_508] : memref<16x80x250xi32, #tpu.memory_space<hbm>> -> memref<1x20x250xi32, #tpu.memory_space<hbm>>
      %dma_start3A_510 = tpu.memref_squeeze %dma_start3A_509 : memref<1x20x250xi32, #tpu.memory_space<hbm>> -> memref<20x250xi32, #tpu.memory_space<hbm>>
      %dma_start3A_511 = arith.constant 0 : i32
      %dma_start3A_512 = arith.constant 0 : i32
      %dma_start3A_513 = tpu.memref_slice %arg3[%arg1, %dma_start3A_511, %dma_start3A_512] : memref<16x80x250xi32, #tpu.memory_space<hbm>> -> memref<1x20x250xi32, #tpu.memory_space<hbm>>
      %dma_start3A_514 = tpu.memref_squeeze %dma_start3A_513 : memref<1x20x250xi32, #tpu.memory_space<hbm>> -> memref<20x250xi32, #tpu.memory_space<hbm>>
      tpu.enqueue_dma source(%dma_start3A_514 : memref<20x250xi32, #tpu.memory_space<hbm>>) target(%arg7 : memref<20x250xi32, #tpu.memory_space<vmem>>) target_semaphore(%run_scoped3A : memref<!tpu.dma_semaphore, #tpu.memory_space<semaphore_mem>>)
      %dma_wait3A_515 = arith.constant 0 : i32
      %dma_wait3A_516 = arith.constant 0 : i32
      %dma_wait3A_517 = tpu.memref_slice %arg3[%arg1, %dma_wait3A_515, %dma_wait3A_516] : memref<16x80x250xi32, #tpu.memory_space<hbm>> -> memref<1x20x250xi32, #tpu.memory_space<hbm>>
      %dma_wait3A_518 = tpu.memref_squeeze %dma_wait3A_517 : memref<1x20x250xi32, #tpu.memory_space<hbm>> -> memref<20x250xi32, #tpu.memory_space<hbm>>
      %dma_wait3A_519 = arith.constant 0 : i32
      %dma_wait3A_520 = arith.constant 0 : i32
      %dma_wait3A_521 = tpu.memref_slice %arg3[%arg1, %dma_wait3A_519, %dma_wait3A_520] : memref<16x80x250xi32, #tpu.memory_space<hbm>> -> memref<1x20x250xi32, #tpu.memory_space<hbm>>
      %dma_wait3A_522 = tpu.memref_squeeze %dma_wait3A_521 : memref<1x20x250xi32, #tpu.memory_space<hbm>> -> memref<20x250xi32, #tpu.memory_space<hbm>>
      tpu.wait_dma2 semaphore(%run_scoped3A : memref<!tpu.dma_semaphore, #tpu.memory_space<semaphore_mem>>) src(%dma_wait3A_522 : memref<20x250xi32, #tpu.memory_space<hbm>>) dst(%arg7 : memref<20x250xi32, #tpu.memory_space<vmem>>)
      tpu.yield
    }) : () -> ()
    "tpu.region"() ({
      %run_scoped3A = tpu.sem_alloc : memref<!tpu.dma_semaphore, #tpu.memory_space<semaphore_mem>>
      %dma_start3A_507 = arith.constant 0 : i32
      %dma_start3A_508 = arith.constant 0 : i32
      %dma_start3A_509 = tpu.memref_slice %arg4[%arg1, %dma_start3A_507, %dma_start3A_508] : memref<16x80x250xi32, #tpu.memory_space<hbm>> -> memref<1x20x250xi32, #tpu.memory_space<hbm>>
      %dma_start3A_510 = tpu.memref_squeeze %dma_start3A_509 : memref<1x20x250xi32, #tpu.memory_space<hbm>> -> memref<20x250xi32, #tpu.memory_space<hbm>>
      %dma_start3A_511 = arith.constant 0 : i32
      %dma_start3A_512 = arith.constant 0 : i32
      %dma_start3A_513 = tpu.memref_slice %arg4[%arg1, %dma_start3A_511, %dma_start3A_512] : memref<16x80x250xi32, #tpu.memory_space<hbm>> -> memref<1x20x250xi32, #tpu.memory_space<hbm>>
      %dma_start3A_514 = tpu.memref_squeeze %dma_start3A_513 : memref<1x20x250xi32, #tpu.memory_space<hbm>> -> memref<20x250xi32, #tpu.memory_space<hbm>>
      tpu.enqueue_dma source(%dma_start3A_514 : memref<20x250xi32, #tpu.memory_space<hbm>>) target(%arg8 : memref<20x250xi32, #tpu.memory_space<vmem>>) target_semaphore(%run_scoped3A : memref<!tpu.dma_semaphore, #tpu.memory_space<semaphore_mem>>)
      %dma_wait3A_515 = arith.constant 0 : i32
      %dma_wait3A_516 = arith.constant 0 : i32
      %dma_wait3A_517 = tpu.memref_slice %arg4[%arg1, %dma_wait3A_515, %dma_wait3A_516] : memref<16x80x250xi32, #tpu.memory_space<hbm>> -> memref<1x20x250xi32, #tpu.memory_space<hbm>>
      %dma_wait3A_518 = tpu.memref_squeeze %dma_wait3A_517 : memref<1x20x250xi32, #tpu.memory_space<hbm>> -> memref<20x250xi32, #tpu.memory_space<hbm>>
      %dma_wait3A_519 = arith.constant 0 : i32
      %dma_wait3A_520 = arith.constant 0 : i32
      %dma_wait3A_521 = tpu.memref_slice %arg4[%arg1, %dma_wait3A_519, %dma_wait3A_520] : memref<16x80x250xi32, #tpu.memory_space<hbm>> -> memref<1x20x250xi32, #tpu.memory_space<hbm>>
      %dma_wait3A_522 = tpu.memref_squeeze %dma_wait3A_521 : memref<1x20x250xi32, #tpu.memory_space<hbm>> -> memref<20x250xi32, #tpu.memory_space<hbm>>
      tpu.wait_dma2 semaphore(%run_scoped3A : memref<!tpu.dma_semaphore, #tpu.memory_space<semaphore_mem>>) src(%dma_wait3A_522 : memref<20x250xi32, #tpu.memory_space<hbm>>) dst(%arg8 : memref<20x250xi32, #tpu.memory_space<vmem>>)
      tpu.yield
    }) : () -> ()
    %dma_start3A_250 = arith.constant 0 : i32
    %dma_start3A_251 = arith.constant 0 : i32
    %dma_start3A_252 = tpu.memref_slice %arg7[%dma_start3A_250, %dma_start3A_251] : memref<20x250xi32, #tpu.memory_space<vmem>> -> memref<1x250xi32, #tpu.memory_space<vmem>>
    %dma_start3A_253 = tpu.memref_squeeze %dma_start3A_252 : memref<1x250xi32, #tpu.memory_space<vmem>> -> memref<250xi32, #tpu.memory_space<vmem>>
    %dma_start3A_254 = arith.constant 0 : i32
    %dma_start3A_255 = arith.constant 0 : i32
    %dma_start3A_256 = tpu.memref_slice %arg16[%dma_start3A_254, %dma_start3A_255] : memref<10112x64xf32, #tpu.memory_space<vmem_shared>> -> memref<10112x64xf32, #tpu.memory_space<vmem_shared>>
    tpu.enqueue_indirect_dma source(%dma_start3A_256 : memref<10112x64xf32, #tpu.memory_space<vmem_shared>>) target(%arg9 : memref<250x64xf32, #tpu.memory_space<vmem>>) offsets(%dma_start3A_253 : memref<250xi32, #tpu.memory_space<vmem>>) semaphore(%arg11 : memref<!tpu.dma_semaphore, #tpu.memory_space<semaphore_mem>>)
    %dma_wait3A_257 = arith.constant 0 : i32
    %dma_wait3A_258 = arith.constant 0 : i32
    %dma_wait3A_259 = tpu.memref_slice %arg7[%dma_wait3A_257, %dma_wait3A_258] : memref<20x250xi32, #tpu.memory_space<vmem>> -> memref<1x250xi32, #tpu.memory_space<vmem>>
    %dma_wait3A_260 = tpu.memref_squeeze %dma_wait3A_259 : memref<1x250xi32, #tpu.memory_space<vmem>> -> memref<250xi32, #tpu.memory_space<vmem>>
    %dma_wait3A_261 = arith.constant 0 : i32
    %dma_wait3A_262 = arith.constant 0 : i32
    %dma_wait3A_263 = tpu.memref_slice %arg16[%dma_wait3A_261, %dma_wait3A_262] : memref<10112x64xf32, #tpu.memory_space<vmem_shared>> -> memref<10112x64xf32, #tpu.memory_space<vmem_shared>>
    tpu.wait_indirect_dma semaphore(%arg11 : memref<!tpu.dma_semaphore, #tpu.memory_space<semaphore_mem>>) src(%dma_wait3A_263 : memref<10112x64xf32, #tpu.memory_space<vmem_shared>>) dst(%arg9 : memref<250x64xf32, #tpu.memory_space<vmem>>)
    %dma_start3A_264 = arith.constant 0 : i32
    %dma_start3A_265 = arith.constant 0 : i32
    %dma_start3A_266 = tpu.memref_slice %arg8[%dma_start3A_264, %dma_start3A_265] : memref<20x250xi32, #tpu.memory_space<vmem>> -> memref<1x250xi32, #tpu.memory_space<vmem>>
    %dma_start3A_267 = tpu.memref_squeeze %dma_start3A_266 : memref<1x250xi32, #tpu.memory_space<vmem>> -> memref<250xi32, #tpu.memory_space<vmem>>
    %dma_start3A_268 = arith.constant 0 : i32
    %dma_start3A_269 = arith.constant 0 : i32
    %dma_start3A_270 = tpu.memref_slice %arg15[%dma_start3A_268, %dma_start3A_269] : memref<10112x64xf32, #tpu.memory_space<vmem_shared>> -> memref<10112x64xf32, #tpu.memory_space<vmem_shared>>
    tpu.enqueue_indirect_dma source(%arg9 : memref<250x64xf32, #tpu.memory_space<vmem>>) target(%dma_start3A_270 : memref<10112x64xf32, #tpu.memory_space<vmem_shared>>) offsets(%dma_start3A_267 : memref<250xi32, #tpu.memory_space<vmem>>) semaphore(%arg13 : memref<!tpu.dma_semaphore, #tpu.memory_space<semaphore_mem>>) {add = true}
    %dma_start3A_271 = arith.constant 1 : i32
    %dma_start3A_272 = arith.constant 0 : i32
    %dma_start3A_273 = tpu.memref_slice %arg7[%dma_start3A_271, %dma_start3A_272] : memref<20x250xi32, #tpu.memory_space<vmem>> -> memref<1x250xi32, #tpu.memory_space<vmem>>
    %dma_start3A_274 = tpu.memref_squeeze %dma_start3A_273 : memref<1x250xi32, #tpu.memory_space<vmem>> -> memref<250xi32, #tpu.memory_space<vmem>>
    %dma_start3A_275 = arith.constant 0 : i32
    %dma_start3A_276 = arith.constant 0 : i32
    %dma_start3A_277 = tpu.memref_slice %arg16[%dma_start3A_275, %dma_start3A_276] : memref<10112x64xf32, #tpu.memory_space<vmem_shared>> -> memref<10112x64xf32, #tpu.memory_space<vmem_shared>>
    tpu.enqueue_indirect_dma source(%dma_start3A_277 : memref<10112x64xf32, #tpu.memory_space<vmem_shared>>) target(%arg10 : memref<250x64xf32, #tpu.memory_space<vmem>>) offsets(%dma_start3A_274 : memref<250xi32, #tpu.memory_space<vmem>>) semaphore(%arg12 : memref<!tpu.dma_semaphore, #tpu.memory_space<semaphore_mem>>)
    %scan3A_278 = arith.constant 0 : i32
    %scan3A_279 = arith.constant 9 : i32
    %scan3A_280 = arith.addi %scan3A_278, %scan3A_279 : i32
    %scan3A_281 = arith.constant 1 : i32
    scf.for %scan3A_507 = %scan3A_278 to %scan3A_280 step %scan3A_281  : i32 {
      %mul3A_508 = arith.constant 1 : i32
      %mul3A_509 = arith.muli %scan3A_507, %mul3A_508 : i32
      %add3A = arith.constant 0 : i32
      %add3A_510 = arith.addi %add3A, %mul3A_509 : i32
      %mul3A_511 = arith.constant 2 : i32
      %mul3A_512 = arith.muli %mul3A_511, %add3A_510 : i32
      %add3A_513 = arith.constant 1 : i32
      %add3A_514 = arith.addi %mul3A_512, %add3A_513 : i32
      %dma_wait3A_515 = arith.constant 0 : i32
      %dma_wait3A_516 = arith.constant 0 : i32
      %dma_wait3A_517 = tpu.memref_slice %arg7[%dma_wait3A_515, %dma_wait3A_516] : memref<20x250xi32, #tpu.memory_space<vmem>> -> memref<1x250xi32, #tpu.memory_space<vmem>>
      %dma_wait3A_518 = tpu.memref_squeeze %dma_wait3A_517 : memref<1x250xi32, #tpu.memory_space<vmem>> -> memref<250xi32, #tpu.memory_space<vmem>>
      %dma_wait3A_519 = arith.constant 0 : i32
      %dma_wait3A_520 = arith.constant 0 : i32
      %dma_wait3A_521 = tpu.memref_slice %arg16[%dma_wait3A_519, %dma_wait3A_520] : memref<10112x64xf32, #tpu.memory_space<vmem_shared>> -> memref<10112x64xf32, #tpu.memory_space<vmem_shared>>
      tpu.wait_indirect_dma semaphore(%arg12 : memref<!tpu.dma_semaphore, #tpu.memory_space<semaphore_mem>>) src(%dma_wait3A_521 : memref<10112x64xf32, #tpu.memory_space<vmem_shared>>) dst(%arg10 : memref<250x64xf32, #tpu.memory_space<vmem>>)
      %dma_wait3A_522 = arith.constant 0 : i32
      %dma_wait3A_523 = arith.constant 0 : i32
      %dma_wait3A_524 = tpu.memref_slice %arg8[%dma_wait3A_522, %dma_wait3A_523] : memref<20x250xi32, #tpu.memory_space<vmem>> -> memref<1x250xi32, #tpu.memory_space<vmem>>
      %dma_wait3A_525 = tpu.memref_squeeze %dma_wait3A_524 : memref<1x250xi32, #tpu.memory_space<vmem>> -> memref<250xi32, #tpu.memory_space<vmem>>
      %dma_wait3A_526 = arith.constant 0 : i32
      %dma_wait3A_527 = arith.constant 0 : i32
      %dma_wait3A_528 = tpu.memref_slice %arg15[%dma_wait3A_526, %dma_wait3A_527] : memref<10112x64xf32, #tpu.memory_space<vmem_shared>> -> memref<10112x64xf32, #tpu.memory_space<vmem_shared>>
      tpu.wait_indirect_dma semaphore(%arg13 : memref<!tpu.dma_semaphore, #tpu.memory_space<semaphore_mem>>) src(%arg9 : memref<250x64xf32, #tpu.memory_space<vmem>>) dst(%dma_wait3A_528 : memref<10112x64xf32, #tpu.memory_space<vmem_shared>>)
      %dma_start3A_529 = arith.constant 0 : i32
      %dma_start3A_530 = tpu.memref_slice %arg8[%add3A_514, %dma_start3A_529] : memref<20x250xi32, #tpu.memory_space<vmem>> -> memref<1x250xi32, #tpu.memory_space<vmem>>
      %dma_start3A_531 = tpu.memref_squeeze %dma_start3A_530 : memref<1x250xi32, #tpu.memory_space<vmem>> -> memref<250xi32, #tpu.memory_space<vmem>>
      %dma_start3A_532 = arith.constant 0 : i32
      %dma_start3A_533 = arith.constant 0 : i32
      %dma_start3A_534 = tpu.memref_slice %arg15[%dma_start3A_532, %dma_start3A_533] : memref<10112x64xf32, #tpu.memory_space<vmem_shared>> -> memref<10112x64xf32, #tpu.memory_space<vmem_shared>>
      tpu.enqueue_indirect_dma source(%arg10 : memref<250x64xf32, #tpu.memory_space<vmem>>) target(%dma_start3A_534 : memref<10112x64xf32, #tpu.memory_space<vmem_shared>>) offsets(%dma_start3A_531 : memref<250xi32, #tpu.memory_space<vmem>>) semaphore(%arg14 : memref<!tpu.dma_semaphore, #tpu.memory_space<semaphore_mem>>) {add = true}
      %add3A_535 = arith.constant 1 : i32
      %add3A_536 = arith.addi %add3A_514, %add3A_535 : i32
      %dma_start3A_537 = arith.constant 0 : i32
      %dma_start3A_538 = tpu.memref_slice %arg7[%add3A_536, %dma_start3A_537] : memref<20x250xi32, #tpu.memory_space<vmem>> -> memref<1x250xi32, #tpu.memory_space<vmem>>
      %dma_start3A_539 = tpu.memref_squeeze %dma_start3A_538 : memref<1x250xi32, #tpu.memory_space<vmem>> -> memref<250xi32, #tpu.memory_space<vmem>>
      %dma_start3A_540 = arith.constant 0 : i32
      %dma_start3A_541 = arith.constant 0 : i32
      %dma_start3A_542 = tpu.memref_slice %arg16[%dma_start3A_540, %dma_start3A_541] : memref<10112x64xf32, #tpu.memory_space<vmem_shared>> -> memref<10112x64xf32, #tpu.memory_space<vmem_shared>>
      tpu.enqueue_indirect_dma source(%dma_start3A_542 : memref<10112x64xf32, #tpu.memory_space<vmem_shared>>) target(%arg9 : memref<250x64xf32, #tpu.memory_space<vmem>>) offsets(%dma_start3A_539 : memref<250xi32, #tpu.memory_space<vmem>>) semaphore(%arg11 : memref<!tpu.dma_semaphore, #tpu.memory_space<semaphore_mem>>)
      %dma_wait3A_543 = arith.constant 0 : i32
      %dma_wait3A_544 = arith.constant 0 : i32
      %dma_wait3A_545 = tpu.memref_slice %arg7[%dma_wait3A_543, %dma_wait3A_544] : memref<20x250xi32, #tpu.memory_space<vmem>> -> memref<1x250xi32, #tpu.memory_space<vmem>>
      %dma_wait3A_546 = tpu.memref_squeeze %dma_wait3A_545 : memref<1x250xi32, #tpu.memory_space<vmem>> -> memref<250xi32, #tpu.memory_space<vmem>>
      %dma_wait3A_547 = arith.constant 0 : i32
      %dma_wait3A_548 = arith.constant 0 : i32
      %dma_wait3A_549 = tpu.memref_slice %arg16[%dma_wait3A_547, %dma_wait3A_548] : memref<10112x64xf32, #tpu.memory_space<vmem_shared>> -> memref<10112x64xf32, #tpu.memory_space<vmem_shared>>
      tpu.wait_indirect_dma semaphore(%arg11 : memref<!tpu.dma_semaphore, #tpu.memory_space<semaphore_mem>>) src(%dma_wait3A_549 : memref<10112x64xf32, #tpu.memory_space<vmem_shared>>) dst(%arg9 : memref<250x64xf32, #tpu.memory_space<vmem>>)
      %add3A_550 = arith.constant 1 : i32
      %add3A_551 = arith.addi %add3A_514, %add3A_550 : i32
      %dma_start3A_552 = arith.constant 0 : i32
      %dma_start3A_553 = tpu.memref_slice %arg8[%add3A_551, %dma_start3A_552] : memref<20x250xi32, #tpu.memory_space<vmem>> -> memref<1x250xi32, #tpu.memory_space<vmem>>
      %dma_start3A_554 = tpu.memref_squeeze %dma_start3A_553 : memref<1x250xi32, #tpu.memory_space<vmem>> -> memref<250xi32, #tpu.memory_space<vmem>>
      %dma_start3A_555 = arith.constant 0 : i32
      %dma_start3A_556 = arith.constant 0 : i32
      %dma_start3A_557 = tpu.memref_slice %arg15[%dma_start3A_555, %dma_start3A_556] : memref<10112x64xf32, #tpu.memory_space<vmem_shared>> -> memref<10112x64xf32, #tpu.memory_space<vmem_shared>>
      tpu.enqueue_indirect_dma source(%arg9 : memref<250x64xf32, #tpu.memory_space<vmem>>) target(%dma_start3A_557 : memref<10112x64xf32, #tpu.memory_space<vmem_shared>>) offsets(%dma_start3A_554 : memref<250xi32, #tpu.memory_space<vmem>>) semaphore(%arg13 : memref<!tpu.dma_semaphore, #tpu.memory_space<semaphore_mem>>) {add = true}
      %dma_wait3A_558 = arith.constant 0 : i32
      %dma_wait3A_559 = arith.constant 0 : i32
      %dma_wait3A_560 = tpu.memref_slice %arg8[%dma_wait3A_558, %dma_wait3A_559] : memref<20x250xi32, #tpu.memory_space<vmem>> -> memref<1x250xi32, #tpu.memory_space<vmem>>
      %dma_wait3A_561 = tpu.memref_squeeze %dma_wait3A_560 : memref<1x250xi32, #tpu.memory_space<vmem>> -> memref<250xi32, #tpu.memory_space<vmem>>
      %dma_wait3A_562 = arith.constant 0 : i32
      %dma_wait3A_563 = arith.constant 0 : i32
      %dma_wait3A_564 = tpu.memref_slice %arg15[%dma_wait3A_562, %dma_wait3A_563] : memref<10112x64xf32, #tpu.memory_space<vmem_shared>> -> memref<10112x64xf32, #tpu.memory_space<vmem_shared>>
      tpu.wait_indirect_dma semaphore(%arg14 : memref<!tpu.dma_semaphore, #tpu.memory_space<semaphore_mem>>) src(%arg10 : memref<250x64xf32, #tpu.memory_space<vmem>>) dst(%dma_wait3A_564 : memref<10112x64xf32, #tpu.memory_space<vmem_shared>>)
      %add3A_565 = arith.constant 2 : i32
      %add3A_566 = arith.addi %add3A_514, %add3A_565 : i32
      %dma_start3A_567 = arith.constant 0 : i32
      %dma_start3A_568 = tpu.memref_slice %arg7[%add3A_566, %dma_start3A_567] : memref<20x250xi32, #tpu.memory_space<vmem>> -> memref<1x250xi32, #tpu.memory_space<vmem>>
      %dma_start3A_569 = tpu.memref_squeeze %dma_start3A_568 : memref<1x250xi32, #tpu.memory_space<vmem>> -> memref<250xi32, #tpu.memory_space<vmem>>
      %dma_start3A_570 = arith.constant 0 : i32
      %dma_start3A_571 = arith.constant 0 : i32
      %dma_start3A_572 = tpu.memref_slice %arg16[%dma_start3A_570, %dma_start3A_571] : memref<10112x64xf32, #tpu.memory_space<vmem_shared>> -> memref<10112x64xf32, #tpu.memory_space<vmem_shared>>
      tpu.enqueue_indirect_dma source(%dma_start3A_572 : memref<10112x64xf32, #tpu.memory_space<vmem_shared>>) target(%arg10 : memref<250x64xf32, #tpu.memory_space<vmem>>) offsets(%dma_start3A_569 : memref<250xi32, #tpu.memory_space<vmem>>) semaphore(%arg12 : memref<!tpu.dma_semaphore, #tpu.memory_space<semaphore_mem>>)
    }
    %scan3A_282 = arith.constant 9 : i32
    %dma_wait3A_283 = arith.constant 0 : i32
    %dma_wait3A_284 = arith.constant 0 : i32
    %dma_wait3A_285 = tpu.memref_slice %arg7[%dma_wait3A_283, %dma_wait3A_284] : memref<20x250xi32, #tpu.memory_space<vmem>> -> memref<1x250xi32, #tpu.memory_space<vmem>>
    %dma_wait3A_286 = tpu.memref_squeeze %dma_wait3A_285 : memref<1x250xi32, #tpu.memory_space<vmem>> -> memref<250xi32, #tpu.memory_space<vmem>>
    %dma_wait3A_287 = arith.constant 0 : i32
    %dma_wait3A_288 = arith.constant 0 : i32
    %dma_wait3A_289 = tpu.memref_slice %arg16[%dma_wait3A_287, %dma_wait3A_288] : memref<10112x64xf32, #tpu.memory_space<vmem_shared>> -> memref<10112x64xf32, #tpu.memory_space<vmem_shared>>
    tpu.wait_indirect_dma semaphore(%arg12 : memref<!tpu.dma_semaphore, #tpu.memory_space<semaphore_mem>>) src(%dma_wait3A_289 : memref<10112x64xf32, #tpu.memory_space<vmem_shared>>) dst(%arg10 : memref<250x64xf32, #tpu.memory_space<vmem>>)
    %dma_wait3A_290 = arith.constant 0 : i32
    %dma_wait3A_291 = arith.constant 0 : i32
    %dma_wait3A_292 = tpu.memref_slice %arg8[%dma_wait3A_290, %dma_wait3A_291] : memref<20x250xi32, #tpu.memory_space<vmem>> -> memref<1x250xi32, #tpu.memory_space<vmem>>
    %dma_wait3A_293 = tpu.memref_squeeze %dma_wait3A_292 : memref<1x250xi32, #tpu.memory_space<vmem>> -> memref<250xi32, #tpu.memory_space<vmem>>
    %dma_wait3A_294 = arith.constant 0 : i32
    %dma_wait3A_295 = arith.constant 0 : i32
    %dma_wait3A_296 = tpu.memref_slice %arg15[%dma_wait3A_294, %dma_wait3A_295] : memref<10112x64xf32, #tpu.memory_space<vmem_shared>> -> memref<10112x64xf32, #tpu.memory_space<vmem_shared>>
    tpu.wait_indirect_dma semaphore(%arg13 : memref<!tpu.dma_semaphore, #tpu.memory_space<semaphore_mem>>) src(%arg9 : memref<250x64xf32, #tpu.memory_space<vmem>>) dst(%dma_wait3A_296 : memref<10112x64xf32, #tpu.memory_space<vmem_shared>>)
    %dma_start3A_297 = arith.constant 19 : i32
    %dma_start3A_298 = arith.constant 0 : i32
    %dma_start3A_299 = tpu.memref_slice %arg8[%dma_start3A_297, %dma_start3A_298] : memref<20x250xi32, #tpu.memory_space<vmem>> -> memref<1x250xi32, #tpu.memory_space<vmem>>
    %dma_start3A_300 = tpu.memref_squeeze %dma_start3A_299 : memref<1x250xi32, #tpu.memory_space<vmem>> -> memref<250xi32, #tpu.memory_space<vmem>>
    %dma_start3A_301 = arith.constant 0 : i32
    %dma_start3A_302 = arith.constant 0 : i32
    %dma_start3A_303 = tpu.memref_slice %arg15[%dma_start3A_301, %dma_start3A_302] : memref<10112x64xf32, #tpu.memory_space<vmem_shared>> -> memref<10112x64xf32, #tpu.memory_space<vmem_shared>>
    tpu.enqueue_indirect_dma source(%arg10 : memref<250x64xf32, #tpu.memory_space<vmem>>) target(%dma_start3A_303 : memref<10112x64xf32, #tpu.memory_space<vmem_shared>>) offsets(%dma_start3A_300 : memref<250xi32, #tpu.memory_space<vmem>>) semaphore(%arg14 : memref<!tpu.dma_semaphore, #tpu.memory_space<semaphore_mem>>) {add = true}
    %dma_wait3A_304 = arith.constant 0 : i32
    %dma_wait3A_305 = arith.constant 0 : i32
    %dma_wait3A_306 = tpu.memref_slice %arg8[%dma_wait3A_304, %dma_wait3A_305] : memref<20x250xi32, #tpu.memory_space<vmem>> -> memref<1x250xi32, #tpu.memory_space<vmem>>
    %dma_wait3A_307 = tpu.memref_squeeze %dma_wait3A_306 : memref<1x250xi32, #tpu.memory_space<vmem>> -> memref<250xi32, #tpu.memory_space<vmem>>
    %dma_wait3A_308 = arith.constant 0 : i32
    %dma_wait3A_309 = arith.constant 0 : i32
    %dma_wait3A_310 = tpu.memref_slice %arg15[%dma_wait3A_308, %dma_wait3A_309] : memref<10112x64xf32, #tpu.memory_space<vmem_shared>> -> memref<10112x64xf32, #tpu.memory_space<vmem_shared>>
    tpu.wait_indirect_dma semaphore(%arg14 : memref<!tpu.dma_semaphore, #tpu.memory_space<semaphore_mem>>) src(%arg10 : memref<250x64xf32, #tpu.memory_space<vmem>>) dst(%dma_wait3A_310 : memref<10112x64xf32, #tpu.memory_space<vmem_shared>>)
    "tpu.region"() ({
      %run_scoped3A = tpu.sem_alloc : memref<!tpu.dma_semaphore, #tpu.memory_space<semaphore_mem>>
      %dma_start3A_507 = arith.constant 20 : i32
      %dma_start3A_508 = arith.constant 0 : i32
      %dma_start3A_509 = tpu.memref_slice %arg3[%arg1, %dma_start3A_507, %dma_start3A_508] : memref<16x80x250xi32, #tpu.memory_space<hbm>> -> memref<1x20x250xi32, #tpu.memory_space<hbm>>
      %dma_start3A_510 = tpu.memref_squeeze %dma_start3A_509 : memref<1x20x250xi32, #tpu.memory_space<hbm>> -> memref<20x250xi32, #tpu.memory_space<hbm>>
      %dma_start3A_511 = arith.constant 20 : i32
      %dma_start3A_512 = arith.constant 0 : i32
      %dma_start3A_513 = tpu.memref_slice %arg3[%arg1, %dma_start3A_511, %dma_start3A_512] : memref<16x80x250xi32, #tpu.memory_space<hbm>> -> memref<1x20x250xi32, #tpu.memory_space<hbm>>
      %dma_start3A_514 = tpu.memref_squeeze %dma_start3A_513 : memref<1x20x250xi32, #tpu.memory_space<hbm>> -> memref<20x250xi32, #tpu.memory_space<hbm>>
      tpu.enqueue_dma source(%dma_start3A_514 : memref<20x250xi32, #tpu.memory_space<hbm>>) target(%arg7 : memref<20x250xi32, #tpu.memory_space<vmem>>) target_semaphore(%run_scoped3A : memref<!tpu.dma_semaphore, #tpu.memory_space<semaphore_mem>>)
      %dma_wait3A_515 = arith.constant 20 : i32
      %dma_wait3A_516 = arith.constant 0 : i32
      %dma_wait3A_517 = tpu.memref_slice %arg3[%arg1, %dma_wait3A_515, %dma_wait3A_516] : memref<16x80x250xi32, #tpu.memory_space<hbm>> -> memref<1x20x250xi32, #tpu.memory_space<hbm>>
      %dma_wait3A_518 = tpu.memref_squeeze %dma_wait3A_517 : memref<1x20x250xi32, #tpu.memory_space<hbm>> -> memref<20x250xi32, #tpu.memory_space<hbm>>
      %dma_wait3A_519 = arith.constant 20 : i32
      %dma_wait3A_520 = arith.constant 0 : i32
      %dma_wait3A_521 = tpu.memref_slice %arg3[%arg1, %dma_wait3A_519, %dma_wait3A_520] : memref<16x80x250xi32, #tpu.memory_space<hbm>> -> memref<1x20x250xi32, #tpu.memory_space<hbm>>
      %dma_wait3A_522 = tpu.memref_squeeze %dma_wait3A_521 : memref<1x20x250xi32, #tpu.memory_space<hbm>> -> memref<20x250xi32, #tpu.memory_space<hbm>>
      tpu.wait_dma2 semaphore(%run_scoped3A : memref<!tpu.dma_semaphore, #tpu.memory_space<semaphore_mem>>) src(%dma_wait3A_522 : memref<20x250xi32, #tpu.memory_space<hbm>>) dst(%arg7 : memref<20x250xi32, #tpu.memory_space<vmem>>)
      tpu.yield
    }) : () -> ()
    "tpu.region"() ({
      %run_scoped3A = tpu.sem_alloc : memref<!tpu.dma_semaphore, #tpu.memory_space<semaphore_mem>>
      %dma_start3A_507 = arith.constant 20 : i32
      %dma_start3A_508 = arith.constant 0 : i32
      %dma_start3A_509 = tpu.memref_slice %arg4[%arg1, %dma_start3A_507, %dma_start3A_508] : memref<16x80x250xi32, #tpu.memory_space<hbm>> -> memref<1x20x250xi32, #tpu.memory_space<hbm>>
      %dma_start3A_510 = tpu.memref_squeeze %dma_start3A_509 : memref<1x20x250xi32, #tpu.memory_space<hbm>> -> memref<20x250xi32, #tpu.memory_space<hbm>>
      %dma_start3A_511 = arith.constant 20 : i32
      %dma_start3A_512 = arith.constant 0 : i32
      %dma_start3A_513 = tpu.memref_slice %arg4[%arg1, %dma_start3A_511, %dma_start3A_512] : memref<16x80x250xi32, #tpu.memory_space<hbm>> -> memref<1x20x250xi32, #tpu.memory_space<hbm>>
      %dma_start3A_514 = tpu.memref_squeeze %dma_start3A_513 : memref<1x20x250xi32, #tpu.memory_space<hbm>> -> memref<20x250xi32, #tpu.memory_space<hbm>>
      tpu.enqueue_dma source(%dma_start3A_514 : memref<20x250xi32, #tpu.memory_space<hbm>>) target(%arg8 : memref<20x250xi32, #tpu.memory_space<vmem>>) target_semaphore(%run_scoped3A : memref<!tpu.dma_semaphore, #tpu.memory_space<semaphore_mem>>)
      %dma_wait3A_515 = arith.constant 20 : i32
      %dma_wait3A_516 = arith.constant 0 : i32
      %dma_wait3A_517 = tpu.memref_slice %arg4[%arg1, %dma_wait3A_515, %dma_wait3A_516] : memref<16x80x250xi32, #tpu.memory_space<hbm>> -> memref<1x20x250xi32, #tpu.memory_space<hbm>>
      %dma_wait3A_518 = tpu.memref_squeeze %dma_wait3A_517 : memref<1x20x250xi32, #tpu.memory_space<hbm>> -> memref<20x250xi32, #tpu.memory_space<hbm>>
      %dma_wait3A_519 = arith.constant 20 : i32
      %dma_wait3A_520 = arith.constant 0 : i32
      %dma_wait3A_521 = tpu.memref_slice %arg4[%arg1, %dma_wait3A_519, %dma_wait3A_520] : memref<16x80x250xi32, #tpu.memory_space<hbm>> -> memref<1x20x250xi32, #tpu.memory_space<hbm>>
      %dma_wait3A_522 = tpu.memref_squeeze %dma_wait3A_521 : memref<1x20x250xi32, #tpu.memory_space<hbm>> -> memref<20x250xi32, #tpu.memory_space<hbm>>
      tpu.wait_dma2 semaphore(%run_scoped3A : memref<!tpu.dma_semaphore, #tpu.memory_space<semaphore_mem>>) src(%dma_wait3A_522 : memref<20x250xi32, #tpu.memory_space<hbm>>) dst(%arg8 : memref<20x250xi32, #tpu.memory_space<vmem>>)
      tpu.yield
    }) : () -> ()
    %dma_start3A_311 = arith.constant 0 : i32
    %dma_start3A_312 = arith.constant 0 : i32
    %dma_start3A_313 = tpu.memref_slice %arg7[%dma_start3A_311, %dma_start3A_312] : memref<20x250xi32, #tpu.memory_space<vmem>> -> memref<1x250xi32, #tpu.memory_space<vmem>>
    %dma_start3A_314 = tpu.memref_squeeze %dma_start3A_313 : memref<1x250xi32, #tpu.memory_space<vmem>> -> memref<250xi32, #tpu.memory_space<vmem>>
    %dma_start3A_315 = arith.constant 0 : i32
    %dma_start3A_316 = arith.constant 0 : i32
    %dma_start3A_317 = tpu.memref_slice %arg16[%dma_start3A_315, %dma_start3A_316] : memref<10112x64xf32, #tpu.memory_space<vmem_shared>> -> memref<10112x64xf32, #tpu.memory_space<vmem_shared>>
    tpu.enqueue_indirect_dma source(%dma_start3A_317 : memref<10112x64xf32, #tpu.memory_space<vmem_shared>>) target(%arg9 : memref<250x64xf32, #tpu.memory_space<vmem>>) offsets(%dma_start3A_314 : memref<250xi32, #tpu.memory_space<vmem>>) semaphore(%arg11 : memref<!tpu.dma_semaphore, #tpu.memory_space<semaphore_mem>>)
    %dma_wait3A_318 = arith.constant 0 : i32
    %dma_wait3A_319 = arith.constant 0 : i32
    %dma_wait3A_320 = tpu.memref_slice %arg7[%dma_wait3A_318, %dma_wait3A_319] : memref<20x250xi32, #tpu.memory_space<vmem>> -> memref<1x250xi32, #tpu.memory_space<vmem>>
    %dma_wait3A_321 = tpu.memref_squeeze %dma_wait3A_320 : memref<1x250xi32, #tpu.memory_space<vmem>> -> memref<250xi32, #tpu.memory_space<vmem>>
    %dma_wait3A_322 = arith.constant 0 : i32
    %dma_wait3A_323 = arith.constant 0 : i32
    %dma_wait3A_324 = tpu.memref_slice %arg16[%dma_wait3A_322, %dma_wait3A_323] : memref<10112x64xf32, #tpu.memory_space<vmem_shared>> -> memref<10112x64xf32, #tpu.memory_space<vmem_shared>>
    tpu.wait_indirect_dma semaphore(%arg11 : memref<!tpu.dma_semaphore, #tpu.memory_space<semaphore_mem>>) src(%dma_wait3A_324 : memref<10112x64xf32, #tpu.memory_space<vmem_shared>>) dst(%arg9 : memref<250x64xf32, #tpu.memory_space<vmem>>)
    %dma_start3A_325 = arith.constant 0 : i32
    %dma_start3A_326 = arith.constant 0 : i32
    %dma_start3A_327 = tpu.memref_slice %arg8[%dma_start3A_325, %dma_start3A_326] : memref<20x250xi32, #tpu.memory_space<vmem>> -> memref<1x250xi32, #tpu.memory_space<vmem>>
    %dma_start3A_328 = tpu.memref_squeeze %dma_start3A_327 : memref<1x250xi32, #tpu.memory_space<vmem>> -> memref<250xi32, #tpu.memory_space<vmem>>
    %dma_start3A_329 = arith.constant 0 : i32
    %dma_start3A_330 = arith.constant 0 : i32
    %dma_start3A_331 = tpu.memref_slice %arg15[%dma_start3A_329, %dma_start3A_330] : memref<10112x64xf32, #tpu.memory_space<vmem_shared>> -> memref<10112x64xf32, #tpu.memory_space<vmem_shared>>
    tpu.enqueue_indirect_dma source(%arg9 : memref<250x64xf32, #tpu.memory_space<vmem>>) target(%dma_start3A_331 : memref<10112x64xf32, #tpu.memory_space<vmem_shared>>) offsets(%dma_start3A_328 : memref<250xi32, #tpu.memory_space<vmem>>) semaphore(%arg13 : memref<!tpu.dma_semaphore, #tpu.memory_space<semaphore_mem>>) {add = true}
    %dma_start3A_332 = arith.constant 1 : i32
    %dma_start3A_333 = arith.constant 0 : i32
    %dma_start3A_334 = tpu.memref_slice %arg7[%dma_start3A_332, %dma_start3A_333] : memref<20x250xi32, #tpu.memory_space<vmem>> -> memref<1x250xi32, #tpu.memory_space<vmem>>
    %dma_start3A_335 = tpu.memref_squeeze %dma_start3A_334 : memref<1x250xi32, #tpu.memory_space<vmem>> -> memref<250xi32, #tpu.memory_space<vmem>>
    %dma_start3A_336 = arith.constant 0 : i32
    %dma_start3A_337 = arith.constant 0 : i32
    %dma_start3A_338 = tpu.memref_slice %arg16[%dma_start3A_336, %dma_start3A_337] : memref<10112x64xf32, #tpu.memory_space<vmem_shared>> -> memref<10112x64xf32, #tpu.memory_space<vmem_shared>>
    tpu.enqueue_indirect_dma source(%dma_start3A_338 : memref<10112x64xf32, #tpu.memory_space<vmem_shared>>) target(%arg10 : memref<250x64xf32, #tpu.memory_space<vmem>>) offsets(%dma_start3A_335 : memref<250xi32, #tpu.memory_space<vmem>>) semaphore(%arg12 : memref<!tpu.dma_semaphore, #tpu.memory_space<semaphore_mem>>)
    %scan3A_339 = arith.constant 0 : i32
    %scan3A_340 = arith.constant 9 : i32
    %scan3A_341 = arith.addi %scan3A_339, %scan3A_340 : i32
    %scan3A_342 = arith.constant 1 : i32
    scf.for %scan3A_507 = %scan3A_339 to %scan3A_341 step %scan3A_342  : i32 {
      %mul3A_508 = arith.constant 1 : i32
      %mul3A_509 = arith.muli %scan3A_507, %mul3A_508 : i32
      %add3A = arith.constant 0 : i32
      %add3A_510 = arith.addi %add3A, %mul3A_509 : i32
      %mul3A_511 = arith.constant 2 : i32
      %mul3A_512 = arith.muli %mul3A_511, %add3A_510 : i32
      %add3A_513 = arith.constant 1 : i32
      %add3A_514 = arith.addi %mul3A_512, %add3A_513 : i32
      %dma_wait3A_515 = arith.constant 0 : i32
      %dma_wait3A_516 = arith.constant 0 : i32
      %dma_wait3A_517 = tpu.memref_slice %arg7[%dma_wait3A_515, %dma_wait3A_516] : memref<20x250xi32, #tpu.memory_space<vmem>> -> memref<1x250xi32, #tpu.memory_space<vmem>>
      %dma_wait3A_518 = tpu.memref_squeeze %dma_wait3A_517 : memref<1x250xi32, #tpu.memory_space<vmem>> -> memref<250xi32, #tpu.memory_space<vmem>>
      %dma_wait3A_519 = arith.constant 0 : i32
      %dma_wait3A_520 = arith.constant 0 : i32
      %dma_wait3A_521 = tpu.memref_slice %arg16[%dma_wait3A_519, %dma_wait3A_520] : memref<10112x64xf32, #tpu.memory_space<vmem_shared>> -> memref<10112x64xf32, #tpu.memory_space<vmem_shared>>
      tpu.wait_indirect_dma semaphore(%arg12 : memref<!tpu.dma_semaphore, #tpu.memory_space<semaphore_mem>>) src(%dma_wait3A_521 : memref<10112x64xf32, #tpu.memory_space<vmem_shared>>) dst(%arg10 : memref<250x64xf32, #tpu.memory_space<vmem>>)
      %dma_wait3A_522 = arith.constant 0 : i32
      %dma_wait3A_523 = arith.constant 0 : i32
      %dma_wait3A_524 = tpu.memref_slice %arg8[%dma_wait3A_522, %dma_wait3A_523] : memref<20x250xi32, #tpu.memory_space<vmem>> -> memref<1x250xi32, #tpu.memory_space<vmem>>
      %dma_wait3A_525 = tpu.memref_squeeze %dma_wait3A_524 : memref<1x250xi32, #tpu.memory_space<vmem>> -> memref<250xi32, #tpu.memory_space<vmem>>
      %dma_wait3A_526 = arith.constant 0 : i32
      %dma_wait3A_527 = arith.constant 0 : i32
      %dma_wait3A_528 = tpu.memref_slice %arg15[%dma_wait3A_526, %dma_wait3A_527] : memref<10112x64xf32, #tpu.memory_space<vmem_shared>> -> memref<10112x64xf32, #tpu.memory_space<vmem_shared>>
      tpu.wait_indirect_dma semaphore(%arg13 : memref<!tpu.dma_semaphore, #tpu.memory_space<semaphore_mem>>) src(%arg9 : memref<250x64xf32, #tpu.memory_space<vmem>>) dst(%dma_wait3A_528 : memref<10112x64xf32, #tpu.memory_space<vmem_shared>>)
      %dma_start3A_529 = arith.constant 0 : i32
      %dma_start3A_530 = tpu.memref_slice %arg8[%add3A_514, %dma_start3A_529] : memref<20x250xi32, #tpu.memory_space<vmem>> -> memref<1x250xi32, #tpu.memory_space<vmem>>
      %dma_start3A_531 = tpu.memref_squeeze %dma_start3A_530 : memref<1x250xi32, #tpu.memory_space<vmem>> -> memref<250xi32, #tpu.memory_space<vmem>>
      %dma_start3A_532 = arith.constant 0 : i32
      %dma_start3A_533 = arith.constant 0 : i32
      %dma_start3A_534 = tpu.memref_slice %arg15[%dma_start3A_532, %dma_start3A_533] : memref<10112x64xf32, #tpu.memory_space<vmem_shared>> -> memref<10112x64xf32, #tpu.memory_space<vmem_shared>>
      tpu.enqueue_indirect_dma source(%arg10 : memref<250x64xf32, #tpu.memory_space<vmem>>) target(%dma_start3A_534 : memref<10112x64xf32, #tpu.memory_space<vmem_shared>>) offsets(%dma_start3A_531 : memref<250xi32, #tpu.memory_space<vmem>>) semaphore(%arg14 : memref<!tpu.dma_semaphore, #tpu.memory_space<semaphore_mem>>) {add = true}
      %add3A_535 = arith.constant 1 : i32
      %add3A_536 = arith.addi %add3A_514, %add3A_535 : i32
      %dma_start3A_537 = arith.constant 0 : i32
      %dma_start3A_538 = tpu.memref_slice %arg7[%add3A_536, %dma_start3A_537] : memref<20x250xi32, #tpu.memory_space<vmem>> -> memref<1x250xi32, #tpu.memory_space<vmem>>
      %dma_start3A_539 = tpu.memref_squeeze %dma_start3A_538 : memref<1x250xi32, #tpu.memory_space<vmem>> -> memref<250xi32, #tpu.memory_space<vmem>>
      %dma_start3A_540 = arith.constant 0 : i32
      %dma_start3A_541 = arith.constant 0 : i32
      %dma_start3A_542 = tpu.memref_slice %arg16[%dma_start3A_540, %dma_start3A_541] : memref<10112x64xf32, #tpu.memory_space<vmem_shared>> -> memref<10112x64xf32, #tpu.memory_space<vmem_shared>>
      tpu.enqueue_indirect_dma source(%dma_start3A_542 : memref<10112x64xf32, #tpu.memory_space<vmem_shared>>) target(%arg9 : memref<250x64xf32, #tpu.memory_space<vmem>>) offsets(%dma_start3A_539 : memref<250xi32, #tpu.memory_space<vmem>>) semaphore(%arg11 : memref<!tpu.dma_semaphore, #tpu.memory_space<semaphore_mem>>)
      %dma_wait3A_543 = arith.constant 0 : i32
      %dma_wait3A_544 = arith.constant 0 : i32
      %dma_wait3A_545 = tpu.memref_slice %arg7[%dma_wait3A_543, %dma_wait3A_544] : memref<20x250xi32, #tpu.memory_space<vmem>> -> memref<1x250xi32, #tpu.memory_space<vmem>>
      %dma_wait3A_546 = tpu.memref_squeeze %dma_wait3A_545 : memref<1x250xi32, #tpu.memory_space<vmem>> -> memref<250xi32, #tpu.memory_space<vmem>>
      %dma_wait3A_547 = arith.constant 0 : i32
      %dma_wait3A_548 = arith.constant 0 : i32
      %dma_wait3A_549 = tpu.memref_slice %arg16[%dma_wait3A_547, %dma_wait3A_548] : memref<10112x64xf32, #tpu.memory_space<vmem_shared>> -> memref<10112x64xf32, #tpu.memory_space<vmem_shared>>
      tpu.wait_indirect_dma semaphore(%arg11 : memref<!tpu.dma_semaphore, #tpu.memory_space<semaphore_mem>>) src(%dma_wait3A_549 : memref<10112x64xf32, #tpu.memory_space<vmem_shared>>) dst(%arg9 : memref<250x64xf32, #tpu.memory_space<vmem>>)
      %add3A_550 = arith.constant 1 : i32
      %add3A_551 = arith.addi %add3A_514, %add3A_550 : i32
      %dma_start3A_552 = arith.constant 0 : i32
      %dma_start3A_553 = tpu.memref_slice %arg8[%add3A_551, %dma_start3A_552] : memref<20x250xi32, #tpu.memory_space<vmem>> -> memref<1x250xi32, #tpu.memory_space<vmem>>
      %dma_start3A_554 = tpu.memref_squeeze %dma_start3A_553 : memref<1x250xi32, #tpu.memory_space<vmem>> -> memref<250xi32, #tpu.memory_space<vmem>>
      %dma_start3A_555 = arith.constant 0 : i32
      %dma_start3A_556 = arith.constant 0 : i32
      %dma_start3A_557 = tpu.memref_slice %arg15[%dma_start3A_555, %dma_start3A_556] : memref<10112x64xf32, #tpu.memory_space<vmem_shared>> -> memref<10112x64xf32, #tpu.memory_space<vmem_shared>>
      tpu.enqueue_indirect_dma source(%arg9 : memref<250x64xf32, #tpu.memory_space<vmem>>) target(%dma_start3A_557 : memref<10112x64xf32, #tpu.memory_space<vmem_shared>>) offsets(%dma_start3A_554 : memref<250xi32, #tpu.memory_space<vmem>>) semaphore(%arg13 : memref<!tpu.dma_semaphore, #tpu.memory_space<semaphore_mem>>) {add = true}
      %dma_wait3A_558 = arith.constant 0 : i32
      %dma_wait3A_559 = arith.constant 0 : i32
      %dma_wait3A_560 = tpu.memref_slice %arg8[%dma_wait3A_558, %dma_wait3A_559] : memref<20x250xi32, #tpu.memory_space<vmem>> -> memref<1x250xi32, #tpu.memory_space<vmem>>
      %dma_wait3A_561 = tpu.memref_squeeze %dma_wait3A_560 : memref<1x250xi32, #tpu.memory_space<vmem>> -> memref<250xi32, #tpu.memory_space<vmem>>
      %dma_wait3A_562 = arith.constant 0 : i32
      %dma_wait3A_563 = arith.constant 0 : i32
      %dma_wait3A_564 = tpu.memref_slice %arg15[%dma_wait3A_562, %dma_wait3A_563] : memref<10112x64xf32, #tpu.memory_space<vmem_shared>> -> memref<10112x64xf32, #tpu.memory_space<vmem_shared>>
      tpu.wait_indirect_dma semaphore(%arg14 : memref<!tpu.dma_semaphore, #tpu.memory_space<semaphore_mem>>) src(%arg10 : memref<250x64xf32, #tpu.memory_space<vmem>>) dst(%dma_wait3A_564 : memref<10112x64xf32, #tpu.memory_space<vmem_shared>>)
      %add3A_565 = arith.constant 2 : i32
      %add3A_566 = arith.addi %add3A_514, %add3A_565 : i32
      %dma_start3A_567 = arith.constant 0 : i32
      %dma_start3A_568 = tpu.memref_slice %arg7[%add3A_566, %dma_start3A_567] : memref<20x250xi32, #tpu.memory_space<vmem>> -> memref<1x250xi32, #tpu.memory_space<vmem>>
      %dma_start3A_569 = tpu.memref_squeeze %dma_start3A_568 : memref<1x250xi32, #tpu.memory_space<vmem>> -> memref<250xi32, #tpu.memory_space<vmem>>
      %dma_start3A_570 = arith.constant 0 : i32
      %dma_start3A_571 = arith.constant 0 : i32
      %dma_start3A_572 = tpu.memref_slice %arg16[%dma_start3A_570, %dma_start3A_571] : memref<10112x64xf32, #tpu.memory_space<vmem_shared>> -> memref<10112x64xf32, #tpu.memory_space<vmem_shared>>
      tpu.enqueue_indirect_dma source(%dma_start3A_572 : memref<10112x64xf32, #tpu.memory_space<vmem_shared>>) target(%arg10 : memref<250x64xf32, #tpu.memory_space<vmem>>) offsets(%dma_start3A_569 : memref<250xi32, #tpu.memory_space<vmem>>) semaphore(%arg12 : memref<!tpu.dma_semaphore, #tpu.memory_space<semaphore_mem>>)
    }
    %scan3A_343 = arith.constant 9 : i32
    %dma_wait3A_344 = arith.constant 0 : i32
    %dma_wait3A_345 = arith.constant 0 : i32
    %dma_wait3A_346 = tpu.memref_slice %arg7[%dma_wait3A_344, %dma_wait3A_345] : memref<20x250xi32, #tpu.memory_space<vmem>> -> memref<1x250xi32, #tpu.memory_space<vmem>>
    %dma_wait3A_347 = tpu.memref_squeeze %dma_wait3A_346 : memref<1x250xi32, #tpu.memory_space<vmem>> -> memref<250xi32, #tpu.memory_space<vmem>>
    %dma_wait3A_348 = arith.constant 0 : i32
    %dma_wait3A_349 = arith.constant 0 : i32
    %dma_wait3A_350 = tpu.memref_slice %arg16[%dma_wait3A_348, %dma_wait3A_349] : memref<10112x64xf32, #tpu.memory_space<vmem_shared>> -> memref<10112x64xf32, #tpu.memory_space<vmem_shared>>
    tpu.wait_indirect_dma semaphore(%arg12 : memref<!tpu.dma_semaphore, #tpu.memory_space<semaphore_mem>>) src(%dma_wait3A_350 : memref<10112x64xf32, #tpu.memory_space<vmem_shared>>) dst(%arg10 : memref<250x64xf32, #tpu.memory_space<vmem>>)
    %dma_wait3A_351 = arith.constant 0 : i32
    %dma_wait3A_352 = arith.constant 0 : i32
    %dma_wait3A_353 = tpu.memref_slice %arg8[%dma_wait3A_351, %dma_wait3A_352] : memref<20x250xi32, #tpu.memory_space<vmem>> -> memref<1x250xi32, #tpu.memory_space<vmem>>
    %dma_wait3A_354 = tpu.memref_squeeze %dma_wait3A_353 : memref<1x250xi32, #tpu.memory_space<vmem>> -> memref<250xi32, #tpu.memory_space<vmem>>
    %dma_wait3A_355 = arith.constant 0 : i32
    %dma_wait3A_356 = arith.constant 0 : i32
    %dma_wait3A_357 = tpu.memref_slice %arg15[%dma_wait3A_355, %dma_wait3A_356] : memref<10112x64xf32, #tpu.memory_space<vmem_shared>> -> memref<10112x64xf32, #tpu.memory_space<vmem_shared>>
    tpu.wait_indirect_dma semaphore(%arg13 : memref<!tpu.dma_semaphore, #tpu.memory_space<semaphore_mem>>) src(%arg9 : memref<250x64xf32, #tpu.memory_space<vmem>>) dst(%dma_wait3A_357 : memref<10112x64xf32, #tpu.memory_space<vmem_shared>>)
    %dma_start3A_358 = arith.constant 19 : i32
    %dma_start3A_359 = arith.constant 0 : i32
    %dma_start3A_360 = tpu.memref_slice %arg8[%dma_start3A_358, %dma_start3A_359] : memref<20x250xi32, #tpu.memory_space<vmem>> -> memref<1x250xi32, #tpu.memory_space<vmem>>
    %dma_start3A_361 = tpu.memref_squeeze %dma_start3A_360 : memref<1x250xi32, #tpu.memory_space<vmem>> -> memref<250xi32, #tpu.memory_space<vmem>>
    %dma_start3A_362 = arith.constant 0 : i32
    %dma_start3A_363 = arith.constant 0 : i32
    %dma_start3A_364 = tpu.memref_slice %arg15[%dma_start3A_362, %dma_start3A_363] : memref<10112x64xf32, #tpu.memory_space<vmem_shared>> -> memref<10112x64xf32, #tpu.memory_space<vmem_shared>>
    tpu.enqueue_indirect_dma source(%arg10 : memref<250x64xf32, #tpu.memory_space<vmem>>) target(%dma_start3A_364 : memref<10112x64xf32, #tpu.memory_space<vmem_shared>>) offsets(%dma_start3A_361 : memref<250xi32, #tpu.memory_space<vmem>>) semaphore(%arg14 : memref<!tpu.dma_semaphore, #tpu.memory_space<semaphore_mem>>) {add = true}
    %dma_wait3A_365 = arith.constant 0 : i32
    %dma_wait3A_366 = arith.constant 0 : i32
    %dma_wait3A_367 = tpu.memref_slice %arg8[%dma_wait3A_365, %dma_wait3A_366] : memref<20x250xi32, #tpu.memory_space<vmem>> -> memref<1x250xi32, #tpu.memory_space<vmem>>
    %dma_wait3A_368 = tpu.memref_squeeze %dma_wait3A_367 : memref<1x250xi32, #tpu.memory_space<vmem>> -> memref<250xi32, #tpu.memory_space<vmem>>
    %dma_wait3A_369 = arith.constant 0 : i32
    %dma_wait3A_370 = arith.constant 0 : i32
    %dma_wait3A_371 = tpu.memref_slice %arg15[%dma_wait3A_369, %dma_wait3A_370] : memref<10112x64xf32, #tpu.memory_space<vmem_shared>> -> memref<10112x64xf32, #tpu.memory_space<vmem_shared>>
    tpu.wait_indirect_dma semaphore(%arg14 : memref<!tpu.dma_semaphore, #tpu.memory_space<semaphore_mem>>) src(%arg10 : memref<250x64xf32, #tpu.memory_space<vmem>>) dst(%dma_wait3A_371 : memref<10112x64xf32, #tpu.memory_space<vmem_shared>>)
    "tpu.region"() ({
      %run_scoped3A = tpu.sem_alloc : memref<!tpu.dma_semaphore, #tpu.memory_space<semaphore_mem>>
      %dma_start3A_507 = arith.constant 40 : i32
      %dma_start3A_508 = arith.constant 0 : i32
      %dma_start3A_509 = tpu.memref_slice %arg3[%arg1, %dma_start3A_507, %dma_start3A_508] : memref<16x80x250xi32, #tpu.memory_space<hbm>> -> memref<1x20x250xi32, #tpu.memory_space<hbm>>
      %dma_start3A_510 = tpu.memref_squeeze %dma_start3A_509 : memref<1x20x250xi32, #tpu.memory_space<hbm>> -> memref<20x250xi32, #tpu.memory_space<hbm>>
      %dma_start3A_511 = arith.constant 40 : i32
      %dma_start3A_512 = arith.constant 0 : i32
      %dma_start3A_513 = tpu.memref_slice %arg3[%arg1, %dma_start3A_511, %dma_start3A_512] : memref<16x80x250xi32, #tpu.memory_space<hbm>> -> memref<1x20x250xi32, #tpu.memory_space<hbm>>
      %dma_start3A_514 = tpu.memref_squeeze %dma_start3A_513 : memref<1x20x250xi32, #tpu.memory_space<hbm>> -> memref<20x250xi32, #tpu.memory_space<hbm>>
      tpu.enqueue_dma source(%dma_start3A_514 : memref<20x250xi32, #tpu.memory_space<hbm>>) target(%arg7 : memref<20x250xi32, #tpu.memory_space<vmem>>) target_semaphore(%run_scoped3A : memref<!tpu.dma_semaphore, #tpu.memory_space<semaphore_mem>>)
      %dma_wait3A_515 = arith.constant 40 : i32
      %dma_wait3A_516 = arith.constant 0 : i32
      %dma_wait3A_517 = tpu.memref_slice %arg3[%arg1, %dma_wait3A_515, %dma_wait3A_516] : memref<16x80x250xi32, #tpu.memory_space<hbm>> -> memref<1x20x250xi32, #tpu.memory_space<hbm>>
      %dma_wait3A_518 = tpu.memref_squeeze %dma_wait3A_517 : memref<1x20x250xi32, #tpu.memory_space<hbm>> -> memref<20x250xi32, #tpu.memory_space<hbm>>
      %dma_wait3A_519 = arith.constant 40 : i32
      %dma_wait3A_520 = arith.constant 0 : i32
      %dma_wait3A_521 = tpu.memref_slice %arg3[%arg1, %dma_wait3A_519, %dma_wait3A_520] : memref<16x80x250xi32, #tpu.memory_space<hbm>> -> memref<1x20x250xi32, #tpu.memory_space<hbm>>
      %dma_wait3A_522 = tpu.memref_squeeze %dma_wait3A_521 : memref<1x20x250xi32, #tpu.memory_space<hbm>> -> memref<20x250xi32, #tpu.memory_space<hbm>>
      tpu.wait_dma2 semaphore(%run_scoped3A : memref<!tpu.dma_semaphore, #tpu.memory_space<semaphore_mem>>) src(%dma_wait3A_522 : memref<20x250xi32, #tpu.memory_space<hbm>>) dst(%arg7 : memref<20x250xi32, #tpu.memory_space<vmem>>)
      tpu.yield
    }) : () -> ()
    "tpu.region"() ({
      %run_scoped3A = tpu.sem_alloc : memref<!tpu.dma_semaphore, #tpu.memory_space<semaphore_mem>>
      %dma_start3A_507 = arith.constant 40 : i32
      %dma_start3A_508 = arith.constant 0 : i32
      %dma_start3A_509 = tpu.memref_slice %arg4[%arg1, %dma_start3A_507, %dma_start3A_508] : memref<16x80x250xi32, #tpu.memory_space<hbm>> -> memref<1x20x250xi32, #tpu.memory_space<hbm>>
      %dma_start3A_510 = tpu.memref_squeeze %dma_start3A_509 : memref<1x20x250xi32, #tpu.memory_space<hbm>> -> memref<20x250xi32, #tpu.memory_space<hbm>>
      %dma_start3A_511 = arith.constant 40 : i32
      %dma_start3A_512 = arith.constant 0 : i32
      %dma_start3A_513 = tpu.memref_slice %arg4[%arg1, %dma_start3A_511, %dma_start3A_512] : memref<16x80x250xi32, #tpu.memory_space<hbm>> -> memref<1x20x250xi32, #tpu.memory_space<hbm>>
      %dma_start3A_514 = tpu.memref_squeeze %dma_start3A_513 : memref<1x20x250xi32, #tpu.memory_space<hbm>> -> memref<20x250xi32, #tpu.memory_space<hbm>>
      tpu.enqueue_dma source(%dma_start3A_514 : memref<20x250xi32, #tpu.memory_space<hbm>>) target(%arg8 : memref<20x250xi32, #tpu.memory_space<vmem>>) target_semaphore(%run_scoped3A : memref<!tpu.dma_semaphore, #tpu.memory_space<semaphore_mem>>)
      %dma_wait3A_515 = arith.constant 40 : i32
      %dma_wait3A_516 = arith.constant 0 : i32
      %dma_wait3A_517 = tpu.memref_slice %arg4[%arg1, %dma_wait3A_515, %dma_wait3A_516] : memref<16x80x250xi32, #tpu.memory_space<hbm>> -> memref<1x20x250xi32, #tpu.memory_space<hbm>>
      %dma_wait3A_518 = tpu.memref_squeeze %dma_wait3A_517 : memref<1x20x250xi32, #tpu.memory_space<hbm>> -> memref<20x250xi32, #tpu.memory_space<hbm>>
      %dma_wait3A_519 = arith.constant 40 : i32
      %dma_wait3A_520 = arith.constant 0 : i32
      %dma_wait3A_521 = tpu.memref_slice %arg4[%arg1, %dma_wait3A_519, %dma_wait3A_520] : memref<16x80x250xi32, #tpu.memory_space<hbm>> -> memref<1x20x250xi32, #tpu.memory_space<hbm>>
      %dma_wait3A_522 = tpu.memref_squeeze %dma_wait3A_521 : memref<1x20x250xi32, #tpu.memory_space<hbm>> -> memref<20x250xi32, #tpu.memory_space<hbm>>
      tpu.wait_dma2 semaphore(%run_scoped3A : memref<!tpu.dma_semaphore, #tpu.memory_space<semaphore_mem>>) src(%dma_wait3A_522 : memref<20x250xi32, #tpu.memory_space<hbm>>) dst(%arg8 : memref<20x250xi32, #tpu.memory_space<vmem>>)
      tpu.yield
    }) : () -> ()
    %dma_start3A_372 = arith.constant 0 : i32
    %dma_start3A_373 = arith.constant 0 : i32
    %dma_start3A_374 = tpu.memref_slice %arg7[%dma_start3A_372, %dma_start3A_373] : memref<20x250xi32, #tpu.memory_space<vmem>> -> memref<1x250xi32, #tpu.memory_space<vmem>>
    %dma_start3A_375 = tpu.memref_squeeze %dma_start3A_374 : memref<1x250xi32, #tpu.memory_space<vmem>> -> memref<250xi32, #tpu.memory_space<vmem>>
    %dma_start3A_376 = arith.constant 0 : i32
    %dma_start3A_377 = arith.constant 0 : i32
    %dma_start3A_378 = tpu.memref_slice %arg16[%dma_start3A_376, %dma_start3A_377] : memref<10112x64xf32, #tpu.memory_space<vmem_shared>> -> memref<10112x64xf32, #tpu.memory_space<vmem_shared>>
    tpu.enqueue_indirect_dma source(%dma_start3A_378 : memref<10112x64xf32, #tpu.memory_space<vmem_shared>>) target(%arg9 : memref<250x64xf32, #tpu.memory_space<vmem>>) offsets(%dma_start3A_375 : memref<250xi32, #tpu.memory_space<vmem>>) semaphore(%arg11 : memref<!tpu.dma_semaphore, #tpu.memory_space<semaphore_mem>>)
    %dma_wait3A_379 = arith.constant 0 : i32
    %dma_wait3A_380 = arith.constant 0 : i32
    %dma_wait3A_381 = tpu.memref_slice %arg7[%dma_wait3A_379, %dma_wait3A_380] : memref<20x250xi32, #tpu.memory_space<vmem>> -> memref<1x250xi32, #tpu.memory_space<vmem>>
    %dma_wait3A_382 = tpu.memref_squeeze %dma_wait3A_381 : memref<1x250xi32, #tpu.memory_space<vmem>> -> memref<250xi32, #tpu.memory_space<vmem>>
    %dma_wait3A_383 = arith.constant 0 : i32
    %dma_wait3A_384 = arith.constant 0 : i32
    %dma_wait3A_385 = tpu.memref_slice %arg16[%dma_wait3A_383, %dma_wait3A_384] : memref<10112x64xf32, #tpu.memory_space<vmem_shared>> -> memref<10112x64xf32, #tpu.memory_space<vmem_shared>>
    tpu.wait_indirect_dma semaphore(%arg11 : memref<!tpu.dma_semaphore, #tpu.memory_space<semaphore_mem>>) src(%dma_wait3A_385 : memref<10112x64xf32, #tpu.memory_space<vmem_shared>>) dst(%arg9 : memref<250x64xf32, #tpu.memory_space<vmem>>)
    %dma_start3A_386 = arith.constant 0 : i32
    %dma_start3A_387 = arith.constant 0 : i32
    %dma_start3A_388 = tpu.memref_slice %arg8[%dma_start3A_386, %dma_start3A_387] : memref<20x250xi32, #tpu.memory_space<vmem>> -> memref<1x250xi32, #tpu.memory_space<vmem>>
    %dma_start3A_389 = tpu.memref_squeeze %dma_start3A_388 : memref<1x250xi32, #tpu.memory_space<vmem>> -> memref<250xi32, #tpu.memory_space<vmem>>
    %dma_start3A_390 = arith.constant 0 : i32
    %dma_start3A_391 = arith.constant 0 : i32
    %dma_start3A_392 = tpu.memref_slice %arg15[%dma_start3A_390, %dma_start3A_391] : memref<10112x64xf32, #tpu.memory_space<vmem_shared>> -> memref<10112x64xf32, #tpu.memory_space<vmem_shared>>
    tpu.enqueue_indirect_dma source(%arg9 : memref<250x64xf32, #tpu.memory_space<vmem>>) target(%dma_start3A_392 : memref<10112x64xf32, #tpu.memory_space<vmem_shared>>) offsets(%dma_start3A_389 : memref<250xi32, #tpu.memory_space<vmem>>) semaphore(%arg13 : memref<!tpu.dma_semaphore, #tpu.memory_space<semaphore_mem>>) {add = true}
    %dma_start3A_393 = arith.constant 1 : i32
    %dma_start3A_394 = arith.constant 0 : i32
    %dma_start3A_395 = tpu.memref_slice %arg7[%dma_start3A_393, %dma_start3A_394] : memref<20x250xi32, #tpu.memory_space<vmem>> -> memref<1x250xi32, #tpu.memory_space<vmem>>
    %dma_start3A_396 = tpu.memref_squeeze %dma_start3A_395 : memref<1x250xi32, #tpu.memory_space<vmem>> -> memref<250xi32, #tpu.memory_space<vmem>>
    %dma_start3A_397 = arith.constant 0 : i32
    %dma_start3A_398 = arith.constant 0 : i32
    %dma_start3A_399 = tpu.memref_slice %arg16[%dma_start3A_397, %dma_start3A_398] : memref<10112x64xf32, #tpu.memory_space<vmem_shared>> -> memref<10112x64xf32, #tpu.memory_space<vmem_shared>>
    tpu.enqueue_indirect_dma source(%dma_start3A_399 : memref<10112x64xf32, #tpu.memory_space<vmem_shared>>) target(%arg10 : memref<250x64xf32, #tpu.memory_space<vmem>>) offsets(%dma_start3A_396 : memref<250xi32, #tpu.memory_space<vmem>>) semaphore(%arg12 : memref<!tpu.dma_semaphore, #tpu.memory_space<semaphore_mem>>)
    %scan3A_400 = arith.constant 0 : i32
    %scan3A_401 = arith.constant 9 : i32
    %scan3A_402 = arith.addi %scan3A_400, %scan3A_401 : i32
    %scan3A_403 = arith.constant 1 : i32
    scf.for %scan3A_507 = %scan3A_400 to %scan3A_402 step %scan3A_403  : i32 {
      %mul3A_508 = arith.constant 1 : i32
      %mul3A_509 = arith.muli %scan3A_507, %mul3A_508 : i32
      %add3A = arith.constant 0 : i32
      %add3A_510 = arith.addi %add3A, %mul3A_509 : i32
      %mul3A_511 = arith.constant 2 : i32
      %mul3A_512 = arith.muli %mul3A_511, %add3A_510 : i32
      %add3A_513 = arith.constant 1 : i32
      %add3A_514 = arith.addi %mul3A_512, %add3A_513 : i32
      %dma_wait3A_515 = arith.constant 0 : i32
      %dma_wait3A_516 = arith.constant 0 : i32
      %dma_wait3A_517 = tpu.memref_slice %arg7[%dma_wait3A_515, %dma_wait3A_516] : memref<20x250xi32, #tpu.memory_space<vmem>> -> memref<1x250xi32, #tpu.memory_space<vmem>>
      %dma_wait3A_518 = tpu.memref_squeeze %dma_wait3A_517 : memref<1x250xi32, #tpu.memory_space<vmem>> -> memref<250xi32, #tpu.memory_space<vmem>>
      %dma_wait3A_519 = arith.constant 0 : i32
      %dma_wait3A_520 = arith.constant 0 : i32
      %dma_wait3A_521 = tpu.memref_slice %arg16[%dma_wait3A_519, %dma_wait3A_520] : memref<10112x64xf32, #tpu.memory_space<vmem_shared>> -> memref<10112x64xf32, #tpu.memory_space<vmem_shared>>
      tpu.wait_indirect_dma semaphore(%arg12 : memref<!tpu.dma_semaphore, #tpu.memory_space<semaphore_mem>>) src(%dma_wait3A_521 : memref<10112x64xf32, #tpu.memory_space<vmem_shared>>) dst(%arg10 : memref<250x64xf32, #tpu.memory_space<vmem>>)
      %dma_wait3A_522 = arith.constant 0 : i32
      %dma_wait3A_523 = arith.constant 0 : i32
      %dma_wait3A_524 = tpu.memref_slice %arg8[%dma_wait3A_522, %dma_wait3A_523] : memref<20x250xi32, #tpu.memory_space<vmem>> -> memref<1x250xi32, #tpu.memory_space<vmem>>
      %dma_wait3A_525 = tpu.memref_squeeze %dma_wait3A_524 : memref<1x250xi32, #tpu.memory_space<vmem>> -> memref<250xi32, #tpu.memory_space<vmem>>
      %dma_wait3A_526 = arith.constant 0 : i32
      %dma_wait3A_527 = arith.constant 0 : i32
      %dma_wait3A_528 = tpu.memref_slice %arg15[%dma_wait3A_526, %dma_wait3A_527] : memref<10112x64xf32, #tpu.memory_space<vmem_shared>> -> memref<10112x64xf32, #tpu.memory_space<vmem_shared>>
      tpu.wait_indirect_dma semaphore(%arg13 : memref<!tpu.dma_semaphore, #tpu.memory_space<semaphore_mem>>) src(%arg9 : memref<250x64xf32, #tpu.memory_space<vmem>>) dst(%dma_wait3A_528 : memref<10112x64xf32, #tpu.memory_space<vmem_shared>>)
      %dma_start3A_529 = arith.constant 0 : i32
      %dma_start3A_530 = tpu.memref_slice %arg8[%add3A_514, %dma_start3A_529] : memref<20x250xi32, #tpu.memory_space<vmem>> -> memref<1x250xi32, #tpu.memory_space<vmem>>
      %dma_start3A_531 = tpu.memref_squeeze %dma_start3A_530 : memref<1x250xi32, #tpu.memory_space<vmem>> -> memref<250xi32, #tpu.memory_space<vmem>>
      %dma_start3A_532 = arith.constant 0 : i32
      %dma_start3A_533 = arith.constant 0 : i32
      %dma_start3A_534 = tpu.memref_slice %arg15[%dma_start3A_532, %dma_start3A_533] : memref<10112x64xf32, #tpu.memory_space<vmem_shared>> -> memref<10112x64xf32, #tpu.memory_space<vmem_shared>>
      tpu.enqueue_indirect_dma source(%arg10 : memref<250x64xf32, #tpu.memory_space<vmem>>) target(%dma_start3A_534 : memref<10112x64xf32, #tpu.memory_space<vmem_shared>>) offsets(%dma_start3A_531 : memref<250xi32, #tpu.memory_space<vmem>>) semaphore(%arg14 : memref<!tpu.dma_semaphore, #tpu.memory_space<semaphore_mem>>) {add = true}
      %add3A_535 = arith.constant 1 : i32
      %add3A_536 = arith.addi %add3A_514, %add3A_535 : i32
      %dma_start3A_537 = arith.constant 0 : i32
      %dma_start3A_538 = tpu.memref_slice %arg7[%add3A_536, %dma_start3A_537] : memref<20x250xi32, #tpu.memory_space<vmem>> -> memref<1x250xi32, #tpu.memory_space<vmem>>
      %dma_start3A_539 = tpu.memref_squeeze %dma_start3A_538 : memref<1x250xi32, #tpu.memory_space<vmem>> -> memref<250xi32, #tpu.memory_space<vmem>>
      %dma_start3A_540 = arith.constant 0 : i32
      %dma_start3A_541 = arith.constant 0 : i32
      %dma_start3A_542 = tpu.memref_slice %arg16[%dma_start3A_540, %dma_start3A_541] : memref<10112x64xf32, #tpu.memory_space<vmem_shared>> -> memref<10112x64xf32, #tpu.memory_space<vmem_shared>>
      tpu.enqueue_indirect_dma source(%dma_start3A_542 : memref<10112x64xf32, #tpu.memory_space<vmem_shared>>) target(%arg9 : memref<250x64xf32, #tpu.memory_space<vmem>>) offsets(%dma_start3A_539 : memref<250xi32, #tpu.memory_space<vmem>>) semaphore(%arg11 : memref<!tpu.dma_semaphore, #tpu.memory_space<semaphore_mem>>)
      %dma_wait3A_543 = arith.constant 0 : i32
      %dma_wait3A_544 = arith.constant 0 : i32
      %dma_wait3A_545 = tpu.memref_slice %arg7[%dma_wait3A_543, %dma_wait3A_544] : memref<20x250xi32, #tpu.memory_space<vmem>> -> memref<1x250xi32, #tpu.memory_space<vmem>>
      %dma_wait3A_546 = tpu.memref_squeeze %dma_wait3A_545 : memref<1x250xi32, #tpu.memory_space<vmem>> -> memref<250xi32, #tpu.memory_space<vmem>>
      %dma_wait3A_547 = arith.constant 0 : i32
      %dma_wait3A_548 = arith.constant 0 : i32
      %dma_wait3A_549 = tpu.memref_slice %arg16[%dma_wait3A_547, %dma_wait3A_548] : memref<10112x64xf32, #tpu.memory_space<vmem_shared>> -> memref<10112x64xf32, #tpu.memory_space<vmem_shared>>
      tpu.wait_indirect_dma semaphore(%arg11 : memref<!tpu.dma_semaphore, #tpu.memory_space<semaphore_mem>>) src(%dma_wait3A_549 : memref<10112x64xf32, #tpu.memory_space<vmem_shared>>) dst(%arg9 : memref<250x64xf32, #tpu.memory_space<vmem>>)
      %add3A_550 = arith.constant 1 : i32
      %add3A_551 = arith.addi %add3A_514, %add3A_550 : i32
      %dma_start3A_552 = arith.constant 0 : i32
      %dma_start3A_553 = tpu.memref_slice %arg8[%add3A_551, %dma_start3A_552] : memref<20x250xi32, #tpu.memory_space<vmem>> -> memref<1x250xi32, #tpu.memory_space<vmem>>
      %dma_start3A_554 = tpu.memref_squeeze %dma_start3A_553 : memref<1x250xi32, #tpu.memory_space<vmem>> -> memref<250xi32, #tpu.memory_space<vmem>>
      %dma_start3A_555 = arith.constant 0 : i32
      %dma_start3A_556 = arith.constant 0 : i32
      %dma_start3A_557 = tpu.memref_slice %arg15[%dma_start3A_555, %dma_start3A_556] : memref<10112x64xf32, #tpu.memory_space<vmem_shared>> -> memref<10112x64xf32, #tpu.memory_space<vmem_shared>>
      tpu.enqueue_indirect_dma source(%arg9 : memref<250x64xf32, #tpu.memory_space<vmem>>) target(%dma_start3A_557 : memref<10112x64xf32, #tpu.memory_space<vmem_shared>>) offsets(%dma_start3A_554 : memref<250xi32, #tpu.memory_space<vmem>>) semaphore(%arg13 : memref<!tpu.dma_semaphore, #tpu.memory_space<semaphore_mem>>) {add = true}
      %dma_wait3A_558 = arith.constant 0 : i32
      %dma_wait3A_559 = arith.constant 0 : i32
      %dma_wait3A_560 = tpu.memref_slice %arg8[%dma_wait3A_558, %dma_wait3A_559] : memref<20x250xi32, #tpu.memory_space<vmem>> -> memref<1x250xi32, #tpu.memory_space<vmem>>
      %dma_wait3A_561 = tpu.memref_squeeze %dma_wait3A_560 : memref<1x250xi32, #tpu.memory_space<vmem>> -> memref<250xi32, #tpu.memory_space<vmem>>
      %dma_wait3A_562 = arith.constant 0 : i32
      %dma_wait3A_563 = arith.constant 0 : i32
      %dma_wait3A_564 = tpu.memref_slice %arg15[%dma_wait3A_562, %dma_wait3A_563] : memref<10112x64xf32, #tpu.memory_space<vmem_shared>> -> memref<10112x64xf32, #tpu.memory_space<vmem_shared>>
      tpu.wait_indirect_dma semaphore(%arg14 : memref<!tpu.dma_semaphore, #tpu.memory_space<semaphore_mem>>) src(%arg10 : memref<250x64xf32, #tpu.memory_space<vmem>>) dst(%dma_wait3A_564 : memref<10112x64xf32, #tpu.memory_space<vmem_shared>>)
      %add3A_565 = arith.constant 2 : i32
      %add3A_566 = arith.addi %add3A_514, %add3A_565 : i32
      %dma_start3A_567 = arith.constant 0 : i32
      %dma_start3A_568 = tpu.memref_slice %arg7[%add3A_566, %dma_start3A_567] : memref<20x250xi32, #tpu.memory_space<vmem>> -> memref<1x250xi32, #tpu.memory_space<vmem>>
      %dma_start3A_569 = tpu.memref_squeeze %dma_start3A_568 : memref<1x250xi32, #tpu.memory_space<vmem>> -> memref<250xi32, #tpu.memory_space<vmem>>
      %dma_start3A_570 = arith.constant 0 : i32
      %dma_start3A_571 = arith.constant 0 : i32
      %dma_start3A_572 = tpu.memref_slice %arg16[%dma_start3A_570, %dma_start3A_571] : memref<10112x64xf32, #tpu.memory_space<vmem_shared>> -> memref<10112x64xf32, #tpu.memory_space<vmem_shared>>
      tpu.enqueue_indirect_dma source(%dma_start3A_572 : memref<10112x64xf32, #tpu.memory_space<vmem_shared>>) target(%arg10 : memref<250x64xf32, #tpu.memory_space<vmem>>) offsets(%dma_start3A_569 : memref<250xi32, #tpu.memory_space<vmem>>) semaphore(%arg12 : memref<!tpu.dma_semaphore, #tpu.memory_space<semaphore_mem>>)
    }
    %scan3A_404 = arith.constant 9 : i32
    %dma_wait3A_405 = arith.constant 0 : i32
    %dma_wait3A_406 = arith.constant 0 : i32
    %dma_wait3A_407 = tpu.memref_slice %arg7[%dma_wait3A_405, %dma_wait3A_406] : memref<20x250xi32, #tpu.memory_space<vmem>> -> memref<1x250xi32, #tpu.memory_space<vmem>>
    %dma_wait3A_408 = tpu.memref_squeeze %dma_wait3A_407 : memref<1x250xi32, #tpu.memory_space<vmem>> -> memref<250xi32, #tpu.memory_space<vmem>>
    %dma_wait3A_409 = arith.constant 0 : i32
    %dma_wait3A_410 = arith.constant 0 : i32
    %dma_wait3A_411 = tpu.memref_slice %arg16[%dma_wait3A_409, %dma_wait3A_410] : memref<10112x64xf32, #tpu.memory_space<vmem_shared>> -> memref<10112x64xf32, #tpu.memory_space<vmem_shared>>
    tpu.wait_indirect_dma semaphore(%arg12 : memref<!tpu.dma_semaphore, #tpu.memory_space<semaphore_mem>>) src(%dma_wait3A_411 : memref<10112x64xf32, #tpu.memory_space<vmem_shared>>) dst(%arg10 : memref<250x64xf32, #tpu.memory_space<vmem>>)
    %dma_wait3A_412 = arith.constant 0 : i32
    %dma_wait3A_413 = arith.constant 0 : i32
    %dma_wait3A_414 = tpu.memref_slice %arg8[%dma_wait3A_412, %dma_wait3A_413] : memref<20x250xi32, #tpu.memory_space<vmem>> -> memref<1x250xi32, #tpu.memory_space<vmem>>
    %dma_wait3A_415 = tpu.memref_squeeze %dma_wait3A_414 : memref<1x250xi32, #tpu.memory_space<vmem>> -> memref<250xi32, #tpu.memory_space<vmem>>
    %dma_wait3A_416 = arith.constant 0 : i32
    %dma_wait3A_417 = arith.constant 0 : i32
    %dma_wait3A_418 = tpu.memref_slice %arg15[%dma_wait3A_416, %dma_wait3A_417] : memref<10112x64xf32, #tpu.memory_space<vmem_shared>> -> memref<10112x64xf32, #tpu.memory_space<vmem_shared>>
    tpu.wait_indirect_dma semaphore(%arg13 : memref<!tpu.dma_semaphore, #tpu.memory_space<semaphore_mem>>) src(%arg9 : memref<250x64xf32, #tpu.memory_space<vmem>>) dst(%dma_wait3A_418 : memref<10112x64xf32, #tpu.memory_space<vmem_shared>>)
    %dma_start3A_419 = arith.constant 19 : i32
    %dma_start3A_420 = arith.constant 0 : i32
    %dma_start3A_421 = tpu.memref_slice %arg8[%dma_start3A_419, %dma_start3A_420] : memref<20x250xi32, #tpu.memory_space<vmem>> -> memref<1x250xi32, #tpu.memory_space<vmem>>
    %dma_start3A_422 = tpu.memref_squeeze %dma_start3A_421 : memref<1x250xi32, #tpu.memory_space<vmem>> -> memref<250xi32, #tpu.memory_space<vmem>>
    %dma_start3A_423 = arith.constant 0 : i32
    %dma_start3A_424 = arith.constant 0 : i32
    %dma_start3A_425 = tpu.memref_slice %arg15[%dma_start3A_423, %dma_start3A_424] : memref<10112x64xf32, #tpu.memory_space<vmem_shared>> -> memref<10112x64xf32, #tpu.memory_space<vmem_shared>>
    tpu.enqueue_indirect_dma source(%arg10 : memref<250x64xf32, #tpu.memory_space<vmem>>) target(%dma_start3A_425 : memref<10112x64xf32, #tpu.memory_space<vmem_shared>>) offsets(%dma_start3A_422 : memref<250xi32, #tpu.memory_space<vmem>>) semaphore(%arg14 : memref<!tpu.dma_semaphore, #tpu.memory_space<semaphore_mem>>) {add = true}
    %dma_wait3A_426 = arith.constant 0 : i32
    %dma_wait3A_427 = arith.constant 0 : i32
    %dma_wait3A_428 = tpu.memref_slice %arg8[%dma_wait3A_426, %dma_wait3A_427] : memref<20x250xi32, #tpu.memory_space<vmem>> -> memref<1x250xi32, #tpu.memory_space<vmem>>
    %dma_wait3A_429 = tpu.memref_squeeze %dma_wait3A_428 : memref<1x250xi32, #tpu.memory_space<vmem>> -> memref<250xi32, #tpu.memory_space<vmem>>
    %dma_wait3A_430 = arith.constant 0 : i32
    %dma_wait3A_431 = arith.constant 0 : i32
    %dma_wait3A_432 = tpu.memref_slice %arg15[%dma_wait3A_430, %dma_wait3A_431] : memref<10112x64xf32, #tpu.memory_space<vmem_shared>> -> memref<10112x64xf32, #tpu.memory_space<vmem_shared>>
    tpu.wait_indirect_dma semaphore(%arg14 : memref<!tpu.dma_semaphore, #tpu.memory_space<semaphore_mem>>) src(%arg10 : memref<250x64xf32, #tpu.memory_space<vmem>>) dst(%dma_wait3A_432 : memref<10112x64xf32, #tpu.memory_space<vmem_shared>>)
    "tpu.region"() ({
      %run_scoped3A = tpu.sem_alloc : memref<!tpu.dma_semaphore, #tpu.memory_space<semaphore_mem>>
      %dma_start3A_507 = arith.constant 60 : i32
      %dma_start3A_508 = arith.constant 0 : i32
      %dma_start3A_509 = tpu.memref_slice %arg3[%arg1, %dma_start3A_507, %dma_start3A_508] : memref<16x80x250xi32, #tpu.memory_space<hbm>> -> memref<1x20x250xi32, #tpu.memory_space<hbm>>
      %dma_start3A_510 = tpu.memref_squeeze %dma_start3A_509 : memref<1x20x250xi32, #tpu.memory_space<hbm>> -> memref<20x250xi32, #tpu.memory_space<hbm>>
      %dma_start3A_511 = arith.constant 60 : i32
      %dma_start3A_512 = arith.constant 0 : i32
      %dma_start3A_513 = tpu.memref_slice %arg3[%arg1, %dma_start3A_511, %dma_start3A_512] : memref<16x80x250xi32, #tpu.memory_space<hbm>> -> memref<1x20x250xi32, #tpu.memory_space<hbm>>
      %dma_start3A_514 = tpu.memref_squeeze %dma_start3A_513 : memref<1x20x250xi32, #tpu.memory_space<hbm>> -> memref<20x250xi32, #tpu.memory_space<hbm>>
      tpu.enqueue_dma source(%dma_start3A_514 : memref<20x250xi32, #tpu.memory_space<hbm>>) target(%arg7 : memref<20x250xi32, #tpu.memory_space<vmem>>) target_semaphore(%run_scoped3A : memref<!tpu.dma_semaphore, #tpu.memory_space<semaphore_mem>>)
      %dma_wait3A_515 = arith.constant 60 : i32
      %dma_wait3A_516 = arith.constant 0 : i32
      %dma_wait3A_517 = tpu.memref_slice %arg3[%arg1, %dma_wait3A_515, %dma_wait3A_516] : memref<16x80x250xi32, #tpu.memory_space<hbm>> -> memref<1x20x250xi32, #tpu.memory_space<hbm>>
      %dma_wait3A_518 = tpu.memref_squeeze %dma_wait3A_517 : memref<1x20x250xi32, #tpu.memory_space<hbm>> -> memref<20x250xi32, #tpu.memory_space<hbm>>
      %dma_wait3A_519 = arith.constant 60 : i32
      %dma_wait3A_520 = arith.constant 0 : i32
      %dma_wait3A_521 = tpu.memref_slice %arg3[%arg1, %dma_wait3A_519, %dma_wait3A_520] : memref<16x80x250xi32, #tpu.memory_space<hbm>> -> memref<1x20x250xi32, #tpu.memory_space<hbm>>
      %dma_wait3A_522 = tpu.memref_squeeze %dma_wait3A_521 : memref<1x20x250xi32, #tpu.memory_space<hbm>> -> memref<20x250xi32, #tpu.memory_space<hbm>>
      tpu.wait_dma2 semaphore(%run_scoped3A : memref<!tpu.dma_semaphore, #tpu.memory_space<semaphore_mem>>) src(%dma_wait3A_522 : memref<20x250xi32, #tpu.memory_space<hbm>>) dst(%arg7 : memref<20x250xi32, #tpu.memory_space<vmem>>)
      tpu.yield
    }) : () -> ()
    "tpu.region"() ({
      %run_scoped3A = tpu.sem_alloc : memref<!tpu.dma_semaphore, #tpu.memory_space<semaphore_mem>>
      %dma_start3A_507 = arith.constant 60 : i32
      %dma_start3A_508 = arith.constant 0 : i32
      %dma_start3A_509 = tpu.memref_slice %arg4[%arg1, %dma_start3A_507, %dma_start3A_508] : memref<16x80x250xi32, #tpu.memory_space<hbm>> -> memref<1x20x250xi32, #tpu.memory_space<hbm>>
      %dma_start3A_510 = tpu.memref_squeeze %dma_start3A_509 : memref<1x20x250xi32, #tpu.memory_space<hbm>> -> memref<20x250xi32, #tpu.memory_space<hbm>>
      %dma_start3A_511 = arith.constant 60 : i32
      %dma_start3A_512 = arith.constant 0 : i32
      %dma_start3A_513 = tpu.memref_slice %arg4[%arg1, %dma_start3A_511, %dma_start3A_512] : memref<16x80x250xi32, #tpu.memory_space<hbm>> -> memref<1x20x250xi32, #tpu.memory_space<hbm>>
      %dma_start3A_514 = tpu.memref_squeeze %dma_start3A_513 : memref<1x20x250xi32, #tpu.memory_space<hbm>> -> memref<20x250xi32, #tpu.memory_space<hbm>>
      tpu.enqueue_dma source(%dma_start3A_514 : memref<20x250xi32, #tpu.memory_space<hbm>>) target(%arg8 : memref<20x250xi32, #tpu.memory_space<vmem>>) target_semaphore(%run_scoped3A : memref<!tpu.dma_semaphore, #tpu.memory_space<semaphore_mem>>)
      %dma_wait3A_515 = arith.constant 60 : i32
      %dma_wait3A_516 = arith.constant 0 : i32
      %dma_wait3A_517 = tpu.memref_slice %arg4[%arg1, %dma_wait3A_515, %dma_wait3A_516] : memref<16x80x250xi32, #tpu.memory_space<hbm>> -> memref<1x20x250xi32, #tpu.memory_space<hbm>>
      %dma_wait3A_518 = tpu.memref_squeeze %dma_wait3A_517 : memref<1x20x250xi32, #tpu.memory_space<hbm>> -> memref<20x250xi32, #tpu.memory_space<hbm>>
      %dma_wait3A_519 = arith.constant 60 : i32
      %dma_wait3A_520 = arith.constant 0 : i32
      %dma_wait3A_521 = tpu.memref_slice %arg4[%arg1, %dma_wait3A_519, %dma_wait3A_520] : memref<16x80x250xi32, #tpu.memory_space<hbm>> -> memref<1x20x250xi32, #tpu.memory_space<hbm>>
      %dma_wait3A_522 = tpu.memref_squeeze %dma_wait3A_521 : memref<1x20x250xi32, #tpu.memory_space<hbm>> -> memref<20x250xi32, #tpu.memory_space<hbm>>
      tpu.wait_dma2 semaphore(%run_scoped3A : memref<!tpu.dma_semaphore, #tpu.memory_space<semaphore_mem>>) src(%dma_wait3A_522 : memref<20x250xi32, #tpu.memory_space<hbm>>) dst(%arg8 : memref<20x250xi32, #tpu.memory_space<vmem>>)
      tpu.yield
    }) : () -> ()
    %dma_start3A_433 = arith.constant 0 : i32
    %dma_start3A_434 = arith.constant 0 : i32
    %dma_start3A_435 = tpu.memref_slice %arg7[%dma_start3A_433, %dma_start3A_434] : memref<20x250xi32, #tpu.memory_space<vmem>> -> memref<1x250xi32, #tpu.memory_space<vmem>>
    %dma_start3A_436 = tpu.memref_squeeze %dma_start3A_435 : memref<1x250xi32, #tpu.memory_space<vmem>> -> memref<250xi32, #tpu.memory_space<vmem>>
    %dma_start3A_437 = arith.constant 0 : i32
    %dma_start3A_438 = arith.constant 0 : i32
    %dma_start3A_439 = tpu.memref_slice %arg16[%dma_start3A_437, %dma_start3A_438] : memref<10112x64xf32, #tpu.memory_space<vmem_shared>> -> memref<10112x64xf32, #tpu.memory_space<vmem_shared>>
    tpu.enqueue_indirect_dma source(%dma_start3A_439 : memref<10112x64xf32, #tpu.memory_space<vmem_shared>>) target(%arg9 : memref<250x64xf32, #tpu.memory_space<vmem>>) offsets(%dma_start3A_436 : memref<250xi32, #tpu.memory_space<vmem>>) semaphore(%arg11 : memref<!tpu.dma_semaphore, #tpu.memory_space<semaphore_mem>>)
    %dma_wait3A_440 = arith.constant 0 : i32
    %dma_wait3A_441 = arith.constant 0 : i32
    %dma_wait3A_442 = tpu.memref_slice %arg7[%dma_wait3A_440, %dma_wait3A_441] : memref<20x250xi32, #tpu.memory_space<vmem>> -> memref<1x250xi32, #tpu.memory_space<vmem>>
    %dma_wait3A_443 = tpu.memref_squeeze %dma_wait3A_442 : memref<1x250xi32, #tpu.memory_space<vmem>> -> memref<250xi32, #tpu.memory_space<vmem>>
    %dma_wait3A_444 = arith.constant 0 : i32
    %dma_wait3A_445 = arith.constant 0 : i32
    %dma_wait3A_446 = tpu.memref_slice %arg16[%dma_wait3A_444, %dma_wait3A_445] : memref<10112x64xf32, #tpu.memory_space<vmem_shared>> -> memref<10112x64xf32, #tpu.memory_space<vmem_shared>>
    tpu.wait_indirect_dma semaphore(%arg11 : memref<!tpu.dma_semaphore, #tpu.memory_space<semaphore_mem>>) src(%dma_wait3A_446 : memref<10112x64xf32, #tpu.memory_space<vmem_shared>>) dst(%arg9 : memref<250x64xf32, #tpu.memory_space<vmem>>)
    %dma_start3A_447 = arith.constant 0 : i32
    %dma_start3A_448 = arith.constant 0 : i32
    %dma_start3A_449 = tpu.memref_slice %arg8[%dma_start3A_447, %dma_start3A_448] : memref<20x250xi32, #tpu.memory_space<vmem>> -> memref<1x250xi32, #tpu.memory_space<vmem>>
    %dma_start3A_450 = tpu.memref_squeeze %dma_start3A_449 : memref<1x250xi32, #tpu.memory_space<vmem>> -> memref<250xi32, #tpu.memory_space<vmem>>
    %dma_start3A_451 = arith.constant 0 : i32
    %dma_start3A_452 = arith.constant 0 : i32
    %dma_start3A_453 = tpu.memref_slice %arg15[%dma_start3A_451, %dma_start3A_452] : memref<10112x64xf32, #tpu.memory_space<vmem_shared>> -> memref<10112x64xf32, #tpu.memory_space<vmem_shared>>
    tpu.enqueue_indirect_dma source(%arg9 : memref<250x64xf32, #tpu.memory_space<vmem>>) target(%dma_start3A_453 : memref<10112x64xf32, #tpu.memory_space<vmem_shared>>) offsets(%dma_start3A_450 : memref<250xi32, #tpu.memory_space<vmem>>) semaphore(%arg13 : memref<!tpu.dma_semaphore, #tpu.memory_space<semaphore_mem>>) {add = true}
    %dma_start3A_454 = arith.constant 1 : i32
    %dma_start3A_455 = arith.constant 0 : i32
    %dma_start3A_456 = tpu.memref_slice %arg7[%dma_start3A_454, %dma_start3A_455] : memref<20x250xi32, #tpu.memory_space<vmem>> -> memref<1x250xi32, #tpu.memory_space<vmem>>
    %dma_start3A_457 = tpu.memref_squeeze %dma_start3A_456 : memref<1x250xi32, #tpu.memory_space<vmem>> -> memref<250xi32, #tpu.memory_space<vmem>>
    %dma_start3A_458 = arith.constant 0 : i32
    %dma_start3A_459 = arith.constant 0 : i32
    %dma_start3A_460 = tpu.memref_slice %arg16[%dma_start3A_458, %dma_start3A_459] : memref<10112x64xf32, #tpu.memory_space<vmem_shared>> -> memref<10112x64xf32, #tpu.memory_space<vmem_shared>>
    tpu.enqueue_indirect_dma source(%dma_start3A_460 : memref<10112x64xf32, #tpu.memory_space<vmem_shared>>) target(%arg10 : memref<250x64xf32, #tpu.memory_space<vmem>>) offsets(%dma_start3A_457 : memref<250xi32, #tpu.memory_space<vmem>>) semaphore(%arg12 : memref<!tpu.dma_semaphore, #tpu.memory_space<semaphore_mem>>)
    %scan3A_461 = arith.constant 0 : i32
    %scan3A_462 = arith.constant 9 : i32
    %scan3A_463 = arith.addi %scan3A_461, %scan3A_462 : i32
    %scan3A_464 = arith.constant 1 : i32
    scf.for %scan3A_507 = %scan3A_461 to %scan3A_463 step %scan3A_464  : i32 {
      %mul3A_508 = arith.constant 1 : i32
      %mul3A_509 = arith.muli %scan3A_507, %mul3A_508 : i32
      %add3A = arith.constant 0 : i32
      %add3A_510 = arith.addi %add3A, %mul3A_509 : i32
      %mul3A_511 = arith.constant 2 : i32
      %mul3A_512 = arith.muli %mul3A_511, %add3A_510 : i32
      %add3A_513 = arith.constant 1 : i32
      %add3A_514 = arith.addi %mul3A_512, %add3A_513 : i32
      %dma_wait3A_515 = arith.constant 0 : i32
      %dma_wait3A_516 = arith.constant 0 : i32
      %dma_wait3A_517 = tpu.memref_slice %arg7[%dma_wait3A_515, %dma_wait3A_516] : memref<20x250xi32, #tpu.memory_space<vmem>> -> memref<1x250xi32, #tpu.memory_space<vmem>>
      %dma_wait3A_518 = tpu.memref_squeeze %dma_wait3A_517 : memref<1x250xi32, #tpu.memory_space<vmem>> -> memref<250xi32, #tpu.memory_space<vmem>>
      %dma_wait3A_519 = arith.constant 0 : i32
      %dma_wait3A_520 = arith.constant 0 : i32
      %dma_wait3A_521 = tpu.memref_slice %arg16[%dma_wait3A_519, %dma_wait3A_520] : memref<10112x64xf32, #tpu.memory_space<vmem_shared>> -> memref<10112x64xf32, #tpu.memory_space<vmem_shared>>
      tpu.wait_indirect_dma semaphore(%arg12 : memref<!tpu.dma_semaphore, #tpu.memory_space<semaphore_mem>>) src(%dma_wait3A_521 : memref<10112x64xf32, #tpu.memory_space<vmem_shared>>) dst(%arg10 : memref<250x64xf32, #tpu.memory_space<vmem>>)
      %dma_wait3A_522 = arith.constant 0 : i32
      %dma_wait3A_523 = arith.constant 0 : i32
      %dma_wait3A_524 = tpu.memref_slice %arg8[%dma_wait3A_522, %dma_wait3A_523] : memref<20x250xi32, #tpu.memory_space<vmem>> -> memref<1x250xi32, #tpu.memory_space<vmem>>
      %dma_wait3A_525 = tpu.memref_squeeze %dma_wait3A_524 : memref<1x250xi32, #tpu.memory_space<vmem>> -> memref<250xi32, #tpu.memory_space<vmem>>
      %dma_wait3A_526 = arith.constant 0 : i32
      %dma_wait3A_527 = arith.constant 0 : i32
      %dma_wait3A_528 = tpu.memref_slice %arg15[%dma_wait3A_526, %dma_wait3A_527] : memref<10112x64xf32, #tpu.memory_space<vmem_shared>> -> memref<10112x64xf32, #tpu.memory_space<vmem_shared>>
      tpu.wait_indirect_dma semaphore(%arg13 : memref<!tpu.dma_semaphore, #tpu.memory_space<semaphore_mem>>) src(%arg9 : memref<250x64xf32, #tpu.memory_space<vmem>>) dst(%dma_wait3A_528 : memref<10112x64xf32, #tpu.memory_space<vmem_shared>>)
      %dma_start3A_529 = arith.constant 0 : i32
      %dma_start3A_530 = tpu.memref_slice %arg8[%add3A_514, %dma_start3A_529] : memref<20x250xi32, #tpu.memory_space<vmem>> -> memref<1x250xi32, #tpu.memory_space<vmem>>
      %dma_start3A_531 = tpu.memref_squeeze %dma_start3A_530 : memref<1x250xi32, #tpu.memory_space<vmem>> -> memref<250xi32, #tpu.memory_space<vmem>>
      %dma_start3A_532 = arith.constant 0 : i32
      %dma_start3A_533 = arith.constant 0 : i32
      %dma_start3A_534 = tpu.memref_slice %arg15[%dma_start3A_532, %dma_start3A_533] : memref<10112x64xf32, #tpu.memory_space<vmem_shared>> -> memref<10112x64xf32, #tpu.memory_space<vmem_shared>>
      tpu.enqueue_indirect_dma source(%arg10 : memref<250x64xf32, #tpu.memory_space<vmem>>) target(%dma_start3A_534 : memref<10112x64xf32, #tpu.memory_space<vmem_shared>>) offsets(%dma_start3A_531 : memref<250xi32, #tpu.memory_space<vmem>>) semaphore(%arg14 : memref<!tpu.dma_semaphore, #tpu.memory_space<semaphore_mem>>) {add = true}
      %add3A_535 = arith.constant 1 : i32
      %add3A_536 = arith.addi %add3A_514, %add3A_535 : i32
      %dma_start3A_537 = arith.constant 0 : i32
      %dma_start3A_538 = tpu.memref_slice %arg7[%add3A_536, %dma_start3A_537] : memref<20x250xi32, #tpu.memory_space<vmem>> -> memref<1x250xi32, #tpu.memory_space<vmem>>
      %dma_start3A_539 = tpu.memref_squeeze %dma_start3A_538 : memref<1x250xi32, #tpu.memory_space<vmem>> -> memref<250xi32, #tpu.memory_space<vmem>>
      %dma_start3A_540 = arith.constant 0 : i32
      %dma_start3A_541 = arith.constant 0 : i32
      %dma_start3A_542 = tpu.memref_slice %arg16[%dma_start3A_540, %dma_start3A_541] : memref<10112x64xf32, #tpu.memory_space<vmem_shared>> -> memref<10112x64xf32, #tpu.memory_space<vmem_shared>>
      tpu.enqueue_indirect_dma source(%dma_start3A_542 : memref<10112x64xf32, #tpu.memory_space<vmem_shared>>) target(%arg9 : memref<250x64xf32, #tpu.memory_space<vmem>>) offsets(%dma_start3A_539 : memref<250xi32, #tpu.memory_space<vmem>>) semaphore(%arg11 : memref<!tpu.dma_semaphore, #tpu.memory_space<semaphore_mem>>)
      %dma_wait3A_543 = arith.constant 0 : i32
      %dma_wait3A_544 = arith.constant 0 : i32
      %dma_wait3A_545 = tpu.memref_slice %arg7[%dma_wait3A_543, %dma_wait3A_544] : memref<20x250xi32, #tpu.memory_space<vmem>> -> memref<1x250xi32, #tpu.memory_space<vmem>>
      %dma_wait3A_546 = tpu.memref_squeeze %dma_wait3A_545 : memref<1x250xi32, #tpu.memory_space<vmem>> -> memref<250xi32, #tpu.memory_space<vmem>>
      %dma_wait3A_547 = arith.constant 0 : i32
      %dma_wait3A_548 = arith.constant 0 : i32
      %dma_wait3A_549 = tpu.memref_slice %arg16[%dma_wait3A_547, %dma_wait3A_548] : memref<10112x64xf32, #tpu.memory_space<vmem_shared>> -> memref<10112x64xf32, #tpu.memory_space<vmem_shared>>
      tpu.wait_indirect_dma semaphore(%arg11 : memref<!tpu.dma_semaphore, #tpu.memory_space<semaphore_mem>>) src(%dma_wait3A_549 : memref<10112x64xf32, #tpu.memory_space<vmem_shared>>) dst(%arg9 : memref<250x64xf32, #tpu.memory_space<vmem>>)
      %add3A_550 = arith.constant 1 : i32
      %add3A_551 = arith.addi %add3A_514, %add3A_550 : i32
      %dma_start3A_552 = arith.constant 0 : i32
      %dma_start3A_553 = tpu.memref_slice %arg8[%add3A_551, %dma_start3A_552] : memref<20x250xi32, #tpu.memory_space<vmem>> -> memref<1x250xi32, #tpu.memory_space<vmem>>
      %dma_start3A_554 = tpu.memref_squeeze %dma_start3A_553 : memref<1x250xi32, #tpu.memory_space<vmem>> -> memref<250xi32, #tpu.memory_space<vmem>>
      %dma_start3A_555 = arith.constant 0 : i32
      %dma_start3A_556 = arith.constant 0 : i32
      %dma_start3A_557 = tpu.memref_slice %arg15[%dma_start3A_555, %dma_start3A_556] : memref<10112x64xf32, #tpu.memory_space<vmem_shared>> -> memref<10112x64xf32, #tpu.memory_space<vmem_shared>>
      tpu.enqueue_indirect_dma source(%arg9 : memref<250x64xf32, #tpu.memory_space<vmem>>) target(%dma_start3A_557 : memref<10112x64xf32, #tpu.memory_space<vmem_shared>>) offsets(%dma_start3A_554 : memref<250xi32, #tpu.memory_space<vmem>>) semaphore(%arg13 : memref<!tpu.dma_semaphore, #tpu.memory_space<semaphore_mem>>) {add = true}
      %dma_wait3A_558 = arith.constant 0 : i32
      %dma_wait3A_559 = arith.constant 0 : i32
      %dma_wait3A_560 = tpu.memref_slice %arg8[%dma_wait3A_558, %dma_wait3A_559] : memref<20x250xi32, #tpu.memory_space<vmem>> -> memref<1x250xi32, #tpu.memory_space<vmem>>
      %dma_wait3A_561 = tpu.memref_squeeze %dma_wait3A_560 : memref<1x250xi32, #tpu.memory_space<vmem>> -> memref<250xi32, #tpu.memory_space<vmem>>
      %dma_wait3A_562 = arith.constant 0 : i32
      %dma_wait3A_563 = arith.constant 0 : i32
      %dma_wait3A_564 = tpu.memref_slice %arg15[%dma_wait3A_562, %dma_wait3A_563] : memref<10112x64xf32, #tpu.memory_space<vmem_shared>> -> memref<10112x64xf32, #tpu.memory_space<vmem_shared>>
      tpu.wait_indirect_dma semaphore(%arg14 : memref<!tpu.dma_semaphore, #tpu.memory_space<semaphore_mem>>) src(%arg10 : memref<250x64xf32, #tpu.memory_space<vmem>>) dst(%dma_wait3A_564 : memref<10112x64xf32, #tpu.memory_space<vmem_shared>>)
      %add3A_565 = arith.constant 2 : i32
      %add3A_566 = arith.addi %add3A_514, %add3A_565 : i32
      %dma_start3A_567 = arith.constant 0 : i32
      %dma_start3A_568 = tpu.memref_slice %arg7[%add3A_566, %dma_start3A_567] : memref<20x250xi32, #tpu.memory_space<vmem>> -> memref<1x250xi32, #tpu.memory_space<vmem>>
      %dma_start3A_569 = tpu.memref_squeeze %dma_start3A_568 : memref<1x250xi32, #tpu.memory_space<vmem>> -> memref<250xi32, #tpu.memory_space<vmem>>
      %dma_start3A_570 = arith.constant 0 : i32
      %dma_start3A_571 = arith.constant 0 : i32
      %dma_start3A_572 = tpu.memref_slice %arg16[%dma_start3A_570, %dma_start3A_571] : memref<10112x64xf32, #tpu.memory_space<vmem_shared>> -> memref<10112x64xf32, #tpu.memory_space<vmem_shared>>
      tpu.enqueue_indirect_dma source(%dma_start3A_572 : memref<10112x64xf32, #tpu.memory_space<vmem_shared>>) target(%arg10 : memref<250x64xf32, #tpu.memory_space<vmem>>) offsets(%dma_start3A_569 : memref<250xi32, #tpu.memory_space<vmem>>) semaphore(%arg12 : memref<!tpu.dma_semaphore, #tpu.memory_space<semaphore_mem>>)
    }
    %scan3A_465 = arith.constant 9 : i32
    %dma_wait3A_466 = arith.constant 0 : i32
    %dma_wait3A_467 = arith.constant 0 : i32
    %dma_wait3A_468 = tpu.memref_slice %arg7[%dma_wait3A_466, %dma_wait3A_467] : memref<20x250xi32, #tpu.memory_space<vmem>> -> memref<1x250xi32, #tpu.memory_space<vmem>>
    %dma_wait3A_469 = tpu.memref_squeeze %dma_wait3A_468 : memref<1x250xi32, #tpu.memory_space<vmem>> -> memref<250xi32, #tpu.memory_space<vmem>>
    %dma_wait3A_470 = arith.constant 0 : i32
    %dma_wait3A_471 = arith.constant 0 : i32
    %dma_wait3A_472 = tpu.memref_slice %arg16[%dma_wait3A_470, %dma_wait3A_471] : memref<10112x64xf32, #tpu.memory_space<vmem_shared>> -> memref<10112x64xf32, #tpu.memory_space<vmem_shared>>
    tpu.wait_indirect_dma semaphore(%arg12 : memref<!tpu.dma_semaphore, #tpu.memory_space<semaphore_mem>>) src(%dma_wait3A_472 : memref<10112x64xf32, #tpu.memory_space<vmem_shared>>) dst(%arg10 : memref<250x64xf32, #tpu.memory_space<vmem>>)
    %dma_wait3A_473 = arith.constant 0 : i32
    %dma_wait3A_474 = arith.constant 0 : i32
    %dma_wait3A_475 = tpu.memref_slice %arg8[%dma_wait3A_473, %dma_wait3A_474] : memref<20x250xi32, #tpu.memory_space<vmem>> -> memref<1x250xi32, #tpu.memory_space<vmem>>
    %dma_wait3A_476 = tpu.memref_squeeze %dma_wait3A_475 : memref<1x250xi32, #tpu.memory_space<vmem>> -> memref<250xi32, #tpu.memory_space<vmem>>
    %dma_wait3A_477 = arith.constant 0 : i32
    %dma_wait3A_478 = arith.constant 0 : i32
    %dma_wait3A_479 = tpu.memref_slice %arg15[%dma_wait3A_477, %dma_wait3A_478] : memref<10112x64xf32, #tpu.memory_space<vmem_shared>> -> memref<10112x64xf32, #tpu.memory_space<vmem_shared>>
    tpu.wait_indirect_dma semaphore(%arg13 : memref<!tpu.dma_semaphore, #tpu.memory_space<semaphore_mem>>) src(%arg9 : memref<250x64xf32, #tpu.memory_space<vmem>>) dst(%dma_wait3A_479 : memref<10112x64xf32, #tpu.memory_space<vmem_shared>>)
    %dma_start3A_480 = arith.constant 19 : i32
    %dma_start3A_481 = arith.constant 0 : i32
    %dma_start3A_482 = tpu.memref_slice %arg8[%dma_start3A_480, %dma_start3A_481] : memref<20x250xi32, #tpu.memory_space<vmem>> -> memref<1x250xi32, #tpu.memory_space<vmem>>
    %dma_start3A_483 = tpu.memref_squeeze %dma_start3A_482 : memref<1x250xi32, #tpu.memory_space<vmem>> -> memref<250xi32, #tpu.memory_space<vmem>>
    %dma_start3A_484 = arith.constant 0 : i32
    %dma_start3A_485 = arith.constant 0 : i32
    %dma_start3A_486 = tpu.memref_slice %arg15[%dma_start3A_484, %dma_start3A_485] : memref<10112x64xf32, #tpu.memory_space<vmem_shared>> -> memref<10112x64xf32, #tpu.memory_space<vmem_shared>>
    tpu.enqueue_indirect_dma source(%arg10 : memref<250x64xf32, #tpu.memory_space<vmem>>) target(%dma_start3A_486 : memref<10112x64xf32, #tpu.memory_space<vmem_shared>>) offsets(%dma_start3A_483 : memref<250xi32, #tpu.memory_space<vmem>>) semaphore(%arg14 : memref<!tpu.dma_semaphore, #tpu.memory_space<semaphore_mem>>) {add = true}
    %dma_wait3A_487 = arith.constant 0 : i32
    %dma_wait3A_488 = arith.constant 0 : i32
    %dma_wait3A_489 = tpu.memref_slice %arg8[%dma_wait3A_487, %dma_wait3A_488] : memref<20x250xi32, #tpu.memory_space<vmem>> -> memref<1x250xi32, #tpu.memory_space<vmem>>
    %dma_wait3A_490 = tpu.memref_squeeze %dma_wait3A_489 : memref<1x250xi32, #tpu.memory_space<vmem>> -> memref<250xi32, #tpu.memory_space<vmem>>
    %dma_wait3A_491 = arith.constant 0 : i32
    %dma_wait3A_492 = arith.constant 0 : i32
    %dma_wait3A_493 = tpu.memref_slice %arg15[%dma_wait3A_491, %dma_wait3A_492] : memref<10112x64xf32, #tpu.memory_space<vmem_shared>> -> memref<10112x64xf32, #tpu.memory_space<vmem_shared>>
    tpu.wait_indirect_dma semaphore(%arg14 : memref<!tpu.dma_semaphore, #tpu.memory_space<semaphore_mem>>) src(%arg10 : memref<250x64xf32, #tpu.memory_space<vmem>>) dst(%dma_wait3A_493 : memref<10112x64xf32, #tpu.memory_space<vmem_shared>>)
    %barrier3A_494 = arith.constant 0 : index
    tpu.barrier barrier_id(%barrier3A_494)
    %mul3A_495 = arith.constant 632 : i32
    %mul3A_496 = arith.muli %arg1, %mul3A_495 : i32
    %lt3A_497 = arith.constant 15 : i32
    %lt3A_498 = arith.cmpi slt, %arg1, %lt3A_497 : i32
    %convert_element_type3A_499 = arith.extui %lt3A_498 : i1 to i32
    %cond3A_500 = arith.constant 0 : i32
    %cond3A_501 = arith.cmpi ne, %convert_element_type3A_499, %cond3A_500 : i32
    scf.if %cond3A_501 {
      "tpu.region"() ({
        %run_scoped3A = tpu.sem_alloc : memref<!tpu.dma_semaphore, #tpu.memory_space<semaphore_mem>>
        %dma_start3A_507 = arith.constant 0 : i32
        %dma_start3A_508 = tpu.memref_slice %arg6[%mul3A_496, %arg0, %dma_start3A_507] : memref<10000x2x64xf32, #tpu.memory_space<hbm>> -> memref<632x1x64xf32, #tpu.memory_space<hbm>>
        %dma_start3A_509 = tpu.memref_squeeze %dma_start3A_508 : memref<632x1x64xf32, #tpu.memory_space<hbm>> -> memref<632x64xf32, #tpu.memory_space<hbm>>
        %dma_start3A_510 = arith.constant 0 : i32
        %dma_start3A_511 = tpu.memref_slice %arg15[%mul3A_496, %dma_start3A_510] : memref<10112x64xf32, #tpu.memory_space<vmem_shared>> -> memref<632x64xf32, #tpu.memory_space<vmem_shared>>
        tpu.enqueue_dma source(%dma_start3A_511 : memref<632x64xf32, #tpu.memory_space<vmem_shared>>) target(%dma_start3A_509 : memref<632x64xf32, #tpu.memory_space<hbm>>) target_semaphore(%run_scoped3A : memref<!tpu.dma_semaphore, #tpu.memory_space<semaphore_mem>>)
        %dma_wait3A_512 = arith.constant 0 : i32
        %dma_wait3A_513 = tpu.memref_slice %arg6[%mul3A_496, %arg0, %dma_wait3A_512] : memref<10000x2x64xf32, #tpu.memory_space<hbm>> -> memref<632x1x64xf32, #tpu.memory_space<hbm>>
        %dma_wait3A_514 = tpu.memref_squeeze %dma_wait3A_513 : memref<632x1x64xf32, #tpu.memory_space<hbm>> -> memref<632x64xf32, #tpu.memory_space<hbm>>
        %dma_wait3A_515 = arith.constant 0 : i32
        %dma_wait3A_516 = tpu.memref_slice %arg15[%mul3A_496, %dma_wait3A_515] : memref<10112x64xf32, #tpu.memory_space<vmem_shared>> -> memref<632x64xf32, #tpu.memory_space<vmem_shared>>
        tpu.wait_dma2 semaphore(%run_scoped3A : memref<!tpu.dma_semaphore, #tpu.memory_space<semaphore_mem>>) src(%dma_wait3A_516 : memref<632x64xf32, #tpu.memory_space<vmem_shared>>) dst(%dma_wait3A_514 : memref<632x64xf32, #tpu.memory_space<hbm>>)
        tpu.yield
      }) : () -> ()
    } else {
    }
    %eq3A_502 = arith.constant 15 : i32
    %eq3A_503 = arith.cmpi eq, %arg1, %eq3A_502 : i32
    %convert_element_type3A_504 = arith.extui %eq3A_503 : i1 to i32
    %cond3A_505 = arith.constant 0 : i32
    %cond3A_506 = arith.cmpi ne, %convert_element_type3A_504, %cond3A_505 : i32
    scf.if %cond3A_506 {
      "tpu.region"() ({
        %run_scoped3A = tpu.sem_alloc : memref<!tpu.dma_semaphore, #tpu.memory_space<semaphore_mem>>
        %dma_start3A_507 = arith.constant 0 : i32
        %dma_start3A_508 = tpu.memref_slice %arg6[%mul3A_496, %arg0, %dma_start3A_507] : memref<10000x2x64xf32, #tpu.memory_space<hbm>> -> memref<520x1x64xf32, #tpu.memory_space<hbm>>
        %dma_start3A_509 = tpu.memref_squeeze %dma_start3A_508 : memref<520x1x64xf32, #tpu.memory_space<hbm>> -> memref<520x64xf32, #tpu.memory_space<hbm>>
        %dma_start3A_510 = arith.constant 0 : i32
        %dma_start3A_511 = tpu.memref_slice %arg15[%mul3A_496, %dma_start3A_510] : memref<10112x64xf32, #tpu.memory_space<vmem_shared>> -> memref<520x64xf32, #tpu.memory_space<vmem_shared>>
        tpu.enqueue_dma source(%dma_start3A_511 : memref<520x64xf32, #tpu.memory_space<vmem_shared>>) target(%dma_start3A_509 : memref<520x64xf32, #tpu.memory_space<hbm>>) target_semaphore(%run_scoped3A : memref<!tpu.dma_semaphore, #tpu.memory_space<semaphore_mem>>)
        %dma_wait3A_512 = arith.constant 0 : i32
        %dma_wait3A_513 = tpu.memref_slice %arg6[%mul3A_496, %arg0, %dma_wait3A_512] : memref<10000x2x64xf32, #tpu.memory_space<hbm>> -> memref<520x1x64xf32, #tpu.memory_space<hbm>>
        %dma_wait3A_514 = tpu.memref_squeeze %dma_wait3A_513 : memref<520x1x64xf32, #tpu.memory_space<hbm>> -> memref<520x64xf32, #tpu.memory_space<hbm>>
        %dma_wait3A_515 = arith.constant 0 : i32
        %dma_wait3A_516 = tpu.memref_slice %arg15[%mul3A_496, %dma_wait3A_515] : memref<10112x64xf32, #tpu.memory_space<vmem_shared>> -> memref<520x64xf32, #tpu.memory_space<vmem_shared>>
        tpu.wait_dma2 semaphore(%run_scoped3A : memref<!tpu.dma_semaphore, #tpu.memory_space<semaphore_mem>>) src(%dma_wait3A_516 : memref<520x64xf32, #tpu.memory_space<vmem_shared>>) dst(%dma_wait3A_514 : memref<520x64xf32, #tpu.memory_space<hbm>>)
        tpu.yield
      }) : () -> ()
    } else {
    }
    return
  }
}

module attributes {stable_mosaic.version = 14 : i64} {
  func.func @_matmul_body(%arg0: i32, %arg1: memref<400x128xf32, #tpu.memory_space<vmem>>, %arg2: memref<128x128xf32, #tpu.memory_space<vmem>>, %arg3: memref<400x128xf32, #tpu.memory_space<vmem>>) attributes {dimension_semantics = [#tpu.dimension_semantics<arbitrary>], iteration_bounds = array<i64: 25>, scalar_prefetch = 0 : i64, scratch_operands = 0 : i64, tpu.core_type = #tpu.core_type<tc>, window_params = [{transform_indices = @transform_0, window_bounds = array<i64: 400, 128>}, {pipeline_mode = #tpu.pipeline_mode<synchronous>, transform_indices = @transform_1, window_bounds = array<i64: 128, 128>}, {transform_indices = @transform_2, window_bounds = array<i64: 400, 128>}]} {
    %get3A = arith.constant 0 : index
    %get3A_0 = arith.constant 0 : index
    %get3A_1 = vector.load %arg1[%get3A, %get3A_0] : memref<400x128xf32, #tpu.memory_space<vmem>>, vector<400x128xf32>
    %get3A_2 = arith.constant 0 : index
    %get3A_3 = arith.constant 0 : index
    %get3A_4 = vector.load %arg2[%get3A_2, %get3A_3] : memref<128x128xf32, #tpu.memory_space<vmem>>, vector<128x128xf32>
    %dot_general3A = arith.constant dense<0.000000e+00> : vector<400x128xf32>
    %dot_general3A_5 = tpu.matmul %get3A_1, %get3A_4, %dot_general3A {dimension_numbers = #tpu.dot_dimension_numbers<[1], [0], [0], [1], [0, 0, 1, 1], [], []>, transpose_lhs_hint = false} : vector<400x128xf32>, vector<128x128xf32>, vector<400x128xf32> -> vector<400x128xf32>
    %swap3A = arith.constant 0 : index
    %swap3A_6 = arith.constant 0 : index
    %swap3A_7 = vector.load %arg3[%swap3A, %swap3A_6] : memref<400x128xf32, #tpu.memory_space<vmem>>, vector<400x128xf32>
    tpu.vector_store %arg3[%swap3A, %swap3A_6], %dot_general3A_5 {strides = array<i32>} : memref<400x128xf32, #tpu.memory_space<vmem>>, vector<400x128xf32>,
    return
  }
  func.func @transform_0(%arg0: i32) -> (i32, i32) {
    %c0_i32 = arith.constant 0 : i32
    %c0_i32_0 = arith.constant 0 : i32
    return %arg0, %c0_i32 : i32, i32
  }
  func.func @transform_1(%arg0: i32) -> (i32, i32) {
    %c0_i32 = arith.constant 0 : i32
    %c0_i32_0 = arith.constant 0 : i32
    %c0_i32_1 = arith.constant 0 : i32
    return %c0_i32, %c0_i32_0 : i32, i32
  }
  func.func @transform_2(%arg0: i32) -> (i32, i32) {
    %c0_i32 = arith.constant 0 : i32
    %c0_i32_0 = arith.constant 0 : i32
    return %arg0, %c0_i32 : i32, i32
  }
}

module attributes {stable_mosaic.version = 14 : i64} {
  func.func @_residual_body(%arg0: i32, %arg1: memref<1xf32, #tpu.memory_space<smem>>, %arg2: memref<400x128xf32, #tpu.memory_space<vmem>>, %arg3: memref<400x128xf32, #tpu.memory_space<vmem>>, %arg4: memref<400x128xf32, #tpu.memory_space<vmem>>) attributes {dimension_semantics = [#tpu.dimension_semantics<arbitrary>], iteration_bounds = array<i64: 25>, scalar_prefetch = 0 : i64, scratch_operands = 0 : i64, tpu.core_type = #tpu.core_type<tc>, window_params = [{transform_indices = @transform_0, window_bounds = array<i64: 1>}, {transform_indices = @transform_1, window_bounds = array<i64: 400, 128>}, {transform_indices = @transform_2, window_bounds = array<i64: 400, 128>}, {transform_indices = @transform_3, window_bounds = array<i64: 400, 128>}]} {
    %get3A = arith.constant 0 : index
    %get3A_0 = memref.load %arg1[%get3A] : memref<1xf32, #tpu.memory_space<smem>>
    %add3A = arith.constant 1.000000e+00 : f32
    %add3A_1 = arith.addf %add3A, %get3A_0 : f32
    %get3A_2 = arith.constant 0 : index
    %get3A_3 = arith.constant 0 : index
    %get3A_4 = vector.load %arg2[%get3A_2, %get3A_3] : memref<400x128xf32, #tpu.memory_space<vmem>>, vector<400x128xf32>
    %mul3A = vector.broadcast %add3A_1 : f32 to vector<400x128xf32>
    %mul3A_5 = arith.mulf %mul3A, %get3A_4 : vector<400x128xf32>
    %get3A_6 = arith.constant 0 : index
    %get3A_7 = arith.constant 0 : index
    %get3A_8 = vector.load %arg3[%get3A_6, %get3A_7] : memref<400x128xf32, #tpu.memory_space<vmem>>, vector<400x128xf32>
    %add3A_9 = arith.addf %mul3A_5, %get3A_8 : vector<400x128xf32>
    %swap3A = arith.constant 0 : index
    %swap3A_10 = arith.constant 0 : index
    %swap3A_11 = vector.load %arg4[%swap3A, %swap3A_10] : memref<400x128xf32, #tpu.memory_space<vmem>>, vector<400x128xf32>
    tpu.vector_store %arg4[%swap3A, %swap3A_10], %add3A_9 {strides = array<i32>} : memref<400x128xf32, #tpu.memory_space<vmem>>, vector<400x128xf32>,
    return
  }
  func.func @transform_0(%arg0: i32) -> i32 {
    %c0_i32 = arith.constant 0 : i32
    %c0_i32_0 = arith.constant 0 : i32
    return %c0_i32 : i32
  }
  func.func @transform_1(%arg0: i32) -> (i32, i32) {
    %c0_i32 = arith.constant 0 : i32
    %c0_i32_0 = arith.constant 0 : i32
    return %arg0, %c0_i32 : i32, i32
  }
  func.func @transform_2(%arg0: i32) -> (i32, i32) {
    %c0_i32 = arith.constant 0 : i32
    %c0_i32_0 = arith.constant 0 : i32
    return %arg0, %c0_i32 : i32, i32
  }
  func.func @transform_3(%arg0: i32) -> (i32, i32) {
    %c0_i32 = arith.constant 0 : i32
    %c0_i32_0 = arith.constant 0 : i32
    return %arg0, %c0_i32 : i32, i32
  }
}

</mosaic_0001>

<sc_bundles>
// kernel: kernel.5.cloned.1.call-start
scs
__scs_entry_jumppad:
0x0: {  	(pc) =	sbr.rel $0x88, $3  }
0x1: {  	(tag) =	ssettag $0x0;
	lr =	simm.s32 $0x1  }
0x2: {  	[smem:$0x3F9C] =	sst lr;
	_ =	strace $0xD0000000  }
0x3: {  	_ = 	snop  }
0x4: {  	_ = 	snop  }
0x5: {  	_ = 	snop  }
0x6: {  	_ = 	snop  }
0x7: {  	_ = 	snop  }
__scs_overlays_trampoline_lowered:
0x8: {  	[smem:$0x3FAB] =	sst s0  }
0x9: {  	[smem:$0x3FAC] =	sst s1  }
0xa: {  	[smem:$0x3FAD] =	sst s2  }
0xb: {  	[smem:$0x3FAE] =	sst s3  }
0xc: {  	[smem:$0x3FAF] =	sst s4  }
0xd: {  	[smem:$0x3FB0] =	sst s5  }
0xe: {  	[smem:$0x3FB1] =	sst s6  }
0xf: {  	[smem:$0x3FB2] =	sst s7  }
0x10: {  	[smem:$0x3FB3] =	sst s8  }
0x11: {  	[smem:$0x3FB4] =	sst s9;
	s0 =	simm.s32 @!p0 $0x0  }
0x12: {  	s1 =	sld [smem:$0x3F9A];
	s0 =	simm.s32 @p0 $0x1  }
0x13: {  	[smem:$0x3FB5] =	sst s0;
	s0 =	simm.s32 @!p1 $0x0  }
0x14: {  	s2 =	sld [smem:$0x3F99];
	s0 =	simm.s32 @p1 $0x1  }
0x15: {  	[smem:$0x3FB6] =	sst s0;
	s0 =	simm.s32 @!p2 $0x0  }
0x16: {  	s3 =	sld [smem:$0x3FDB];
	s0 =	simm.s32 @p2 $0x1  }
0x17: {  	s4 =	simm.s32 $0x1BF5;
	[smem:$0x3FB8] =	sst s0  }
0x18: {  	s0 =	sld [smem:$0x3F9B];
	_ =	swait.ge [sflag:s4], $0x0  }
0x19: {  	s7 =	sld [smem:$0x3F9C]  }
0x1a: {  	s8 =	sadd.s32 $0xFFFFE003, lr  }
0x1b: {  	s9 =	sadd.s32 $0xFFFFFEF7, lr;
	s5 =	simm.s32 $0xFFFFFFFF;
	p2 =	slt.u32 s8, $0xFFFFF086  }
0x1c: {  	p1 =	slt.u32 s9, $0xF7A;
	s5 =	simm.s32 @!p2 $0x0  }
0x1d: {  	s5 =	simm.s32 @p1 $0x1;
	p0 =	seq.s32 s7, s2  }
0x1e: {  	s7 =	smul.u32 @!p0 $0xF7A, s2;
	p2 =	seq.s32 @!p0 s5, $0x0  }
0x1f: {  	s9 =	smul.u32 $0xF7A, s1;
	s8 =	simm.s32 @!p0 $0x1BF5;
	p2 =	por !p2, p0  }
0x20: {  	[sflag:s8] =	ssyncset.s32 @!p0 $0xFFFFF086;
	s6 =	sadd.s32 @!p0 s3, s7;
	s7 =	simm.s32 @!p0 $0x108  }
0x21: {  	s3 =	sadd.s32 s3, s9;
	s6 =	sadd.s32 @!p0 $0x88, s6;
	s7 =	simm.s32 @p2 $0x1082  }
0x22: {  	[simem:s7], [sflag:s8] =	dma.local @!p0 [hbm:s6], $0xF7A  }
0x23: {  	s9 =	sor.u32 $0xD0000000, s2;
	s6 =	simm.s32 $0x108;
	_ =	swait.ge @!p0 [sflag:s8], $0x0  }
0x24: {  	s3 =	sadd.s32 $0x88, s3;
	s6 =	simm.s32 @!p1 $0x1082;
	[sflag:s4] =	ssyncset.s32 $0xFFFFF086  }
0x25: {  	[simem:s6], [sflag:s4] =	dma.local [hbm:s3], $0xF7A  }
0x26: {  	[smem:$0x3F9C] =	sst s1;
	(tag) =	ssettag s2;
	_ =	strace s9  }
0x27: {  	s1 =	sld [smem:$0x3FAC]  }
0x28: {  	s2 =	sld [smem:$0x3FAD]  }
0x29: {  	s4 =	sld [smem:$0x3FAF]  }
0x2a: {  	p0 =	seq.s32 s5, $0x0;
	s5 =	sld [smem:$0x3FB0]  }
0x2b: {  	s6 =	sld [smem:$0x3FB1]  }
0x2c: {  	s7 =	sld [smem:$0x3FB2]  }
0x2d: {  	s3 =	simm.s32 $0x108;
	s8 =	sld [smem:$0x3FB3]  }
0x2e: {  	s3 =	simm.s32 @!p0 $0x1082;
	s9 =	sld [smem:$0x3FB4]  }
0x2f: {  	lr =	sadd.s32 s0, s3;
	s0 =	sld [smem:$0x3FAB]  }
0x30: {  	s3 =	sld [smem:$0x3FAE]  }
0x31: {  	[smem:$0x3FB7] =	sst s10  }
0x32: {  	s10 =	sld [smem:$0x3FB5];
	_ =	sdelay $0x3  }
0x33: {  	p0 =	seq.s32 s10, $0x1;
	s10 =	sld [smem:$0x3FB7];
	_ =	sdelay $0x3  }
0x34: {  	[smem:$0x3FB7] =	sst s10  }
0x35: {  	s10 =	sld [smem:$0x3FB6];
	_ =	sdelay $0x3  }
0x36: {  	p1 =	seq.s32 s10, $0x1;
	s10 =	sld [smem:$0x3FB7];
	_ =	sdelay $0x3  }
0x37: {  	[smem:$0x3FB7] =	sst s10  }
0x38: {  	s10 =	sld [smem:$0x3FB8]  }
0x39: {  	_ = 	snop;
	(pc) =	sbr.ind lr, $3  }
0x3a: {  	_ = 	snop  }
0x3b: {  	_ = 	snop  }
0x3c: {  	p2 =	seq.s32 s10, $0x1;
	s10 =	sld [smem:$0x3FB7]  }
0x3d: {  	_ =	shalt  }
0x3e: {  	_ =	shalt  }
0x3f: {  	_ =	shalt  }
0x40: {  	_ =	shalt  }
0x41: {  	_ =	shalt  }
0x42: {  	_ =	shalt  }
0x43: {  	_ =	shalt  }
0x44: {  	_ =	shalt  }
0x45: {  	_ =	shalt  }
0x46: {  	_ =	shalt  }
0x47: {  	_ =	shalt  }
0x48: {  	_ =	shalt  }
0x49: {  	_ =	shalt  }
0x4a: {  	_ =	shalt  }
0x4b: {  	_ =	shalt  }
0x4c: {  	_ =	shalt  }
0x4d: {  	_ =	shalt  }
0x4e: {  	_ =	shalt  }
0x4f: {  	_ =	shalt  }
0x50: {  	_ =	shalt  }
0x51: {  	_ =	shalt  }
0x52: {  	_ =	shalt  }
0x53: {  	_ =	shalt  }
0x54: {  	_ =	shalt  }
0x55: {  	_ =	shalt  }
0x56: {  	_ =	shalt  }
0x57: {  	_ =	shalt  }
0x58: {  	_ =	shalt  }
0x59: {  	_ =	shalt  }
0x5a: {  	_ =	shalt  }
0x5b: {  	_ =	shalt  }
0x5c: {  	_ =	shalt  }
0x5d: {  	_ =	shalt  }
0x5e: {  	_ =	shalt  }
0x5f: {  	_ =	shalt  }
0x60: {  	_ =	shalt  }
0x61: {  	_ =	shalt  }
0x62: {  	_ =	shalt  }
0x63: {  	_ =	shalt  }
0x64: {  	_ =	shalt  }
0x65: {  	_ =	shalt  }
0x66: {  	_ =	shalt  }
0x67: {  	_ =	shalt  }
0x68: {  	_ =	shalt  }
0x69: {  	_ =	shalt  }
0x6a: {  	_ =	shalt  }
0x6b: {  	_ =	shalt  }
0x6c: {  	_ =	shalt  }
0x6d: {  	_ =	shalt  }
0x6e: {  	_ =	shalt  }
0x6f: {  	_ =	shalt  }
0x70: {  	_ =	shalt  }
0x71: {  	_ =	shalt  }
0x72: {  	_ =	shalt  }
0x73: {  	_ =	shalt  }
0x74: {  	_ =	shalt  }
0x75: {  	_ =	shalt  }
0x76: {  	_ =	shalt  }
0x77: {  	_ =	shalt  }
0x78: {  	_ =	shalt  }
0x79: {  	_ =	shalt  }
0x7a: {  	_ =	shalt  }
0x7b: {  	_ =	shalt  }
0x7c: {  	_ =	shalt  }
0x7d: {  	_ =	shalt  }
0x7e: {  	_ =	shalt  }
0x7f: {  	_ =	shalt  }
0x80: {  	_ =	shalt  }
0x81: {  	_ =	shalt  }
0x82: {  	_ =	shalt  }
0x83: {  	_ =	shalt  }
0x84: {  	_ =	shalt  }
0x85: {  	_ =	shalt  }
0x86: {  	_ =	shalt  }
0x87: {  	_ =	shalt  }
.Lfunc_end0:
.L_simem_size_0:
called_computation_lowered:
.L_overlay_start_0:
0x88: {  	s2 =	sld [smem:$0x3FD9]  }
0x89: {  	s3 =	sld [smem:$0x3FFE];
	_ =	sdelay $0x1  }
0x8a: {  	s1 =	srdreg.scid  }
0x8b: {  	s0 =	sand.u32 $0x1, s1  }
0x8c: {  	s17 =	sshll.u32 s0, $0xA;
	s2 =	sadd.s32 s3, s2  }
0x8d: {  	s2 =	sadd.s32 s2, s17  }
0x8e: {  	[smem:$0x3FC3] =	sst s2  }
0x8f: {  	_ = 	snop  }
0x90: {  	s2 =	sld [smem:$0x3FD0];
	(tm) =	ssettm $0x1  }
0x91: {  	s18 =	sld [smem:$0x3FFB];
	_ =	sdelay $0x3  }
0x92: {  	_ =	strace s18  }
0x93: {  	s3 =	sld [smem:$0x3FFC];
	_ =	sdelay $0x3  }
0x94: {  	_ =	strace s3  }
0x95: {  	s3 =	sld [smem:$0x3FFD];
	_ =	sdelay $0x3  }
0x96: {  	_ =	strace s3  }
0x97: {  	_ =	strace $0x8FFFFFFF  }
0x98: {  	s19 =	sld [smem:$0x3FDB];
	_ =	sdelay $0x1  }
0x99: {  	s4 =	simm.s32 $_scs_section_size  }
0x9a: {  	s5 =	simm.s32 $_size__tile_overlayer_lowered;
	s6 =	simm.s32 $_tile_overlayer_lowered  }
0x9b: {  	s22 =	simm.s32 $0x1BFF;
	s21 =	sshll.u32 s6, $0x1;
	s3 =	sadd.s32 s4, s19  }
0x9c: {  	s7 =	simm.s32 $0x0;
	s20 =	sshll.u32 s5, $0x1;
	s5 =	sadd.s32 s21, s3  }
0x9d: {  	[timem:s7], [sflag:s22] =	dma.local [hbm:s5], s20  }
0x9e: {  	_ =	swait.ge [sflag:s22], s20  }
0x9f: {  	s4 =	ssub.s32 $0x0, s20;
	[sflag:s22] =	ssyncset.done $0x0  }
0xa0: {  	[sflag:s22] =	ssyncadd.s32 s4;
	_ =	sdelay $0x1  }
0xa1: {  	s23 =	simm.s32 $0x1B8B  }
0xa2: {  	_ =	swait.ge [sflag:s23], $0x1  }
0xa3: {  	[sflag:s23] =	ssyncset.done $0x0  }
0xa4: {  	s25 =	simm.s32 $0x1B8E;
	s24 =	sld [smem:$0x3FFE];
	[sflag:s23] =	ssyncadd.s32 $0xFFFFFFFF  }
0xa5: {  	s26 =	simm.s32 $execute0_lowered;
	[smem:$0x3FD2] =	sst s25  }
0xa6: {  	s5 =	sshll.u32 s26, $0x1;
	_ =	strace $0x80000046;
	[dreg:$0x1] =	wrdreg $0xFFFFFFFF  }
0xa7: {  	s28 =	simm.s32 $_size_execute0_lowered;
	s3 =	sadd.s32 s3, s5;
	[dreg:$0x0] =	wrdreg $0x0  }
0xa8: {  	s5 =	sshll.u32 s28, $0x1;
	[dreg:$0x2] =	wrdreg s3  }
0xa9: {  	[dreg:$0x3] =	wrdreg s5  }
0xaa: {  	[dreg:$0x4] =	wrdreg $0xC0  }
0xab: {  	_ =	task [dreg:s7], $0x5FFFF  }
0xac: {  	[dreg:$0x1] =	wrdreg $0xFFFFFFFF  }
0xad: {  	[dreg:$0x0] =	wrdreg $0x60  }
0xae: {  	[dreg:$0x2] =	wrdreg s2  }
0xaf: {  	[dreg:$0x3] =	wrdreg s24  }
0xb0: {  	[dreg:$0x4] =	wrdreg $0x143000  }
0xb1: {  	[dreg:$0x5] =	wrdreg $0xA5000  }
0xb2: {  	[dreg:$0x6] =	wrdreg $0x9  }
0xb3: {  	_ =	task.clear_ibuf [dreg:s7], $0x7FFFF;
	_ =	strace $0x90000046  }
0xb4: {  	s29 =	simm.s32 $0x9;
	_ =	strace $0x80000048  }
0xb5: {  	_ =	swait.ge [sflag:s29], $0x1  }
0xb6: {  	[sflag:s29] =	ssyncadd.s32 $0xFFFFFFFF  }
0xb7: {  	_ =	strace $0x90000048  }
0xb8: {  	_ =	sfence  }
0xb9: {  	s30 =	sld [smem:$0x0];
	_ =	sdelay $0x2  }
0xba: {  	s31 =	sshll.u32 s1, $0xD;
	s1 =	sshrl.u32 s1, $0x2  }
0xbb: {  	s3 =	sand.u32 $0x4000, s31;
	s1 =	sadd.s32 s1, s30  }
0xbc: {  	s0 =	sor.u32 s3, s0;
	s1 =	sshll.u32 s1, $0x11  }
0xbd: {  	s0 =	sor.u32 s1, s0  }
0xbe: {  	s0 =	sadd.s32 $0x8F2B, s0  }
0xbf: {  	[sflag:s0] =	ssyncadd.remote.s32 $0x1  }
0xc0: {  	_ =	sfence.sel $0xFFFF  }
0xc1: {  	[dreg:$0x0] =	wrdreg $0xFFFFFFFF;
	(pc) =	sbr.abs _section_cstart, $3  }
0xc2: {  	[dreg:$0x1] =	wrdreg $0xFFFFFFFF  }
0xc3: {  	_ =	task.clear_ibuf [dreg:s7], $0x2FFFF;
	_ =	strace $0x9FFFFFFF  }
0xc4: {  	(tm) =	ssettm $0x7FFFFFFF  }
0xc5: {  	_ =	shalt  }
tec
execute0_lowered:
.L_overlay_start_1:
0x0: {  	(tag) =	ssettag $0x1  }
0x1: {  	s0 =	rddreg [dreg:$0x0]  }
0x2: {  	s1 =	rddreg [dreg:$0x1]  }
0x3: {  	s2 =	rddreg [dreg:$0x2]  }
0x4: {  	s3 =	rddreg [dreg:$0x3];
	s4 =	simm.s32 $0x0;
	s15 =	stileid.u32  }
0x5: {  	s6 =	srdreg.scid;
	s30 =	simm.s32 $0x4;
	[smem:$0x7FF] =	sst s4  }
0x6: {  	s5 =	smul.u32 $0x9E00, s15;
	s7 =	sadd.s32 $0xAC00, s1;
	s6 =	sand.u32 $0x1, s6  }
0x7: {  	s9 =	sadd.s32 $0xC00, s1;
	s12 =	smul.u32 $0x13C00, s15;
	s28 =	sshll.u32 s15, $0x6  }
0x8: {  	s14 =	smul.u32 $0x5000, s15;
	p0 =	seq.s32 s15, $0xF;
	_ =	strace $0x80000047  }
0x9: {  	s10 =	ssub.s32 $0x2, s6;
	s13 =	sshll.u32 s6, $0x6;
	s29 =	sshll.u32 s6, $0x3  }
0xa: {  	s31 =	sor.u32 $0x1C05, s28;
	s8 =	sshrl.u32 s5, $0x3;
	s11 =	sshrl.u32 s10, $0x1  }
0xb: {  	s16 =	sadd.s32 s5, s2;
	s12 =	sor.u32 s13, s12;
	[dreg:$0x16] =	wrdreg s31  }
0xc: {  	s5 =	sadd.s32 s5, s3;
	s8 =	sadd.s32 s8, s1;
	s1 =	sadd.s32 $0x28800, s1  }
0xd: {  	s10 =	ssub.s32 s10, s11;
	[dreg:$0xb] =	wrdreg s5;
	s31 =	sshrl.u32 s16, $0x3  }
0xe: {  	s12 =	sshrl.u32 s12, $0x3;
	s8 =	sadd.s32 $0x14C00, s8;
	[dreg:$0x9] =	wrdreg s31  }
0xf: {  	s11 =	sshrl.u32 s14, $0x3;
	s6 =	sadd.s32 s0, s12;
	[dreg:$0xa] =	wrdreg s8  }
0x10: {  	s0 =	sadd.s32 s29, s0;
	s17 =	sadd.s32 s9, s11;
	[dreg:$0x5] =	wrdreg s6  }
0x11: {  	s18 =	sadd.s32 s7, s11;
	s19 =	sadd.s32 $0x280, s11;
	[dreg:$0xc] =	wrdreg s17  }
0x12: {  	s20 =	sadd.s32 $0x500, s11;
	s24 =	sadd.s32 s1, s12;
	[dreg:$0xd] =	wrdreg s18  }
0x13: {  	s1 =	sadd.s32 s29, s1;
	s0 =	sadd.s32 $0x25080, s0;
	[dreg:$0x7] =	wrdreg s24  }
0x14: {  	s25 =	sadd.s32 $0x780, s11;
	s21 =	sadd.s32 s9, s19;
	[dreg:$0x6] =	wrdreg s0  }
0x15: {  	s22 =	sadd.s32 s9, s20;
	s23 =	sadd.s32 s7, s20;
	[dreg:$0xe] =	wrdreg s21  }
0x16: {  	s26 =	sadd.s32 $0x25080, s1;
	s28 =	sadd.s32 s9, s25;
	[dreg:$0x10] =	wrdreg s22  }
0x17: {  	s29 =	sadd.s32 s7, s25;
	s1 =	smax.u32 s10, $0x1;
	[dreg:$0x11] =	wrdreg s23  }
0x18: {  	s17 =	simm.s32 $0x5;
	s20 =	simm.s32 $0x2800;
	[dreg:$0x12] =	wrdreg s28  }
0x19: {  	s24 =	simm.s32 $0x2;
	s25 =	simm.s32 $0x3;
	[dreg:$0x13] =	wrdreg s29  }
0x1a: {  	s0 =	sadd.s32 s7, s19;
	[dreg:$0x8] =	wrdreg s26;
	s19 =	simm.s32 $0xFA  }
0x1b: {  	s21 =	simm.s32 $0x1;
	s23 =	simm.s32 $0x6680;
	[dreg:$0xf] =	wrdreg s0  }
.LBB2_1:
0x1c: {  	[dreg:$0x17] =	wrdreg s1  }
0x1d: {  	s31 =	rddreg [dreg:$0x9]  }
0x1e: {  	s7 =	rddreg [dreg:$0xa]  }
0x1f: {  	s0 =	rddreg [dreg:$0x16]  }
0x20: {  	[spmem:s31], [sflag:s0] =	dma.local [hbm:s7], $0x13C0  }
0x21: {  	_ =	swait.ge [sflag:s17], $0x13C0  }
0x22: {  	s8 =	simm.s32 @p0 $0x8;
	s9 =	simm.s32 @p0 $0x10;
	s1 =	rddreg [dreg:$0xb]  }
0x23: {  	[sflag:s17] =	ssyncset.done $0x0;
	s31 =	rddreg [dreg:$0x6];
	s5 =	sshrl.u32 @p0 s1, $0x3  }
0x24: {  	s7 =	simm.s32 @p0 $0x1;
	[sflag:s17] =	ssyncadd.s32 $0xFFFFEC40;
	[dreg:$0x14] =	wrdreg s5  }
0x25: {  	[spmem:s5@s8], [sflag:s0] =	dma.strided @p0 [hbm:s31@s9], $0x1040, s7, $0x8   }
0x26: {  	s5 =	simm.s32 @p0 $0x5  }
0x27: {  	_ =	swait.ge @p0 [sflag:s5], $0x1040  }
0x28: {  	s7 =	simm.s32 @!p0 $0x1;
	[sflag:s5] =	ssyncset.done @p0 $0x0  }
0x29: {  	s31 =	rddreg [dreg:$0x5];
	[sflag:s5] =	ssyncadd.s32 @p0 $0xFFFFEFC0;
	s5 =	sshrl.u32 @!p0 s1, $0x3  }
0x2a: {  	s8 =	simm.s32 @!p0 $0x8;
	s9 =	simm.s32 @!p0 $0x10;
	[dreg:$0x15] =	wrdreg s5  }
0x2b: {  	[spmem:s5@s8], [sflag:s0] =	dma.strided @!p0 [hbm:s31@s9], $0x13C0, s7, $0x8   }
0x2c: {  	s5 =	simm.s32 @!p0 $0x5  }
0x2d: {  	_ =	swait.ge @!p0 [sflag:s5], $0x13C0  }
0x2e: {  	[sflag:s5] =	ssyncset.done @!p0 $0x0  }
0x2f: {  	[sflag:s5] =	ssyncadd.s32 @!p0 $0xFFFFEC40  }
0x30: {  	[bflag:$0x0] =	sbarrier.arrive $0xFFFF  }
0x31: {  	s8 =	rddreg [dreg:$0xc]  }
0x32: {  	[tilespmem:s4], [sflag:$0x5] =	stream.linear.gather [hbm4b:s8+s4], $0x1400, $0x38;
	[tilespmem:$0x1E100] =	vst v63  }
0x33: {  	_ =	swait.ge [sflag:s17], $0x1400  }
0x34: {  	[sflag:s17] =	ssyncset.done $0x0  }
0x35: {  	s10 =	simm.s32 $0x1400;
	s9 =	rddreg [dreg:$0xd];
	[sflag:s17] =	ssyncadd.s32 $0xFFFFEC00  }
0x36: {  	[tilespmem:s10], [sflag:$0x5] =	stream.linear.gather [hbm4b:s9+s4], $0x1400, $0x38;
	[tilespmem:$0x1E100] =	vst v63  }
0x37: {  	_ =	swait.ge [sflag:s17], $0x1400  }
0x38: {  	[sflag:s17] =	ssyncset.done $0x0  }
0x39: {  	[sflag:s17] =	ssyncadd.s32 $0xFFFFEC00  }
0x3a: {  	[tilespmem:s20], [sflag:$0x1] =	stream.indirect.gather [spmem:s3], $0x40, s4, s19, $0xb8;
	[tilespmem:$0x1E100] =	vst v63  }
0x3b: {  	_ =	swait.ge [sflag:s21], $0x3E80  }
0x3c: {  	[sflag:s21] =	ssyncset.done $0x0  }
0x3d: {  	[sflag:s21] =	ssyncadd.s32 $0xFFFFC180  }
0x3e: {  	[spmem:s2] =	stream.indirect.scatter.add.f32 [tilespmem:s20], [sflag:$0x3], $0x40, s10, s19, $0xb8;
	[tilespmem:$0x1E100] =	vst v63  }
0x3f: {  	s11 =	simm.s32 $0x100  }
0x40: {  	[tilespmem:s23], [sflag:$0x2] =	stream.indirect.gather [spmem:s3], $0x40, s11, s19, $0xb8;
	[tilespmem:$0x1E100] =	vst v63  }
0x41: {  	_ =	swait.ge [sflag:s24], $0x3E80  }
0x42: {  	[sflag:s24] =	ssyncset.done $0x0  }
0x43: {  	[sflag:s24] =	ssyncadd.s32 $0xFFFFC180  }
0x44: {  	_ =	swait.ge [sflag:s25], $0x3E80  }
0x45: {  	[sflag:s25] =	ssyncset.done $0x0  }
0x46: {  	s12 =	simm.s32 $0x1500;
	[sflag:s25] =	ssyncadd.s32 $0xFFFFC180  }
0x47: {  	[spmem:s2] =	stream.indirect.scatter.add.f32 [tilespmem:s23], [sflag:$0x4], $0x40, s12, s19, $0xb8;
	[tilespmem:$0x1E100] =	vst v63  }
0x48: {  	s13 =	simm.s32 $0x200  }
0x49: {  	[tilespmem:s20], [sflag:$0x1] =	stream.indirect.gather [spmem:s3], $0x40, s13, s19, $0xb8;
	[tilespmem:$0x1E100] =	vst v63  }
0x4a: {  	_ =	swait.ge [sflag:s21], $0x3E80  }
0x4b: {  	[sflag:s21] =	ssyncset.done $0x0  }
0x4c: {  	s14 =	simm.s32 $0x1600;
	[sflag:s21] =	ssyncadd.s32 $0xFFFFC180  }
0x4d: {  	[spmem:s2] =	stream.indirect.scatter.add.f32 [tilespmem:s20], [sflag:$0x3], $0x40, s14, s19, $0xb8;
	[tilespmem:$0x1E100] =	vst v63  }
0x4e: {  	_ =	swait.ge [sflag:s30], $0x3E80  }
0x4f: {  	[sflag:s30] =	ssyncset.done $0x0  }
0x50: {  	s15 =	simm.s32 $0x300;
	[sflag:s30] =	ssyncadd.s32 $0xFFFFC180  }
0x51: {  	[tilespmem:s23], [sflag:$0x2] =	stream.indirect.gather [spmem:s3], $0x40, s15, s19, $0xb8;
	[tilespmem:$0x1E100] =	vst v63  }
0x52: {  	_ =	swait.ge [sflag:s24], $0x3E80  }
0x53: {  	[sflag:s24] =	ssyncset.done $0x0  }
0x54: {  	[sflag:s24] =	ssyncadd.s32 $0xFFFFC180  }
0x55: {  	_ =	swait.ge [sflag:s25], $0x3E80  }
0x56: {  	[sflag:s25] =	ssyncset.done $0x0  }
0x57: {  	s16 =	simm.s32 $0x1700;
	[sflag:s25] =	ssyncadd.s32 $0xFFFFC180  }
0x58: {  	[spmem:s2] =	stream.indirect.scatter.add.f32 [tilespmem:s23], [sflag:$0x4], $0x40, s16, s19, $0xb8;
	[tilespmem:$0x1E100] =	vst v63  }
0x59: {  	s18 =	simm.s32 $0x400  }
0x5a: {  	[tilespmem:s20], [sflag:$0x1] =	stream.indirect.gather [spmem:s3], $0x40, s18, s19, $0xb8;
	[tilespmem:$0x1E100] =	vst v63  }
0x5b: {  	_ =	swait.ge [sflag:s21], $0x3E80  }
0x5c: {  	[sflag:s21] =	ssyncset.done $0x0  }
0x5d: {  	s22 =	simm.s32 $0x1800;
	[sflag:s21] =	ssyncadd.s32 $0xFFFFC180  }
0x5e: {  	[spmem:s2] =	stream.indirect.scatter.add.f32 [tilespmem:s20], [sflag:$0x3], $0x40, s22, s19, $0xb8;
	[tilespmem:$0x1E100] =	vst v63  }
0x5f: {  	_ =	swait.ge [sflag:s30], $0x3E80  }
0x60: {  	[sflag:s30] =	ssyncset.done $0x0  }
0x61: {  	s26 =	simm.s32 $0x500;
	[sflag:s30] =	ssyncadd.s32 $0xFFFFC180  }
0x62: {  	[tilespmem:s23], [sflag:$0x2] =	stream.indirect.gather [spmem:s3], $0x40, s26, s19, $0xb8;
	[tilespmem:$0x1E100] =	vst v63  }
0x63: {  	_ =	swait.ge [sflag:s24], $0x3E80  }
0x64: {  	[sflag:s24] =	ssyncset.done $0x0  }
0x65: {  	[sflag:s24] =	ssyncadd.s32 $0xFFFFC180  }
0x66: {  	_ =	swait.ge [sflag:s25], $0x3E80  }
0x67: {  	[sflag:s25] =	ssyncset.done $0x0  }
0x68: {  	s28 =	simm.s32 $0x1900;
	[sflag:s25] =	ssyncadd.s32 $0xFFFFC180  }
0x69: {  	[spmem:s2] =	stream.indirect.scatter.add.f32 [tilespmem:s23], [sflag:$0x4], $0x40, s28, s19, $0xb8;
	[tilespmem:$0x1E100] =	vst v63  }
0x6a: {  	s29 =	simm.s32 $0x600  }
0x6b: {  	[tilespmem:s20], [sflag:$0x1] =	stream.indirect.gather [spmem:s3], $0x40, s29, s19, $0xb8;
	[tilespmem:$0x1E100] =	vst v63  }
0x6c: {  	_ =	swait.ge [sflag:s21], $0x3E80  }
0x6d: {  	[sflag:s21] =	ssyncset.done $0x0  }
0x6e: {  	s31 =	simm.s32 $0x1A00;
	[sflag:s21] =	ssyncadd.s32 $0xFFFFC180  }
0x6f: {  	[spmem:s2] =	stream.indirect.scatter.add.f32 [tilespmem:s20], [sflag:$0x3], $0x40, s31, s19, $0xb8;
	[tilespmem:$0x1E100] =	vst v63  }
0x70: {  	_ =	swait.ge [sflag:s30], $0x3E80  }
0x71: {  	[sflag:s30] =	ssyncset.done $0x0  }
0x72: {  	s7 =	simm.s32 $0x700;
	[sflag:s30] =	ssyncadd.s32 $0xFFFFC180  }
0x73: {  	[tilespmem:s23], [sflag:$0x2] =	stream.indirect.gather [spmem:s3], $0x40, s7, s19, $0xb8;
	[tilespmem:$0x1E100] =	vst v63  }
0x74: {  	_ =	swait.ge [sflag:s24], $0x3E80  }
0x75: {  	[sflag:s24] =	ssyncset.done $0x0  }
0x76: {  	[sflag:s24] =	ssyncadd.s32 $0xFFFFC180  }
0x77: {  	_ =	swait.ge [sflag:s25], $0x3E80  }
0x78: {  	[sflag:s25] =	ssyncset.done $0x0  }
0x79: {  	s10 =	simm.s32 $0x1B00;
	[sflag:s25] =	ssyncadd.s32 $0xFFFFC180  }
0x7a: {  	[spmem:s2] =	stream.indirect.scatter.add.f32 [tilespmem:s23], [sflag:$0x4], $0x40, s10, s19, $0xb8;
	[tilespmem:$0x1E100] =	vst v63  }
0x7b: {  	s15 =	simm.s32 $0x800  }
0x7c: {  	[tilespmem:s20], [sflag:$0x1] =	stream.indirect.gather [spmem:s3], $0x40, s15, s19, $0xb8;
	[tilespmem:$0x1E100] =	vst v63  }
0x7d: {  	_ =	swait.ge [sflag:s21], $0x3E80  }
0x7e: {  	[sflag:s21] =	ssyncset.done $0x0  }
0x7f: {  	s16 =	simm.s32 $0x1C00;
	[sflag:s21] =	ssyncadd.s32 $0xFFFFC180  }
0x80: {  	[spmem:s2] =	stream.indirect.scatter.add.f32 [tilespmem:s20], [sflag:$0x3], $0x40, s16, s19, $0xb8;
	[tilespmem:$0x1E100] =	vst v63  }
0x81: {  	_ =	swait.ge [sflag:s30], $0x3E80  }
0x82: {  	[sflag:s30] =	ssyncset.done $0x0  }
0x83: {  	s18 =	simm.s32 $0x900;
	[sflag:s30] =	ssyncadd.s32 $0xFFFFC180  }
0x84: {  	[tilespmem:s23], [sflag:$0x2] =	stream.indirect.gather [spmem:s3], $0x40, s18, s19, $0xb8;
	[tilespmem:$0x1E100] =	vst v63  }
0x85: {  	_ =	swait.ge [sflag:s24], $0x3E80  }
0x86: {  	[sflag:s24] =	ssyncset.done $0x0  }
0x87: {  	[sflag:s24] =	ssyncadd.s32 $0xFFFFC180  }
0x88: {  	_ =	swait.ge [sflag:s25], $0x3E80  }
0x89: {  	[sflag:s25] =	ssyncset.done $0x0  }
0x8a: {  	s22 =	simm.s32 $0x1D00;
	[sflag:s25] =	ssyncadd.s32 $0xFFFFC180  }
0x8b: {  	[spmem:s2] =	stream.indirect.scatter.add.f32 [tilespmem:s23], [sflag:$0x4], $0x40, s22, s19, $0xb8;
	[tilespmem:$0x1E100] =	vst v63  }
0x8c: {  	s26 =	simm.s32 $0xA00  }
0x8d: {  	[tilespmem:s20], [sflag:$0x1] =	stream.indirect.gather [spmem:s3], $0x40, s26, s19, $0xb8;
	[tilespmem:$0x1E100] =	vst v63  }
0x8e: {  	_ =	swait.ge [sflag:s21], $0x3E80  }
0x8f: {  	[sflag:s21] =	ssyncset.done $0x0  }
0x90: {  	s28 =	simm.s32 $0x1E00;
	[sflag:s21] =	ssyncadd.s32 $0xFFFFC180  }
0x91: {  	[spmem:s2] =	stream.indirect.scatter.add.f32 [tilespmem:s20], [sflag:$0x3], $0x40, s28, s19, $0xb8;
	[tilespmem:$0x1E100] =	vst v63  }
0x92: {  	_ =	swait.ge [sflag:s30], $0x3E80  }
0x93: {  	[sflag:s30] =	ssyncset.done $0x0  }
0x94: {  	s29 =	simm.s32 $0xB00;
	[sflag:s30] =	ssyncadd.s32 $0xFFFFC180  }
0x95: {  	[tilespmem:s23], [sflag:$0x2] =	stream.indirect.gather [spmem:s3], $0x40, s29, s19, $0xb8;
	[tilespmem:$0x1E100] =	vst v63  }
0x96: {  	_ =	swait.ge [sflag:s24], $0x3E80  }
0x97: {  	[sflag:s24] =	ssyncset.done $0x0  }
0x98: {  	[sflag:s24] =	ssyncadd.s32 $0xFFFFC180  }
0x99: {  	_ =	swait.ge [sflag:s25], $0x3E80  }
0x9a: {  	[sflag:s25] =	ssyncset.done $0x0  }
0x9b: {  	s31 =	simm.s32 $0x1F00;
	[sflag:s25] =	ssyncadd.s32 $0xFFFFC180  }
0x9c: {  	[spmem:s2] =	stream.indirect.scatter.add.f32 [tilespmem:s23], [sflag:$0x4], $0x40, s31, s19, $0xb8;
	[tilespmem:$0x1E100] =	vst v63  }
0x9d: {  	s7 =	simm.s32 $0xC00  }
0x9e: {  	[tilespmem:s20], [sflag:$0x1] =	stream.indirect.gather [spmem:s3], $0x40, s7, s19, $0xb8;
	[tilespmem:$0x1E100] =	vst v63  }
0x9f: {  	_ =	swait.ge [sflag:s21], $0x3E80  }
0xa0: {  	[sflag:s21] =	ssyncset.done $0x0  }
0xa1: {  	s15 =	simm.s32 $0x2000;
	[sflag:s21] =	ssyncadd.s32 $0xFFFFC180  }
0xa2: {  	[spmem:s2] =	stream.indirect.scatter.add.f32 [tilespmem:s20], [sflag:$0x3], $0x40, s15, s19, $0xb8;
	[tilespmem:$0x1E100] =	vst v63  }
0xa3: {  	_ =	swait.ge [sflag:s30], $0x3E80  }
0xa4: {  	[sflag:s30] =	ssyncset.done $0x0  }
0xa5: {  	s16 =	simm.s32 $0xD00;
	[sflag:s30] =	ssyncadd.s32 $0xFFFFC180  }
0xa6: {  	[tilespmem:s23], [sflag:$0x2] =	stream.indirect.gather [spmem:s3], $0x40, s16, s19, $0xb8;
	[tilespmem:$0x1E100] =	vst v63  }
0xa7: {  	_ =	swait.ge [sflag:s24], $0x3E80  }
0xa8: {  	[sflag:s24] =	ssyncset.done $0x0  }
0xa9: {  	[sflag:s24] =	ssyncadd.s32 $0xFFFFC180  }
0xaa: {  	_ =	swait.ge [sflag:s25], $0x3E80  }
0xab: {  	[sflag:s25] =	ssyncset.done $0x0  }
0xac: {  	s22 =	simm.s32 $0x2100;
	[sflag:s25] =	ssyncadd.s32 $0xFFFFC180  }
0xad: {  	[spmem:s2] =	stream.indirect.scatter.add.f32 [tilespmem:s23], [sflag:$0x4], $0x40, s22, s19, $0xb8;
	[tilespmem:$0x1E100] =	vst v63  }
0xae: {  	s26 =	simm.s32 $0xE00  }
0xaf: {  	[tilespmem:s20], [sflag:$0x1] =	stream.indirect.gather [spmem:s3], $0x40, s26, s19, $0xb8;
	[tilespmem:$0x1E100] =	vst v63  }
0xb0: {  	_ =	swait.ge [sflag:s21], $0x3E80  }
0xb1: {  	[sflag:s21] =	ssyncset.done $0x0  }
0xb2: {  	s28 =	simm.s32 $0x2200;
	[sflag:s21] =	ssyncadd.s32 $0xFFFFC180  }
0xb3: {  	[spmem:s2] =	stream.indirect.scatter.add.f32 [tilespmem:s20], [sflag:$0x3], $0x40, s28, s19, $0xb8;
	[tilespmem:$0x1E100] =	vst v63  }
0xb4: {  	_ =	swait.ge [sflag:s30], $0x3E80  }
0xb5: {  	[sflag:s30] =	ssyncset.done $0x0  }
0xb6: {  	s29 =	simm.s32 $0xF00;
	[sflag:s30] =	ssyncadd.s32 $0xFFFFC180  }
0xb7: {  	[tilespmem:s23], [sflag:$0x2] =	stream.indirect.gather [spmem:s3], $0x40, s29, s19, $0xb8;
	[tilespmem:$0x1E100] =	vst v63  }
0xb8: {  	_ =	swait.ge [sflag:s24], $0x3E80  }
0xb9: {  	[sflag:s24] =	ssyncset.done $0x0  }
0xba: {  	[sflag:s24] =	ssyncadd.s32 $0xFFFFC180  }
0xbb: {  	_ =	swait.ge [sflag:s25], $0x3E80  }
0xbc: {  	[sflag:s25] =	ssyncset.done $0x0  }
0xbd: {  	s31 =	simm.s32 $0x2300;
	[sflag:s25] =	ssyncadd.s32 $0xFFFFC180  }
0xbe: {  	[spmem:s2] =	stream.indirect.scatter.add.f32 [tilespmem:s23], [sflag:$0x4], $0x40, s31, s19, $0xb8;
	[tilespmem:$0x1E100] =	vst v63  }
0xbf: {  	s7 =	simm.s32 $0x1000  }
0xc0: {  	[tilespmem:s20], [sflag:$0x1] =	stream.indirect.gather [spmem:s3], $0x40, s7, s19, $0xb8;
	[tilespmem:$0x1E100] =	vst v63  }
0xc1: {  	_ =	swait.ge [sflag:s21], $0x3E80  }
0xc2: {  	[sflag:s21] =	ssyncset.done $0x0  }
0xc3: {  	s15 =	simm.s32 $0x2400;
	[sflag:s21] =	ssyncadd.s32 $0xFFFFC180  }
0xc4: {  	[spmem:s2] =	stream.indirect.scatter.add.f32 [tilespmem:s20], [sflag:$0x3], $0x40, s15, s19, $0xb8;
	[tilespmem:$0x1E100] =	vst v63  }
0xc5: {  	_ =	swait.ge [sflag:s30], $0x3E80  }
0xc6: {  	[sflag:s30] =	ssyncset.done $0x0  }
0xc7: {  	s16 =	simm.s32 $0x1100;
	[sflag:s30] =	ssyncadd.s32 $0xFFFFC180  }
0xc8: {  	[tilespmem:s23], [sflag:$0x2] =	stream.indirect.gather [spmem:s3], $0x40, s16, s19, $0xb8;
	[tilespmem:$0x1E100] =	vst v63  }
0xc9: {  	_ =	swait.ge [sflag:s24], $0x3E80  }
0xca: {  	[sflag:s24] =	ssyncset.done $0x0  }
0xcb: {  	[sflag:s24] =	ssyncadd.s32 $0xFFFFC180  }
0xcc: {  	_ =	swait.ge [sflag:s25], $0x3E80  }
0xcd: {  	[sflag:s25] =	ssyncset.done $0x0  }
0xce: {  	s22 =	simm.s32 $0x2500;
	[sflag:s25] =	ssyncadd.s32 $0xFFFFC180  }
0xcf: {  	[spmem:s2] =	stream.indirect.scatter.add.f32 [tilespmem:s23], [sflag:$0x4], $0x40, s22, s19, $0xb8;
	[tilespmem:$0x1E100] =	vst v63  }
0xd0: {  	s26 =	simm.s32 $0x1200  }
0xd1: {  	[tilespmem:s20], [sflag:$0x1] =	stream.indirect.gather [spmem:s3], $0x40, s26, s19, $0xb8;
	[tilespmem:$0x1E100] =	vst v63  }
0xd2: {  	_ =	swait.ge [sflag:s21], $0x3E80  }
0xd3: {  	[sflag:s21] =	ssyncset.done $0x0  }
0xd4: {  	s31 =	simm.s32 $0x2600;
	[sflag:s21] =	ssyncadd.s32 $0xFFFFC180  }
0xd5: {  	[spmem:s2] =	stream.indirect.scatter.add.f32 [tilespmem:s20], [sflag:$0x3], $0x40, s31, s19, $0xb8;
	[tilespmem:$0x1E100] =	vst v63  }
0xd6: {  	_ =	swait.ge [sflag:s30], $0x3E80  }
0xd7: {  	[sflag:s30] =	ssyncset.done $0x0  }
0xd8: {  	s7 =	simm.s32 $0x1300;
	[sflag:s30] =	ssyncadd.s32 $0xFFFFC180  }
0xd9: {  	[tilespmem:s23], [sflag:$0x2] =	stream.indirect.gather [spmem:s3], $0x40, s7, s19, $0xb8;
	[tilespmem:$0x1E100] =	vst v63  }
0xda: {  	_ =	swait.ge [sflag:s24], $0x3E80  }
0xdb: {  	[sflag:s24] =	ssyncset.done $0x0  }
0xdc: {  	[sflag:s24] =	ssyncadd.s32 $0xFFFFC180  }
0xdd: {  	_ =	swait.ge [sflag:s25], $0x3E80  }
0xde: {  	[sflag:s25] =	ssyncset.done $0x0  }
0xdf: {  	s15 =	simm.s32 $0x2700;
	[sflag:s25] =	ssyncadd.s32 $0xFFFFC180  }
0xe0: {  	[spmem:s2] =	stream.indirect.scatter.add.f32 [tilespmem:s23], [sflag:$0x4], $0x40, s15, s19, $0xb8;
	[tilespmem:$0x1E100] =	vst v63  }
0xe1: {  	_ =	swait.ge [sflag:s30], $0x3E80  }
0xe2: {  	[sflag:s30] =	ssyncset.done $0x0  }
0xe3: {  	s16 =	rddreg [dreg:$0xe];
	[sflag:s30] =	ssyncadd.s32 $0xFFFFC180  }
0xe4: {  	[tilespmem:s4], [sflag:$0x5] =	stream.linear.gather [hbm4b:s16+s4], $0x1400, $0x38;
	[tilespmem:$0x1E100] =	vst v63  }
0xe5: {  	_ =	swait.ge [sflag:s17], $0x1400  }
0xe6: {  	[sflag:s17] =	ssyncset.done $0x0  }
0xe7: {  	s26 =	simm.s32 $0x1400;
	s22 =	rddreg [dreg:$0xf];
	[sflag:s17] =	ssyncadd.s32 $0xFFFFEC00  }
0xe8: {  	[tilespmem:s26], [sflag:$0x5] =	stream.linear.gather [hbm4b:s22+s4], $0x1400, $0x38;
	[tilespmem:$0x1E100] =	vst v63  }
0xe9: {  	_ =	swait.ge [sflag:s17], $0x1400  }
0xea: {  	[sflag:s17] =	ssyncset.done $0x0  }
0xeb: {  	[sflag:s17] =	ssyncadd.s32 $0xFFFFEC00  }
0xec: {  	[tilespmem:s20], [sflag:$0x1] =	stream.indirect.gather [spmem:s3], $0x40, s4, s19, $0xb8;
	[tilespmem:$0x1E100] =	vst v63  }
0xed: {  	_ =	swait.ge [sflag:s21], $0x3E80  }
0xee: {  	[sflag:s21] =	ssyncset.done $0x0  }
0xef: {  	[sflag:s21] =	ssyncadd.s32 $0xFFFFC180  }
0xf0: {  	[spmem:s2] =	stream.indirect.scatter.add.f32 [tilespmem:s20], [sflag:$0x3], $0x40, s26, s19, $0xb8;
	[tilespmem:$0x1E100] =	vst v63  }
0xf1: {  	s0 =	simm.s32 $0x100  }
0xf2: {  	[tilespmem:s23], [sflag:$0x2] =	stream.indirect.gather [spmem:s3], $0x40, s0, s19, $0xb8;
	[tilespmem:$0x1E100] =	vst v63  }
0xf3: {  	_ =	swait.ge [sflag:s24], $0x3E80  }
0xf4: {  	[sflag:s24] =	ssyncset.done $0x0  }
0xf5: {  	[sflag:s24] =	ssyncadd.s32 $0xFFFFC180  }
0xf6: {  	_ =	swait.ge [sflag:s25], $0x3E80  }
0xf7: {  	[sflag:s25] =	ssyncset.done $0x0  }
0xf8: {  	s11 =	simm.s32 $0x1500;
	[sflag:s25] =	ssyncadd.s32 $0xFFFFC180  }
0xf9: {  	[spmem:s2] =	stream.indirect.scatter.add.f32 [tilespmem:s23], [sflag:$0x4], $0x40, s11, s19, $0xb8;
	[tilespmem:$0x1E100] =	vst v63  }
0xfa: {  	s1 =	simm.s32 $0x200  }
0xfb: {  	[tilespmem:s20], [sflag:$0x1] =	stream.indirect.gather [spmem:s3], $0x40, s1, s19, $0xb8;
	[tilespmem:$0x1E100] =	vst v63  }
0xfc: {  	_ =	swait.ge [sflag:s21], $0x3E80  }
0xfd: {  	[sflag:s21] =	ssyncset.done $0x0  }
0xfe: {  	s5 =	simm.s32 $0x1600;
	[sflag:s21] =	ssyncadd.s32 $0xFFFFC180  }
0xff: {  	[spmem:s2] =	stream.indirect.scatter.add.f32 [tilespmem:s20], [sflag:$0x3], $0x40, s5, s19, $0xb8;
	[tilespmem:$0x1E100] =	vst v63  }
0x100: {  	_ =	swait.ge [sflag:s30], $0x3E80  }
0x101: {  	[sflag:s30] =	ssyncset.done $0x0  }
0x102: {  	s6 =	simm.s32 $0x300;
	[sflag:s30] =	ssyncadd.s32 $0xFFFFC180  }
0x103: {  	[tilespmem:s23], [sflag:$0x2] =	stream.indirect.gather [spmem:s3], $0x40, s6, s19, $0xb8;
	[tilespmem:$0x1E100] =	vst v63  }
0x104: {  	_ =	swait.ge [sflag:s24], $0x3E80  }
0x105: {  	[sflag:s24] =	ssyncset.done $0x0  }
0x106: {  	[sflag:s24] =	ssyncadd.s32 $0xFFFFC180  }
0x107: {  	_ =	swait.ge [sflag:s25], $0x3E80  }
0x108: {  	[sflag:s25] =	ssyncset.done $0x0  }
0x109: {  	s12 =	simm.s32 $0x1700;
	[sflag:s25] =	ssyncadd.s32 $0xFFFFC180  }
0x10a: {  	[spmem:s2] =	stream.indirect.scatter.add.f32 [tilespmem:s23], [sflag:$0x4], $0x40, s12, s19, $0xb8;
	[tilespmem:$0x1E100] =	vst v63  }
0x10b: {  	s13 =	simm.s32 $0x400  }
0x10c: {  	[tilespmem:s20], [sflag:$0x1] =	stream.indirect.gather [spmem:s3], $0x40, s13, s19, $0xb8;
	[tilespmem:$0x1E100] =	vst v63  }
0x10d: {  	_ =	swait.ge [sflag:s21], $0x3E80  }
0x10e: {  	[sflag:s21] =	ssyncset.done $0x0  }
0x10f: {  	s14 =	simm.s32 $0x1800;
	[sflag:s21] =	ssyncadd.s32 $0xFFFFC180  }
0x110: {  	[spmem:s2] =	stream.indirect.scatter.add.f32 [tilespmem:s20], [sflag:$0x3], $0x40, s14, s19, $0xb8;
	[tilespmem:$0x1E100] =	vst v63  }
0x111: {  	_ =	swait.ge [sflag:s30], $0x3E80  }
0x112: {  	[sflag:s30] =	ssyncset.done $0x0  }
0x113: {  	s13 =	simm.s32 $0x500;
	[sflag:s30] =	ssyncadd.s32 $0xFFFFC180  }
0x114: {  	[tilespmem:s23], [sflag:$0x2] =	stream.indirect.gather [spmem:s3], $0x40, s13, s19, $0xb8;
	[tilespmem:$0x1E100] =	vst v63  }
0x115: {  	_ =	swait.ge [sflag:s24], $0x3E80  }
0x116: {  	[sflag:s24] =	ssyncset.done $0x0  }
0x117: {  	[sflag:s24] =	ssyncadd.s32 $0xFFFFC180  }
0x118: {  	_ =	swait.ge [sflag:s25], $0x3E80  }
0x119: {  	[sflag:s25] =	ssyncset.done $0x0  }
0x11a: {  	s8 =	simm.s32 $0x1900;
	[sflag:s25] =	ssyncadd.s32 $0xFFFFC180  }
0x11b: {  	[spmem:s2] =	stream.indirect.scatter.add.f32 [tilespmem:s23], [sflag:$0x4], $0x40, s8, s19, $0xb8;
	[tilespmem:$0x1E100] =	vst v63  }
0x11c: {  	s14 =	simm.s32 $0x600  }
0x11d: {  	[tilespmem:s20], [sflag:$0x1] =	stream.indirect.gather [spmem:s3], $0x40, s14, s19, $0xb8;
	[tilespmem:$0x1E100] =	vst v63  }
0x11e: {  	_ =	swait.ge [sflag:s21], $0x3E80  }
0x11f: {  	[sflag:s21] =	ssyncset.done $0x0  }
0x120: {  	s6 =	simm.s32 $0x1A00;
	[sflag:s21] =	ssyncadd.s32 $0xFFFFC180  }
0x121: {  	[spmem:s2] =	stream.indirect.scatter.add.f32 [tilespmem:s20], [sflag:$0x3], $0x40, s6, s19, $0xb8;
	[tilespmem:$0x1E100] =	vst v63  }
0x122: {  	_ =	swait.ge [sflag:s30], $0x3E80  }
0x123: {  	[sflag:s30] =	ssyncset.done $0x0  }
0x124: {  	s15 =	simm.s32 $0x700;
	[sflag:s30] =	ssyncadd.s32 $0xFFFFC180  }
0x125: {  	[tilespmem:s23], [sflag:$0x2] =	stream.indirect.gather [spmem:s3], $0x40, s15, s19, $0xb8;
	[tilespmem:$0x1E100] =	vst v63  }
0x126: {  	_ =	swait.ge [sflag:s24], $0x3E80  }
0x127: {  	[sflag:s24] =	ssyncset.done $0x0  }
0x128: {  	[sflag:s24] =	ssyncadd.s32 $0xFFFFC180  }
0x129: {  	_ =	swait.ge [sflag:s25], $0x3E80  }
0x12a: {  	[sflag:s25] =	ssyncset.done $0x0  }
0x12b: {  	s10 =	simm.s32 $0x1B00;
	[sflag:s25] =	ssyncadd.s32 $0xFFFFC180  }
0x12c: {  	[spmem:s2] =	stream.indirect.scatter.add.f32 [tilespmem:s23], [sflag:$0x4], $0x40, s10, s19, $0xb8;
	[tilespmem:$0x1E100] =	vst v63  }
0x12d: {  	s16 =	simm.s32 $0x800  }
0x12e: {  	[tilespmem:s20], [sflag:$0x1] =	stream.indirect.gather [spmem:s3], $0x40, s16, s19, $0xb8;
	[tilespmem:$0x1E100] =	vst v63  }
0x12f: {  	_ =	swait.ge [sflag:s21], $0x3E80  }
0x130: {  	[sflag:s21] =	ssyncset.done $0x0  }
0x131: {  	s11 =	simm.s32 $0x1C00;
	[sflag:s21] =	ssyncadd.s32 $0xFFFFC180  }
0x132: {  	[spmem:s2] =	stream.indirect.scatter.add.f32 [tilespmem:s20], [sflag:$0x3], $0x40, s11, s19, $0xb8;
	[tilespmem:$0x1E100] =	vst v63  }
0x133: {  	_ =	swait.ge [sflag:s30], $0x3E80  }
0x134: {  	[sflag:s30] =	ssyncset.done $0x0  }
0x135: {  	s12 =	simm.s32 $0x900;
	[sflag:s30] =	ssyncadd.s32 $0xFFFFC180  }
0x136: {  	[tilespmem:s23], [sflag:$0x2] =	stream.indirect.gather [spmem:s3], $0x40, s12, s19, $0xb8;
	[tilespmem:$0x1E100] =	vst v63  }
0x137: {  	_ =	swait.ge [sflag:s24], $0x3E80  }
0x138: {  	[sflag:s24] =	ssyncset.done $0x0  }
0x139: {  	[sflag:s24] =	ssyncadd.s32 $0xFFFFC180  }
0x13a: {  	_ =	swait.ge [sflag:s25], $0x3E80  }
0x13b: {  	[sflag:s25] =	ssyncset.done $0x0  }
0x13c: {  	s18 =	simm.s32 $0x1D00;
	[sflag:s25] =	ssyncadd.s32 $0xFFFFC180  }
0x13d: {  	[spmem:s2] =	stream.indirect.scatter.add.f32 [tilespmem:s23], [sflag:$0x4], $0x40, s18, s19, $0xb8;
	[tilespmem:$0x1E100] =	vst v63  }
0x13e: {  	s18 =	simm.s32 $0xA00  }
0x13f: {  	[tilespmem:s20], [sflag:$0x1] =	stream.indirect.gather [spmem:s3], $0x40, s18, s19, $0xb8;
	[tilespmem:$0x1E100] =	vst v63  }
0x140: {  	_ =	swait.ge [sflag:s21], $0x3E80  }
0x141: {  	[sflag:s21] =	ssyncset.done $0x0  }
0x142: {  	s10 =	simm.s32 $0x1E00;
	[sflag:s21] =	ssyncadd.s32 $0xFFFFC180  }
0x143: {  	[spmem:s2] =	stream.indirect.scatter.add.f32 [tilespmem:s20], [sflag:$0x3], $0x40, s10, s19, $0xb8;
	[tilespmem:$0x1E100] =	vst v63  }
0x144: {  	_ =	swait.ge [sflag:s30], $0x3E80  }
0x145: {  	[sflag:s30] =	ssyncset.done $0x0  }
0x146: {  	s31 =	simm.s32 $0xB00;
	[sflag:s30] =	ssyncadd.s32 $0xFFFFC180  }
0x147: {  	[tilespmem:s23], [sflag:$0x2] =	stream.indirect.gather [spmem:s3], $0x40, s31, s19, $0xb8;
	[tilespmem:$0x1E100] =	vst v63  }
0x148: {  	_ =	swait.ge [sflag:s24], $0x3E80  }
0x149: {  	[sflag:s24] =	ssyncset.done $0x0  }
0x14a: {  	[sflag:s24] =	ssyncadd.s32 $0xFFFFC180  }
0x14b: {  	_ =	swait.ge [sflag:s25], $0x3E80  }
0x14c: {  	[sflag:s25] =	ssyncset.done $0x0  }
0x14d: {  	s22 =	simm.s32 $0x1F00;
	[sflag:s25] =	ssyncadd.s32 $0xFFFFC180  }
0x14e: {  	[spmem:s2] =	stream.indirect.scatter.add.f32 [tilespmem:s23], [sflag:$0x4], $0x40, s22, s19, $0xb8;
	[tilespmem:$0x1E100] =	vst v63  }
0x14f: {  	s5 =	simm.s32 $0xC00  }
0x150: {  	[tilespmem:s20], [sflag:$0x1] =	stream.indirect.gather [spmem:s3], $0x40, s5, s19, $0xb8;
	[tilespmem:$0x1E100] =	vst v63  }
0x151: {  	_ =	swait.ge [sflag:s21], $0x3E80  }
0x152: {  	[sflag:s21] =	ssyncset.done $0x0  }
0x153: {  	s7 =	simm.s32 $0x2000;
	[sflag:s21] =	ssyncadd.s32 $0xFFFFC180  }
0x154: {  	[spmem:s2] =	stream.indirect.scatter.add.f32 [tilespmem:s20], [sflag:$0x3], $0x40, s7, s19, $0xb8;
	[tilespmem:$0x1E100] =	vst v63  }
0x155: {  	_ =	swait.ge [sflag:s30], $0x3E80  }
0x156: {  	[sflag:s30] =	ssyncset.done $0x0  }
0x157: {  	s8 =	simm.s32 $0xD00;
	[sflag:s30] =	ssyncadd.s32 $0xFFFFC180  }
0x158: {  	[tilespmem:s23], [sflag:$0x2] =	stream.indirect.gather [spmem:s3], $0x40, s8, s19, $0xb8;
	[tilespmem:$0x1E100] =	vst v63  }
0x159: {  	_ =	swait.ge [sflag:s24], $0x3E80  }
0x15a: {  	[sflag:s24] =	ssyncset.done $0x0  }
0x15b: {  	[sflag:s24] =	ssyncadd.s32 $0xFFFFC180  }
0x15c: {  	_ =	swait.ge [sflag:s25], $0x3E80  }
0x15d: {  	[sflag:s25] =	ssyncset.done $0x0  }
0x15e: {  	s26 =	simm.s32 $0x2100;
	[sflag:s25] =	ssyncadd.s32 $0xFFFFC180  }
0x15f: {  	[spmem:s2] =	stream.indirect.scatter.add.f32 [tilespmem:s23], [sflag:$0x4], $0x40, s26, s19, $0xb8;
	[tilespmem:$0x1E100] =	vst v63  }
0x160: {  	s9 =	simm.s32 $0xE00  }
0x161: {  	[tilespmem:s20], [sflag:$0x1] =	stream.indirect.gather [spmem:s3], $0x40, s9, s19, $0xb8;
	[tilespmem:$0x1E100] =	vst v63  }
0x162: {  	_ =	swait.ge [sflag:s21], $0x3E80  }
0x163: {  	[sflag:s21] =	ssyncset.done $0x0  }
0x164: {  	s28 =	simm.s32 $0x2200;
	[sflag:s21] =	ssyncadd.s32 $0xFFFFC180  }
0x165: {  	[spmem:s2] =	stream.indirect.scatter.add.f32 [tilespmem:s20], [sflag:$0x3], $0x40, s28, s19, $0xb8;
	[tilespmem:$0x1E100] =	vst v63  }
0x166: {  	_ =	swait.ge [sflag:s30], $0x3E80  }
0x167: {  	[sflag:s30] =	ssyncset.done $0x0  }
0x168: {  	s29 =	simm.s32 $0xF00;
	[sflag:s30] =	ssyncadd.s32 $0xFFFFC180  }
0x169: {  	[tilespmem:s23], [sflag:$0x2] =	stream.indirect.gather [spmem:s3], $0x40, s29, s19, $0xb8;
	[tilespmem:$0x1E100] =	vst v63  }
0x16a: {  	_ =	swait.ge [sflag:s24], $0x3E80  }
0x16b: {  	[sflag:s24] =	ssyncset.done $0x0  }
0x16c: {  	[sflag:s24] =	ssyncadd.s32 $0xFFFFC180  }
0x16d: {  	_ =	swait.ge [sflag:s25], $0x3E80  }
0x16e: {  	[sflag:s25] =	ssyncset.done $0x0  }
0x16f: {  	s28 =	simm.s32 $0x2300;
	[sflag:s25] =	ssyncadd.s32 $0xFFFFC180  }
0x170: {  	[spmem:s2] =	stream.indirect.scatter.add.f32 [tilespmem:s23], [sflag:$0x4], $0x40, s28, s19, $0xb8;
	[tilespmem:$0x1E100] =	vst v63  }
0x171: {  	s31 =	simm.s32 $0x1000  }
0x172: {  	[tilespmem:s20], [sflag:$0x1] =	stream.indirect.gather [spmem:s3], $0x40, s31, s19, $0xb8;
	[tilespmem:$0x1E100] =	vst v63  }
0x173: {  	_ =	swait.ge [sflag:s21], $0x3E80  }
0x174: {  	[sflag:s21] =	ssyncset.done $0x0  }
0x175: {  	s1 =	simm.s32 $0x2400;
	[sflag:s21] =	ssyncadd.s32 $0xFFFFC180  }
0x176: {  	[spmem:s2] =	stream.indirect.scatter.add.f32 [tilespmem:s20], [sflag:$0x3], $0x40, s1, s19, $0xb8;
	[tilespmem:$0x1E100] =	vst v63  }
0x177: {  	_ =	swait.ge [sflag:s30], $0x3E80  }
0x178: {  	[sflag:s30] =	ssyncset.done $0x0  }
0x179: {  	s29 =	simm.s32 $0x1100;
	[sflag:s30] =	ssyncadd.s32 $0xFFFFC180  }
0x17a: {  	[tilespmem:s23], [sflag:$0x2] =	stream.indirect.gather [spmem:s3], $0x40, s29, s19, $0xb8;
	[tilespmem:$0x1E100] =	vst v63  }
0x17b: {  	_ =	swait.ge [sflag:s24], $0x3E80  }
0x17c: {  	[sflag:s24] =	ssyncset.done $0x0  }
0x17d: {  	[sflag:s24] =	ssyncadd.s32 $0xFFFFC180  }
0x17e: {  	_ =	swait.ge [sflag:s25], $0x3E80  }
0x17f: {  	[sflag:s25] =	ssyncset.done $0x0  }
0x180: {  	s29 =	simm.s32 $0x2500;
	[sflag:s25] =	ssyncadd.s32 $0xFFFFC180  }
0x181: {  	[spmem:s2] =	stream.indirect.scatter.add.f32 [tilespmem:s23], [sflag:$0x4], $0x40, s29, s19, $0xb8;
	[tilespmem:$0x1E100] =	vst v63  }
0x182: {  	s1 =	simm.s32 $0x1200  }
0x183: {  	[tilespmem:s20], [sflag:$0x1] =	stream.indirect.gather [spmem:s3], $0x40, s1, s19, $0xb8;
	[tilespmem:$0x1E100] =	vst v63  }
0x184: {  	_ =	swait.ge [sflag:s21], $0x3E80  }
0x185: {  	[sflag:s21] =	ssyncset.done $0x0  }
0x186: {  	s1 =	simm.s32 $0x2600;
	[sflag:s21] =	ssyncadd.s32 $0xFFFFC180  }
0x187: {  	[spmem:s2] =	stream.indirect.scatter.add.f32 [tilespmem:s20], [sflag:$0x3], $0x40, s1, s19, $0xb8;
	[tilespmem:$0x1E100] =	vst v63  }
0x188: {  	_ =	swait.ge [sflag:s30], $0x3E80  }
0x189: {  	[sflag:s30] =	ssyncset.done $0x0  }
0x18a: {  	s1 =	simm.s32 $0x1300;
	[sflag:s30] =	ssyncadd.s32 $0xFFFFC180  }
0x18b: {  	[tilespmem:s23], [sflag:$0x2] =	stream.indirect.gather [spmem:s3], $0x40, s1, s19, $0xb8;
	[tilespmem:$0x1E100] =	vst v63  }
0x18c: {  	_ =	swait.ge [sflag:s24], $0x3E80  }
0x18d: {  	[sflag:s24] =	ssyncset.done $0x0  }
0x18e: {  	[sflag:s24] =	ssyncadd.s32 $0xFFFFC180  }
0x18f: {  	_ =	swait.ge [sflag:s25], $0x3E80  }
0x190: {  	[sflag:s25] =	ssyncset.done $0x0  }
0x191: {  	s1 =	simm.s32 $0x2700;
	[sflag:s25] =	ssyncadd.s32 $0xFFFFC180  }
0x192: {  	[spmem:s2] =	stream.indirect.scatter.add.f32 [tilespmem:s23], [sflag:$0x4], $0x40, s1, s19, $0xb8;
	[tilespmem:$0x1E100] =	vst v63  }
0x193: {  	_ =	swait.ge [sflag:s30], $0x3E80  }
0x194: {  	[sflag:s30] =	ssyncset.done $0x0  }
0x195: {  	s1 =	rddreg [dreg:$0x10];
	[sflag:s30] =	ssyncadd.s32 $0xFFFFC180  }
0x196: {  	[tilespmem:s4], [sflag:$0x5] =	stream.linear.gather [hbm4b:s1+s4], $0x1400, $0x38;
	[tilespmem:$0x1E100] =	vst v63  }
0x197: {  	_ =	swait.ge [sflag:s17], $0x1400  }
0x198: {  	[sflag:s17] =	ssyncset.done $0x0  }
0x199: {  	s1 =	simm.s32 $0x1400;
	s0 =	rddreg [dreg:$0x11];
	[sflag:s17] =	ssyncadd.s32 $0xFFFFEC00  }
0x19a: {  	[tilespmem:s1], [sflag:$0x5] =	stream.linear.gather [hbm4b:s0+s4], $0x1400, $0x38;
	[tilespmem:$0x1E100] =	vst v63  }
0x19b: {  	_ =	swait.ge [sflag:s17], $0x1400  }
0x19c: {  	[sflag:s17] =	ssyncset.done $0x0  }
0x19d: {  	[sflag:s17] =	ssyncadd.s32 $0xFFFFEC00  }
0x19e: {  	[tilespmem:s20], [sflag:$0x1] =	stream.indirect.gather [spmem:s3], $0x40, s4, s19, $0xb8;
	[tilespmem:$0x1E100] =	vst v63  }
0x19f: {  	_ =	swait.ge [sflag:s21], $0x3E80  }
0x1a0: {  	[sflag:s21] =	ssyncset.done $0x0  }
0x1a1: {  	[sflag:s21] =	ssyncadd.s32 $0xFFFFC180  }
0x1a2: {  	[spmem:s2] =	stream.indirect.scatter.add.f32 [tilespmem:s20], [sflag:$0x3], $0x40, s1, s19, $0xb8;
	[tilespmem:$0x1E100] =	vst v63  }
0x1a3: {  	s0 =	simm.s32 $0x100  }
0x1a4: {  	[tilespmem:s23], [sflag:$0x2] =	stream.indirect.gather [spmem:s3], $0x40, s0, s19, $0xb8;
	[tilespmem:$0x1E100] =	vst v63  }
0x1a5: {  	_ =	swait.ge [sflag:s24], $0x3E80  }
0x1a6: {  	[sflag:s24] =	ssyncset.done $0x0  }
0x1a7: {  	[sflag:s24] =	ssyncadd.s32 $0xFFFFC180  }
0x1a8: {  	_ =	swait.ge [sflag:s25], $0x3E80  }
0x1a9: {  	[sflag:s25] =	ssyncset.done $0x0  }
0x1aa: {  	s0 =	simm.s32 $0x1500;
	[sflag:s25] =	ssyncadd.s32 $0xFFFFC180  }
0x1ab: {  	[spmem:s2] =	stream.indirect.scatter.add.f32 [tilespmem:s23], [sflag:$0x4], $0x40, s0, s19, $0xb8;
	[tilespmem:$0x1E100] =	vst v63  }
0x1ac: {  	s0 =	simm.s32 $0x200  }
0x1ad: {  	[tilespmem:s20], [sflag:$0x1] =	stream.indirect.gather [spmem:s3], $0x40, s0, s19, $0xb8;
	[tilespmem:$0x1E100] =	vst v63  }
0x1ae: {  	_ =	swait.ge [sflag:s21], $0x3E80  }
0x1af: {  	[sflag:s21] =	ssyncset.done $0x0  }
0x1b0: {  	s0 =	simm.s32 $0x1600;
	[sflag:s21] =	ssyncadd.s32 $0xFFFFC180  }
0x1b1: {  	[spmem:s2] =	stream.indirect.scatter.add.f32 [tilespmem:s20], [sflag:$0x3], $0x40, s0, s19, $0xb8;
	[tilespmem:$0x1E100] =	vst v63  }
0x1b2: {  	_ =	swait.ge [sflag:s30], $0x3E80  }
0x1b3: {  	[sflag:s30] =	ssyncset.done $0x0  }
0x1b4: {  	s0 =	simm.s32 $0x300;
	[sflag:s30] =	ssyncadd.s32 $0xFFFFC180  }
0x1b5: {  	[tilespmem:s23], [sflag:$0x2] =	stream.indirect.gather [spmem:s3], $0x40, s0, s19, $0xb8;
	[tilespmem:$0x1E100] =	vst v63  }
0x1b6: {  	_ =	swait.ge [sflag:s24], $0x3E80  }
0x1b7: {  	[sflag:s24] =	ssyncset.done $0x0  }
0x1b8: {  	[sflag:s24] =	ssyncadd.s32 $0xFFFFC180  }
0x1b9: {  	_ =	swait.ge [sflag:s25], $0x3E80  }
0x1ba: {  	[sflag:s25] =	ssyncset.done $0x0  }
0x1bb: {  	s0 =	simm.s32 $0x1700;
	[sflag:s25] =	ssyncadd.s32 $0xFFFFC180  }
0x1bc: {  	[spmem:s2] =	stream.indirect.scatter.add.f32 [tilespmem:s23], [sflag:$0x4], $0x40, s0, s19, $0xb8;
	[tilespmem:$0x1E100] =	vst v63  }
0x1bd: {  	s0 =	simm.s32 $0x400  }
0x1be: {  	[tilespmem:s20], [sflag:$0x1] =	stream.indirect.gather [spmem:s3], $0x40, s0, s19, $0xb8;
	[tilespmem:$0x1E100] =	vst v63  }
0x1bf: {  	_ =	swait.ge [sflag:s21], $0x3E80  }
0x1c0: {  	[sflag:s21] =	ssyncset.done $0x0  }
0x1c1: {  	s0 =	simm.s32 $0x1800;
	[sflag:s21] =	ssyncadd.s32 $0xFFFFC180  }
0x1c2: {  	[spmem:s2] =	stream.indirect.scatter.add.f32 [tilespmem:s20], [sflag:$0x3], $0x40, s0, s19, $0xb8;
	[tilespmem:$0x1E100] =	vst v63  }
0x1c3: {  	_ =	swait.ge [sflag:s30], $0x3E80  }
0x1c4: {  	[sflag:s30] =	ssyncset.done $0x0  }
0x1c5: {  	[sflag:s30] =	ssyncadd.s32 $0xFFFFC180  }
0x1c6: {  	[tilespmem:s23], [sflag:$0x2] =	stream.indirect.gather [spmem:s3], $0x40, s13, s19, $0xb8;
	[tilespmem:$0x1E100] =	vst v63  }
0x1c7: {  	_ =	swait.ge [sflag:s24], $0x3E80  }
0x1c8: {  	[sflag:s24] =	ssyncset.done $0x0  }
0x1c9: {  	[sflag:s24] =	ssyncadd.s32 $0xFFFFC180  }
0x1ca: {  	_ =	swait.ge [sflag:s25], $0x3E80  }
0x1cb: {  	[sflag:s25] =	ssyncset.done $0x0  }
0x1cc: {  	s0 =	simm.s32 $0x1900;
	[sflag:s25] =	ssyncadd.s32 $0xFFFFC180  }
0x1cd: {  	[spmem:s2] =	stream.indirect.scatter.add.f32 [tilespmem:s23], [sflag:$0x4], $0x40, s0, s19, $0xb8;
	[tilespmem:$0x1E100] =	vst v63  }
0x1ce: {  	_ = 	snop  }
0x1cf: {  	[tilespmem:s20], [sflag:$0x1] =	stream.indirect.gather [spmem:s3], $0x40, s14, s19, $0xb8;
	[tilespmem:$0x1E100] =	vst v63  }
0x1d0: {  	_ =	swait.ge [sflag:s21], $0x3E80  }
0x1d1: {  	[sflag:s21] =	ssyncset.done $0x0  }
0x1d2: {  	[sflag:s21] =	ssyncadd.s32 $0xFFFFC180  }
0x1d3: {  	[spmem:s2] =	stream.indirect.scatter.add.f32 [tilespmem:s20], [sflag:$0x3], $0x40, s6, s19, $0xb8;
	[tilespmem:$0x1E100] =	vst v63  }
0x1d4: {  	_ =	swait.ge [sflag:s30], $0x3E80  }
0x1d5: {  	[sflag:s30] =	ssyncset.done $0x0  }
0x1d6: {  	[sflag:s30] =	ssyncadd.s32 $0xFFFFC180  }
0x1d7: {  	[tilespmem:s23], [sflag:$0x2] =	stream.indirect.gather [spmem:s3], $0x40, s15, s19, $0xb8;
	[tilespmem:$0x1E100] =	vst v63  }
0x1d8: {  	_ =	swait.ge [sflag:s24], $0x3E80  }
0x1d9: {  	[sflag:s24] =	ssyncset.done $0x0  }
0x1da: {  	[sflag:s24] =	ssyncadd.s32 $0xFFFFC180  }
0x1db: {  	_ =	swait.ge [sflag:s25], $0x3E80  }
0x1dc: {  	[sflag:s25] =	ssyncset.done $0x0  }
0x1dd: {  	s15 =	simm.s32 $0x1B00;
	[sflag:s25] =	ssyncadd.s32 $0xFFFFC180  }
0x1de: {  	[spmem:s2] =	stream.indirect.scatter.add.f32 [tilespmem:s23], [sflag:$0x4], $0x40, s15, s19, $0xb8;
	[tilespmem:$0x1E100] =	vst v63  }
0x1df: {  	_ = 	snop  }
0x1e0: {  	[tilespmem:s20], [sflag:$0x1] =	stream.indirect.gather [spmem:s3], $0x40, s16, s19, $0xb8;
	[tilespmem:$0x1E100] =	vst v63  }
0x1e1: {  	_ =	swait.ge [sflag:s21], $0x3E80  }
0x1e2: {  	[sflag:s21] =	ssyncset.done $0x0  }
0x1e3: {  	[sflag:s21] =	ssyncadd.s32 $0xFFFFC180  }
0x1e4: {  	[spmem:s2] =	stream.indirect.scatter.add.f32 [tilespmem:s20], [sflag:$0x3], $0x40, s11, s19, $0xb8;
	[tilespmem:$0x1E100] =	vst v63  }
0x1e5: {  	_ =	swait.ge [sflag:s30], $0x3E80  }
0x1e6: {  	[sflag:s30] =	ssyncset.done $0x0  }
0x1e7: {  	[sflag:s30] =	ssyncadd.s32 $0xFFFFC180  }
0x1e8: {  	[tilespmem:s23], [sflag:$0x2] =	stream.indirect.gather [spmem:s3], $0x40, s12, s19, $0xb8;
	[tilespmem:$0x1E100] =	vst v63  }
0x1e9: {  	_ =	swait.ge [sflag:s24], $0x3E80  }
0x1ea: {  	[sflag:s24] =	ssyncset.done $0x0  }
0x1eb: {  	[sflag:s24] =	ssyncadd.s32 $0xFFFFC180  }
0x1ec: {  	_ =	swait.ge [sflag:s25], $0x3E80  }
0x1ed: {  	[sflag:s25] =	ssyncset.done $0x0  }
0x1ee: {  	s15 =	simm.s32 $0x1D00;
	[sflag:s25] =	ssyncadd.s32 $0xFFFFC180  }
0x1ef: {  	[spmem:s2] =	stream.indirect.scatter.add.f32 [tilespmem:s23], [sflag:$0x4], $0x40, s15, s19, $0xb8;
	[tilespmem:$0x1E100] =	vst v63  }
0x1f0: {  	_ = 	snop  }
0x1f1: {  	[tilespmem:s20], [sflag:$0x1] =	stream.indirect.gather [spmem:s3], $0x40, s18, s19, $0xb8;
	[tilespmem:$0x1E100] =	vst v63  }
0x1f2: {  	_ =	swait.ge [sflag:s21], $0x3E80  }
0x1f3: {  	[sflag:s21] =	ssyncset.done $0x0  }
0x1f4: {  	[sflag:s21] =	ssyncadd.s32 $0xFFFFC180  }
0x1f5: {  	[spmem:s2] =	stream.indirect.scatter.add.f32 [tilespmem:s20], [sflag:$0x3], $0x40, s10, s19, $0xb8;
	[tilespmem:$0x1E100] =	vst v63  }
0x1f6: {  	_ =	swait.ge [sflag:s30], $0x3E80  }
0x1f7: {  	[sflag:s30] =	ssyncset.done $0x0  }
0x1f8: {  	s15 =	simm.s32 $0xB00;
	[sflag:s30] =	ssyncadd.s32 $0xFFFFC180  }
0x1f9: {  	[tilespmem:s23], [sflag:$0x2] =	stream.indirect.gather [spmem:s3], $0x40, s15, s19, $0xb8;
	[tilespmem:$0x1E100] =	vst v63  }
0x1fa: {  	_ =	swait.ge [sflag:s24], $0x3E80  }
0x1fb: {  	[sflag:s24] =	ssyncset.done $0x0  }
0x1fc: {  	[sflag:s24] =	ssyncadd.s32 $0xFFFFC180  }
0x1fd: {  	_ =	swait.ge [sflag:s25], $0x3E80  }
0x1fe: {  	[sflag:s25] =	ssyncset.done $0x0  }
0x1ff: {  	[sflag:s25] =	ssyncadd.s32 $0xFFFFC180  }
0x200: {  	[spmem:s2] =	stream.indirect.scatter.add.f32 [tilespmem:s23], [sflag:$0x4], $0x40, s22, s19, $0xb8;
	[tilespmem:$0x1E100] =	vst v63  }
0x201: {  	_ = 	snop  }
0x202: {  	[tilespmem:s20], [sflag:$0x1] =	stream.indirect.gather [spmem:s3], $0x40, s5, s19, $0xb8;
	[tilespmem:$0x1E100] =	vst v63  }
0x203: {  	_ =	swait.ge [sflag:s21], $0x3E80  }
0x204: {  	[sflag:s21] =	ssyncset.done $0x0  }
0x205: {  	[sflag:s21] =	ssyncadd.s32 $0xFFFFC180  }
0x206: {  	[spmem:s2] =	stream.indirect.scatter.add.f32 [tilespmem:s20], [sflag:$0x3], $0x40, s7, s19, $0xb8;
	[tilespmem:$0x1E100] =	vst v63  }
0x207: {  	_ =	swait.ge [sflag:s30], $0x3E80  }
0x208: {  	[sflag:s30] =	ssyncset.done $0x0  }
0x209: {  	[sflag:s30] =	ssyncadd.s32 $0xFFFFC180  }
0x20a: {  	[tilespmem:s23], [sflag:$0x2] =	stream.indirect.gather [spmem:s3], $0x40, s8, s19, $0xb8;
	[tilespmem:$0x1E100] =	vst v63  }
0x20b: {  	_ =	swait.ge [sflag:s24], $0x3E80  }
0x20c: {  	[sflag:s24] =	ssyncset.done $0x0  }
0x20d: {  	[sflag:s24] =	ssyncadd.s32 $0xFFFFC180  }
0x20e: {  	_ =	swait.ge [sflag:s25], $0x3E80  }
0x20f: {  	[sflag:s25] =	ssyncset.done $0x0  }
0x210: {  	[sflag:s25] =	ssyncadd.s32 $0xFFFFC180  }
0x211: {  	[spmem:s2] =	stream.indirect.scatter.add.f32 [tilespmem:s23], [sflag:$0x4], $0x40, s26, s19, $0xb8;
	[tilespmem:$0x1E100] =	vst v63  }
0x212: {  	_ = 	snop  }
0x213: {  	[tilespmem:s20], [sflag:$0x1] =	stream.indirect.gather [spmem:s3], $0x40, s9, s19, $0xb8;
	[tilespmem:$0x1E100] =	vst v63  }
0x214: {  	_ =	swait.ge [sflag:s21], $0x3E80  }
0x215: {  	[sflag:s21] =	ssyncset.done $0x0  }
0x216: {  	s15 =	simm.s32 $0x2200;
	[sflag:s21] =	ssyncadd.s32 $0xFFFFC180  }
0x217: {  	[spmem:s2] =	stream.indirect.scatter.add.f32 [tilespmem:s20], [sflag:$0x3], $0x40, s15, s19, $0xb8;
	[tilespmem:$0x1E100] =	vst v63  }
0x218: {  	_ =	swait.ge [sflag:s30], $0x3E80  }
0x219: {  	[sflag:s30] =	ssyncset.done $0x0  }
0x21a: {  	s15 =	simm.s32 $0xF00;
	[sflag:s30] =	ssyncadd.s32 $0xFFFFC180  }
0x21b: {  	[tilespmem:s23], [sflag:$0x2] =	stream.indirect.gather [spmem:s3], $0x40, s15, s19, $0xb8;
	[tilespmem:$0x1E100] =	vst v63  }
0x21c: {  	_ =	swait.ge [sflag:s24], $0x3E80  }
0x21d: {  	[sflag:s24] =	ssyncset.done $0x0  }
0x21e: {  	[sflag:s24] =	ssyncadd.s32 $0xFFFFC180  }
0x21f: {  	_ =	swait.ge [sflag:s25], $0x3E80  }
0x220: {  	[sflag:s25] =	ssyncset.done $0x0  }
0x221: {  	[sflag:s25] =	ssyncadd.s32 $0xFFFFC180  }
0x222: {  	[spmem:s2] =	stream.indirect.scatter.add.f32 [tilespmem:s23], [sflag:$0x4], $0x40, s28, s19, $0xb8;
	[tilespmem:$0x1E100] =	vst v63  }
0x223: {  	_ = 	snop  }
0x224: {  	[tilespmem:s20], [sflag:$0x1] =	stream.indirect.gather [spmem:s3], $0x40, s31, s19, $0xb8;
	[tilespmem:$0x1E100] =	vst v63  }
0x225: {  	_ =	swait.ge [sflag:s21], $0x3E80  }
0x226: {  	[sflag:s21] =	ssyncset.done $0x0  }
0x227: {  	s15 =	simm.s32 $0x2400;
	[sflag:s21] =	ssyncadd.s32 $0xFFFFC180  }
0x228: {  	[spmem:s2] =	stream.indirect.scatter.add.f32 [tilespmem:s20], [sflag:$0x3], $0x40, s15, s19, $0xb8;
	[tilespmem:$0x1E100] =	vst v63  }
0x229: {  	_ =	swait.ge [sflag:s30], $0x3E80  }
0x22a: {  	[sflag:s30] =	ssyncset.done $0x0  }
0x22b: {  	s15 =	simm.s32 $0x1100;
	[sflag:s30] =	ssyncadd.s32 $0xFFFFC180  }
0x22c: {  	[tilespmem:s23], [sflag:$0x2] =	stream.indirect.gather [spmem:s3], $0x40, s15, s19, $0xb8;
	[tilespmem:$0x1E100] =	vst v63  }
0x22d: {  	_ =	swait.ge [sflag:s24], $0x3E80  }
0x22e: {  	[sflag:s24] =	ssyncset.done $0x0  }
0x22f: {  	[sflag:s24] =	ssyncadd.s32 $0xFFFFC180  }
0x230: {  	_ =	swait.ge [sflag:s25], $0x3E80  }
0x231: {  	[sflag:s25] =	ssyncset.done $0x0  }
0x232: {  	[sflag:s25] =	ssyncadd.s32 $0xFFFFC180  }
0x233: {  	[spmem:s2] =	stream.indirect.scatter.add.f32 [tilespmem:s23], [sflag:$0x4], $0x40, s29, s19, $0xb8;
	[tilespmem:$0x1E100] =	vst v63  }
0x234: {  	s15 =	simm.s32 $0x1200  }
0x235: {  	[tilespmem:s20], [sflag:$0x1] =	stream.indirect.gather [spmem:s3], $0x40, s15, s19, $0xb8;
	[tilespmem:$0x1E100] =	vst v63  }
0x236: {  	_ =	swait.ge [sflag:s21], $0x3E80  }
0x237: {  	[sflag:s21] =	ssyncset.done $0x0  }
0x238: {  	s15 =	simm.s32 $0x2600;
	[sflag:s21] =	ssyncadd.s32 $0xFFFFC180  }
0x239: {  	[spmem:s2] =	stream.indirect.scatter.add.f32 [tilespmem:s20], [sflag:$0x3], $0x40, s15, s19, $0xb8;
	[tilespmem:$0x1E100] =	vst v63  }
0x23a: {  	_ =	swait.ge [sflag:s30], $0x3E80  }
0x23b: {  	[sflag:s30] =	ssyncset.done $0x0  }
0x23c: {  	s15 =	simm.s32 $0x1300;
	[sflag:s30] =	ssyncadd.s32 $0xFFFFC180  }
0x23d: {  	[tilespmem:s23], [sflag:$0x2] =	stream.indirect.gather [spmem:s3], $0x40, s15, s19, $0xb8;
	[tilespmem:$0x1E100] =	vst v63  }
0x23e: {  	_ =	swait.ge [sflag:s24], $0x3E80  }
0x23f: {  	[sflag:s24] =	ssyncset.done $0x0  }
0x240: {  	[sflag:s24] =	ssyncadd.s32 $0xFFFFC180  }
0x241: {  	_ =	swait.ge [sflag:s25], $0x3E80  }
0x242: {  	[sflag:s25] =	ssyncset.done $0x0  }
0x243: {  	s15 =	simm.s32 $0x2700;
	[sflag:s25] =	ssyncadd.s32 $0xFFFFC180  }
0x244: {  	[spmem:s2] =	stream.indirect.scatter.add.f32 [tilespmem:s23], [sflag:$0x4], $0x40, s15, s19, $0xb8;
	[tilespmem:$0x1E100] =	vst v63  }
0x245: {  	_ =	swait.ge [sflag:s30], $0x3E80  }
0x246: {  	[sflag:s30] =	ssyncset.done $0x0  }
0x247: {  	s15 =	rddreg [dreg:$0x12];
	[sflag:s30] =	ssyncadd.s32 $0xFFFFC180  }
0x248: {  	[tilespmem:s4], [sflag:$0x5] =	stream.linear.gather [hbm4b:s15+s4], $0x1400, $0x38;
	[tilespmem:$0x1E100] =	vst v63  }
0x249: {  	_ =	swait.ge [sflag:s17], $0x1400  }
0x24a: {  	[sflag:s17] =	ssyncset.done $0x0  }
0x24b: {  	s1 =	simm.s32 $0x1400;
	s15 =	rddreg [dreg:$0x13];
	[sflag:s17] =	ssyncadd.s32 $0xFFFFEC00  }
0x24c: {  	[tilespmem:s1], [sflag:$0x5] =	stream.linear.gather [hbm4b:s15+s4], $0x1400, $0x38;
	[tilespmem:$0x1E100] =	vst v63  }
0x24d: {  	_ =	swait.ge [sflag:s17], $0x1400  }
0x24e: {  	[sflag:s17] =	ssyncset.done $0x0  }
0x24f: {  	[sflag:s17] =	ssyncadd.s32 $0xFFFFEC00  }
0x250: {  	[tilespmem:s20], [sflag:$0x1] =	stream.indirect.gather [spmem:s3], $0x40, s4, s19, $0xb8;
	[tilespmem:$0x1E100] =	vst v63  }
0x251: {  	_ =	swait.ge [sflag:s21], $0x3E80  }
0x252: {  	[sflag:s21] =	ssyncset.done $0x0  }
0x253: {  	[sflag:s21] =	ssyncadd.s32 $0xFFFFC180  }
0x254: {  	[spmem:s2] =	stream.indirect.scatter.add.f32 [tilespmem:s20], [sflag:$0x3], $0x40, s1, s19, $0xb8;
	[tilespmem:$0x1E100] =	vst v63  }
0x255: {  	s15 =	simm.s32 $0x100  }
0x256: {  	[tilespmem:s23], [sflag:$0x2] =	stream.indirect.gather [spmem:s3], $0x40, s15, s19, $0xb8;
	[tilespmem:$0x1E100] =	vst v63  }
0x257: {  	_ =	swait.ge [sflag:s24], $0x3E80  }
0x258: {  	[sflag:s24] =	ssyncset.done $0x0  }
0x259: {  	[sflag:s24] =	ssyncadd.s32 $0xFFFFC180  }
0x25a: {  	_ =	swait.ge [sflag:s25], $0x3E80  }
0x25b: {  	[sflag:s25] =	ssyncset.done $0x0  }
0x25c: {  	s15 =	simm.s32 $0x1500;
	[sflag:s25] =	ssyncadd.s32 $0xFFFFC180  }
0x25d: {  	[spmem:s2] =	stream.indirect.scatter.add.f32 [tilespmem:s23], [sflag:$0x4], $0x40, s15, s19, $0xb8;
	[tilespmem:$0x1E100] =	vst v63  }
0x25e: {  	s15 =	simm.s32 $0x200  }
0x25f: {  	[tilespmem:s20], [sflag:$0x1] =	stream.indirect.gather [spmem:s3], $0x40, s15, s19, $0xb8;
	[tilespmem:$0x1E100] =	vst v63  }
0x260: {  	_ =	swait.ge [sflag:s21], $0x3E80  }
0x261: {  	[sflag:s21] =	ssyncset.done $0x0  }
0x262: {  	s15 =	simm.s32 $0x1600;
	[sflag:s21] =	ssyncadd.s32 $0xFFFFC180  }
0x263: {  	[spmem:s2] =	stream.indirect.scatter.add.f32 [tilespmem:s20], [sflag:$0x3], $0x40, s15, s19, $0xb8;
	[tilespmem:$0x1E100] =	vst v63  }
0x264: {  	_ =	swait.ge [sflag:s30], $0x3E80  }
0x265: {  	[sflag:s30] =	ssyncset.done $0x0  }
0x266: {  	s15 =	simm.s32 $0x300;
	[sflag:s30] =	ssyncadd.s32 $0xFFFFC180  }
0x267: {  	[tilespmem:s23], [sflag:$0x2] =	stream.indirect.gather [spmem:s3], $0x40, s15, s19, $0xb8;
	[tilespmem:$0x1E100] =	vst v63  }
0x268: {  	_ =	swait.ge [sflag:s24], $0x3E80  }
0x269: {  	[sflag:s24] =	ssyncset.done $0x0  }
0x26a: {  	[sflag:s24] =	ssyncadd.s32 $0xFFFFC180  }
0x26b: {  	_ =	swait.ge [sflag:s25], $0x3E80  }
0x26c: {  	[sflag:s25] =	ssyncset.done $0x0  }
0x26d: {  	s15 =	simm.s32 $0x1700;
	[sflag:s25] =	ssyncadd.s32 $0xFFFFC180  }
0x26e: {  	[spmem:s2] =	stream.indirect.scatter.add.f32 [tilespmem:s23], [sflag:$0x4], $0x40, s15, s19, $0xb8;
	[tilespmem:$0x1E100] =	vst v63  }
0x26f: {  	s15 =	simm.s32 $0x400  }
0x270: {  	[tilespmem:s20], [sflag:$0x1] =	stream.indirect.gather [spmem:s3], $0x40, s15, s19, $0xb8;
	[tilespmem:$0x1E100] =	vst v63  }
0x271: {  	_ =	swait.ge [sflag:s21], $0x3E80  }
0x272: {  	[sflag:s21] =	ssyncset.done $0x0  }
0x273: {  	s15 =	simm.s32 $0x1800;
	[sflag:s21] =	ssyncadd.s32 $0xFFFFC180  }
0x274: {  	[spmem:s2] =	stream.indirect.scatter.add.f32 [tilespmem:s20], [sflag:$0x3], $0x40, s15, s19, $0xb8;
	[tilespmem:$0x1E100] =	vst v63  }
0x275: {  	_ =	swait.ge [sflag:s30], $0x3E80  }
0x276: {  	[sflag:s30] =	ssyncset.done $0x0  }
0x277: {  	s13 =	simm.s32 $0x500;
	[sflag:s30] =	ssyncadd.s32 $0xFFFFC180  }
0x278: {  	[tilespmem:s23], [sflag:$0x2] =	stream.indirect.gather [spmem:s3], $0x40, s13, s19, $0xb8;
	[tilespmem:$0x1E100] =	vst v63  }
0x279: {  	_ =	swait.ge [sflag:s24], $0x3E80  }
0x27a: {  	[sflag:s24] =	ssyncset.done $0x0  }
0x27b: {  	[sflag:s24] =	ssyncadd.s32 $0xFFFFC180  }
0x27c: {  	_ =	swait.ge [sflag:s25], $0x3E80  }
0x27d: {  	[sflag:s25] =	ssyncset.done $0x0  }
0x27e: {  	[sflag:s25] =	ssyncadd.s32 $0xFFFFC180  }
0x27f: {  	[spmem:s2] =	stream.indirect.scatter.add.f32 [tilespmem:s23], [sflag:$0x4], $0x40, s0, s19, $0xb8;
	[tilespmem:$0x1E100] =	vst v63  }
0x280: {  	s14 =	simm.s32 $0x600  }
0x281: {  	[tilespmem:s20], [sflag:$0x1] =	stream.indirect.gather [spmem:s3], $0x40, s14, s19, $0xb8;
	[tilespmem:$0x1E100] =	vst v63  }
0x282: {  	_ =	swait.ge [sflag:s21], $0x3E80  }
0x283: {  	[sflag:s21] =	ssyncset.done $0x0  }
0x284: {  	s6 =	simm.s32 $0x1A00;
	[sflag:s21] =	ssyncadd.s32 $0xFFFFC180  }
0x285: {  	[spmem:s2] =	stream.indirect.scatter.add.f32 [tilespmem:s20], [sflag:$0x3], $0x40, s6, s19, $0xb8;
	[tilespmem:$0x1E100] =	vst v63  }
0x286: {  	_ =	swait.ge [sflag:s30], $0x3E80  }
0x287: {  	[sflag:s30] =	ssyncset.done $0x0  }
0x288: {  	s1 =	simm.s32 $0x700;
	[sflag:s30] =	ssyncadd.s32 $0xFFFFC180  }
0x289: {  	[tilespmem:s23], [sflag:$0x2] =	stream.indirect.gather [spmem:s3], $0x40, s1, s19, $0xb8;
	[tilespmem:$0x1E100] =	vst v63  }
0x28a: {  	_ =	swait.ge [sflag:s24], $0x3E80  }
0x28b: {  	[sflag:s24] =	ssyncset.done $0x0  }
0x28c: {  	[sflag:s24] =	ssyncadd.s32 $0xFFFFC180  }
0x28d: {  	_ =	swait.ge [sflag:s25], $0x3E80  }
0x28e: {  	[sflag:s25] =	ssyncset.done $0x0  }
0x28f: {  	s6 =	simm.s32 $0x1B00;
	[sflag:s25] =	ssyncadd.s32 $0xFFFFC180  }
0x290: {  	[spmem:s2] =	stream.indirect.scatter.add.f32 [tilespmem:s23], [sflag:$0x4], $0x40, s6, s19, $0xb8;
	[tilespmem:$0x1E100] =	vst v63  }
0x291: {  	s16 =	simm.s32 $0x800  }
0x292: {  	[tilespmem:s20], [sflag:$0x1] =	stream.indirect.gather [spmem:s3], $0x40, s16, s19, $0xb8;
	[tilespmem:$0x1E100] =	vst v63  }
0x293: {  	_ =	swait.ge [sflag:s21], $0x3E80  }
0x294: {  	[sflag:s21] =	ssyncset.done $0x0  }
0x295: {  	s11 =	simm.s32 $0x1C00;
	[sflag:s21] =	ssyncadd.s32 $0xFFFFC180  }
0x296: {  	[spmem:s2] =	stream.indirect.scatter.add.f32 [tilespmem:s20], [sflag:$0x3], $0x40, s11, s19, $0xb8;
	[tilespmem:$0x1E100] =	vst v63  }
0x297: {  	_ =	swait.ge [sflag:s30], $0x3E80  }
0x298: {  	[sflag:s30] =	ssyncset.done $0x0  }
0x299: {  	s12 =	simm.s32 $0x900;
	[sflag:s30] =	ssyncadd.s32 $0xFFFFC180  }
0x29a: {  	[tilespmem:s23], [sflag:$0x2] =	stream.indirect.gather [spmem:s3], $0x40, s12, s19, $0xb8;
	[tilespmem:$0x1E100] =	vst v63  }
0x29b: {  	_ =	swait.ge [sflag:s24], $0x3E80  }
0x29c: {  	[sflag:s24] =	ssyncset.done $0x0  }
0x29d: {  	[sflag:s24] =	ssyncadd.s32 $0xFFFFC180  }
0x29e: {  	_ =	swait.ge [sflag:s25], $0x3E80  }
0x29f: {  	[sflag:s25] =	ssyncset.done $0x0  }
0x2a0: {  	s1 =	simm.s32 $0x1D00;
	[sflag:s25] =	ssyncadd.s32 $0xFFFFC180  }
0x2a1: {  	[spmem:s2] =	stream.indirect.scatter.add.f32 [tilespmem:s23], [sflag:$0x4], $0x40, s1, s19, $0xb8;
	[tilespmem:$0x1E100] =	vst v63  }
0x2a2: {  	s18 =	simm.s32 $0xA00  }
0x2a3: {  	[tilespmem:s20], [sflag:$0x1] =	stream.indirect.gather [spmem:s3], $0x40, s18, s19, $0xb8;
	[tilespmem:$0x1E100] =	vst v63  }
0x2a4: {  	_ =	swait.ge [sflag:s21], $0x3E80  }
0x2a5: {  	[sflag:s21] =	ssyncset.done $0x0  }
0x2a6: {  	s10 =	simm.s32 $0x1E00;
	[sflag:s21] =	ssyncadd.s32 $0xFFFFC180  }
0x2a7: {  	[spmem:s2] =	stream.indirect.scatter.add.f32 [tilespmem:s20], [sflag:$0x3], $0x40, s10, s19, $0xb8;
	[tilespmem:$0x1E100] =	vst v63  }
0x2a8: {  	_ =	swait.ge [sflag:s30], $0x3E80  }
0x2a9: {  	[sflag:s30] =	ssyncset.done $0x0  }
0x2aa: {  	s6 =	simm.s32 $0xB00;
	[sflag:s30] =	ssyncadd.s32 $0xFFFFC180  }
0x2ab: {  	[tilespmem:s23], [sflag:$0x2] =	stream.indirect.gather [spmem:s3], $0x40, s6, s19, $0xb8;
	[tilespmem:$0x1E100] =	vst v63  }
0x2ac: {  	_ =	swait.ge [sflag:s24], $0x3E80  }
0x2ad: {  	[sflag:s24] =	ssyncset.done $0x0  }
0x2ae: {  	[sflag:s24] =	ssyncadd.s32 $0xFFFFC180  }
0x2af: {  	_ =	swait.ge [sflag:s25], $0x3E80  }
0x2b0: {  	[sflag:s25] =	ssyncset.done $0x0  }
0x2b1: {  	s22 =	simm.s32 $0x1F00;
	[sflag:s25] =	ssyncadd.s32 $0xFFFFC180  }
0x2b2: {  	[spmem:s2] =	stream.indirect.scatter.add.f32 [tilespmem:s23], [sflag:$0x4], $0x40, s22, s19, $0xb8;
	[tilespmem:$0x1E100] =	vst v63  }
0x2b3: {  	s5 =	simm.s32 $0xC00  }
0x2b4: {  	[tilespmem:s20], [sflag:$0x1] =	stream.indirect.gather [spmem:s3], $0x40, s5, s19, $0xb8;
	[tilespmem:$0x1E100] =	vst v63  }
0x2b5: {  	_ =	swait.ge [sflag:s21], $0x3E80  }
0x2b6: {  	[sflag:s21] =	ssyncset.done $0x0  }
0x2b7: {  	s7 =	simm.s32 $0x2000;
	[sflag:s21] =	ssyncadd.s32 $0xFFFFC180  }
0x2b8: {  	[spmem:s2] =	stream.indirect.scatter.add.f32 [tilespmem:s20], [sflag:$0x3], $0x40, s7, s19, $0xb8;
	[tilespmem:$0x1E100] =	vst v63  }
0x2b9: {  	_ =	swait.ge [sflag:s30], $0x3E80  }
0x2ba: {  	[sflag:s30] =	ssyncset.done $0x0  }
0x2bb: {  	s8 =	simm.s32 $0xD00;
	[sflag:s30] =	ssyncadd.s32 $0xFFFFC180  }
0x2bc: {  	[tilespmem:s23], [sflag:$0x2] =	stream.indirect.gather [spmem:s3], $0x40, s8, s19, $0xb8;
	[tilespmem:$0x1E100] =	vst v63  }
0x2bd: {  	_ =	swait.ge [sflag:s24], $0x3E80  }
0x2be: {  	[sflag:s24] =	ssyncset.done $0x0  }
0x2bf: {  	[sflag:s24] =	ssyncadd.s32 $0xFFFFC180  }
0x2c0: {  	_ =	swait.ge [sflag:s25], $0x3E80  }
0x2c1: {  	[sflag:s25] =	ssyncset.done $0x0  }
0x2c2: {  	s26 =	simm.s32 $0x2100;
	[sflag:s25] =	ssyncadd.s32 $0xFFFFC180  }
0x2c3: {  	[spmem:s2] =	stream.indirect.scatter.add.f32 [tilespmem:s23], [sflag:$0x4], $0x40, s26, s19, $0xb8;
	[tilespmem:$0x1E100] =	vst v63  }
0x2c4: {  	s9 =	simm.s32 $0xE00  }
0x2c5: {  	[tilespmem:s20], [sflag:$0x1] =	stream.indirect.gather [spmem:s3], $0x40, s9, s19, $0xb8;
	[tilespmem:$0x1E100] =	vst v63  }
0x2c6: {  	_ =	swait.ge [sflag:s21], $0x3E80  }
0x2c7: {  	[sflag:s21] =	ssyncset.done $0x0  }
0x2c8: {  	s7 =	simm.s32 $0x2200;
	[sflag:s21] =	ssyncadd.s32 $0xFFFFC180  }
0x2c9: {  	[spmem:s2] =	stream.indirect.scatter.add.f32 [tilespmem:s20], [sflag:$0x3], $0x40, s7, s19, $0xb8;
	[tilespmem:$0x1E100] =	vst v63  }
0x2ca: {  	_ =	swait.ge [sflag:s30], $0x3E80  }
0x2cb: {  	[sflag:s30] =	ssyncset.done $0x0  }
0x2cc: {  	s9 =	simm.s32 $0xF00;
	[sflag:s30] =	ssyncadd.s32 $0xFFFFC180  }
0x2cd: {  	[tilespmem:s23], [sflag:$0x2] =	stream.indirect.gather [spmem:s3], $0x40, s9, s19, $0xb8;
	[tilespmem:$0x1E100] =	vst v63  }
0x2ce: {  	_ =	swait.ge [sflag:s24], $0x3E80  }
0x2cf: {  	[sflag:s24] =	ssyncset.done $0x0  }
0x2d0: {  	[sflag:s24] =	ssyncadd.s32 $0xFFFFC180  }
0x2d1: {  	_ =	swait.ge [sflag:s25], $0x3E80  }
0x2d2: {  	[sflag:s25] =	ssyncset.done $0x0  }
0x2d3: {  	s28 =	simm.s32 $0x2300;
	[sflag:s25] =	ssyncadd.s32 $0xFFFFC180  }
0x2d4: {  	[spmem:s2] =	stream.indirect.scatter.add.f32 [tilespmem:s23], [sflag:$0x4], $0x40, s28, s19, $0xb8;
	[tilespmem:$0x1E100] =	vst v63  }
0x2d5: {  	s31 =	simm.s32 $0x1000  }
0x2d6: {  	[tilespmem:s20], [sflag:$0x1] =	stream.indirect.gather [spmem:s3], $0x40, s31, s19, $0xb8;
	[tilespmem:$0x1E100] =	vst v63  }
0x2d7: {  	_ =	swait.ge [sflag:s21], $0x3E80  }
0x2d8: {  	[sflag:s21] =	ssyncset.done $0x0  }
0x2d9: {  	s26 =	simm.s32 $0x2400;
	[sflag:s21] =	ssyncadd.s32 $0xFFFFC180  }
0x2da: {  	[spmem:s2] =	stream.indirect.scatter.add.f32 [tilespmem:s20], [sflag:$0x3], $0x40, s26, s19, $0xb8;
	[tilespmem:$0x1E100] =	vst v63  }
0x2db: {  	_ =	swait.ge [sflag:s30], $0x3E80  }
0x2dc: {  	[sflag:s30] =	ssyncset.done $0x0  }
0x2dd: {  	s28 =	simm.s32 $0x1100;
	[sflag:s30] =	ssyncadd.s32 $0xFFFFC180  }
0x2de: {  	[tilespmem:s23], [sflag:$0x2] =	stream.indirect.gather [spmem:s3], $0x40, s28, s19, $0xb8;
	[tilespmem:$0x1E100] =	vst v63  }
0x2df: {  	_ =	swait.ge [sflag:s24], $0x3E80  }
0x2e0: {  	[sflag:s24] =	ssyncset.done $0x0  }
0x2e1: {  	[sflag:s24] =	ssyncadd.s32 $0xFFFFC180  }
0x2e2: {  	_ =	swait.ge [sflag:s25], $0x3E80  }
0x2e3: {  	[sflag:s25] =	ssyncset.done $0x0  }
0x2e4: {  	s29 =	simm.s32 $0x2500;
	[sflag:s25] =	ssyncadd.s32 $0xFFFFC180  }
0x2e5: {  	[spmem:s2] =	stream.indirect.scatter.add.f32 [tilespmem:s23], [sflag:$0x4], $0x40, s29, s19, $0xb8;
	[tilespmem:$0x1E100] =	vst v63  }
0x2e6: {  	s29 =	simm.s32 $0x1200  }
0x2e7: {  	[tilespmem:s20], [sflag:$0x1] =	stream.indirect.gather [spmem:s3], $0x40, s29, s19, $0xb8;
	[tilespmem:$0x1E100] =	vst v63  }
0x2e8: {  	_ =	swait.ge [sflag:s21], $0x3E80  }
0x2e9: {  	[sflag:s21] =	ssyncset.done $0x0  }
0x2ea: {  	s31 =	simm.s32 $0x2600;
	[sflag:s21] =	ssyncadd.s32 $0xFFFFC180  }
0x2eb: {  	[spmem:s2] =	stream.indirect.scatter.add.f32 [tilespmem:s20], [sflag:$0x3], $0x40, s31, s19, $0xb8;
	[tilespmem:$0x1E100] =	vst v63  }
0x2ec: {  	_ =	swait.ge [sflag:s30], $0x3E80  }
0x2ed: {  	[sflag:s30] =	ssyncset.done $0x0  }
0x2ee: {  	s1 =	simm.s32 $0x1300;
	[sflag:s30] =	ssyncadd.s32 $0xFFFFC180  }
0x2ef: {  	[tilespmem:s23], [sflag:$0x2] =	stream.indirect.gather [spmem:s3], $0x40, s1, s19, $0xb8;
	[tilespmem:$0x1E100] =	vst v63  }
0x2f0: {  	_ =	swait.ge [sflag:s24], $0x3E80  }
0x2f1: {  	[sflag:s24] =	ssyncset.done $0x0  }
0x2f2: {  	[sflag:s24] =	ssyncadd.s32 $0xFFFFC180  }
0x2f3: {  	_ =	swait.ge [sflag:s25], $0x3E80  }
0x2f4: {  	[sflag:s25] =	ssyncset.done $0x0  }
0x2f5: {  	s5 =	simm.s32 $0x2700;
	[sflag:s25] =	ssyncadd.s32 $0xFFFFC180  }
0x2f6: {  	[spmem:s2] =	stream.indirect.scatter.add.f32 [tilespmem:s23], [sflag:$0x4], $0x40, s5, s19, $0xb8;
	[tilespmem:$0x1E100] =	vst v63  }
0x2f7: {  	_ =	swait.ge [sflag:s30], $0x3E80  }
0x2f8: {  	[sflag:s30] =	ssyncset.done $0x0  }
0x2f9: {  	[sflag:s30] =	ssyncadd.s32 $0xFFFFC180  }
0x2fa: {  	[bflag:$0x0] =	sbarrier.arrive $0xFFFF  }
0x2fb: {  	s6 =	rddreg [dreg:$0xb]  }
0x2fc: {  	s9 =	rddreg [dreg:$0x16]  }
0x2fd: {  	s26 =	rddreg [dreg:$0xa];
	s7 =	sshrl.u32 s6, $0x3  }
0x2fe: {  	[spmem:s7], [sflag:s9] =	dma.local [hbm:s26], $0x13C0  }
0x2ff: {  	_ =	swait.ge [sflag:s17], $0x13C0  }
0x300: {  	[sflag:s17] =	ssyncset.done $0x0  }
0x301: {  	[sflag:s17] =	ssyncadd.s32 $0xFFFFEC40  }
0x302: {  	[bflag:$0x0] =	sbarrier.arrive $0xFFFF  }
0x303: {  	s28 =	rddreg [dreg:$0xd]  }
0x304: {  	[tilespmem:s4], [sflag:$0x5] =	stream.linear.gather [hbm4b:s28+s4], $0x1400, $0x38;
	[tilespmem:$0x1E100] =	vst v63  }
0x305: {  	_ =	swait.ge [sflag:s17], $0x1400  }
0x306: {  	[sflag:s17] =	ssyncset.done $0x0  }
0x307: {  	s29 =	simm.s32 $0x1400;
	s31 =	rddreg [dreg:$0xc];
	[sflag:s17] =	ssyncadd.s32 $0xFFFFEC00  }
0x308: {  	[tilespmem:s29], [sflag:$0x5] =	stream.linear.gather [hbm4b:s31+s4], $0x1400, $0x38;
	[tilespmem:$0x1E100] =	vst v63  }
0x309: {  	_ =	swait.ge [sflag:s17], $0x1400  }
0x30a: {  	[sflag:s17] =	ssyncset.done $0x0  }
0x30b: {  	[sflag:s17] =	ssyncadd.s32 $0xFFFFEC00  }
0x30c: {  	[tilespmem:s20], [sflag:$0x1] =	stream.indirect.gather [spmem:s2], $0x40, s4, s19, $0xb8;
	[tilespmem:$0x1E100] =	vst v63  }
0x30d: {  	_ =	swait.ge [sflag:s21], $0x3E80  }
0x30e: {  	[sflag:s21] =	ssyncset.done $0x0  }
0x30f: {  	[sflag:s21] =	ssyncadd.s32 $0xFFFFC180  }
0x310: {  	[spmem:s3] =	stream.indirect.scatter.add.f32 [tilespmem:s20], [sflag:$0x3], $0x40, s29, s19, $0xb8;
	[tilespmem:$0x1E100] =	vst v63  }
0x311: {  	s5 =	simm.s32 $0x100  }
0x312: {  	[tilespmem:s23], [sflag:$0x2] =	stream.indirect.gather [spmem:s2], $0x40, s5, s19, $0xb8;
	[tilespmem:$0x1E100] =	vst v63  }
0x313: {  	_ =	swait.ge [sflag:s24], $0x3E80  }
0x314: {  	[sflag:s24] =	ssyncset.done $0x0  }
0x315: {  	[sflag:s24] =	ssyncadd.s32 $0xFFFFC180  }
0x316: {  	_ =	swait.ge [sflag:s25], $0x3E80  }
0x317: {  	[sflag:s25] =	ssyncset.done $0x0  }
0x318: {  	s26 =	simm.s32 $0x1500;
	[sflag:s25] =	ssyncadd.s32 $0xFFFFC180  }
0x319: {  	[spmem:s3] =	stream.indirect.scatter.add.f32 [tilespmem:s23], [sflag:$0x4], $0x40, s26, s19, $0xb8;
	[tilespmem:$0x1E100] =	vst v63  }
0x31a: {  	s1 =	simm.s32 $0x200  }
0x31b: {  	[tilespmem:s20], [sflag:$0x1] =	stream.indirect.gather [spmem:s2], $0x40, s1, s19, $0xb8;
	[tilespmem:$0x1E100] =	vst v63  }
0x31c: {  	_ =	swait.ge [sflag:s21], $0x3E80  }
0x31d: {  	[sflag:s21] =	ssyncset.done $0x0  }
0x31e: {  	s6 =	simm.s32 $0x1600;
	[sflag:s21] =	ssyncadd.s32 $0xFFFFC180  }
0x31f: {  	[spmem:s3] =	stream.indirect.scatter.add.f32 [tilespmem:s20], [sflag:$0x3], $0x40, s6, s19, $0xb8;
	[tilespmem:$0x1E100] =	vst v63  }
0x320: {  	_ =	swait.ge [sflag:s30], $0x3E80  }
0x321: {  	[sflag:s30] =	ssyncset.done $0x0  }
0x322: {  	s9 =	simm.s32 $0x300;
	[sflag:s30] =	ssyncadd.s32 $0xFFFFC180  }
0x323: {  	[tilespmem:s23], [sflag:$0x2] =	stream.indirect.gather [spmem:s2], $0x40, s9, s19, $0xb8;
	[tilespmem:$0x1E100] =	vst v63  }
0x324: {  	_ =	swait.ge [sflag:s24], $0x3E80  }
0x325: {  	[sflag:s24] =	ssyncset.done $0x0  }
0x326: {  	[sflag:s24] =	ssyncadd.s32 $0xFFFFC180  }
0x327: {  	_ =	swait.ge [sflag:s25], $0x3E80  }
0x328: {  	[sflag:s25] =	ssyncset.done $0x0  }
0x329: {  	s28 =	simm.s32 $0x1700;
	[sflag:s25] =	ssyncadd.s32 $0xFFFFC180  }
0x32a: {  	[spmem:s3] =	stream.indirect.scatter.add.f32 [tilespmem:s23], [sflag:$0x4], $0x40, s28, s19, $0xb8;
	[tilespmem:$0x1E100] =	vst v63  }
0x32b: {  	s29 =	simm.s32 $0x400  }
0x32c: {  	[tilespmem:s20], [sflag:$0x1] =	stream.indirect.gather [spmem:s2], $0x40, s29, s19, $0xb8;
	[tilespmem:$0x1E100] =	vst v63  }
0x32d: {  	_ =	swait.ge [sflag:s21], $0x3E80  }
0x32e: {  	[sflag:s21] =	ssyncset.done $0x0  }
0x32f: {  	s31 =	simm.s32 $0x1800;
	[sflag:s21] =	ssyncadd.s32 $0xFFFFC180  }
0x330: {  	[spmem:s3] =	stream.indirect.scatter.add.f32 [tilespmem:s20], [sflag:$0x3], $0x40, s31, s19, $0xb8;
	[tilespmem:$0x1E100] =	vst v63  }
0x331: {  	_ =	swait.ge [sflag:s30], $0x3E80  }
0x332: {  	[sflag:s30] =	ssyncset.done $0x0  }
0x333: {  	s13 =	simm.s32 $0x500;
	[sflag:s30] =	ssyncadd.s32 $0xFFFFC180  }
0x334: {  	[tilespmem:s23], [sflag:$0x2] =	stream.indirect.gather [spmem:s2], $0x40, s13, s19, $0xb8;
	[tilespmem:$0x1E100] =	vst v63  }
0x335: {  	_ =	swait.ge [sflag:s24], $0x3E80  }
0x336: {  	[sflag:s24] =	ssyncset.done $0x0  }
0x337: {  	[sflag:s24] =	ssyncadd.s32 $0xFFFFC180  }
0x338: {  	_ =	swait.ge [sflag:s25], $0x3E80  }
0x339: {  	[sflag:s25] =	ssyncset.done $0x0  }
0x33a: {  	s13 =	simm.s32 $0x1900;
	[sflag:s25] =	ssyncadd.s32 $0xFFFFC180  }
0x33b: {  	[spmem:s3] =	stream.indirect.scatter.add.f32 [tilespmem:s23], [sflag:$0x4], $0x40, s13, s19, $0xb8;
	[tilespmem:$0x1E100] =	vst v63  }
0x33c: {  	s14 =	simm.s32 $0x600  }
0x33d: {  	[tilespmem:s20], [sflag:$0x1] =	stream.indirect.gather [spmem:s2], $0x40, s14, s19, $0xb8;
	[tilespmem:$0x1E100] =	vst v63  }
0x33e: {  	_ =	swait.ge [sflag:s21], $0x3E80  }
0x33f: {  	[sflag:s21] =	ssyncset.done $0x0  }
0x340: {  	s1 =	simm.s32 $0x1A00;
	[sflag:s21] =	ssyncadd.s32 $0xFFFFC180  }
0x341: {  	[spmem:s3] =	stream.indirect.scatter.add.f32 [tilespmem:s20], [sflag:$0x3], $0x40, s1, s19, $0xb8;
	[tilespmem:$0x1E100] =	vst v63  }
0x342: {  	_ =	swait.ge [sflag:s30], $0x3E80  }
0x343: {  	[sflag:s30] =	ssyncset.done $0x0  }
0x344: {  	s15 =	simm.s32 $0x700;
	[sflag:s30] =	ssyncadd.s32 $0xFFFFC180  }
0x345: {  	[tilespmem:s23], [sflag:$0x2] =	stream.indirect.gather [spmem:s2], $0x40, s15, s19, $0xb8;
	[tilespmem:$0x1E100] =	vst v63  }
0x346: {  	_ =	swait.ge [sflag:s24], $0x3E80  }
0x347: {  	[sflag:s24] =	ssyncset.done $0x0  }
0x348: {  	[sflag:s24] =	ssyncadd.s32 $0xFFFFC180  }
0x349: {  	_ =	swait.ge [sflag:s25], $0x3E80  }
0x34a: {  	[sflag:s25] =	ssyncset.done $0x0  }
0x34b: {  	s9 =	simm.s32 $0x1B00;
	[sflag:s25] =	ssyncadd.s32 $0xFFFFC180  }
0x34c: {  	[spmem:s3] =	stream.indirect.scatter.add.f32 [tilespmem:s23], [sflag:$0x4], $0x40, s9, s19, $0xb8;
	[tilespmem:$0x1E100] =	vst v63  }
0x34d: {  	s16 =	simm.s32 $0x800  }
0x34e: {  	[tilespmem:s20], [sflag:$0x1] =	stream.indirect.gather [spmem:s2], $0x40, s16, s19, $0xb8;
	[tilespmem:$0x1E100] =	vst v63  }
0x34f: {  	_ =	swait.ge [sflag:s21], $0x3E80  }
0x350: {  	[sflag:s21] =	ssyncset.done $0x0  }
0x351: {  	s11 =	simm.s32 $0x1C00;
	[sflag:s21] =	ssyncadd.s32 $0xFFFFC180  }
0x352: {  	[spmem:s3] =	stream.indirect.scatter.add.f32 [tilespmem:s20], [sflag:$0x3], $0x40, s11, s19, $0xb8;
	[tilespmem:$0x1E100] =	vst v63  }
0x353: {  	_ =	swait.ge [sflag:s30], $0x3E80  }
0x354: {  	[sflag:s30] =	ssyncset.done $0x0  }
0x355: {  	s12 =	simm.s32 $0x900;
	[sflag:s30] =	ssyncadd.s32 $0xFFFFC180  }
0x356: {  	[tilespmem:s23], [sflag:$0x2] =	stream.indirect.gather [spmem:s2], $0x40, s12, s19, $0xb8;
	[tilespmem:$0x1E100] =	vst v63  }
0x357: {  	_ =	swait.ge [sflag:s24], $0x3E80  }
0x358: {  	[sflag:s24] =	ssyncset.done $0x0  }
0x359: {  	[sflag:s24] =	ssyncadd.s32 $0xFFFFC180  }
0x35a: {  	_ =	swait.ge [sflag:s25], $0x3E80  }
0x35b: {  	[sflag:s25] =	ssyncset.done $0x0  }
0x35c: {  	s13 =	simm.s32 $0x1D00;
	[sflag:s25] =	ssyncadd.s32 $0xFFFFC180  }
0x35d: {  	[spmem:s3] =	stream.indirect.scatter.add.f32 [tilespmem:s23], [sflag:$0x4], $0x40, s13, s19, $0xb8;
	[tilespmem:$0x1E100] =	vst v63  }
0x35e: {  	s18 =	simm.s32 $0xA00  }
0x35f: {  	[tilespmem:s20], [sflag:$0x1] =	stream.indirect.gather [spmem:s2], $0x40, s18, s19, $0xb8;
	[tilespmem:$0x1E100] =	vst v63  }
0x360: {  	_ =	swait.ge [sflag:s21], $0x3E80  }
0x361: {  	[sflag:s21] =	ssyncset.done $0x0  }
0x362: {  	s10 =	simm.s32 $0x1E00;
	[sflag:s21] =	ssyncadd.s32 $0xFFFFC180  }
0x363: {  	[spmem:s3] =	stream.indirect.scatter.add.f32 [tilespmem:s20], [sflag:$0x3], $0x40, s10, s19, $0xb8;
	[tilespmem:$0x1E100] =	vst v63  }
0x364: {  	_ =	swait.ge [sflag:s30], $0x3E80  }
0x365: {  	[sflag:s30] =	ssyncset.done $0x0  }
0x366: {  	s14 =	simm.s32 $0xB00;
	[sflag:s30] =	ssyncadd.s32 $0xFFFFC180  }
0x367: {  	[tilespmem:s23], [sflag:$0x2] =	stream.indirect.gather [spmem:s2], $0x40, s14, s19, $0xb8;
	[tilespmem:$0x1E100] =	vst v63  }
0x368: {  	_ =	swait.ge [sflag:s24], $0x3E80  }
0x369: {  	[sflag:s24] =	ssyncset.done $0x0  }
0x36a: {  	[sflag:s24] =	ssyncadd.s32 $0xFFFFC180  }
0x36b: {  	_ =	swait.ge [sflag:s25], $0x3E80  }
0x36c: {  	[sflag:s25] =	ssyncset.done $0x0  }
0x36d: {  	s9 =	simm.s32 $0x1F00;
	[sflag:s25] =	ssyncadd.s32 $0xFFFFC180  }
0x36e: {  	[spmem:s3] =	stream.indirect.scatter.add.f32 [tilespmem:s23], [sflag:$0x4], $0x40, s9, s19, $0xb8;
	[tilespmem:$0x1E100] =	vst v63  }
0x36f: {  	s15 =	simm.s32 $0xC00  }
0x370: {  	[tilespmem:s20], [sflag:$0x1] =	stream.indirect.gather [spmem:s2], $0x40, s15, s19, $0xb8;
	[tilespmem:$0x1E100] =	vst v63  }
0x371: {  	_ =	swait.ge [sflag:s21], $0x3E80  }
0x372: {  	[sflag:s21] =	ssyncset.done $0x0  }
0x373: {  	s16 =	simm.s32 $0x2000;
	[sflag:s21] =	ssyncadd.s32 $0xFFFFC180  }
0x374: {  	[spmem:s3] =	stream.indirect.scatter.add.f32 [tilespmem:s20], [sflag:$0x3], $0x40, s16, s19, $0xb8;
	[tilespmem:$0x1E100] =	vst v63  }
0x375: {  	_ =	swait.ge [sflag:s30], $0x3E80  }
0x376: {  	[sflag:s30] =	ssyncset.done $0x0  }
0x377: {  	s8 =	simm.s32 $0xD00;
	[sflag:s30] =	ssyncadd.s32 $0xFFFFC180  }
0x378: {  	[tilespmem:s23], [sflag:$0x2] =	stream.indirect.gather [spmem:s2], $0x40, s8, s19, $0xb8;
	[tilespmem:$0x1E100] =	vst v63  }
0x379: {  	_ =	swait.ge [sflag:s24], $0x3E80  }
0x37a: {  	[sflag:s24] =	ssyncset.done $0x0  }
0x37b: {  	[sflag:s24] =	ssyncadd.s32 $0xFFFFC180  }
0x37c: {  	_ =	swait.ge [sflag:s25], $0x3E80  }
0x37d: {  	[sflag:s25] =	ssyncset.done $0x0  }
0x37e: {  	s8 =	simm.s32 $0x2100;
	[sflag:s25] =	ssyncadd.s32 $0xFFFFC180  }
0x37f: {  	[spmem:s3] =	stream.indirect.scatter.add.f32 [tilespmem:s23], [sflag:$0x4], $0x40, s8, s19, $0xb8;
	[tilespmem:$0x1E100] =	vst v63  }
0x380: {  	s22 =	simm.s32 $0xE00  }
0x381: {  	[tilespmem:s20], [sflag:$0x1] =	stream.indirect.gather [spmem:s2], $0x40, s22, s19, $0xb8;
	[tilespmem:$0x1E100] =	vst v63  }
0x382: {  	_ =	swait.ge [sflag:s21], $0x3E80  }
0x383: {  	[sflag:s21] =	ssyncset.done $0x0  }
0x384: {  	s18 =	simm.s32 $0x2200;
	[sflag:s21] =	ssyncadd.s32 $0xFFFFC180  }
0x385: {  	[spmem:s3] =	stream.indirect.scatter.add.f32 [tilespmem:s20], [sflag:$0x3], $0x40, s18, s19, $0xb8;
	[tilespmem:$0x1E100] =	vst v63  }
0x386: {  	_ =	swait.ge [sflag:s30], $0x3E80  }
0x387: {  	[sflag:s30] =	ssyncset.done $0x0  }
0x388: {  	s22 =	simm.s32 $0xF00;
	[sflag:s30] =	ssyncadd.s32 $0xFFFFC180  }
0x389: {  	[tilespmem:s23], [sflag:$0x2] =	stream.indirect.gather [spmem:s2], $0x40, s22, s19, $0xb8;
	[tilespmem:$0x1E100] =	vst v63  }
0x38a: {  	_ =	swait.ge [sflag:s24], $0x3E80  }
0x38b: {  	[sflag:s24] =	ssyncset.done $0x0  }
0x38c: {  	[sflag:s24] =	ssyncadd.s32 $0xFFFFC180  }
0x38d: {  	_ =	swait.ge [sflag:s25], $0x3E80  }
0x38e: {  	[sflag:s25] =	ssyncset.done $0x0  }
0x38f: {  	s15 =	simm.s32 $0x2300;
	[sflag:s25] =	ssyncadd.s32 $0xFFFFC180  }
0x390: {  	[spmem:s3] =	stream.indirect.scatter.add.f32 [tilespmem:s23], [sflag:$0x4], $0x40, s15, s19, $0xb8;
	[tilespmem:$0x1E100] =	vst v63  }
0x391: {  	s10 =	simm.s32 $0x1000  }
0x392: {  	[tilespmem:s20], [sflag:$0x1] =	stream.indirect.gather [spmem:s2], $0x40, s10, s19, $0xb8;
	[tilespmem:$0x1E100] =	vst v63  }
0x393: {  	_ =	swait.ge [sflag:s21], $0x3E80  }
0x394: {  	[sflag:s21] =	ssyncset.done $0x0  }
0x395: {  	s11 =	simm.s32 $0x2400;
	[sflag:s21] =	ssyncadd.s32 $0xFFFFC180  }
0x396: {  	[spmem:s3] =	stream.indirect.scatter.add.f32 [tilespmem:s20], [sflag:$0x3], $0x40, s11, s19, $0xb8;
	[tilespmem:$0x1E100] =	vst v63  }
0x397: {  	_ =	swait.ge [sflag:s30], $0x3E80  }
0x398: {  	[sflag:s30] =	ssyncset.done $0x0  }
0x399: {  	s12 =	simm.s32 $0x1100;
	[sflag:s30] =	ssyncadd.s32 $0xFFFFC180  }
0x39a: {  	[tilespmem:s23], [sflag:$0x2] =	stream.indirect.gather [spmem:s2], $0x40, s12, s19, $0xb8;
	[tilespmem:$0x1E100] =	vst v63  }
0x39b: {  	_ =	swait.ge [sflag:s24], $0x3E80  }
0x39c: {  	[sflag:s24] =	ssyncset.done $0x0  }
0x39d: {  	[sflag:s24] =	ssyncadd.s32 $0xFFFFC180  }
0x39e: {  	_ =	swait.ge [sflag:s25], $0x3E80  }
0x39f: {  	[sflag:s25] =	ssyncset.done $0x0  }
0x3a0: {  	s22 =	simm.s32 $0x2500;
	[sflag:s25] =	ssyncadd.s32 $0xFFFFC180  }
0x3a1: {  	[spmem:s3] =	stream.indirect.scatter.add.f32 [tilespmem:s23], [sflag:$0x4], $0x40, s22, s19, $0xb8;
	[tilespmem:$0x1E100] =	vst v63  }
0x3a2: {  	s13 =	simm.s32 $0x1200  }
0x3a3: {  	[tilespmem:s20], [sflag:$0x1] =	stream.indirect.gather [spmem:s2], $0x40, s13, s19, $0xb8;
	[tilespmem:$0x1E100] =	vst v63  }
0x3a4: {  	_ =	swait.ge [sflag:s21], $0x3E80  }
0x3a5: {  	[sflag:s21] =	ssyncset.done $0x0  }
0x3a6: {  	s14 =	simm.s32 $0x2600;
	[sflag:s21] =	ssyncadd.s32 $0xFFFFC180  }
0x3a7: {  	[spmem:s3] =	stream.indirect.scatter.add.f32 [tilespmem:s20], [sflag:$0x3], $0x40, s14, s19, $0xb8;
	[tilespmem:$0x1E100] =	vst v63  }
0x3a8: {  	_ =	swait.ge [sflag:s30], $0x3E80  }
0x3a9: {  	[sflag:s30] =	ssyncset.done $0x0  }
0x3aa: {  	s16 =	simm.s32 $0x1300;
	[sflag:s30] =	ssyncadd.s32 $0xFFFFC180  }
0x3ab: {  	[tilespmem:s23], [sflag:$0x2] =	stream.indirect.gather [spmem:s2], $0x40, s16, s19, $0xb8;
	[tilespmem:$0x1E100] =	vst v63  }
0x3ac: {  	_ =	swait.ge [sflag:s24], $0x3E80  }
0x3ad: {  	[sflag:s24] =	ssyncset.done $0x0  }
0x3ae: {  	[sflag:s24] =	ssyncadd.s32 $0xFFFFC180  }
0x3af: {  	_ =	swait.ge [sflag:s25], $0x3E80  }
0x3b0: {  	[sflag:s25] =	ssyncset.done $0x0  }
0x3b1: {  	s18 =	simm.s32 $0x2700;
	[sflag:s25] =	ssyncadd.s32 $0xFFFFC180  }
0x3b2: {  	[spmem:s3] =	stream.indirect.scatter.add.f32 [tilespmem:s23], [sflag:$0x4], $0x40, s18, s19, $0xb8;
	[tilespmem:$0x1E100] =	vst v63  }
0x3b3: {  	_ =	swait.ge [sflag:s30], $0x3E80  }
0x3b4: {  	[sflag:s30] =	ssyncset.done $0x0  }
0x3b5: {  	s0 =	rddreg [dreg:$0xf];
	[sflag:s30] =	ssyncadd.s32 $0xFFFFC180  }
0x3b6: {  	[tilespmem:s4], [sflag:$0x5] =	stream.linear.gather [hbm4b:s0+s4], $0x1400, $0x38;
	[tilespmem:$0x1E100] =	vst v63  }
0x3b7: {  	_ =	swait.ge [sflag:s17], $0x1400  }
0x3b8: {  	[sflag:s17] =	ssyncset.done $0x0  }
0x3b9: {  	s0 =	simm.s32 $0x1400;
	s1 =	rddreg [dreg:$0xe];
	[sflag:s17] =	ssyncadd.s32 $0xFFFFEC00  }
0x3ba: {  	[tilespmem:s0], [sflag:$0x5] =	stream.linear.gather [hbm4b:s1+s4], $0x1400, $0x38;
	[tilespmem:$0x1E100] =	vst v63  }
0x3bb: {  	_ =	swait.ge [sflag:s17], $0x1400  }
0x3bc: {  	[sflag:s17] =	ssyncset.done $0x0  }
0x3bd: {  	[sflag:s17] =	ssyncadd.s32 $0xFFFFEC00  }
0x3be: {  	[tilespmem:s20], [sflag:$0x1] =	stream.indirect.gather [spmem:s2], $0x40, s4, s19, $0xb8;
	[tilespmem:$0x1E100] =	vst v63  }
0x3bf: {  	_ =	swait.ge [sflag:s21], $0x3E80  }
0x3c0: {  	[sflag:s21] =	ssyncset.done $0x0  }
0x3c1: {  	[sflag:s21] =	ssyncadd.s32 $0xFFFFC180  }
0x3c2: {  	[spmem:s3] =	stream.indirect.scatter.add.f32 [tilespmem:s20], [sflag:$0x3], $0x40, s0, s19, $0xb8;
	[tilespmem:$0x1E100] =	vst v63  }
0x3c3: {  	_ = 	snop  }
0x3c4: {  	[tilespmem:s23], [sflag:$0x2] =	stream.indirect.gather [spmem:s2], $0x40, s5, s19, $0xb8;
	[tilespmem:$0x1E100] =	vst v63  }
0x3c5: {  	_ =	swait.ge [sflag:s24], $0x3E80  }
0x3c6: {  	[sflag:s24] =	ssyncset.done $0x0  }
0x3c7: {  	[sflag:s24] =	ssyncadd.s32 $0xFFFFC180  }
0x3c8: {  	_ =	swait.ge [sflag:s25], $0x3E80  }
0x3c9: {  	[sflag:s25] =	ssyncset.done $0x0  }
0x3ca: {  	[sflag:s25] =	ssyncadd.s32 $0xFFFFC180  }
0x3cb: {  	[spmem:s3] =	stream.indirect.scatter.add.f32 [tilespmem:s23], [sflag:$0x4], $0x40, s26, s19, $0xb8;
	[tilespmem:$0x1E100] =	vst v63  }
0x3cc: {  	s7 =	simm.s32 $0x200  }
0x3cd: {  	[tilespmem:s20], [sflag:$0x1] =	stream.indirect.gather [spmem:s2], $0x40, s7, s19, $0xb8;
	[tilespmem:$0x1E100] =	vst v63  }
0x3ce: {  	_ =	swait.ge [sflag:s21], $0x3E80  }
0x3cf: {  	[sflag:s21] =	ssyncset.done $0x0  }
0x3d0: {  	s7 =	simm.s32 $0x1600;
	[sflag:s21] =	ssyncadd.s32 $0xFFFFC180  }
0x3d1: {  	[spmem:s3] =	stream.indirect.scatter.add.f32 [tilespmem:s20], [sflag:$0x3], $0x40, s7, s19, $0xb8;
	[tilespmem:$0x1E100] =	vst v63  }
0x3d2: {  	_ =	swait.ge [sflag:s30], $0x3E80  }
0x3d3: {  	[sflag:s30] =	ssyncset.done $0x0  }
0x3d4: {  	s26 =	simm.s32 $0x300;
	[sflag:s30] =	ssyncadd.s32 $0xFFFFC180  }
0x3d5: {  	[tilespmem:s23], [sflag:$0x2] =	stream.indirect.gather [spmem:s2], $0x40, s26, s19, $0xb8;
	[tilespmem:$0x1E100] =	vst v63  }
0x3d6: {  	_ =	swait.ge [sflag:s24], $0x3E80  }
0x3d7: {  	[sflag:s24] =	ssyncset.done $0x0  }
0x3d8: {  	[sflag:s24] =	ssyncadd.s32 $0xFFFFC180  }
0x3d9: {  	_ =	swait.ge [sflag:s25], $0x3E80  }
0x3da: {  	[sflag:s25] =	ssyncset.done $0x0  }
0x3db: {  	[sflag:s25] =	ssyncadd.s32 $0xFFFFC180  }
0x3dc: {  	[spmem:s3] =	stream.indirect.scatter.add.f32 [tilespmem:s23], [sflag:$0x4], $0x40, s28, s19, $0xb8;
	[tilespmem:$0x1E100] =	vst v63  }
0x3dd: {  	_ = 	snop  }
0x3de: {  	[tilespmem:s20], [sflag:$0x1] =	stream.indirect.gather [spmem:s2], $0x40, s29, s19, $0xb8;
	[tilespmem:$0x1E100] =	vst v63  }
0x3df: {  	_ =	swait.ge [sflag:s21], $0x3E80  }
0x3e0: {  	[sflag:s21] =	ssyncset.done $0x0  }
0x3e1: {  	[sflag:s21] =	ssyncadd.s32 $0xFFFFC180  }
0x3e2: {  	[spmem:s3] =	stream.indirect.scatter.add.f32 [tilespmem:s20], [sflag:$0x3], $0x40, s31, s19, $0xb8;
	[tilespmem:$0x1E100] =	vst v63  }
0x3e3: {  	_ =	swait.ge [sflag:s30], $0x3E80  }
0x3e4: {  	[sflag:s30] =	ssyncset.done $0x0  }
0x3e5: {  	s28 =	simm.s32 $0x500;
	[sflag:s30] =	ssyncadd.s32 $0xFFFFC180  }
0x3e6: {  	[tilespmem:s23], [sflag:$0x2] =	stream.indirect.gather [spmem:s2], $0x40, s28, s19, $0xb8;
	[tilespmem:$0x1E100] =	vst v63  }
0x3e7: {  	_ =	swait.ge [sflag:s24], $0x3E80  }
0x3e8: {  	[sflag:s24] =	ssyncset.done $0x0  }
0x3e9: {  	[sflag:s24] =	ssyncadd.s32 $0xFFFFC180  }
0x3ea: {  	_ =	swait.ge [sflag:s25], $0x3E80  }
0x3eb: {  	[sflag:s25] =	ssyncset.done $0x0  }
0x3ec: {  	s6 =	simm.s32 $0x1900;
	[sflag:s25] =	ssyncadd.s32 $0xFFFFC180  }
0x3ed: {  	[spmem:s3] =	stream.indirect.scatter.add.f32 [tilespmem:s23], [sflag:$0x4], $0x40, s6, s19, $0xb8;
	[tilespmem:$0x1E100] =	vst v63  }
0x3ee: {  	s7 =	simm.s32 $0x600  }
0x3ef: {  	[tilespmem:s20], [sflag:$0x1] =	stream.indirect.gather [spmem:s2], $0x40, s7, s19, $0xb8;
	[tilespmem:$0x1E100] =	vst v63  }
0x3f0: {  	_ =	swait.ge [sflag:s21], $0x3E80  }
0x3f1: {  	[sflag:s21] =	ssyncset.done $0x0  }
0x3f2: {  	s0 =	simm.s32 $0x1A00;
	[sflag:s21] =	ssyncadd.s32 $0xFFFFC180  }
0x3f3: {  	[spmem:s3] =	stream.indirect.scatter.add.f32 [tilespmem:s20], [sflag:$0x3], $0x40, s0, s19, $0xb8;
	[tilespmem:$0x1E100] =	vst v63  }
0x3f4: {  	_ =	swait.ge [sflag:s30], $0x3E80  }
0x3f5: {  	[sflag:s30] =	ssyncset.done $0x0  }
0x3f6: {  	s26 =	simm.s32 $0x700;
	[sflag:s30] =	ssyncadd.s32 $0xFFFFC180  }
0x3f7: {  	[tilespmem:s23], [sflag:$0x2] =	stream.indirect.gather [spmem:s2], $0x40, s26, s19, $0xb8;
	[tilespmem:$0x1E100] =	vst v63  }
0x3f8: {  	_ =	swait.ge [sflag:s24], $0x3E80  }
0x3f9: {  	[sflag:s24] =	ssyncset.done $0x0  }
0x3fa: {  	[sflag:s24] =	ssyncadd.s32 $0xFFFFC180  }
0x3fb: {  	_ =	swait.ge [sflag:s25], $0x3E80  }
0x3fc: {  	[sflag:s25] =	ssyncset.done $0x0  }
0x3fd: {  	s5 =	simm.s32 $0x1B00;
	[sflag:s25] =	ssyncadd.s32 $0xFFFFC180  }
0x3fe: {  	[spmem:s3] =	stream.indirect.scatter.add.f32 [tilespmem:s23], [sflag:$0x4], $0x40, s5, s19, $0xb8;
	[tilespmem:$0x1E100] =	vst v63  }
0x3ff: {  	s1 =	simm.s32 $0x800  }
0x400: {  	[tilespmem:s20], [sflag:$0x1] =	stream.indirect.gather [spmem:s2], $0x40, s1, s19, $0xb8;
	[tilespmem:$0x1E100] =	vst v63  }
0x401: {  	_ =	swait.ge [sflag:s21], $0x3E80  }
0x402: {  	[sflag:s21] =	ssyncset.done $0x0  }
0x403: {  	s29 =	simm.s32 $0x1C00;
	[sflag:s21] =	ssyncadd.s32 $0xFFFFC180  }
0x404: {  	[spmem:s3] =	stream.indirect.scatter.add.f32 [tilespmem:s20], [sflag:$0x3], $0x40, s29, s19, $0xb8;
	[tilespmem:$0x1E100] =	vst v63  }
0x405: {  	_ =	swait.ge [sflag:s30], $0x3E80  }
0x406: {  	[sflag:s30] =	ssyncset.done $0x0  }
0x407: {  	s31 =	simm.s32 $0x900;
	[sflag:s30] =	ssyncadd.s32 $0xFFFFC180  }
0x408: {  	[tilespmem:s23], [sflag:$0x2] =	stream.indirect.gather [spmem:s2], $0x40, s31, s19, $0xb8;
	[tilespmem:$0x1E100] =	vst v63  }
0x409: {  	_ =	swait.ge [sflag:s24], $0x3E80  }
0x40a: {  	[sflag:s24] =	ssyncset.done $0x0  }
0x40b: {  	[sflag:s24] =	ssyncadd.s32 $0xFFFFC180  }
0x40c: {  	_ =	swait.ge [sflag:s25], $0x3E80  }
0x40d: {  	[sflag:s25] =	ssyncset.done $0x0  }
0x40e: {  	s6 =	simm.s32 $0x1D00;
	[sflag:s25] =	ssyncadd.s32 $0xFFFFC180  }
0x40f: {  	[spmem:s3] =	stream.indirect.scatter.add.f32 [tilespmem:s23], [sflag:$0x4], $0x40, s6, s19, $0xb8;
	[tilespmem:$0x1E100] =	vst v63  }
0x410: {  	s5 =	simm.s32 $0xA00  }
0x411: {  	[tilespmem:s20], [sflag:$0x1] =	stream.indirect.gather [spmem:s2], $0x40, s5, s19, $0xb8;
	[tilespmem:$0x1E100] =	vst v63  }
0x412: {  	_ =	swait.ge [sflag:s21], $0x3E80  }
0x413: {  	[sflag:s21] =	ssyncset.done $0x0  }
0x414: {  	s0 =	simm.s32 $0x1E00;
	[sflag:s21] =	ssyncadd.s32 $0xFFFFC180  }
0x415: {  	[spmem:s3] =	stream.indirect.scatter.add.f32 [tilespmem:s20], [sflag:$0x3], $0x40, s0, s19, $0xb8;
	[tilespmem:$0x1E100] =	vst v63  }
0x416: {  	_ =	swait.ge [sflag:s30], $0x3E80  }
0x417: {  	[sflag:s30] =	ssyncset.done $0x0  }
0x418: {  	s0 =	simm.s32 $0xB00;
	[sflag:s30] =	ssyncadd.s32 $0xFFFFC180  }
0x419: {  	[tilespmem:s23], [sflag:$0x2] =	stream.indirect.gather [spmem:s2], $0x40, s0, s19, $0xb8;
	[tilespmem:$0x1E100] =	vst v63  }
0x41a: {  	_ =	swait.ge [sflag:s24], $0x3E80  }
0x41b: {  	[sflag:s24] =	ssyncset.done $0x0  }
0x41c: {  	[sflag:s24] =	ssyncadd.s32 $0xFFFFC180  }
0x41d: {  	_ =	swait.ge [sflag:s25], $0x3E80  }
0x41e: {  	[sflag:s25] =	ssyncset.done $0x0  }
0x41f: {  	[sflag:s25] =	ssyncadd.s32 $0xFFFFC180  }
0x420: {  	[spmem:s3] =	stream.indirect.scatter.add.f32 [tilespmem:s23], [sflag:$0x4], $0x40, s9, s19, $0xb8;
	[tilespmem:$0x1E100] =	vst v63  }
0x421: {  	s6 =	simm.s32 $0xC00  }
0x422: {  	[tilespmem:s20], [sflag:$0x1] =	stream.indirect.gather [spmem:s2], $0x40, s6, s19, $0xb8;
	[tilespmem:$0x1E100] =	vst v63  }
0x423: {  	_ =	swait.ge [sflag:s21], $0x3E80  }
0x424: {  	[sflag:s21] =	ssyncset.done $0x0  }
0x425: {  	s9 =	simm.s32 $0x2000;
	[sflag:s21] =	ssyncadd.s32 $0xFFFFC180  }
0x426: {  	[spmem:s3] =	stream.indirect.scatter.add.f32 [tilespmem:s20], [sflag:$0x3], $0x40, s9, s19, $0xb8;
	[tilespmem:$0x1E100] =	vst v63  }
0x427: {  	_ =	swait.ge [sflag:s30], $0x3E80  }
0x428: {  	[sflag:s30] =	ssyncset.done $0x0  }
0x429: {  	s0 =	simm.s32 $0xD00;
	[sflag:s30] =	ssyncadd.s32 $0xFFFFC180  }
0x42a: {  	[tilespmem:s23], [sflag:$0x2] =	stream.indirect.gather [spmem:s2], $0x40, s0, s19, $0xb8;
	[tilespmem:$0x1E100] =	vst v63  }
0x42b: {  	_ =	swait.ge [sflag:s24], $0x3E80  }
0x42c: {  	[sflag:s24] =	ssyncset.done $0x0  }
0x42d: {  	[sflag:s24] =	ssyncadd.s32 $0xFFFFC180  }
0x42e: {  	_ =	swait.ge [sflag:s25], $0x3E80  }
0x42f: {  	[sflag:s25] =	ssyncset.done $0x0  }
0x430: {  	[sflag:s25] =	ssyncadd.s32 $0xFFFFC180  }
0x431: {  	[spmem:s3] =	stream.indirect.scatter.add.f32 [tilespmem:s23], [sflag:$0x4], $0x40, s8, s19, $0xb8;
	[tilespmem:$0x1E100] =	vst v63  }
0x432: {  	s9 =	simm.s32 $0xE00  }
0x433: {  	[tilespmem:s20], [sflag:$0x1] =	stream.indirect.gather [spmem:s2], $0x40, s9, s19, $0xb8;
	[tilespmem:$0x1E100] =	vst v63  }
0x434: {  	_ =	swait.ge [sflag:s21], $0x3E80  }
0x435: {  	[sflag:s21] =	ssyncset.done $0x0  }
0x436: {  	s6 =	simm.s32 $0x2200;
	[sflag:s21] =	ssyncadd.s32 $0xFFFFC180  }
0x437: {  	[spmem:s3] =	stream.indirect.scatter.add.f32 [tilespmem:s20], [sflag:$0x3], $0x40, s6, s19, $0xb8;
	[tilespmem:$0x1E100] =	vst v63  }
0x438: {  	_ =	swait.ge [sflag:s30], $0x3E80  }
0x439: {  	[sflag:s30] =	ssyncset.done $0x0  }
0x43a: {  	s8 =	simm.s32 $0xF00;
	[sflag:s30] =	ssyncadd.s32 $0xFFFFC180  }
0x43b: {  	[tilespmem:s23], [sflag:$0x2] =	stream.indirect.gather [spmem:s2], $0x40, s8, s19, $0xb8;
	[tilespmem:$0x1E100] =	vst v63  }
0x43c: {  	_ =	swait.ge [sflag:s24], $0x3E80  }
0x43d: {  	[sflag:s24] =	ssyncset.done $0x0  }
0x43e: {  	[sflag:s24] =	ssyncadd.s32 $0xFFFFC180  }
0x43f: {  	_ =	swait.ge [sflag:s25], $0x3E80  }
0x440: {  	[sflag:s25] =	ssyncset.done $0x0  }
0x441: {  	[sflag:s25] =	ssyncadd.s32 $0xFFFFC180  }
0x442: {  	[spmem:s3] =	stream.indirect.scatter.add.f32 [tilespmem:s23], [sflag:$0x4], $0x40, s15, s19, $0xb8;
	[tilespmem:$0x1E100] =	vst v63  }
0x443: {  	_ = 	snop  }
0x444: {  	[tilespmem:s20], [sflag:$0x1] =	stream.indirect.gather [spmem:s2], $0x40, s10, s19, $0xb8;
	[tilespmem:$0x1E100] =	vst v63  }
0x445: {  	_ =	swait.ge [sflag:s21], $0x3E80  }
0x446: {  	[sflag:s21] =	ssyncset.done $0x0  }
0x447: {  	[sflag:s21] =	ssyncadd.s32 $0xFFFFC180  }
0x448: {  	[spmem:s3] =	stream.indirect.scatter.add.f32 [tilespmem:s20], [sflag:$0x3], $0x40, s11, s19, $0xb8;
	[tilespmem:$0x1E100] =	vst v63  }
0x449: {  	_ =	swait.ge [sflag:s30], $0x3E80  }
0x44a: {  	[sflag:s30] =	ssyncset.done $0x0  }
0x44b: {  	[sflag:s30] =	ssyncadd.s32 $0xFFFFC180  }
0x44c: {  	[tilespmem:s23], [sflag:$0x2] =	stream.indirect.gather [spmem:s2], $0x40, s12, s19, $0xb8;
	[tilespmem:$0x1E100] =	vst v63  }
0x44d: {  	_ =	swait.ge [sflag:s24], $0x3E80  }
0x44e: {  	[sflag:s24] =	ssyncset.done $0x0  }
0x44f: {  	[sflag:s24] =	ssyncadd.s32 $0xFFFFC180  }
0x450: {  	_ =	swait.ge [sflag:s25], $0x3E80  }
0x451: {  	[sflag:s25] =	ssyncset.done $0x0  }
0x452: {  	[sflag:s25] =	ssyncadd.s32 $0xFFFFC180  }
0x453: {  	[spmem:s3] =	stream.indirect.scatter.add.f32 [tilespmem:s23], [sflag:$0x4], $0x40, s22, s19, $0xb8;
	[tilespmem:$0x1E100] =	vst v63  }
0x454: {  	_ = 	snop  }
0x455: {  	[tilespmem:s20], [sflag:$0x1] =	stream.indirect.gather [spmem:s2], $0x40, s13, s19, $0xb8;
	[tilespmem:$0x1E100] =	vst v63  }
0x456: {  	_ =	swait.ge [sflag:s21], $0x3E80  }
0x457: {  	[sflag:s21] =	ssyncset.done $0x0  }
0x458: {  	[sflag:s21] =	ssyncadd.s32 $0xFFFFC180  }
0x459: {  	[spmem:s3] =	stream.indirect.scatter.add.f32 [tilespmem:s20], [sflag:$0x3], $0x40, s14, s19, $0xb8;
	[tilespmem:$0x1E100] =	vst v63  }
0x45a: {  	_ =	swait.ge [sflag:s30], $0x3E80  }
0x45b: {  	[sflag:s30] =	ssyncset.done $0x0  }
0x45c: {  	[sflag:s30] =	ssyncadd.s32 $0xFFFFC180  }
0x45d: {  	[tilespmem:s23], [sflag:$0x2] =	stream.indirect.gather [spmem:s2], $0x40, s16, s19, $0xb8;
	[tilespmem:$0x1E100] =	vst v63  }
0x45e: {  	_ =	swait.ge [sflag:s24], $0x3E80  }
0x45f: {  	[sflag:s24] =	ssyncset.done $0x0  }
0x460: {  	[sflag:s24] =	ssyncadd.s32 $0xFFFFC180  }
0x461: {  	_ =	swait.ge [sflag:s25], $0x3E80  }
0x462: {  	[sflag:s25] =	ssyncset.done $0x0  }
0x463: {  	[sflag:s25] =	ssyncadd.s32 $0xFFFFC180  }
0x464: {  	[spmem:s3] =	stream.indirect.scatter.add.f32 [tilespmem:s23], [sflag:$0x4], $0x40, s18, s19, $0xb8;
	[tilespmem:$0x1E100] =	vst v63  }
0x465: {  	_ =	swait.ge [sflag:s30], $0x3E80  }
0x466: {  	[sflag:s30] =	ssyncset.done $0x0  }
0x467: {  	s13 =	rddreg [dreg:$0x11];
	[sflag:s30] =	ssyncadd.s32 $0xFFFFC180  }
0x468: {  	[tilespmem:s4], [sflag:$0x5] =	stream.linear.gather [hbm4b:s13+s4], $0x1400, $0x38;
	[tilespmem:$0x1E100] =	vst v63  }
0x469: {  	_ =	swait.ge [sflag:s17], $0x1400  }
0x46a: {  	[sflag:s17] =	ssyncset.done $0x0  }
0x46b: {  	s16 =	simm.s32 $0x1400;
	s14 =	rddreg [dreg:$0x10];
	[sflag:s17] =	ssyncadd.s32 $0xFFFFEC00  }
0x46c: {  	[tilespmem:s16], [sflag:$0x5] =	stream.linear.gather [hbm4b:s14+s4], $0x1400, $0x38;
	[tilespmem:$0x1E100] =	vst v63  }
0x46d: {  	_ =	swait.ge [sflag:s17], $0x1400  }
0x46e: {  	[sflag:s17] =	ssyncset.done $0x0  }
0x46f: {  	[sflag:s17] =	ssyncadd.s32 $0xFFFFEC00  }
0x470: {  	[tilespmem:s20], [sflag:$0x1] =	stream.indirect.gather [spmem:s2], $0x40, s4, s19, $0xb8;
	[tilespmem:$0x1E100] =	vst v63  }
0x471: {  	_ =	swait.ge [sflag:s21], $0x3E80  }
0x472: {  	[sflag:s21] =	ssyncset.done $0x0  }
0x473: {  	[sflag:s21] =	ssyncadd.s32 $0xFFFFC180  }
0x474: {  	[spmem:s3] =	stream.indirect.scatter.add.f32 [tilespmem:s20], [sflag:$0x3], $0x40, s16, s19, $0xb8;
	[tilespmem:$0x1E100] =	vst v63  }
0x475: {  	s22 =	simm.s32 $0x100  }
0x476: {  	[tilespmem:s23], [sflag:$0x2] =	stream.indirect.gather [spmem:s2], $0x40, s22, s19, $0xb8;
	[tilespmem:$0x1E100] =	vst v63  }
0x477: {  	_ =	swait.ge [sflag:s24], $0x3E80  }
0x478: {  	[sflag:s24] =	ssyncset.done $0x0  }
0x479: {  	[sflag:s24] =	ssyncadd.s32 $0xFFFFC180  }
0x47a: {  	_ =	swait.ge [sflag:s25], $0x3E80  }
0x47b: {  	[sflag:s25] =	ssyncset.done $0x0  }
0x47c: {  	s8 =	simm.s32 $0x1500;
	[sflag:s25] =	ssyncadd.s32 $0xFFFFC180  }
0x47d: {  	[spmem:s3] =	stream.indirect.scatter.add.f32 [tilespmem:s23], [sflag:$0x4], $0x40, s8, s19, $0xb8;
	[tilespmem:$0x1E100] =	vst v63  }
0x47e: {  	s10 =	simm.s32 $0x200  }
0x47f: {  	[tilespmem:s20], [sflag:$0x1] =	stream.indirect.gather [spmem:s2], $0x40, s10, s19, $0xb8;
	[tilespmem:$0x1E100] =	vst v63  }
0x480: {  	_ =	swait.ge [sflag:s21], $0x3E80  }
0x481: {  	[sflag:s21] =	ssyncset.done $0x0  }
0x482: {  	s11 =	simm.s32 $0x1600;
	[sflag:s21] =	ssyncadd.s32 $0xFFFFC180  }
0x483: {  	[spmem:s3] =	stream.indirect.scatter.add.f32 [tilespmem:s20], [sflag:$0x3], $0x40, s11, s19, $0xb8;
	[tilespmem:$0x1E100] =	vst v63  }
0x484: {  	_ =	swait.ge [sflag:s30], $0x3E80  }
0x485: {  	[sflag:s30] =	ssyncset.done $0x0  }
0x486: {  	s12 =	simm.s32 $0x300;
	[sflag:s30] =	ssyncadd.s32 $0xFFFFC180  }
0x487: {  	[tilespmem:s23], [sflag:$0x2] =	stream.indirect.gather [spmem:s2], $0x40, s12, s19, $0xb8;
	[tilespmem:$0x1E100] =	vst v63  }
0x488: {  	_ =	swait.ge [sflag:s24], $0x3E80  }
0x489: {  	[sflag:s24] =	ssyncset.done $0x0  }
0x48a: {  	[sflag:s24] =	ssyncadd.s32 $0xFFFFC180  }
0x48b: {  	_ =	swait.ge [sflag:s25], $0x3E80  }
0x48c: {  	[sflag:s25] =	ssyncset.done $0x0  }
0x48d: {  	s13 =	simm.s32 $0x1700;
	[sflag:s25] =	ssyncadd.s32 $0xFFFFC180  }
0x48e: {  	[spmem:s3] =	stream.indirect.scatter.add.f32 [tilespmem:s23], [sflag:$0x4], $0x40, s13, s19, $0xb8;
	[tilespmem:$0x1E100] =	vst v63  }
0x48f: {  	s14 =	simm.s32 $0x400  }
0x490: {  	[tilespmem:s20], [sflag:$0x1] =	stream.indirect.gather [spmem:s2], $0x40, s14, s19, $0xb8;
	[tilespmem:$0x1E100] =	vst v63  }
0x491: {  	_ =	swait.ge [sflag:s21], $0x3E80  }
0x492: {  	[sflag:s21] =	ssyncset.done $0x0  }
0x493: {  	s16 =	simm.s32 $0x1800;
	[sflag:s21] =	ssyncadd.s32 $0xFFFFC180  }
0x494: {  	[spmem:s3] =	stream.indirect.scatter.add.f32 [tilespmem:s20], [sflag:$0x3], $0x40, s16, s19, $0xb8;
	[tilespmem:$0x1E100] =	vst v63  }
0x495: {  	_ =	swait.ge [sflag:s30], $0x3E80  }
0x496: {  	[sflag:s30] =	ssyncset.done $0x0  }
0x497: {  	[sflag:s30] =	ssyncadd.s32 $0xFFFFC180  }
0x498: {  	[tilespmem:s23], [sflag:$0x2] =	stream.indirect.gather [spmem:s2], $0x40, s28, s19, $0xb8;
	[tilespmem:$0x1E100] =	vst v63  }
0x499: {  	_ =	swait.ge [sflag:s24], $0x3E80  }
0x49a: {  	[sflag:s24] =	ssyncset.done $0x0  }
0x49b: {  	[sflag:s24] =	ssyncadd.s32 $0xFFFFC180  }
0x49c: {  	_ =	swait.ge [sflag:s25], $0x3E80  }
0x49d: {  	[sflag:s25] =	ssyncset.done $0x0  }
0x49e: {  	s18 =	simm.s32 $0x1900;
	[sflag:s25] =	ssyncadd.s32 $0xFFFFC180  }
0x49f: {  	[spmem:s3] =	stream.indirect.scatter.add.f32 [tilespmem:s23], [sflag:$0x4], $0x40, s18, s19, $0xb8;
	[tilespmem:$0x1E100] =	vst v63  }
0x4a0: {  	_ = 	snop  }
0x4a1: {  	[tilespmem:s20], [sflag:$0x1] =	stream.indirect.gather [spmem:s2], $0x40, s7, s19, $0xb8;
	[tilespmem:$0x1E100] =	vst v63  }
0x4a2: {  	_ =	swait.ge [sflag:s21], $0x3E80  }
0x4a3: {  	[sflag:s21] =	ssyncset.done $0x0  }
0x4a4: {  	s22 =	simm.s32 $0x1A00;
	[sflag:s21] =	ssyncadd.s32 $0xFFFFC180  }
0x4a5: {  	[spmem:s3] =	stream.indirect.scatter.add.f32 [tilespmem:s20], [sflag:$0x3], $0x40, s22, s19, $0xb8;
	[tilespmem:$0x1E100] =	vst v63  }
0x4a6: {  	_ =	swait.ge [sflag:s30], $0x3E80  }
0x4a7: {  	[sflag:s30] =	ssyncset.done $0x0  }
0x4a8: {  	[sflag:s30] =	ssyncadd.s32 $0xFFFFC180  }
0x4a9: {  	[tilespmem:s23], [sflag:$0x2] =	stream.indirect.gather [spmem:s2], $0x40, s26, s19, $0xb8;
	[tilespmem:$0x1E100] =	vst v63  }
0x4aa: {  	_ =	swait.ge [sflag:s24], $0x3E80  }
0x4ab: {  	[sflag:s24] =	ssyncset.done $0x0  }
0x4ac: {  	[sflag:s24] =	ssyncadd.s32 $0xFFFFC180  }
0x4ad: {  	_ =	swait.ge [sflag:s25], $0x3E80  }
0x4ae: {  	[sflag:s25] =	ssyncset.done $0x0  }
0x4af: {  	s10 =	simm.s32 $0x1B00;
	[sflag:s25] =	ssyncadd.s32 $0xFFFFC180  }
0x4b0: {  	[spmem:s3] =	stream.indirect.scatter.add.f32 [tilespmem:s23], [sflag:$0x4], $0x40, s10, s19, $0xb8;
	[tilespmem:$0x1E100] =	vst v63  }
0x4b1: {  	_ = 	snop  }
0x4b2: {  	[tilespmem:s20], [sflag:$0x1] =	stream.indirect.gather [spmem:s2], $0x40, s1, s19, $0xb8;
	[tilespmem:$0x1E100] =	vst v63  }
0x4b3: {  	_ =	swait.ge [sflag:s21], $0x3E80  }
0x4b4: {  	[sflag:s21] =	ssyncset.done $0x0  }
0x4b5: {  	[sflag:s21] =	ssyncadd.s32 $0xFFFFC180  }
0x4b6: {  	[spmem:s3] =	stream.indirect.scatter.add.f32 [tilespmem:s20], [sflag:$0x3], $0x40, s29, s19, $0xb8;
	[tilespmem:$0x1E100] =	vst v63  }
0x4b7: {  	_ =	swait.ge [sflag:s30], $0x3E80  }
0x4b8: {  	[sflag:s30] =	ssyncset.done $0x0  }
0x4b9: {  	[sflag:s30] =	ssyncadd.s32 $0xFFFFC180  }
0x4ba: {  	[tilespmem:s23], [sflag:$0x2] =	stream.indirect.gather [spmem:s2], $0x40, s31, s19, $0xb8;
	[tilespmem:$0x1E100] =	vst v63  }
0x4bb: {  	_ =	swait.ge [sflag:s24], $0x3E80  }
0x4bc: {  	[sflag:s24] =	ssyncset.done $0x0  }
0x4bd: {  	[sflag:s24] =	ssyncadd.s32 $0xFFFFC180  }
0x4be: {  	_ =	swait.ge [sflag:s25], $0x3E80  }
0x4bf: {  	[sflag:s25] =	ssyncset.done $0x0  }
0x4c0: {  	s1 =	simm.s32 $0x1D00;
	[sflag:s25] =	ssyncadd.s32 $0xFFFFC180  }
0x4c1: {  	[spmem:s3] =	stream.indirect.scatter.add.f32 [tilespmem:s23], [sflag:$0x4], $0x40, s1, s19, $0xb8;
	[tilespmem:$0x1E100] =	vst v63  }
0x4c2: {  	_ = 	snop  }
0x4c3: {  	[tilespmem:s20], [sflag:$0x1] =	stream.indirect.gather [spmem:s2], $0x40, s5, s19, $0xb8;
	[tilespmem:$0x1E100] =	vst v63  }
0x4c4: {  	_ =	swait.ge [sflag:s21], $0x3E80  }
0x4c5: {  	[sflag:s21] =	ssyncset.done $0x0  }
0x4c6: {  	s5 =	simm.s32 $0x1E00;
	[sflag:s21] =	ssyncadd.s32 $0xFFFFC180  }
0x4c7: {  	[spmem:s3] =	stream.indirect.scatter.add.f32 [tilespmem:s20], [sflag:$0x3], $0x40, s5, s19, $0xb8;
	[tilespmem:$0x1E100] =	vst v63  }
0x4c8: {  	_ =	swait.ge [sflag:s30], $0x3E80  }
0x4c9: {  	[sflag:s30] =	ssyncset.done $0x0  }
0x4ca: {  	s6 =	simm.s32 $0xB00;
	[sflag:s30] =	ssyncadd.s32 $0xFFFFC180  }
0x4cb: {  	[tilespmem:s23], [sflag:$0x2] =	stream.indirect.gather [spmem:s2], $0x40, s6, s19, $0xb8;
	[tilespmem:$0x1E100] =	vst v63  }
0x4cc: {  	_ =	swait.ge [sflag:s24], $0x3E80  }
0x4cd: {  	[sflag:s24] =	ssyncset.done $0x0  }
0x4ce: {  	[sflag:s24] =	ssyncadd.s32 $0xFFFFC180  }
0x4cf: {  	_ =	swait.ge [sflag:s25], $0x3E80  }
0x4d0: {  	[sflag:s25] =	ssyncset.done $0x0  }
0x4d1: {  	s5 =	simm.s32 $0x1F00;
	[sflag:s25] =	ssyncadd.s32 $0xFFFFC180  }
0x4d2: {  	[spmem:s3] =	stream.indirect.scatter.add.f32 [tilespmem:s23], [sflag:$0x4], $0x40, s5, s19, $0xb8;
	[tilespmem:$0x1E100] =	vst v63  }
0x4d3: {  	s7 =	simm.s32 $0xC00  }
0x4d4: {  	[tilespmem:s20], [sflag:$0x1] =	stream.indirect.gather [spmem:s2], $0x40, s7, s19, $0xb8;
	[tilespmem:$0x1E100] =	vst v63  }
0x4d5: {  	_ =	swait.ge [sflag:s21], $0x3E80  }
0x4d6: {  	[sflag:s21] =	ssyncset.done $0x0  }
0x4d7: {  	s8 =	simm.s32 $0x2000;
	[sflag:s21] =	ssyncadd.s32 $0xFFFFC180  }
0x4d8: {  	[spmem:s3] =	stream.indirect.scatter.add.f32 [tilespmem:s20], [sflag:$0x3], $0x40, s8, s19, $0xb8;
	[tilespmem:$0x1E100] =	vst v63  }
0x4d9: {  	_ =	swait.ge [sflag:s30], $0x3E80  }
0x4da: {  	[sflag:s30] =	ssyncset.done $0x0  }
0x4db: {  	s16 =	simm.s32 $0xD00;
	[sflag:s30] =	ssyncadd.s32 $0xFFFFC180  }
0x4dc: {  	[tilespmem:s23], [sflag:$0x2] =	stream.indirect.gather [spmem:s2], $0x40, s16, s19, $0xb8;
	[tilespmem:$0x1E100] =	vst v63  }
0x4dd: {  	_ =	swait.ge [sflag:s24], $0x3E80  }
0x4de: {  	[sflag:s24] =	ssyncset.done $0x0  }
0x4df: {  	[sflag:s24] =	ssyncadd.s32 $0xFFFFC180  }
0x4e0: {  	_ =	swait.ge [sflag:s25], $0x3E80  }
0x4e1: {  	[sflag:s25] =	ssyncset.done $0x0  }
0x4e2: {  	s6 =	simm.s32 $0x2100;
	[sflag:s25] =	ssyncadd.s32 $0xFFFFC180  }
0x4e3: {  	[spmem:s3] =	stream.indirect.scatter.add.f32 [tilespmem:s23], [sflag:$0x4], $0x40, s6, s19, $0xb8;
	[tilespmem:$0x1E100] =	vst v63  }
0x4e4: {  	_ = 	snop  }
0x4e5: {  	[tilespmem:s20], [sflag:$0x1] =	stream.indirect.gather [spmem:s2], $0x40, s9, s19, $0xb8;
	[tilespmem:$0x1E100] =	vst v63  }
0x4e6: {  	_ =	swait.ge [sflag:s21], $0x3E80  }
0x4e7: {  	[sflag:s21] =	ssyncset.done $0x0  }
0x4e8: {  	s7 =	simm.s32 $0x2200;
	[sflag:s21] =	ssyncadd.s32 $0xFFFFC180  }
0x4e9: {  	[spmem:s3] =	stream.indirect.scatter.add.f32 [tilespmem:s20], [sflag:$0x3], $0x40, s7, s19, $0xb8;
	[tilespmem:$0x1E100] =	vst v63  }
0x4ea: {  	_ =	swait.ge [sflag:s30], $0x3E80  }
0x4eb: {  	[sflag:s30] =	ssyncset.done $0x0  }
0x4ec: {  	s8 =	simm.s32 $0xF00;
	[sflag:s30] =	ssyncadd.s32 $0xFFFFC180  }
0x4ed: {  	[tilespmem:s23], [sflag:$0x2] =	stream.indirect.gather [spmem:s2], $0x40, s8, s19, $0xb8;
	[tilespmem:$0x1E100] =	vst v63  }
0x4ee: {  	_ =	swait.ge [sflag:s24], $0x3E80  }
0x4ef: {  	[sflag:s24] =	ssyncset.done $0x0  }
0x4f0: {  	[sflag:s24] =	ssyncadd.s32 $0xFFFFC180  }
0x4f1: {  	_ =	swait.ge [sflag:s25], $0x3E80  }
0x4f2: {  	[sflag:s25] =	ssyncset.done $0x0  }
0x4f3: {  	s15 =	simm.s32 $0x2300;
	[sflag:s25] =	ssyncadd.s32 $0xFFFFC180  }
0x4f4: {  	[spmem:s3] =	stream.indirect.scatter.add.f32 [tilespmem:s23], [sflag:$0x4], $0x40, s15, s19, $0xb8;
	[tilespmem:$0x1E100] =	vst v63  }
0x4f5: {  	s18 =	simm.s32 $0x1000  }
0x4f6: {  	[tilespmem:s20], [sflag:$0x1] =	stream.indirect.gather [spmem:s2], $0x40, s18, s19, $0xb8;
	[tilespmem:$0x1E100] =	vst v63  }
0x4f7: {  	_ =	swait.ge [sflag:s21], $0x3E80  }
0x4f8: {  	[sflag:s21] =	ssyncset.done $0x0  }
0x4f9: {  	s18 =	simm.s32 $0x2400;
	[sflag:s21] =	ssyncadd.s32 $0xFFFFC180  }
0x4fa: {  	[spmem:s3] =	stream.indirect.scatter.add.f32 [tilespmem:s20], [sflag:$0x3], $0x40, s18, s19, $0xb8;
	[tilespmem:$0x1E100] =	vst v63  }
0x4fb: {  	_ =	swait.ge [sflag:s30], $0x3E80  }
0x4fc: {  	[sflag:s30] =	ssyncset.done $0x0  }
0x4fd: {  	s18 =	simm.s32 $0x1100;
	[sflag:s30] =	ssyncadd.s32 $0xFFFFC180  }
0x4fe: {  	[tilespmem:s23], [sflag:$0x2] =	stream.indirect.gather [spmem:s2], $0x40, s18, s19, $0xb8;
	[tilespmem:$0x1E100] =	vst v63  }
0x4ff: {  	_ =	swait.ge [sflag:s24], $0x3E80  }
0x500: {  	[sflag:s24] =	ssyncset.done $0x0  }
0x501: {  	[sflag:s24] =	ssyncadd.s32 $0xFFFFC180  }
0x502: {  	_ =	swait.ge [sflag:s25], $0x3E80  }
0x503: {  	[sflag:s25] =	ssyncset.done $0x0  }
0x504: {  	s18 =	simm.s32 $0x2500;
	[sflag:s25] =	ssyncadd.s32 $0xFFFFC180  }
0x505: {  	[spmem:s3] =	stream.indirect.scatter.add.f32 [tilespmem:s23], [sflag:$0x4], $0x40, s18, s19, $0xb8;
	[tilespmem:$0x1E100] =	vst v63  }
0x506: {  	s18 =	simm.s32 $0x1200  }
0x507: {  	[tilespmem:s20], [sflag:$0x1] =	stream.indirect.gather [spmem:s2], $0x40, s18, s19, $0xb8;
	[tilespmem:$0x1E100] =	vst v63  }
0x508: {  	_ =	swait.ge [sflag:s21], $0x3E80  }
0x509: {  	[sflag:s21] =	ssyncset.done $0x0  }
0x50a: {  	s18 =	simm.s32 $0x2600;
	[sflag:s21] =	ssyncadd.s32 $0xFFFFC180  }
0x50b: {  	[spmem:s3] =	stream.indirect.scatter.add.f32 [tilespmem:s20], [sflag:$0x3], $0x40, s18, s19, $0xb8;
	[tilespmem:$0x1E100] =	vst v63  }
0x50c: {  	_ =	swait.ge [sflag:s30], $0x3E80  }
0x50d: {  	[sflag:s30] =	ssyncset.done $0x0  }
0x50e: {  	s18 =	simm.s32 $0x1300;
	[sflag:s30] =	ssyncadd.s32 $0xFFFFC180  }
0x50f: {  	[tilespmem:s23], [sflag:$0x2] =	stream.indirect.gather [spmem:s2], $0x40, s18, s19, $0xb8;
	[tilespmem:$0x1E100] =	vst v63  }
0x510: {  	_ =	swait.ge [sflag:s24], $0x3E80  }
0x511: {  	[sflag:s24] =	ssyncset.done $0x0  }
0x512: {  	[sflag:s24] =	ssyncadd.s32 $0xFFFFC180  }
0x513: {  	_ =	swait.ge [sflag:s25], $0x3E80  }
0x514: {  	[sflag:s25] =	ssyncset.done $0x0  }
0x515: {  	s18 =	simm.s32 $0x2700;
	[sflag:s25] =	ssyncadd.s32 $0xFFFFC180  }
0x516: {  	[spmem:s3] =	stream.indirect.scatter.add.f32 [tilespmem:s23], [sflag:$0x4], $0x40, s18, s19, $0xb8;
	[tilespmem:$0x1E100] =	vst v63  }
0x517: {  	_ =	swait.ge [sflag:s30], $0x3E80  }
0x518: {  	[sflag:s30] =	ssyncset.done $0x0  }
0x519: {  	s18 =	rddreg [dreg:$0x13];
	[sflag:s30] =	ssyncadd.s32 $0xFFFFC180  }
0x51a: {  	[tilespmem:s4], [sflag:$0x5] =	stream.linear.gather [hbm4b:s18+s4], $0x1400, $0x38;
	[tilespmem:$0x1E100] =	vst v63  }
0x51b: {  	_ =	swait.ge [sflag:s17], $0x1400  }
0x51c: {  	[sflag:s17] =	ssyncset.done $0x0  }
0x51d: {  	s0 =	simm.s32 $0x1400;
	s18 =	rddreg [dreg:$0x12];
	[sflag:s17] =	ssyncadd.s32 $0xFFFFEC00  }
0x51e: {  	[tilespmem:s0], [sflag:$0x5] =	stream.linear.gather [hbm4b:s18+s4], $0x1400, $0x38;
	[tilespmem:$0x1E100] =	vst v63  }
0x51f: {  	_ =	swait.ge [sflag:s17], $0x1400  }
0x520: {  	[sflag:s17] =	ssyncset.done $0x0  }
0x521: {  	[sflag:s17] =	ssyncadd.s32 $0xFFFFEC00  }
0x522: {  	[tilespmem:s20], [sflag:$0x1] =	stream.indirect.gather [spmem:s2], $0x40, s4, s19, $0xb8;
	[tilespmem:$0x1E100] =	vst v63  }
0x523: {  	_ =	swait.ge [sflag:s21], $0x3E80  }
0x524: {  	[sflag:s21] =	ssyncset.done $0x0  }
0x525: {  	[sflag:s21] =	ssyncadd.s32 $0xFFFFC180  }
0x526: {  	[spmem:s3] =	stream.indirect.scatter.add.f32 [tilespmem:s20], [sflag:$0x3], $0x40, s0, s19, $0xb8;
	[tilespmem:$0x1E100] =	vst v63  }
0x527: {  	s18 =	simm.s32 $0x100  }
0x528: {  	[tilespmem:s23], [sflag:$0x2] =	stream.indirect.gather [spmem:s2], $0x40, s18, s19, $0xb8;
	[tilespmem:$0x1E100] =	vst v63  }
0x529: {  	_ =	swait.ge [sflag:s24], $0x3E80  }
0x52a: {  	[sflag:s24] =	ssyncset.done $0x0  }
0x52b: {  	[sflag:s24] =	ssyncadd.s32 $0xFFFFC180  }
0x52c: {  	_ =	swait.ge [sflag:s25], $0x3E80  }
0x52d: {  	[sflag:s25] =	ssyncset.done $0x0  }
0x52e: {  	s18 =	simm.s32 $0x1500;
	[sflag:s25] =	ssyncadd.s32 $0xFFFFC180  }
0x52f: {  	[spmem:s3] =	stream.indirect.scatter.add.f32 [tilespmem:s23], [sflag:$0x4], $0x40, s18, s19, $0xb8;
	[tilespmem:$0x1E100] =	vst v63  }
0x530: {  	s18 =	simm.s32 $0x200  }
0x531: {  	[tilespmem:s20], [sflag:$0x1] =	stream.indirect.gather [spmem:s2], $0x40, s18, s19, $0xb8;
	[tilespmem:$0x1E100] =	vst v63  }
0x532: {  	_ =	swait.ge [sflag:s21], $0x3E80  }
0x533: {  	[sflag:s21] =	ssyncset.done $0x0  }
0x534: {  	s18 =	simm.s32 $0x1600;
	[sflag:s21] =	ssyncadd.s32 $0xFFFFC180  }
0x535: {  	[spmem:s3] =	stream.indirect.scatter.add.f32 [tilespmem:s20], [sflag:$0x3], $0x40, s18, s19, $0xb8;
	[tilespmem:$0x1E100] =	vst v63  }
0x536: {  	_ =	swait.ge [sflag:s30], $0x3E80  }
0x537: {  	[sflag:s30] =	ssyncset.done $0x0  }
0x538: {  	s18 =	simm.s32 $0x300;
	[sflag:s30] =	ssyncadd.s32 $0xFFFFC180  }
0x539: {  	[tilespmem:s23], [sflag:$0x2] =	stream.indirect.gather [spmem:s2], $0x40, s18, s19, $0xb8;
	[tilespmem:$0x1E100] =	vst v63  }
0x53a: {  	_ =	swait.ge [sflag:s24], $0x3E80  }
0x53b: {  	[sflag:s24] =	ssyncset.done $0x0  }
0x53c: {  	[sflag:s24] =	ssyncadd.s32 $0xFFFFC180  }
0x53d: {  	_ =	swait.ge [sflag:s25], $0x3E80  }
0x53e: {  	[sflag:s25] =	ssyncset.done $0x0  }
0x53f: {  	s18 =	simm.s32 $0x1700;
	[sflag:s25] =	ssyncadd.s32 $0xFFFFC180  }
0x540: {  	[spmem:s3] =	stream.indirect.scatter.add.f32 [tilespmem:s23], [sflag:$0x4], $0x40, s18, s19, $0xb8;
	[tilespmem:$0x1E100] =	vst v63  }
0x541: {  	s18 =	simm.s32 $0x400  }
0x542: {  	[tilespmem:s20], [sflag:$0x1] =	stream.indirect.gather [spmem:s2], $0x40, s18, s19, $0xb8;
	[tilespmem:$0x1E100] =	vst v63  }
0x543: {  	_ =	swait.ge [sflag:s21], $0x3E80  }
0x544: {  	[sflag:s21] =	ssyncset.done $0x0  }
0x545: {  	s18 =	simm.s32 $0x1800;
	[sflag:s21] =	ssyncadd.s32 $0xFFFFC180  }
0x546: {  	[spmem:s3] =	stream.indirect.scatter.add.f32 [tilespmem:s20], [sflag:$0x3], $0x40, s18, s19, $0xb8;
	[tilespmem:$0x1E100] =	vst v63  }
0x547: {  	_ =	swait.ge [sflag:s30], $0x3E80  }
0x548: {  	[sflag:s30] =	ssyncset.done $0x0  }
0x549: {  	s28 =	simm.s32 $0x500;
	[sflag:s30] =	ssyncadd.s32 $0xFFFFC180  }
0x54a: {  	[tilespmem:s23], [sflag:$0x2] =	stream.indirect.gather [spmem:s2], $0x40, s28, s19, $0xb8;
	[tilespmem:$0x1E100] =	vst v63  }
0x54b: {  	_ =	swait.ge [sflag:s24], $0x3E80  }
0x54c: {  	[sflag:s24] =	ssyncset.done $0x0  }
0x54d: {  	[sflag:s24] =	ssyncadd.s32 $0xFFFFC180  }
0x54e: {  	_ =	swait.ge [sflag:s25], $0x3E80  }
0x54f: {  	[sflag:s25] =	ssyncset.done $0x0  }
0x550: {  	s28 =	simm.s32 $0x1900;
	[sflag:s25] =	ssyncadd.s32 $0xFFFFC180  }
0x551: {  	[spmem:s3] =	stream.indirect.scatter.add.f32 [tilespmem:s23], [sflag:$0x4], $0x40, s28, s19, $0xb8;
	[tilespmem:$0x1E100] =	vst v63  }
0x552: {  	s11 =	simm.s32 $0x600  }
0x553: {  	[tilespmem:s20], [sflag:$0x1] =	stream.indirect.gather [spmem:s2], $0x40, s11, s19, $0xb8;
	[tilespmem:$0x1E100] =	vst v63  }
0x554: {  	_ =	swait.ge [sflag:s21], $0x3E80  }
0x555: {  	[sflag:s21] =	ssyncset.done $0x0  }
0x556: {  	s14 =	simm.s32 $0x1A00;
	[sflag:s21] =	ssyncadd.s32 $0xFFFFC180  }
0x557: {  	[spmem:s3] =	stream.indirect.scatter.add.f32 [tilespmem:s20], [sflag:$0x3], $0x40, s14, s19, $0xb8;
	[tilespmem:$0x1E100] =	vst v63  }
0x558: {  	_ =	swait.ge [sflag:s30], $0x3E80  }
0x559: {  	[sflag:s30] =	ssyncset.done $0x0  }
0x55a: {  	s22 =	simm.s32 $0x700;
	[sflag:s30] =	ssyncadd.s32 $0xFFFFC180  }
0x55b: {  	[tilespmem:s23], [sflag:$0x2] =	stream.indirect.gather [spmem:s2], $0x40, s22, s19, $0xb8;
	[tilespmem:$0x1E100] =	vst v63  }
0x55c: {  	_ =	swait.ge [sflag:s24], $0x3E80  }
0x55d: {  	[sflag:s24] =	ssyncset.done $0x0  }
0x55e: {  	[sflag:s24] =	ssyncadd.s32 $0xFFFFC180  }
0x55f: {  	_ =	swait.ge [sflag:s25], $0x3E80  }
0x560: {  	[sflag:s25] =	ssyncset.done $0x0  }
0x561: {  	[sflag:s25] =	ssyncadd.s32 $0xFFFFC180  }
0x562: {  	[spmem:s3] =	stream.indirect.scatter.add.f32 [tilespmem:s23], [sflag:$0x4], $0x40, s10, s19, $0xb8;
	[tilespmem:$0x1E100] =	vst v63  }
0x563: {  	s12 =	simm.s32 $0x800  }
0x564: {  	[tilespmem:s20], [sflag:$0x1] =	stream.indirect.gather [spmem:s2], $0x40, s12, s19, $0xb8;
	[tilespmem:$0x1E100] =	vst v63  }
0x565: {  	_ =	swait.ge [sflag:s21], $0x3E80  }
0x566: {  	[sflag:s21] =	ssyncset.done $0x0  }
0x567: {  	s26 =	simm.s32 $0x1C00;
	[sflag:s21] =	ssyncadd.s32 $0xFFFFC180  }
0x568: {  	[spmem:s3] =	stream.indirect.scatter.add.f32 [tilespmem:s20], [sflag:$0x3], $0x40, s26, s19, $0xb8;
	[tilespmem:$0x1E100] =	vst v63  }
0x569: {  	_ =	swait.ge [sflag:s30], $0x3E80  }
0x56a: {  	[sflag:s30] =	ssyncset.done $0x0  }
0x56b: {  	s29 =	simm.s32 $0x900;
	[sflag:s30] =	ssyncadd.s32 $0xFFFFC180  }
0x56c: {  	[tilespmem:s23], [sflag:$0x2] =	stream.indirect.gather [spmem:s2], $0x40, s29, s19, $0xb8;
	[tilespmem:$0x1E100] =	vst v63  }
0x56d: {  	_ =	swait.ge [sflag:s24], $0x3E80  }
0x56e: {  	[sflag:s24] =	ssyncset.done $0x0  }
0x56f: {  	[sflag:s24] =	ssyncadd.s32 $0xFFFFC180  }
0x570: {  	_ =	swait.ge [sflag:s25], $0x3E80  }
0x571: {  	[sflag:s25] =	ssyncset.done $0x0  }
0x572: {  	[sflag:s25] =	ssyncadd.s32 $0xFFFFC180  }
0x573: {  	[spmem:s3] =	stream.indirect.scatter.add.f32 [tilespmem:s23], [sflag:$0x4], $0x40, s1, s19, $0xb8;
	[tilespmem:$0x1E100] =	vst v63  }
0x574: {  	s13 =	simm.s32 $0xA00  }
0x575: {  	[tilespmem:s20], [sflag:$0x1] =	stream.indirect.gather [spmem:s2], $0x40, s13, s19, $0xb8;
	[tilespmem:$0x1E100] =	vst v63  }
0x576: {  	_ =	swait.ge [sflag:s21], $0x3E80  }
0x577: {  	[sflag:s21] =	ssyncset.done $0x0  }
0x578: {  	s31 =	simm.s32 $0x1E00;
	[sflag:s21] =	ssyncadd.s32 $0xFFFFC180  }
0x579: {  	[spmem:s3] =	stream.indirect.scatter.add.f32 [tilespmem:s20], [sflag:$0x3], $0x40, s31, s19, $0xb8;
	[tilespmem:$0x1E100] =	vst v63  }
0x57a: {  	_ =	swait.ge [sflag:s30], $0x3E80  }
0x57b: {  	[sflag:s30] =	ssyncset.done $0x0  }
0x57c: {  	s11 =	simm.s32 $0xB00;
	[sflag:s30] =	ssyncadd.s32 $0xFFFFC180  }
0x57d: {  	[tilespmem:s23], [sflag:$0x2] =	stream.indirect.gather [spmem:s2], $0x40, s11, s19, $0xb8;
	[tilespmem:$0x1E100] =	vst v63  }
0x57e: {  	_ =	swait.ge [sflag:s24], $0x3E80  }
0x57f: {  	[sflag:s24] =	ssyncset.done $0x0  }
0x580: {  	[sflag:s24] =	ssyncadd.s32 $0xFFFFC180  }
0x581: {  	_ =	swait.ge [sflag:s25], $0x3E80  }
0x582: {  	[sflag:s25] =	ssyncset.done $0x0  }
0x583: {  	[sflag:s25] =	ssyncadd.s32 $0xFFFFC180  }
0x584: {  	[spmem:s3] =	stream.indirect.scatter.add.f32 [tilespmem:s23], [sflag:$0x4], $0x40, s5, s19, $0xb8;
	[tilespmem:$0x1E100] =	vst v63  }
0x585: {  	s12 =	simm.s32 $0xC00  }
0x586: {  	[tilespmem:s20], [sflag:$0x1] =	stream.indirect.gather [spmem:s2], $0x40, s12, s19, $0xb8;
	[tilespmem:$0x1E100] =	vst v63  }
0x587: {  	_ =	swait.ge [sflag:s21], $0x3E80  }
0x588: {  	[sflag:s21] =	ssyncset.done $0x0  }
0x589: {  	s13 =	simm.s32 $0x2000;
	[sflag:s21] =	ssyncadd.s32 $0xFFFFC180  }
0x58a: {  	[spmem:s3] =	stream.indirect.scatter.add.f32 [tilespmem:s20], [sflag:$0x3], $0x40, s13, s19, $0xb8;
	[tilespmem:$0x1E100] =	vst v63  }
0x58b: {  	_ =	swait.ge [sflag:s30], $0x3E80  }
0x58c: {  	[sflag:s30] =	ssyncset.done $0x0  }
0x58d: {  	s14 =	simm.s32 $0xD00;
	[sflag:s30] =	ssyncadd.s32 $0xFFFFC180  }
0x58e: {  	[tilespmem:s23], [sflag:$0x2] =	stream.indirect.gather [spmem:s2], $0x40, s14, s19, $0xb8;
	[tilespmem:$0x1E100] =	vst v63  }
0x58f: {  	_ =	swait.ge [sflag:s24], $0x3E80  }
0x590: {  	[sflag:s24] =	ssyncset.done $0x0  }
0x591: {  	[sflag:s24] =	ssyncadd.s32 $0xFFFFC180  }
0x592: {  	_ =	swait.ge [sflag:s25], $0x3E80  }
0x593: {  	[sflag:s25] =	ssyncset.done $0x0  }
0x594: {  	[sflag:s25] =	ssyncadd.s32 $0xFFFFC180  }
0x595: {  	[spmem:s3] =	stream.indirect.scatter.add.f32 [tilespmem:s23], [sflag:$0x4], $0x40, s6, s19, $0xb8;
	[tilespmem:$0x1E100] =	vst v63  }
0x596: {  	s9 =	simm.s32 $0xE00  }
0x597: {  	[tilespmem:s20], [sflag:$0x1] =	stream.indirect.gather [spmem:s2], $0x40, s9, s19, $0xb8;
	[tilespmem:$0x1E100] =	vst v63  }
0x598: {  	_ =	swait.ge [sflag:s21], $0x3E80  }
0x599: {  	[sflag:s21] =	ssyncset.done $0x0  }
0x59a: {  	[sflag:s21] =	ssyncadd.s32 $0xFFFFC180  }
0x59b: {  	[spmem:s3] =	stream.indirect.scatter.add.f32 [tilespmem:s20], [sflag:$0x3], $0x40, s7, s19, $0xb8;
	[tilespmem:$0x1E100] =	vst v63  }
0x59c: {  	_ =	swait.ge [sflag:s30], $0x3E80  }
0x59d: {  	[sflag:s30] =	ssyncset.done $0x0  }
0x59e: {  	[sflag:s30] =	ssyncadd.s32 $0xFFFFC180  }
0x59f: {  	[tilespmem:s23], [sflag:$0x2] =	stream.indirect.gather [spmem:s2], $0x40, s8, s19, $0xb8;
	[tilespmem:$0x1E100] =	vst v63  }
0x5a0: {  	_ =	swait.ge [sflag:s24], $0x3E80  }
0x5a1: {  	[sflag:s24] =	ssyncset.done $0x0  }
0x5a2: {  	[sflag:s24] =	ssyncadd.s32 $0xFFFFC180  }
0x5a3: {  	_ =	swait.ge [sflag:s25], $0x3E80  }
0x5a4: {  	[sflag:s25] =	ssyncset.done $0x0  }
0x5a5: {  	s15 =	simm.s32 $0x2300;
	[sflag:s25] =	ssyncadd.s32 $0xFFFFC180  }
0x5a6: {  	[spmem:s3] =	stream.indirect.scatter.add.f32 [tilespmem:s23], [sflag:$0x4], $0x40, s15, s19, $0xb8;
	[tilespmem:$0x1E100] =	vst v63  }
0x5a7: {  	s15 =	simm.s32 $0x1000  }
0x5a8: {  	[tilespmem:s20], [sflag:$0x1] =	stream.indirect.gather [spmem:s2], $0x40, s15, s19, $0xb8;
	[tilespmem:$0x1E100] =	vst v63  }
0x5a9: {  	_ =	swait.ge [sflag:s21], $0x3E80  }
0x5aa: {  	[sflag:s21] =	ssyncset.done $0x0  }
0x5ab: {  	s18 =	simm.s32 $0x2400;
	[sflag:s21] =	ssyncadd.s32 $0xFFFFC180  }
0x5ac: {  	[spmem:s3] =	stream.indirect.scatter.add.f32 [tilespmem:s20], [sflag:$0x3], $0x40, s18, s19, $0xb8;
	[tilespmem:$0x1E100] =	vst v63  }
0x5ad: {  	_ =	swait.ge [sflag:s30], $0x3E80  }
0x5ae: {  	[sflag:s30] =	ssyncset.done $0x0  }
0x5af: {  	s22 =	simm.s32 $0x1100;
	[sflag:s30] =	ssyncadd.s32 $0xFFFFC180  }
0x5b0: {  	[tilespmem:s23], [sflag:$0x2] =	stream.indirect.gather [spmem:s2], $0x40, s22, s19, $0xb8;
	[tilespmem:$0x1E100] =	vst v63  }
0x5b1: {  	_ =	swait.ge [sflag:s24], $0x3E80  }
0x5b2: {  	[sflag:s24] =	ssyncset.done $0x0  }
0x5b3: {  	[sflag:s24] =	ssyncadd.s32 $0xFFFFC180  }
0x5b4: {  	_ =	swait.ge [sflag:s25], $0x3E80  }
0x5b5: {  	[sflag:s25] =	ssyncset.done $0x0  }
0x5b6: {  	s16 =	simm.s32 $0x2500;
	[sflag:s25] =	ssyncadd.s32 $0xFFFFC180  }
0x5b7: {  	[spmem:s3] =	stream.indirect.scatter.add.f32 [tilespmem:s23], [sflag:$0x4], $0x40, s16, s19, $0xb8;
	[tilespmem:$0x1E100] =	vst v63  }
0x5b8: {  	s26 =	simm.s32 $0x1200  }
0x5b9: {  	[tilespmem:s20], [sflag:$0x1] =	stream.indirect.gather [spmem:s2], $0x40, s26, s19, $0xb8;
	[tilespmem:$0x1E100] =	vst v63  }
0x5ba: {  	_ =	swait.ge [sflag:s21], $0x3E80  }
0x5bb: {  	[sflag:s21] =	ssyncset.done $0x0  }
0x5bc: {  	s28 =	simm.s32 $0x2600;
	[sflag:s21] =	ssyncadd.s32 $0xFFFFC180  }
0x5bd: {  	[spmem:s3] =	stream.indirect.scatter.add.f32 [tilespmem:s20], [sflag:$0x3], $0x40, s28, s19, $0xb8;
	[tilespmem:$0x1E100] =	vst v63  }
0x5be: {  	_ =	swait.ge [sflag:s30], $0x3E80  }
0x5bf: {  	[sflag:s30] =	ssyncset.done $0x0  }
0x5c0: {  	s29 =	simm.s32 $0x1300;
	[sflag:s30] =	ssyncadd.s32 $0xFFFFC180  }
0x5c1: {  	[tilespmem:s23], [sflag:$0x2] =	stream.indirect.gather [spmem:s2], $0x40, s29, s19, $0xb8;
	[tilespmem:$0x1E100] =	vst v63  }
0x5c2: {  	_ =	swait.ge [sflag:s24], $0x3E80  }
0x5c3: {  	[sflag:s24] =	ssyncset.done $0x0  }
0x5c4: {  	[sflag:s24] =	ssyncadd.s32 $0xFFFFC180  }
0x5c5: {  	_ =	swait.ge [sflag:s25], $0x3E80  }
0x5c6: {  	[sflag:s25] =	ssyncset.done $0x0  }
0x5c7: {  	s31 =	simm.s32 $0x2700;
	[sflag:s25] =	ssyncadd.s32 $0xFFFFC180  }
0x5c8: {  	[spmem:s3] =	stream.indirect.scatter.add.f32 [tilespmem:s23], [sflag:$0x4], $0x40, s31, s19, $0xb8;
	[tilespmem:$0x1E100] =	vst v63  }
0x5c9: {  	_ =	swait.ge [sflag:s30], $0x3E80  }
0x5ca: {  	[sflag:s30] =	ssyncset.done $0x0  }
0x5cb: {  	[sflag:s30] =	ssyncadd.s32 $0xFFFFC180  }
0x5cc: {  	[bflag:$0x0] =	sbarrier.arrive $0xFFFF  }
0x5cd: {  	s31 =	rddreg [dreg:$0x8]  }
0x5ce: {  	s0 =	simm.s32 @p0 $0x1;
	s5 =	rddreg [dreg:$0x14]  }
0x5cf: {  	s1 =	simm.s32 @p0 $0x10;
	s7 =	simm.s32 @p0 $0x8;
	s6 =	rddreg [dreg:$0x16]  }
0x5d0: {  	[hbm:s31@s1], [sflag:s6] =	dma.strided @p0 [spmem:s5@s7], $0x1040, s0, $0x8   }
0x5d1: {  	s0 =	simm.s32 @p0 $0x5  }
0x5d2: {  	s1 =	simm.s32 @!p0 $0x10;
	_ =	swait.ge @p0 [sflag:s0], $0x1040  }
0x5d3: {  	s7 =	simm.s32 @!p0 $0x8;
	s31 =	rddreg [dreg:$0x7];
	[sflag:s0] =	ssyncset.done @p0 $0x0  }
0x5d4: {  	s5 =	rddreg [dreg:$0x15];
	[sflag:s0] =	ssyncadd.s32 @p0 $0xFFFFEFC0;
	s0 =	simm.s32 @!p0 $0x1  }
0x5d5: {  	[hbm:s31@s1], [sflag:s6] =	dma.strided @!p0 [spmem:s5@s7], $0x13C0, s0, $0x8   }
0x5d6: {  	s1 =	rddreg [dreg:$0x17]  }
0x5d7: {  	s1 =	sadd.s32 $0xFFFFFFFF, s1  }
0x5d8: {  	p1 =	sne.s32 s1, $0x0  }
.Ltmp0:
0x5d9: {  	_ = 	snop;
	(pc) =	sbr.rel @p1 .LBB2_1-.Ltmp0, $4  }
0x5da: {  	s0 =	simm.s32 @!p0 $0x5  }
0x5db: {  	_ =	swait.ge @!p0 [sflag:s0], $0x13C0  }
0x5dc: {  	[sflag:s0] =	ssyncset.done @!p0 $0x0;
	s0 =	simm.s32 @!p0 $0x5  }
0x5dd: {  	[sflag:s0] =	ssyncadd.s32 @!p0 $0xFFFFEC40  }
0x5de: {  	_ =	sfence.sel $0x180000  }
0x5df: {  	[bflag:$0x0] =	sbarrier.arrive $0xFFFF  }
0x5e0: {  	_ =	strace $0x90000047  }
0x5e1: {  	s0 =	stileid.u32;
	[bflag:$0x2] =	sbarrier.arrive $0xFFFF  }
0x5e2: {  	p0 =	sne.s32 s0, $0x0;
	s0 =	rddreg [dreg:$0x4]  }
0x5e3: {  	s0 =	sadd.s32 @!p0 $0x100000, s0  }
0x5e4: {  	[sflag:s0] =	ssyncadd.tile.s32 @!p0 $0x1;
	_ =	shalt  }
.Lfunc_end2:
_tile_overlayer_lowered:
.L_overlay_start_2:
0x5e5: {  	(tag) =	ssettag $0x2  }
0x5e6: {  	s0 =	rddreg [dreg:$0x0];
	s2 =	stileid.u32  }
0x5e7: {  	s1 =	rddreg [dreg:$0x1];
	p0 =	sne.s32 s2, $0x0  }
0x5e8: {  	s3 =	rddreg [dreg:$0x2];
	[bflag:$0x3] =	sbarrier.arrive $0xFFFF;
	s2 =	simm.s32 @!p0 $0x1C05  }
0x5e9: {  	[timem:s3], [sflag:s2] =	dma.local @!p0 [hbm:s0], s1  }
0x5ea: {  	s0 =	simm.s32 @!p0 $0x5  }
0x5eb: {  	_ =	swait.ge @!p0 [sflag:s0], s1  }
0x5ec: {  	s1 =	ssub.s32 @!p0 $0x0, s1;
	[sflag:s0] =	ssyncset.done @!p0 $0x0  }
0x5ed: {  	[sflag:s0] =	ssyncadd.s32 @!p0 s1  }
0x5ee: {  	[bflag:$0x3] =	sbarrier.arrive $0xFFFF  }
0x5ef: {  	_ =	shalt  }

</sc_bundles>
